<compile_context>
chip_gen: v7x
topology: tpu7x:2x2x1
jax: 0.10.2.dev20260603
libtpu: 0.0.44.dev20260713+nightly
codegen_flags: <defaults>
</compile_context>

<pallas_src>
import functools

import jax
import jax.numpy as jnp
from jax import lax
from jax.experimental import pallas as pl
from jax.experimental.pallas import tpu as pltpu
from jax.experimental.pallas import tpu_sc as plsc

N = 320000
D = 128
G = 64
NUM_SEGMENTS = 256

GRP = 128
NGRP = N // GRP
CH = 2
CGRP = NGRP // CH
CROWS = N // CH
ROW_BLK = 16000
GPB = ROW_BLK // GRP
CBLK = CROWS // ROW_BLK
NW = 32
PADG = ((CGRP // NW + 1 + 7 + 15) // 16) * 16
TRASH = NUM_SEGMENTS


def _pre_ffn_body(x_ref, w1_ref, b1_ref, w2_ref, b2_ref, out_ref, gs_ref):
    xb = x_ref[...].astype(jnp.bfloat16)
    h = jnp.maximum(
        lax.dot_general(xb, w1_ref[...], (((1,), (0,)), ((), ())),
                        preferred_element_type=jnp.float32) + b1_ref[...],
        0.0)
    ftx = lax.dot_general(h.astype(jnp.bfloat16), w2_ref[...],
                          (((1,), (0,)), ((), ())),
                          preferred_element_type=jnp.float32) + b2_ref[...]
    out_ref[...] = ftx
    gs_ref[0] = jnp.sum(ftx.reshape(GPB, GRP, D), axis=1)


def _post_ffn_body(p_ref, w1_ref, b1_ref, w2_ref, b2_ref, out_ref):
    g = jnp.sum(p_ref[...], axis=0)
    h = jnp.maximum(
        lax.dot_general(g, w1_ref[...], (((1,), (0,)), ((), ())),
                        preferred_element_type=jnp.float32) + b1_ref[...],
        0.0)
    out_ref[...] = lax.dot_general(h, w2_ref[...], (((1,), (0,)), ((), ())),
                                   preferred_element_type=jnp.float32) + b2_ref[...]


def _sc_chunk_body(idx3, ftx, gsums, tgt3, bnd3, out0, out1,
                   idx_v, gsum_v, tgt_v, bnd_v, rows_b, zeros_v, acc_sh,
                   semi, semg, semt):
    nc = lax.axis_size("c")
    ns = lax.axis_size("s")
    c = lax.axis_index("c")
    s = lax.axis_index("s")
    w = c * ns + s

    g0a = pl.multiple_of(((CGRP * w) // NW // 8) * 8, 8)

    pltpu.async_copy(idx3.at[w], idx_v, semi)
    pltpu.async_copy(gsums.at[pl.ds(g0a, PADG)], gsum_v, semg)
    pltpu.async_copy(tgt3.at[w], tgt_v, semt)
    pltpu.async_copy(bnd3.at[w], bnd_v, semt)

    for i in range(16):
        for j in range(D // 16):
            zeros_v[i, pl.ds(j * 16, 16)] = jnp.zeros((16,), jnp.float32)
    pltpu.sync_copy(zeros_v, acc_sh.at[pl.ds(s * 16, 16)])

    @pl.when(s == 0)
    def _():
        pltpu.sync_copy(zeros_v.at[pl.ds(0, 1)], acc_sh.at[pl.ds(256, 1)])

    pltpu.make_async_copy(idx3.at[0], idx_v, semi).wait()
    pltpu.make_async_copy(tgt3.at[0], tgt_v, semt).wait()
    pltpu.make_async_copy(bnd3.at[0], bnd_v, semt).wait()
    pltpu.make_async_copy(gsums.at[pl.ds(0, PADG)], gsum_v, semg).wait()
    plsc.subcore_barrier()

    pltpu.sync_copy(gsum_v, acc_sh.at[tgt_v], add=True)

    def body(j, carry):
        flag = bnd_v[pl.ds(j, 16)][0]

        @pl.when(flag > 0)
        def _():
            pltpu.sync_copy(ftx.at[pl.ds((g0a + j) * GRP, GRP)], rows_b)
            pltpu.sync_copy(rows_b, acc_sh.at[idx_v.at[j]], add=True)
        return carry

    lax.fori_loop(0, PADG, body, 0)
    plsc.subcore_barrier()

    @pl.when((s == 0) & (c == 0))
    def _():
        pltpu.sync_copy(acc_sh.at[pl.ds(0, NUM_SEGMENTS)], out0)

    @pl.when((s == 0) & (c == 1))
    def _():
        pltpu.sync_copy(acc_sh.at[pl.ds(0, NUM_SEGMENTS)], out1)


def kernel(x, batch, W1_pre, b1_pre, W2_pre, b2_pre, W1_post, b1_post, W2_post, b2_post):
    batch2d = batch.astype(jnp.int32).reshape(NGRP, GRP)
    b1p = b1_pre.reshape(1, D)
    b2p = b2_pre.reshape(1, D)
    b1q = b1_post.reshape(1, D)
    b2q = b2_post.reshape(1, G)
    w1_bf = W1_pre.astype(jnp.bfloat16)
    w2_bf = W2_pre.astype(jnp.bfloat16)

    g0s = (CGRP * jnp.arange(NW, dtype=jnp.int32)) // NW
    g1s = (CGRP * (jnp.arange(NW, dtype=jnp.int32) + 1)) // NW
    g0as = (g0s // 8) * 8
    slabrows = jnp.minimum(
        g0as[:, None] + jnp.arange(PADG, dtype=jnp.int32)[None, :], CGRP - 1)
    crows = (slabrows[None, :, :]
             + CGRP * jnp.arange(CH, dtype=jnp.int32)[:, None, None])
    idx3 = batch2d[crows.reshape(-1)].reshape(CH, NW, PADG, GRP)
    firsts = batch2d[:, 0]
    lasts = batch2d[:, GRP - 1]
    uni = firsts == lasts
    tgt_global = jnp.where(uni, firsts, TRASH).astype(jnp.int32)
    slot = jnp.arange(PADG, dtype=jnp.int32)[None, :]
    validP = ((slot >= (g0s - g0as)[:, None])
              & (slot < (g1s - g0as)[:, None]))
    tgt3 = jnp.where(validP[None], tgt_global[crows.reshape(-1)].reshape(
        CH, NW, PADG), TRASH).astype(jnp.int32)
    bnd3 = jnp.where(validP[None] & ~uni[crows.reshape(-1)].reshape(
        CH, NW, PADG), 1, 0).astype(jnp.int32)
    bnd3 = jnp.concatenate(
        [bnd3, jnp.zeros((CH, NW, 16), jnp.int32)], axis=-1)

    mesh = plsc.VectorSubcoreMesh(core_axis_name="c", subcore_axis_name="s",
                                  num_cores=2, num_subcores=16)
    sc_call = pl.kernel(
        _sc_chunk_body,
        out_type=[jax.ShapeDtypeStruct((NUM_SEGMENTS, D), jnp.float32),
                  jax.ShapeDtypeStruct((NUM_SEGMENTS, D), jnp.float32)],
        mesh=mesh,
        scratch_types=[
            pltpu.VMEM((PADG, GRP), jnp.int32),
            pltpu.VMEM((PADG, D), jnp.float32),
            pltpu.VMEM((PADG,), jnp.int32),
            pltpu.VMEM((PADG + 16,), jnp.int32),
            pltpu.VMEM((GRP, D), jnp.float32),
            pltpu.VMEM((16, D), jnp.float32),
            pltpu.VMEM_SHARED((NUM_SEGMENTS + 1, D), jnp.float32),
            pltpu.SemaphoreType.DMA,
            pltpu.SemaphoreType.DMA,
            pltpu.SemaphoreType.DMA,
        ],
    )

    partials = []
    for k in range(CH):
        ftx_k, gs_k = pl.pallas_call(
            _pre_ffn_body,
            grid=(CBLK,),
            in_specs=[
                pl.BlockSpec((ROW_BLK, D), functools.partial(lambda k_, i: (k_ * CBLK + i, 0), k)),
                pl.BlockSpec((D, D), lambda i: (0, 0)),
                pl.BlockSpec((1, D), lambda i: (0, 0)),
                pl.BlockSpec((D, D), lambda i: (0, 0)),
                pl.BlockSpec((1, D), lambda i: (0, 0)),
            ],
            out_specs=[
                pl.BlockSpec((ROW_BLK, D), lambda i: (i, 0)),
                pl.BlockSpec((1, GPB, D), lambda i: (i, 0, 0)),
            ],
            out_shape=[
                jax.ShapeDtypeStruct((CROWS, D), jnp.float32),
                jax.ShapeDtypeStruct((CBLK + 2, GPB, D), jnp.float32),
            ],
        )(x, w1_bf, b1p, w2_bf, b2p)
        gs_flat = gs_k.reshape((CBLK + 2) * GPB, D)
        p0, p1 = sc_call(idx3[k], ftx_k, gs_flat, tgt3[k], bnd3[k])
        partials.append(p0)
        partials.append(p1)

    pstack = jnp.stack(partials, axis=0)

    out = pl.pallas_call(
        _post_ffn_body,
        in_specs=[
            pl.BlockSpec((2 * CH, NUM_SEGMENTS, D), lambda: (0, 0, 0)),
            pl.BlockSpec((D, D), lambda: (0, 0)),
            pl.BlockSpec((1, D), lambda: (0, 0)),
            pl.BlockSpec((D, G), lambda: (0, 0)),
            pl.BlockSpec((1, G), lambda: (0, 0)),
        ],
        out_specs=pl.BlockSpec((NUM_SEGMENTS, G), lambda: (0, 0)),
        out_shape=jax.ShapeDtypeStruct((NUM_SEGMENTS, G), jnp.float32),
    )(pstack, W1_post, b1q, W2_post, b2q)
    return out

# --- scband reference (transcript-rebuilt; emitter-appended) ---
"""Pipeline reference for scband-dyn-hlvs-layer-63909113364703 (READ-ONLY COPY).

The authoritative reference and input builder live on the scoring server;
editing this copy changes nothing except your own understanding.
"""

import jax, jax.numpy as jnp
import numpy as np

N = 320000
D = 128
G = 64
NUM_SEGMENTS = 256


def setup_inputs(seed: int = 0) -> dict:
    key = jax.random.key(seed)
    ks = jax.random.split(key, 12)
    x = jax.random.normal(ks[0], (N, D), dtype=jnp.float32)
    batch = jnp.sort(jax.random.randint(ks[1], (N,), 0, NUM_SEGMENTS, dtype=jnp.int64))
    s = 1.0 / np.sqrt(D)
    # pre_nn: FFN(n_features -> n_features), 2-layer MLP with hidden=n_features, ReLU
    W1_pre = jax.random.uniform(ks[2], (D, D), jnp.float32, -s, s)
    b1_pre = jax.random.uniform(ks[3], (D,), jnp.float32, -s, s)
    W2_pre = jax.random.uniform(ks[4], (D, D), jnp.float32, -s, s)
    b2_pre = jax.random.uniform(ks[5], (D,), jnp.float32, -s, s)
    # post_nn: FFN(n_features -> n_global)
    W1_post = jax.random.uniform(ks[6], (D, D), jnp.float32, -s, s)
    b1_post = jax.random.uniform(ks[7], (D,), jnp.float32, -s, s)
    W2_post = jax.random.uniform(ks[8], (D, G), jnp.float32, -s, s)
    b2_post = jax.random.uniform(ks[9], (G,), jnp.float32, -s, s)
    return {
        "x": x,
        "batch": batch,
        "W1_pre": W1_pre, "b1_pre": b1_pre, "W2_pre": W2_pre, "b2_pre": b2_pre,
        "W1_post": W1_post, "b1_post": b1_post, "W2_post": W2_post, "b2_post": b2_post,
    }


def reference(x, batch, W1_pre, b1_pre, W2_pre, b2_pre, W1_post, b1_post, W2_post, b2_post):
    # pre_nn (FFN): per-node transform
    h = jnp.maximum(x @ W1_pre + b1_pre, 0.0)
    ftx_mtx = h @ W2_pre + b2_pre
    # global_add_pool: segment sum over graph ids
    gsum = jax.ops.segment_sum(ftx_mtx, batch, num_segments=NUM_SEGMENTS)
    # post_nn (FFN): per-graph transform to n_global
    h2 = jnp.maximum(gsum @ W1_post + b1_post, 0.0)
    global_ftx = h2 @ W2_post + b2_post
    return global_ftx

if __name__ == "__main__":
    import jax
    _d = setup_inputs()
    print(jax.jit(kernel)(*tuple(_d.values())))

</pallas_src>

<mosaic_0001>
#map = affine_map<(d0, d1) -> (0, 0, 0)>
#map1 = affine_map<(d0, d1) -> (0, 0)>
module attributes {stable_mosaic.version = 14 : i64} {
  func.func @_sc_chunk_body(%arg0: i32, %arg1: i32, %arg2: memref<32x48x128xi32, #tpu.memory_space<hbm>>, %arg3: memref<160000x128xf32, #tpu.memory_space<hbm>>, %arg4: memref<1500x128xf32, #tpu.memory_space<hbm>>, %arg5: memref<32x48xi32, #tpu.memory_space<hbm>>, %arg6: memref<32x64xi32, #tpu.memory_space<hbm>>, %arg7: memref<256x128xf32, #tpu.memory_space<hbm>>, %arg8: memref<256x128xf32, #tpu.memory_space<hbm>>, %arg9: memref<48x128xi32, #tpu.memory_space<vmem>>, %arg10: memref<48x128xf32, #tpu.memory_space<vmem>>, %arg11: memref<48xi32, #tpu.memory_space<vmem>>, %arg12: memref<64xi32, #tpu.memory_space<vmem>>, %arg13: memref<128x128xf32, #tpu.memory_space<vmem>>, %arg14: memref<16x128xf32, #tpu.memory_space<vmem>>, %arg15: memref<257x128xf32, #tpu.memory_space<vmem_shared>>, %arg16: memref<!tpu.dma_semaphore, #tpu.memory_space<semaphore_mem>>, %arg17: memref<!tpu.dma_semaphore, #tpu.memory_space<semaphore_mem>>, %arg18: memref<!tpu.dma_semaphore, #tpu.memory_space<semaphore_mem>>) attributes {dimension_semantics = [#tpu.dimension_semantics<core_parallel>, #tpu.dimension_semantics<subcore_parallel>], iteration_bounds = array<i64: 2, 16>, scalar_prefetch = 0 : i64, scratch_operands = 10 : i64, tpu.core_type = #tpu.core_type<sc_vector_subcore>, window_params = [{transform_indices = #map}, {transform_indices = #map1}, {transform_indices = #map1}, {transform_indices = #map1}, {transform_indices = #map1}, {transform_indices = #map1}, {transform_indices = #map1}]} {
    %mul3A = arith.constant 16 : i32
    %mul3A_0 = arith.muli %arg0, %mul3A : i32
    %add3A = arith.addi %mul3A_0, %arg1 : i32
    %mul3A_1 = arith.constant 1250 : i32
    %mul3A_2 = arith.muli %mul3A_1, %add3A : i32
    %jit3A = arith.constant 32 : i32
    %div3A = arith.divsi %mul3A_2, %jit3A : i32
    %sign3A = arith.constant 0 : i32
    %sign3A_3 = arith.cmpi sgt, %mul3A_2, %sign3A : i32
    %sign3A_4 = arith.extui %sign3A_3 : i1 to i32
    %sign3A_5 = arith.constant 0 : i32
    %sign3A_6 = arith.cmpi slt, %mul3A_2, %sign3A_5 : i32
    %sign3A_7 = arith.extui %sign3A_6 : i1 to i32
    %sign3A_8 = arith.subi %sign3A_4, %sign3A_7 : i32
    %sign3A_9 = arith.constant 0 : i32
    %sign3A_10 = arith.cmpi sgt, %jit3A, %sign3A_9 : i32
    %sign3A_11 = arith.extui %sign3A_10 : i1 to i32
    %sign3A_12 = arith.constant 0 : i32
    %sign3A_13 = arith.cmpi slt, %jit3A, %sign3A_12 : i32
    %sign3A_14 = arith.extui %sign3A_13 : i1 to i32
    %sign3A_15 = arith.subi %sign3A_11, %sign3A_14 : i32
    %ne3A = arith.cmpi ne, %sign3A_8, %sign3A_15 : i32
    %rem3A = arith.remsi %mul3A_2, %jit3A : i32
    %ne3A_16 = arith.constant 0 : i32
    %ne3A_17 = arith.cmpi ne, %rem3A, %ne3A_16 : i32
    %and3A = arith.andi %ne3A, %ne3A_17 : i1
    %sub3A = arith.constant 1 : i32
    %sub3A_18 = arith.subi %div3A, %sub3A : i32
    %select_n3A = arith.select %and3A, %sub3A_18, %div3A : i32
    %jit3A_19 = arith.constant 8 : i32
    %div3A_20 = arith.divsi %select_n3A, %jit3A_19 : i32
    %sign3A_21 = arith.constant 0 : i32
    %sign3A_22 = arith.cmpi sgt, %select_n3A, %sign3A_21 : i32
    %sign3A_23 = arith.extui %sign3A_22 : i1 to i32
    %sign3A_24 = arith.constant 0 : i32
    %sign3A_25 = arith.cmpi slt, %select_n3A, %sign3A_24 : i32
    %sign3A_26 = arith.extui %sign3A_25 : i1 to i32
    %sign3A_27 = arith.subi %sign3A_23, %sign3A_26 : i32
    %sign3A_28 = arith.constant 0 : i32
    %sign3A_29 = arith.cmpi sgt, %jit3A_19, %sign3A_28 : i32
    %sign3A_30 = arith.extui %sign3A_29 : i1 to i32
    %sign3A_31 = arith.constant 0 : i32
    %sign3A_32 = arith.cmpi slt, %jit3A_19, %sign3A_31 : i32
    %sign3A_33 = arith.extui %sign3A_32 : i1 to i32
    %sign3A_34 = arith.subi %sign3A_30, %sign3A_33 : i32
    %ne3A_35 = arith.cmpi ne, %sign3A_27, %sign3A_34 : i32
    %rem3A_36 = arith.remsi %select_n3A, %jit3A_19 : i32
    %ne3A_37 = arith.constant 0 : i32
    %ne3A_38 = arith.cmpi ne, %rem3A_36, %ne3A_37 : i32
    %and3A_39 = arith.andi %ne3A_35, %ne3A_38 : i1
    %sub3A_40 = arith.constant 1 : i32
    %sub3A_41 = arith.subi %div3A_20, %sub3A_40 : i32
    %select_n3A_42 = arith.select %and3A_39, %sub3A_41, %div3A_20 : i32
    %mul3A_43 = arith.constant 8 : i32
    %mul3A_44 = arith.muli %select_n3A_42, %mul3A_43 : i32
    %multiple_of3A = tpu.assume_multiple %mul3A_44, 8 : i32
    %dma_start3A = arith.constant 0 : i32
    %dma_start3A_45 = arith.constant 0 : i32
    %dma_start3A_46 = tpu.memref_slice %arg2[%add3A, %dma_start3A, %dma_start3A_45] : memref<32x48x128xi32, #tpu.memory_space<hbm>> -> memref<1x48x128xi32, #tpu.memory_space<hbm>>
    %dma_start3A_47 = tpu.memref_squeeze %dma_start3A_46 : memref<1x48x128xi32, #tpu.memory_space<hbm>> -> memref<48x128xi32, #tpu.memory_space<hbm>>
    %dma_start3A_48 = arith.constant 0 : i32
    %dma_start3A_49 = arith.constant 0 : i32
    %dma_start3A_50 = tpu.memref_slice %arg2[%add3A, %dma_start3A_48, %dma_start3A_49] : memref<32x48x128xi32, #tpu.memory_space<hbm>> -> memref<1x48x128xi32, #tpu.memory_space<hbm>>
    %dma_start3A_51 = tpu.memref_squeeze %dma_start3A_50 : memref<1x48x128xi32, #tpu.memory_space<hbm>> -> memref<48x128xi32, #tpu.memory_space<hbm>>
    tpu.enqueue_dma source(%dma_start3A_51 : memref<48x128xi32, #tpu.memory_space<hbm>>) target(%arg9 : memref<48x128xi32, #tpu.memory_space<vmem>>) target_semaphore(%arg16 : memref<!tpu.dma_semaphore, #tpu.memory_space<semaphore_mem>>)
    %dma_start3A_52 = arith.constant 0 : i32
    %dma_start3A_53 = tpu.memref_slice %arg4[%multiple_of3A, %dma_start3A_52] : memref<1500x128xf32, #tpu.memory_space<hbm>> -> memref<48x128xf32, #tpu.memory_space<hbm>>
    %dma_start3A_54 = arith.constant 0 : i32
    %dma_start3A_55 = tpu.memref_slice %arg4[%multiple_of3A, %dma_start3A_54] : memref<1500x128xf32, #tpu.memory_space<hbm>> -> memref<48x128xf32, #tpu.memory_space<hbm>>
    tpu.enqueue_dma source(%dma_start3A_55 : memref<48x128xf32, #tpu.memory_space<hbm>>) target(%arg10 : memref<48x128xf32, #tpu.memory_space<vmem>>) target_semaphore(%arg17 : memref<!tpu.dma_semaphore, #tpu.memory_space<semaphore_mem>>)
    %dma_start3A_56 = arith.constant 0 : i32
    %dma_start3A_57 = tpu.memref_slice %arg5[%add3A, %dma_start3A_56] : memref<32x48xi32, #tpu.memory_space<hbm>> -> memref<1x48xi32, #tpu.memory_space<hbm>>
    %dma_start3A_58 = tpu.memref_squeeze %dma_start3A_57 : memref<1x48xi32, #tpu.memory_space<hbm>> -> memref<48xi32, #tpu.memory_space<hbm>>
    %dma_start3A_59 = arith.constant 0 : i32
    %dma_start3A_60 = tpu.memref_slice %arg5[%add3A, %dma_start3A_59] : memref<32x48xi32, #tpu.memory_space<hbm>> -> memref<1x48xi32, #tpu.memory_space<hbm>>
    %dma_start3A_61 = tpu.memref_squeeze %dma_start3A_60 : memref<1x48xi32, #tpu.memory_space<hbm>> -> memref<48xi32, #tpu.memory_space<hbm>>
    tpu.enqueue_dma source(%dma_start3A_61 : memref<48xi32, #tpu.memory_space<hbm>>) target(%arg11 : memref<48xi32, #tpu.memory_space<vmem>>) target_semaphore(%arg18 : memref<!tpu.dma_semaphore, #tpu.memory_space<semaphore_mem>>)
    %dma_start3A_62 = arith.constant 0 : i32
    %dma_start3A_63 = tpu.memref_slice %arg6[%add3A, %dma_start3A_62] : memref<32x64xi32, #tpu.memory_space<hbm>> -> memref<1x64xi32, #tpu.memory_space<hbm>>
    %dma_start3A_64 = tpu.memref_squeeze %dma_start3A_63 : memref<1x64xi32, #tpu.memory_space<hbm>> -> memref<64xi32, #tpu.memory_space<hbm>>
    %dma_start3A_65 = arith.constant 0 : i32
    %dma_start3A_66 = tpu.memref_slice %arg6[%add3A, %dma_start3A_65] : memref<32x64xi32, #tpu.memory_space<hbm>> -> memref<1x64xi32, #tpu.memory_space<hbm>>
    %dma_start3A_67 = tpu.memref_squeeze %dma_start3A_66 : memref<1x64xi32, #tpu.memory_space<hbm>> -> memref<64xi32, #tpu.memory_space<hbm>>
    tpu.enqueue_dma source(%dma_start3A_67 : memref<64xi32, #tpu.memory_space<hbm>>) target(%arg12 : memref<64xi32, #tpu.memory_space<vmem>>) target_semaphore(%arg18 : memref<!tpu.dma_semaphore, #tpu.memory_space<semaphore_mem>>)
    %broadcast_in_dim3A = arith.constant 0.000000e+00 : f32
    %broadcast_in_dim3A_68 = vector.broadcast %broadcast_in_dim3A : f32 to vector<16xf32>
    %swap3A = arith.constant 0 : i32
    %swap3A_69 = arith.index_cast %swap3A : i32 to index
    %swap3A_70 = arith.constant 0 : index
    %swap3A_71 = tpu.vector_load %arg14[%swap3A_69, %swap3A_70] {strides = array<i32>} : memref<16x128xf32, #tpu.memory_space<vmem>>, vector<1x16xf32>,
    %swap3A_72 = vector.shape_cast %swap3A_71 : vector<1x16xf32> to vector<16xf32>
    %swap3A_73 = vector.shape_cast %broadcast_in_dim3A_68 : vector<16xf32> to vector<1x16xf32>
    tpu.vector_store %arg14[%swap3A_69, %swap3A_70], %swap3A_73 {strides = array<i32>} : memref<16x128xf32, #tpu.memory_space<vmem>>, vector<1x16xf32>,
    %broadcast_in_dim3A_74 = arith.constant 0.000000e+00 : f32
    %broadcast_in_dim3A_75 = vector.broadcast %broadcast_in_dim3A_74 : f32 to vector<16xf32>
    %swap3A_76 = arith.constant 0 : i32
    %swap3A_77 = arith.index_cast %swap3A_76 : i32 to index
    %swap3A_78 = arith.constant 16 : index
    %swap3A_79 = tpu.vector_load %arg14[%swap3A_77, %swap3A_78] {strides = array<i32>} : memref<16x128xf32, #tpu.memory_space<vmem>>, vector<1x16xf32>,
    %swap3A_80 = vector.shape_cast %swap3A_79 : vector<1x16xf32> to vector<16xf32>
    %swap3A_81 = vector.shape_cast %broadcast_in_dim3A_75 : vector<16xf32> to vector<1x16xf32>
    tpu.vector_store %arg14[%swap3A_77, %swap3A_78], %swap3A_81 {strides = array<i32>} : memref<16x128xf32, #tpu.memory_space<vmem>>, vector<1x16xf32>,
    %broadcast_in_dim3A_82 = arith.constant 0.000000e+00 : f32
    %broadcast_in_dim3A_83 = vector.broadcast %broadcast_in_dim3A_82 : f32 to vector<16xf32>
    %swap3A_84 = arith.constant 0 : i32
    %swap3A_85 = arith.index_cast %swap3A_84 : i32 to index
    %swap3A_86 = arith.constant 32 : index
    %swap3A_87 = tpu.vector_load %arg14[%swap3A_85, %swap3A_86] {strides = array<i32>} : memref<16x128xf32, #tpu.memory_space<vmem>>, vector<1x16xf32>,
    %swap3A_88 = vector.shape_cast %swap3A_87 : vector<1x16xf32> to vector<16xf32>
    %swap3A_89 = vector.shape_cast %broadcast_in_dim3A_83 : vector<16xf32> to vector<1x16xf32>
    tpu.vector_store %arg14[%swap3A_85, %swap3A_86], %swap3A_89 {strides = array<i32>} : memref<16x128xf32, #tpu.memory_space<vmem>>, vector<1x16xf32>,
    %broadcast_in_dim3A_90 = arith.constant 0.000000e+00 : f32
    %broadcast_in_dim3A_91 = vector.broadcast %broadcast_in_dim3A_90 : f32 to vector<16xf32>
    %swap3A_92 = arith.constant 0 : i32
    %swap3A_93 = arith.index_cast %swap3A_92 : i32 to index
    %swap3A_94 = arith.constant 48 : index
    %swap3A_95 = tpu.vector_load %arg14[%swap3A_93, %swap3A_94] {strides = array<i32>} : memref<16x128xf32, #tpu.memory_space<vmem>>, vector<1x16xf32>,
    %swap3A_96 = vector.shape_cast %swap3A_95 : vector<1x16xf32> to vector<16xf32>
    %swap3A_97 = vector.shape_cast %broadcast_in_dim3A_91 : vector<16xf32> to vector<1x16xf32>
    tpu.vector_store %arg14[%swap3A_93, %swap3A_94], %swap3A_97 {strides = array<i32>} : memref<16x128xf32, #tpu.memory_space<vmem>>, vector<1x16xf32>,
    %broadcast_in_dim3A_98 = arith.constant 0.000000e+00 : f32
    %broadcast_in_dim3A_99 = vector.broadcast %broadcast_in_dim3A_98 : f32 to vector<16xf32>
    %swap3A_100 = arith.constant 0 : i32
    %swap3A_101 = arith.index_cast %swap3A_100 : i32 to index
    %swap3A_102 = arith.constant 64 : index
    %swap3A_103 = tpu.vector_load %arg14[%swap3A_101, %swap3A_102] {strides = array<i32>} : memref<16x128xf32, #tpu.memory_space<vmem>>, vector<1x16xf32>,
    %swap3A_104 = vector.shape_cast %swap3A_103 : vector<1x16xf32> to vector<16xf32>
    %swap3A_105 = vector.shape_cast %broadcast_in_dim3A_99 : vector<16xf32> to vector<1x16xf32>
    tpu.vector_store %arg14[%swap3A_101, %swap3A_102], %swap3A_105 {strides = array<i32>} : memref<16x128xf32, #tpu.memory_space<vmem>>, vector<1x16xf32>,
    %broadcast_in_dim3A_106 = arith.constant 0.000000e+00 : f32
    %broadcast_in_dim3A_107 = vector.broadcast %broadcast_in_dim3A_106 : f32 to vector<16xf32>
    %swap3A_108 = arith.constant 0 : i32
    %swap3A_109 = arith.index_cast %swap3A_108 : i32 to index
    %swap3A_110 = arith.constant 80 : index
    %swap3A_111 = tpu.vector_load %arg14[%swap3A_109, %swap3A_110] {strides = array<i32>} : memref<16x128xf32, #tpu.memory_space<vmem>>, vector<1x16xf32>,
    %swap3A_112 = vector.shape_cast %swap3A_111 : vector<1x16xf32> to vector<16xf32>
    %swap3A_113 = vector.shape_cast %broadcast_in_dim3A_107 : vector<16xf32> to vector<1x16xf32>
    tpu.vector_store %arg14[%swap3A_109, %swap3A_110], %swap3A_113 {strides = array<i32>} : memref<16x128xf32, #tpu.memory_space<vmem>>, vector<1x16xf32>,
    %broadcast_in_dim3A_114 = arith.constant 0.000000e+00 : f32
    %broadcast_in_dim3A_115 = vector.broadcast %broadcast_in_dim3A_114 : f32 to vector<16xf32>
    %swap3A_116 = arith.constant 0 : i32
    %swap3A_117 = arith.index_cast %swap3A_116 : i32 to index
    %swap3A_118 = arith.constant 96 : index
    %swap3A_119 = tpu.vector_load %arg14[%swap3A_117, %swap3A_118] {strides = array<i32>} : memref<16x128xf32, #tpu.memory_space<vmem>>, vector<1x16xf32>,
    %swap3A_120 = vector.shape_cast %swap3A_119 : vector<1x16xf32> to vector<16xf32>
    %swap3A_121 = vector.shape_cast %broadcast_in_dim3A_115 : vector<16xf32> to vector<1x16xf32>
    tpu.vector_store %arg14[%swap3A_117, %swap3A_118], %swap3A_121 {strides = array<i32>} : memref<16x128xf32, #tpu.memory_space<vmem>>, vector<1x16xf32>,
    %broadcast_in_dim3A_122 = arith.constant 0.000000e+00 : f32
    %broadcast_in_dim3A_123 = vector.broadcast %broadcast_in_dim3A_122 : f32 to vector<16xf32>
    %swap3A_124 = arith.constant 0 : i32
    %swap3A_125 = arith.index_cast %swap3A_124 : i32 to index
    %swap3A_126 = arith.constant 112 : index
    %swap3A_127 = tpu.vector_load %arg14[%swap3A_125, %swap3A_126] {strides = array<i32>} : memref<16x128xf32, #tpu.memory_space<vmem>>, vector<1x16xf32>,
    %swap3A_128 = vector.shape_cast %swap3A_127 : vector<1x16xf32> to vector<16xf32>
    %swap3A_129 = vector.shape_cast %broadcast_in_dim3A_123 : vector<16xf32> to vector<1x16xf32>
    tpu.vector_store %arg14[%swap3A_125, %swap3A_126], %swap3A_129 {strides = array<i32>} : memref<16x128xf32, #tpu.memory_space<vmem>>, vector<1x16xf32>,
    %broadcast_in_dim3A_130 = arith.constant 0.000000e+00 : f32
    %broadcast_in_dim3A_131 = vector.broadcast %broadcast_in_dim3A_130 : f32 to vector<16xf32>
    %swap3A_132 = arith.constant 1 : i32
    %swap3A_133 = arith.index_cast %swap3A_132 : i32 to index
    %swap3A_134 = arith.constant 0 : index
    %swap3A_135 = tpu.vector_load %arg14[%swap3A_133, %swap3A_134] {strides = array<i32>} : memref<16x128xf32, #tpu.memory_space<vmem>>, vector<1x16xf32>,
    %swap3A_136 = vector.shape_cast %swap3A_135 : vector<1x16xf32> to vector<16xf32>
    %swap3A_137 = vector.shape_cast %broadcast_in_dim3A_131 : vector<16xf32> to vector<1x16xf32>
    tpu.vector_store %arg14[%swap3A_133, %swap3A_134], %swap3A_137 {strides = array<i32>} : memref<16x128xf32, #tpu.memory_space<vmem>>, vector<1x16xf32>,
    %broadcast_in_dim3A_138 = arith.constant 0.000000e+00 : f32
    %broadcast_in_dim3A_139 = vector.broadcast %broadcast_in_dim3A_138 : f32 to vector<16xf32>
    %swap3A_140 = arith.constant 1 : i32
    %swap3A_141 = arith.index_cast %swap3A_140 : i32 to index
    %swap3A_142 = arith.constant 16 : index
    %swap3A_143 = tpu.vector_load %arg14[%swap3A_141, %swap3A_142] {strides = array<i32>} : memref<16x128xf32, #tpu.memory_space<vmem>>, vector<1x16xf32>,
    %swap3A_144 = vector.shape_cast %swap3A_143 : vector<1x16xf32> to vector<16xf32>
    %swap3A_145 = vector.shape_cast %broadcast_in_dim3A_139 : vector<16xf32> to vector<1x16xf32>
    tpu.vector_store %arg14[%swap3A_141, %swap3A_142], %swap3A_145 {strides = array<i32>} : memref<16x128xf32, #tpu.memory_space<vmem>>, vector<1x16xf32>,
    %broadcast_in_dim3A_146 = arith.constant 0.000000e+00 : f32
    %broadcast_in_dim3A_147 = vector.broadcast %broadcast_in_dim3A_146 : f32 to vector<16xf32>
    %swap3A_148 = arith.constant 1 : i32
    %swap3A_149 = arith.index_cast %swap3A_148 : i32 to index
    %swap3A_150 = arith.constant 32 : index
    %swap3A_151 = tpu.vector_load %arg14[%swap3A_149, %swap3A_150] {strides = array<i32>} : memref<16x128xf32, #tpu.memory_space<vmem>>, vector<1x16xf32>,
    %swap3A_152 = vector.shape_cast %swap3A_151 : vector<1x16xf32> to vector<16xf32>
    %swap3A_153 = vector.shape_cast %broadcast_in_dim3A_147 : vector<16xf32> to vector<1x16xf32>
    tpu.vector_store %arg14[%swap3A_149, %swap3A_150], %swap3A_153 {strides = array<i32>} : memref<16x128xf32, #tpu.memory_space<vmem>>, vector<1x16xf32>,
    %broadcast_in_dim3A_154 = arith.constant 0.000000e+00 : f32
    %broadcast_in_dim3A_155 = vector.broadcast %broadcast_in_dim3A_154 : f32 to vector<16xf32>
    %swap3A_156 = arith.constant 1 : i32
    %swap3A_157 = arith.index_cast %swap3A_156 : i32 to index
    %swap3A_158 = arith.constant 48 : index
    %swap3A_159 = tpu.vector_load %arg14[%swap3A_157, %swap3A_158] {strides = array<i32>} : memref<16x128xf32, #tpu.memory_space<vmem>>, vector<1x16xf32>,
    %swap3A_160 = vector.shape_cast %swap3A_159 : vector<1x16xf32> to vector<16xf32>
    %swap3A_161 = vector.shape_cast %broadcast_in_dim3A_155 : vector<16xf32> to vector<1x16xf32>
    tpu.vector_store %arg14[%swap3A_157, %swap3A_158], %swap3A_161 {strides = array<i32>} : memref<16x128xf32, #tpu.memory_space<vmem>>, vector<1x16xf32>,
    %broadcast_in_dim3A_162 = arith.constant 0.000000e+00 : f32
    %broadcast_in_dim3A_163 = vector.broadcast %broadcast_in_dim3A_162 : f32 to vector<16xf32>
    %swap3A_164 = arith.constant 1 : i32
    %swap3A_165 = arith.index_cast %swap3A_164 : i32 to index
    %swap3A_166 = arith.constant 64 : index
    %swap3A_167 = tpu.vector_load %arg14[%swap3A_165, %swap3A_166] {strides = array<i32>} : memref<16x128xf32, #tpu.memory_space<vmem>>, vector<1x16xf32>,
    %swap3A_168 = vector.shape_cast %swap3A_167 : vector<1x16xf32> to vector<16xf32>
    %swap3A_169 = vector.shape_cast %broadcast_in_dim3A_163 : vector<16xf32> to vector<1x16xf32>
    tpu.vector_store %arg14[%swap3A_165, %swap3A_166], %swap3A_169 {strides = array<i32>} : memref<16x128xf32, #tpu.memory_space<vmem>>, vector<1x16xf32>,
    %broadcast_in_dim3A_170 = arith.constant 0.000000e+00 : f32
    %broadcast_in_dim3A_171 = vector.broadcast %broadcast_in_dim3A_170 : f32 to vector<16xf32>
    %swap3A_172 = arith.constant 1 : i32
    %swap3A_173 = arith.index_cast %swap3A_172 : i32 to index
    %swap3A_174 = arith.constant 80 : index
    %swap3A_175 = tpu.vector_load %arg14[%swap3A_173, %swap3A_174] {strides = array<i32>} : memref<16x128xf32, #tpu.memory_space<vmem>>, vector<1x16xf32>,
    %swap3A_176 = vector.shape_cast %swap3A_175 : vector<1x16xf32> to vector<16xf32>
    %swap3A_177 = vector.shape_cast %broadcast_in_dim3A_171 : vector<16xf32> to vector<1x16xf32>
    tpu.vector_store %arg14[%swap3A_173, %swap3A_174], %swap3A_177 {strides = array<i32>} : memref<16x128xf32, #tpu.memory_space<vmem>>, vector<1x16xf32>,
    %broadcast_in_dim3A_178 = arith.constant 0.000000e+00 : f32
    %broadcast_in_dim3A_179 = vector.broadcast %broadcast_in_dim3A_178 : f32 to vector<16xf32>
    %swap3A_180 = arith.constant 1 : i32
    %swap3A_181 = arith.index_cast %swap3A_180 : i32 to index
    %swap3A_182 = arith.constant 96 : index
    %swap3A_183 = tpu.vector_load %arg14[%swap3A_181, %swap3A_182] {strides = array<i32>} : memref<16x128xf32, #tpu.memory_space<vmem>>, vector<1x16xf32>,
    %swap3A_184 = vector.shape_cast %swap3A_183 : vector<1x16xf32> to vector<16xf32>
    %swap3A_185 = vector.shape_cast %broadcast_in_dim3A_179 : vector<16xf32> to vector<1x16xf32>
    tpu.vector_store %arg14[%swap3A_181, %swap3A_182], %swap3A_185 {strides = array<i32>} : memref<16x128xf32, #tpu.memory_space<vmem>>, vector<1x16xf32>,
    %broadcast_in_dim3A_186 = arith.constant 0.000000e+00 : f32
    %broadcast_in_dim3A_187 = vector.broadcast %broadcast_in_dim3A_186 : f32 to vector<16xf32>
    %swap3A_188 = arith.constant 1 : i32
    %swap3A_189 = arith.index_cast %swap3A_188 : i32 to index
    %swap3A_190 = arith.constant 112 : index
    %swap3A_191 = tpu.vector_load %arg14[%swap3A_189, %swap3A_190] {strides = array<i32>} : memref<16x128xf32, #tpu.memory_space<vmem>>, vector<1x16xf32>,
    %swap3A_192 = vector.shape_cast %swap3A_191 : vector<1x16xf32> to vector<16xf32>
    %swap3A_193 = vector.shape_cast %broadcast_in_dim3A_187 : vector<16xf32> to vector<1x16xf32>
    tpu.vector_store %arg14[%swap3A_189, %swap3A_190], %swap3A_193 {strides = array<i32>} : memref<16x128xf32, #tpu.memory_space<vmem>>, vector<1x16xf32>,
    %broadcast_in_dim3A_194 = arith.constant 0.000000e+00 : f32
    %broadcast_in_dim3A_195 = vector.broadcast %broadcast_in_dim3A_194 : f32 to vector<16xf32>
    %swap3A_196 = arith.constant 2 : i32
    %swap3A_197 = arith.index_cast %swap3A_196 : i32 to index
    %swap3A_198 = arith.constant 0 : index
    %swap3A_199 = tpu.vector_load %arg14[%swap3A_197, %swap3A_198] {strides = array<i32>} : memref<16x128xf32, #tpu.memory_space<vmem>>, vector<1x16xf32>,
    %swap3A_200 = vector.shape_cast %swap3A_199 : vector<1x16xf32> to vector<16xf32>
    %swap3A_201 = vector.shape_cast %broadcast_in_dim3A_195 : vector<16xf32> to vector<1x16xf32>
    tpu.vector_store %arg14[%swap3A_197, %swap3A_198], %swap3A_201 {strides = array<i32>} : memref<16x128xf32, #tpu.memory_space<vmem>>, vector<1x16xf32>,
    %broadcast_in_dim3A_202 = arith.constant 0.000000e+00 : f32
    %broadcast_in_dim3A_203 = vector.broadcast %broadcast_in_dim3A_202 : f32 to vector<16xf32>
    %swap3A_204 = arith.constant 2 : i32
    %swap3A_205 = arith.index_cast %swap3A_204 : i32 to index
    %swap3A_206 = arith.constant 16 : index
    %swap3A_207 = tpu.vector_load %arg14[%swap3A_205, %swap3A_206] {strides = array<i32>} : memref<16x128xf32, #tpu.memory_space<vmem>>, vector<1x16xf32>,
    %swap3A_208 = vector.shape_cast %swap3A_207 : vector<1x16xf32> to vector<16xf32>
    %swap3A_209 = vector.shape_cast %broadcast_in_dim3A_203 : vector<16xf32> to vector<1x16xf32>
    tpu.vector_store %arg14[%swap3A_205, %swap3A_206], %swap3A_209 {strides = array<i32>} : memref<16x128xf32, #tpu.memory_space<vmem>>, vector<1x16xf32>,
    %broadcast_in_dim3A_210 = arith.constant 0.000000e+00 : f32
    %broadcast_in_dim3A_211 = vector.broadcast %broadcast_in_dim3A_210 : f32 to vector<16xf32>
    %swap3A_212 = arith.constant 2 : i32
    %swap3A_213 = arith.index_cast %swap3A_212 : i32 to index
    %swap3A_214 = arith.constant 32 : index
    %swap3A_215 = tpu.vector_load %arg14[%swap3A_213, %swap3A_214] {strides = array<i32>} : memref<16x128xf32, #tpu.memory_space<vmem>>, vector<1x16xf32>,
    %swap3A_216 = vector.shape_cast %swap3A_215 : vector<1x16xf32> to vector<16xf32>
    %swap3A_217 = vector.shape_cast %broadcast_in_dim3A_211 : vector<16xf32> to vector<1x16xf32>
    tpu.vector_store %arg14[%swap3A_213, %swap3A_214], %swap3A_217 {strides = array<i32>} : memref<16x128xf32, #tpu.memory_space<vmem>>, vector<1x16xf32>,
    %broadcast_in_dim3A_218 = arith.constant 0.000000e+00 : f32
    %broadcast_in_dim3A_219 = vector.broadcast %broadcast_in_dim3A_218 : f32 to vector<16xf32>
    %swap3A_220 = arith.constant 2 : i32
    %swap3A_221 = arith.index_cast %swap3A_220 : i32 to index
    %swap3A_222 = arith.constant 48 : index
    %swap3A_223 = tpu.vector_load %arg14[%swap3A_221, %swap3A_222] {strides = array<i32>} : memref<16x128xf32, #tpu.memory_space<vmem>>, vector<1x16xf32>,
    %swap3A_224 = vector.shape_cast %swap3A_223 : vector<1x16xf32> to vector<16xf32>
    %swap3A_225 = vector.shape_cast %broadcast_in_dim3A_219 : vector<16xf32> to vector<1x16xf32>
    tpu.vector_store %arg14[%swap3A_221, %swap3A_222], %swap3A_225 {strides = array<i32>} : memref<16x128xf32, #tpu.memory_space<vmem>>, vector<1x16xf32>,
    %broadcast_in_dim3A_226 = arith.constant 0.000000e+00 : f32
    %broadcast_in_dim3A_227 = vector.broadcast %broadcast_in_dim3A_226 : f32 to vector<16xf32>
    %swap3A_228 = arith.constant 2 : i32
    %swap3A_229 = arith.index_cast %swap3A_228 : i32 to index
    %swap3A_230 = arith.constant 64 : index
    %swap3A_231 = tpu.vector_load %arg14[%swap3A_229, %swap3A_230] {strides = array<i32>} : memref<16x128xf32, #tpu.memory_space<vmem>>, vector<1x16xf32>,
    %swap3A_232 = vector.shape_cast %swap3A_231 : vector<1x16xf32> to vector<16xf32>
    %swap3A_233 = vector.shape_cast %broadcast_in_dim3A_227 : vector<16xf32> to vector<1x16xf32>
    tpu.vector_store %arg14[%swap3A_229, %swap3A_230], %swap3A_233 {strides = array<i32>} : memref<16x128xf32, #tpu.memory_space<vmem>>, vector<1x16xf32>,
    %broadcast_in_dim3A_234 = arith.constant 0.000000e+00 : f32
    %broadcast_in_dim3A_235 = vector.broadcast %broadcast_in_dim3A_234 : f32 to vector<16xf32>
    %swap3A_236 = arith.constant 2 : i32
    %swap3A_237 = arith.index_cast %swap3A_236 : i32 to index
    %swap3A_238 = arith.constant 80 : index
    %swap3A_239 = tpu.vector_load %arg14[%swap3A_237, %swap3A_238] {strides = array<i32>} : memref<16x128xf32, #tpu.memory_space<vmem>>, vector<1x16xf32>,
    %swap3A_240 = vector.shape_cast %swap3A_239 : vector<1x16xf32> to vector<16xf32>
    %swap3A_241 = vector.shape_cast %broadcast_in_dim3A_235 : vector<16xf32> to vector<1x16xf32>
    tpu.vector_store %arg14[%swap3A_237, %swap3A_238], %swap3A_241 {strides = array<i32>} : memref<16x128xf32, #tpu.memory_space<vmem>>, vector<1x16xf32>,
    %broadcast_in_dim3A_242 = arith.constant 0.000000e+00 : f32
    %broadcast_in_dim3A_243 = vector.broadcast %broadcast_in_dim3A_242 : f32 to vector<16xf32>
    %swap3A_244 = arith.constant 2 : i32
    %swap3A_245 = arith.index_cast %swap3A_244 : i32 to index
    %swap3A_246 = arith.constant 96 : index
    %swap3A_247 = tpu.vector_load %arg14[%swap3A_245, %swap3A_246] {strides = array<i32>} : memref<16x128xf32, #tpu.memory_space<vmem>>, vector<1x16xf32>,
    %swap3A_248 = vector.shape_cast %swap3A_247 : vector<1x16xf32> to vector<16xf32>
    %swap3A_249 = vector.shape_cast %broadcast_in_dim3A_243 : vector<16xf32> to vector<1x16xf32>
    tpu.vector_store %arg14[%swap3A_245, %swap3A_246], %swap3A_249 {strides = array<i32>} : memref<16x128xf32, #tpu.memory_space<vmem>>, vector<1x16xf32>,
    %broadcast_in_dim3A_250 = arith.constant 0.000000e+00 : f32
    %broadcast_in_dim3A_251 = vector.broadcast %broadcast_in_dim3A_250 : f32 to vector<16xf32>
    %swap3A_252 = arith.constant 2 : i32
    %swap3A_253 = arith.index_cast %swap3A_252 : i32 to index
    %swap3A_254 = arith.constant 112 : index
    %swap3A_255 = tpu.vector_load %arg14[%swap3A_253, %swap3A_254] {strides = array<i32>} : memref<16x128xf32, #tpu.memory_space<vmem>>, vector<1x16xf32>,
    %swap3A_256 = vector.shape_cast %swap3A_255 : vector<1x16xf32> to vector<16xf32>
    %swap3A_257 = vector.shape_cast %broadcast_in_dim3A_251 : vector<16xf32> to vector<1x16xf32>
    tpu.vector_store %arg14[%swap3A_253, %swap3A_254], %swap3A_257 {strides = array<i32>} : memref<16x128xf32, #tpu.memory_space<vmem>>, vector<1x16xf32>,
    %broadcast_in_dim3A_258 = arith.constant 0.000000e+00 : f32
    %broadcast_in_dim3A_259 = vector.broadcast %broadcast_in_dim3A_258 : f32 to vector<16xf32>
    %swap3A_260 = arith.constant 3 : i32
    %swap3A_261 = arith.index_cast %swap3A_260 : i32 to index
    %swap3A_262 = arith.constant 0 : index
    %swap3A_263 = tpu.vector_load %arg14[%swap3A_261, %swap3A_262] {strides = array<i32>} : memref<16x128xf32, #tpu.memory_space<vmem>>, vector<1x16xf32>,
    %swap3A_264 = vector.shape_cast %swap3A_263 : vector<1x16xf32> to vector<16xf32>
    %swap3A_265 = vector.shape_cast %broadcast_in_dim3A_259 : vector<16xf32> to vector<1x16xf32>
    tpu.vector_store %arg14[%swap3A_261, %swap3A_262], %swap3A_265 {strides = array<i32>} : memref<16x128xf32, #tpu.memory_space<vmem>>, vector<1x16xf32>,
    %broadcast_in_dim3A_266 = arith.constant 0.000000e+00 : f32
    %broadcast_in_dim3A_267 = vector.broadcast %broadcast_in_dim3A_266 : f32 to vector<16xf32>
    %swap3A_268 = arith.constant 3 : i32
    %swap3A_269 = arith.index_cast %swap3A_268 : i32 to index
    %swap3A_270 = arith.constant 16 : index
    %swap3A_271 = tpu.vector_load %arg14[%swap3A_269, %swap3A_270] {strides = array<i32>} : memref<16x128xf32, #tpu.memory_space<vmem>>, vector<1x16xf32>,
    %swap3A_272 = vector.shape_cast %swap3A_271 : vector<1x16xf32> to vector<16xf32>
    %swap3A_273 = vector.shape_cast %broadcast_in_dim3A_267 : vector<16xf32> to vector<1x16xf32>
    tpu.vector_store %arg14[%swap3A_269, %swap3A_270], %swap3A_273 {strides = array<i32>} : memref<16x128xf32, #tpu.memory_space<vmem>>, vector<1x16xf32>,
    %broadcast_in_dim3A_274 = arith.constant 0.000000e+00 : f32
    %broadcast_in_dim3A_275 = vector.broadcast %broadcast_in_dim3A_274 : f32 to vector<16xf32>
    %swap3A_276 = arith.constant 3 : i32
    %swap3A_277 = arith.index_cast %swap3A_276 : i32 to index
    %swap3A_278 = arith.constant 32 : index
    %swap3A_279 = tpu.vector_load %arg14[%swap3A_277, %swap3A_278] {strides = array<i32>} : memref<16x128xf32, #tpu.memory_space<vmem>>, vector<1x16xf32>,
    %swap3A_280 = vector.shape_cast %swap3A_279 : vector<1x16xf32> to vector<16xf32>
    %swap3A_281 = vector.shape_cast %broadcast_in_dim3A_275 : vector<16xf32> to vector<1x16xf32>
    tpu.vector_store %arg14[%swap3A_277, %swap3A_278], %swap3A_281 {strides = array<i32>} : memref<16x128xf32, #tpu.memory_space<vmem>>, vector<1x16xf32>,
    %broadcast_in_dim3A_282 = arith.constant 0.000000e+00 : f32
    %broadcast_in_dim3A_283 = vector.broadcast %broadcast_in_dim3A_282 : f32 to vector<16xf32>
    %swap3A_284 = arith.constant 3 : i32
    %swap3A_285 = arith.index_cast %swap3A_284 : i32 to index
    %swap3A_286 = arith.constant 48 : index
    %swap3A_287 = tpu.vector_load %arg14[%swap3A_285, %swap3A_286] {strides = array<i32>} : memref<16x128xf32, #tpu.memory_space<vmem>>, vector<1x16xf32>,
    %swap3A_288 = vector.shape_cast %swap3A_287 : vector<1x16xf32> to vector<16xf32>
    %swap3A_289 = vector.shape_cast %broadcast_in_dim3A_283 : vector<16xf32> to vector<1x16xf32>
    tpu.vector_store %arg14[%swap3A_285, %swap3A_286], %swap3A_289 {strides = array<i32>} : memref<16x128xf32, #tpu.memory_space<vmem>>, vector<1x16xf32>,
    %broadcast_in_dim3A_290 = arith.constant 0.000000e+00 : f32
    %broadcast_in_dim3A_291 = vector.broadcast %broadcast_in_dim3A_290 : f32 to vector<16xf32>
    %swap3A_292 = arith.constant 3 : i32
    %swap3A_293 = arith.index_cast %swap3A_292 : i32 to index
    %swap3A_294 = arith.constant 64 : index
    %swap3A_295 = tpu.vector_load %arg14[%swap3A_293, %swap3A_294] {strides = array<i32>} : memref<16x128xf32, #tpu.memory_space<vmem>>, vector<1x16xf32>,
    %swap3A_296 = vector.shape_cast %swap3A_295 : vector<1x16xf32> to vector<16xf32>
    %swap3A_297 = vector.shape_cast %broadcast_in_dim3A_291 : vector<16xf32> to vector<1x16xf32>
    tpu.vector_store %arg14[%swap3A_293, %swap3A_294], %swap3A_297 {strides = array<i32>} : memref<16x128xf32, #tpu.memory_space<vmem>>, vector<1x16xf32>,
    %broadcast_in_dim3A_298 = arith.constant 0.000000e+00 : f32
    %broadcast_in_dim3A_299 = vector.broadcast %broadcast_in_dim3A_298 : f32 to vector<16xf32>
    %swap3A_300 = arith.constant 3 : i32
    %swap3A_301 = arith.index_cast %swap3A_300 : i32 to index
    %swap3A_302 = arith.constant 80 : index
    %swap3A_303 = tpu.vector_load %arg14[%swap3A_301, %swap3A_302] {strides = array<i32>} : memref<16x128xf32, #tpu.memory_space<vmem>>, vector<1x16xf32>,
    %swap3A_304 = vector.shape_cast %swap3A_303 : vector<1x16xf32> to vector<16xf32>
    %swap3A_305 = vector.shape_cast %broadcast_in_dim3A_299 : vector<16xf32> to vector<1x16xf32>
    tpu.vector_store %arg14[%swap3A_301, %swap3A_302], %swap3A_305 {strides = array<i32>} : memref<16x128xf32, #tpu.memory_space<vmem>>, vector<1x16xf32>,
    %broadcast_in_dim3A_306 = arith.constant 0.000000e+00 : f32
    %broadcast_in_dim3A_307 = vector.broadcast %broadcast_in_dim3A_306 : f32 to vector<16xf32>
    %swap3A_308 = arith.constant 3 : i32
    %swap3A_309 = arith.index_cast %swap3A_308 : i32 to index
    %swap3A_310 = arith.constant 96 : index
    %swap3A_311 = tpu.vector_load %arg14[%swap3A_309, %swap3A_310] {strides = array<i32>} : memref<16x128xf32, #tpu.memory_space<vmem>>, vector<1x16xf32>,
    %swap3A_312 = vector.shape_cast %swap3A_311 : vector<1x16xf32> to vector<16xf32>
    %swap3A_313 = vector.shape_cast %broadcast_in_dim3A_307 : vector<16xf32> to vector<1x16xf32>
    tpu.vector_store %arg14[%swap3A_309, %swap3A_310], %swap3A_313 {strides = array<i32>} : memref<16x128xf32, #tpu.memory_space<vmem>>, vector<1x16xf32>,
    %broadcast_in_dim3A_314 = arith.constant 0.000000e+00 : f32
    %broadcast_in_dim3A_315 = vector.broadcast %broadcast_in_dim3A_314 : f32 to vector<16xf32>
    %swap3A_316 = arith.constant 3 : i32
    %swap3A_317 = arith.index_cast %swap3A_316 : i32 to index
    %swap3A_318 = arith.constant 112 : index
    %swap3A_319 = tpu.vector_load %arg14[%swap3A_317, %swap3A_318] {strides = array<i32>} : memref<16x128xf32, #tpu.memory_space<vmem>>, vector<1x16xf32>,
    %swap3A_320 = vector.shape_cast %swap3A_319 : vector<1x16xf32> to vector<16xf32>
    %swap3A_321 = vector.shape_cast %broadcast_in_dim3A_315 : vector<16xf32> to vector<1x16xf32>
    tpu.vector_store %arg14[%swap3A_317, %swap3A_318], %swap3A_321 {strides = array<i32>} : memref<16x128xf32, #tpu.memory_space<vmem>>, vector<1x16xf32>,
    %broadcast_in_dim3A_322 = arith.constant 0.000000e+00 : f32
    %broadcast_in_dim3A_323 = vector.broadcast %broadcast_in_dim3A_322 : f32 to vector<16xf32>
    %swap3A_324 = arith.constant 4 : i32
    %swap3A_325 = arith.index_cast %swap3A_324 : i32 to index
    %swap3A_326 = arith.constant 0 : index
    %swap3A_327 = tpu.vector_load %arg14[%swap3A_325, %swap3A_326] {strides = array<i32>} : memref<16x128xf32, #tpu.memory_space<vmem>>, vector<1x16xf32>,
    %swap3A_328 = vector.shape_cast %swap3A_327 : vector<1x16xf32> to vector<16xf32>
    %swap3A_329 = vector.shape_cast %broadcast_in_dim3A_323 : vector<16xf32> to vector<1x16xf32>
    tpu.vector_store %arg14[%swap3A_325, %swap3A_326], %swap3A_329 {strides = array<i32>} : memref<16x128xf32, #tpu.memory_space<vmem>>, vector<1x16xf32>,
    %broadcast_in_dim3A_330 = arith.constant 0.000000e+00 : f32
    %broadcast_in_dim3A_331 = vector.broadcast %broadcast_in_dim3A_330 : f32 to vector<16xf32>
    %swap3A_332 = arith.constant 4 : i32
    %swap3A_333 = arith.index_cast %swap3A_332 : i32 to index
    %swap3A_334 = arith.constant 16 : index
    %swap3A_335 = tpu.vector_load %arg14[%swap3A_333, %swap3A_334] {strides = array<i32>} : memref<16x128xf32, #tpu.memory_space<vmem>>, vector<1x16xf32>,
    %swap3A_336 = vector.shape_cast %swap3A_335 : vector<1x16xf32> to vector<16xf32>
    %swap3A_337 = vector.shape_cast %broadcast_in_dim3A_331 : vector<16xf32> to vector<1x16xf32>
    tpu.vector_store %arg14[%swap3A_333, %swap3A_334], %swap3A_337 {strides = array<i32>} : memref<16x128xf32, #tpu.memory_space<vmem>>, vector<1x16xf32>,
    %broadcast_in_dim3A_338 = arith.constant 0.000000e+00 : f32
    %broadcast_in_dim3A_339 = vector.broadcast %broadcast_in_dim3A_338 : f32 to vector<16xf32>
    %swap3A_340 = arith.constant 4 : i32
    %swap3A_341 = arith.index_cast %swap3A_340 : i32 to index
    %swap3A_342 = arith.constant 32 : index
    %swap3A_343 = tpu.vector_load %arg14[%swap3A_341, %swap3A_342] {strides = array<i32>} : memref<16x128xf32, #tpu.memory_space<vmem>>, vector<1x16xf32>,
    %swap3A_344 = vector.shape_cast %swap3A_343 : vector<1x16xf32> to vector<16xf32>
    %swap3A_345 = vector.shape_cast %broadcast_in_dim3A_339 : vector<16xf32> to vector<1x16xf32>
    tpu.vector_store %arg14[%swap3A_341, %swap3A_342], %swap3A_345 {strides = array<i32>} : memref<16x128xf32, #tpu.memory_space<vmem>>, vector<1x16xf32>,
    %broadcast_in_dim3A_346 = arith.constant 0.000000e+00 : f32
    %broadcast_in_dim3A_347 = vector.broadcast %broadcast_in_dim3A_346 : f32 to vector<16xf32>
    %swap3A_348 = arith.constant 4 : i32
    %swap3A_349 = arith.index_cast %swap3A_348 : i32 to index
    %swap3A_350 = arith.constant 48 : index
    %swap3A_351 = tpu.vector_load %arg14[%swap3A_349, %swap3A_350] {strides = array<i32>} : memref<16x128xf32, #tpu.memory_space<vmem>>, vector<1x16xf32>,
    %swap3A_352 = vector.shape_cast %swap3A_351 : vector<1x16xf32> to vector<16xf32>
    %swap3A_353 = vector.shape_cast %broadcast_in_dim3A_347 : vector<16xf32> to vector<1x16xf32>
    tpu.vector_store %arg14[%swap3A_349, %swap3A_350], %swap3A_353 {strides = array<i32>} : memref<16x128xf32, #tpu.memory_space<vmem>>, vector<1x16xf32>,
    %broadcast_in_dim3A_354 = arith.constant 0.000000e+00 : f32
    %broadcast_in_dim3A_355 = vector.broadcast %broadcast_in_dim3A_354 : f32 to vector<16xf32>
    %swap3A_356 = arith.constant 4 : i32
    %swap3A_357 = arith.index_cast %swap3A_356 : i32 to index
    %swap3A_358 = arith.constant 64 : index
    %swap3A_359 = tpu.vector_load %arg14[%swap3A_357, %swap3A_358] {strides = array<i32>} : memref<16x128xf32, #tpu.memory_space<vmem>>, vector<1x16xf32>,
    %swap3A_360 = vector.shape_cast %swap3A_359 : vector<1x16xf32> to vector<16xf32>
    %swap3A_361 = vector.shape_cast %broadcast_in_dim3A_355 : vector<16xf32> to vector<1x16xf32>
    tpu.vector_store %arg14[%swap3A_357, %swap3A_358], %swap3A_361 {strides = array<i32>} : memref<16x128xf32, #tpu.memory_space<vmem>>, vector<1x16xf32>,
    %broadcast_in_dim3A_362 = arith.constant 0.000000e+00 : f32
    %broadcast_in_dim3A_363 = vector.broadcast %broadcast_in_dim3A_362 : f32 to vector<16xf32>
    %swap3A_364 = arith.constant 4 : i32
    %swap3A_365 = arith.index_cast %swap3A_364 : i32 to index
    %swap3A_366 = arith.constant 80 : index
    %swap3A_367 = tpu.vector_load %arg14[%swap3A_365, %swap3A_366] {strides = array<i32>} : memref<16x128xf32, #tpu.memory_space<vmem>>, vector<1x16xf32>,
    %swap3A_368 = vector.shape_cast %swap3A_367 : vector<1x16xf32> to vector<16xf32>
    %swap3A_369 = vector.shape_cast %broadcast_in_dim3A_363 : vector<16xf32> to vector<1x16xf32>
    tpu.vector_store %arg14[%swap3A_365, %swap3A_366], %swap3A_369 {strides = array<i32>} : memref<16x128xf32, #tpu.memory_space<vmem>>, vector<1x16xf32>,
    %broadcast_in_dim3A_370 = arith.constant 0.000000e+00 : f32
    %broadcast_in_dim3A_371 = vector.broadcast %broadcast_in_dim3A_370 : f32 to vector<16xf32>
    %swap3A_372 = arith.constant 4 : i32
    %swap3A_373 = arith.index_cast %swap3A_372 : i32 to index
    %swap3A_374 = arith.constant 96 : index
    %swap3A_375 = tpu.vector_load %arg14[%swap3A_373, %swap3A_374] {strides = array<i32>} : memref<16x128xf32, #tpu.memory_space<vmem>>, vector<1x16xf32>,
    %swap3A_376 = vector.shape_cast %swap3A_375 : vector<1x16xf32> to vector<16xf32>
    %swap3A_377 = vector.shape_cast %broadcast_in_dim3A_371 : vector<16xf32> to vector<1x16xf32>
    tpu.vector_store %arg14[%swap3A_373, %swap3A_374], %swap3A_377 {strides = array<i32>} : memref<16x128xf32, #tpu.memory_space<vmem>>, vector<1x16xf32>,
    %broadcast_in_dim3A_378 = arith.constant 0.000000e+00 : f32
    %broadcast_in_dim3A_379 = vector.broadcast %broadcast_in_dim3A_378 : f32 to vector<16xf32>
    %swap3A_380 = arith.constant 4 : i32
    %swap3A_381 = arith.index_cast %swap3A_380 : i32 to index
    %swap3A_382 = arith.constant 112 : index
    %swap3A_383 = tpu.vector_load %arg14[%swap3A_381, %swap3A_382] {strides = array<i32>} : memref<16x128xf32, #tpu.memory_space<vmem>>, vector<1x16xf32>,
    %swap3A_384 = vector.shape_cast %swap3A_383 : vector<1x16xf32> to vector<16xf32>
    %swap3A_385 = vector.shape_cast %broadcast_in_dim3A_379 : vector<16xf32> to vector<1x16xf32>
    tpu.vector_store %arg14[%swap3A_381, %swap3A_382], %swap3A_385 {strides = array<i32>} : memref<16x128xf32, #tpu.memory_space<vmem>>, vector<1x16xf32>,
    %broadcast_in_dim3A_386 = arith.constant 0.000000e+00 : f32
    %broadcast_in_dim3A_387 = vector.broadcast %broadcast_in_dim3A_386 : f32 to vector<16xf32>
    %swap3A_388 = arith.constant 5 : i32
    %swap3A_389 = arith.index_cast %swap3A_388 : i32 to index
    %swap3A_390 = arith.constant 0 : index
    %swap3A_391 = tpu.vector_load %arg14[%swap3A_389, %swap3A_390] {strides = array<i32>} : memref<16x128xf32, #tpu.memory_space<vmem>>, vector<1x16xf32>,
    %swap3A_392 = vector.shape_cast %swap3A_391 : vector<1x16xf32> to vector<16xf32>
    %swap3A_393 = vector.shape_cast %broadcast_in_dim3A_387 : vector<16xf32> to vector<1x16xf32>
    tpu.vector_store %arg14[%swap3A_389, %swap3A_390], %swap3A_393 {strides = array<i32>} : memref<16x128xf32, #tpu.memory_space<vmem>>, vector<1x16xf32>,
    %broadcast_in_dim3A_394 = arith.constant 0.000000e+00 : f32
    %broadcast_in_dim3A_395 = vector.broadcast %broadcast_in_dim3A_394 : f32 to vector<16xf32>
    %swap3A_396 = arith.constant 5 : i32
    %swap3A_397 = arith.index_cast %swap3A_396 : i32 to index
    %swap3A_398 = arith.constant 16 : index
    %swap3A_399 = tpu.vector_load %arg14[%swap3A_397, %swap3A_398] {strides = array<i32>} : memref<16x128xf32, #tpu.memory_space<vmem>>, vector<1x16xf32>,
    %swap3A_400 = vector.shape_cast %swap3A_399 : vector<1x16xf32> to vector<16xf32>
    %swap3A_401 = vector.shape_cast %broadcast_in_dim3A_395 : vector<16xf32> to vector<1x16xf32>
    tpu.vector_store %arg14[%swap3A_397, %swap3A_398], %swap3A_401 {strides = array<i32>} : memref<16x128xf32, #tpu.memory_space<vmem>>, vector<1x16xf32>,
    %broadcast_in_dim3A_402 = arith.constant 0.000000e+00 : f32
    %broadcast_in_dim3A_403 = vector.broadcast %broadcast_in_dim3A_402 : f32 to vector<16xf32>
    %swap3A_404 = arith.constant 5 : i32
    %swap3A_405 = arith.index_cast %swap3A_404 : i32 to index
    %swap3A_406 = arith.constant 32 : index
    %swap3A_407 = tpu.vector_load %arg14[%swap3A_405, %swap3A_406] {strides = array<i32>} : memref<16x128xf32, #tpu.memory_space<vmem>>, vector<1x16xf32>,
    %swap3A_408 = vector.shape_cast %swap3A_407 : vector<1x16xf32> to vector<16xf32>
    %swap3A_409 = vector.shape_cast %broadcast_in_dim3A_403 : vector<16xf32> to vector<1x16xf32>
    tpu.vector_store %arg14[%swap3A_405, %swap3A_406], %swap3A_409 {strides = array<i32>} : memref<16x128xf32, #tpu.memory_space<vmem>>, vector<1x16xf32>,
    %broadcast_in_dim3A_410 = arith.constant 0.000000e+00 : f32
    %broadcast_in_dim3A_411 = vector.broadcast %broadcast_in_dim3A_410 : f32 to vector<16xf32>
    %swap3A_412 = arith.constant 5 : i32
    %swap3A_413 = arith.index_cast %swap3A_412 : i32 to index
    %swap3A_414 = arith.constant 48 : index
    %swap3A_415 = tpu.vector_load %arg14[%swap3A_413, %swap3A_414] {strides = array<i32>} : memref<16x128xf32, #tpu.memory_space<vmem>>, vector<1x16xf32>,
    %swap3A_416 = vector.shape_cast %swap3A_415 : vector<1x16xf32> to vector<16xf32>
    %swap3A_417 = vector.shape_cast %broadcast_in_dim3A_411 : vector<16xf32> to vector<1x16xf32>
    tpu.vector_store %arg14[%swap3A_413, %swap3A_414], %swap3A_417 {strides = array<i32>} : memref<16x128xf32, #tpu.memory_space<vmem>>, vector<1x16xf32>,
    %broadcast_in_dim3A_418 = arith.constant 0.000000e+00 : f32
    %broadcast_in_dim3A_419 = vector.broadcast %broadcast_in_dim3A_418 : f32 to vector<16xf32>
    %swap3A_420 = arith.constant 5 : i32
    %swap3A_421 = arith.index_cast %swap3A_420 : i32 to index
    %swap3A_422 = arith.constant 64 : index
    %swap3A_423 = tpu.vector_load %arg14[%swap3A_421, %swap3A_422] {strides = array<i32>} : memref<16x128xf32, #tpu.memory_space<vmem>>, vector<1x16xf32>,
    %swap3A_424 = vector.shape_cast %swap3A_423 : vector<1x16xf32> to vector<16xf32>
    %swap3A_425 = vector.shape_cast %broadcast_in_dim3A_419 : vector<16xf32> to vector<1x16xf32>
    tpu.vector_store %arg14[%swap3A_421, %swap3A_422], %swap3A_425 {strides = array<i32>} : memref<16x128xf32, #tpu.memory_space<vmem>>, vector<1x16xf32>,
    %broadcast_in_dim3A_426 = arith.constant 0.000000e+00 : f32
    %broadcast_in_dim3A_427 = vector.broadcast %broadcast_in_dim3A_426 : f32 to vector<16xf32>
    %swap3A_428 = arith.constant 5 : i32
    %swap3A_429 = arith.index_cast %swap3A_428 : i32 to index
    %swap3A_430 = arith.constant 80 : index
    %swap3A_431 = tpu.vector_load %arg14[%swap3A_429, %swap3A_430] {strides = array<i32>} : memref<16x128xf32, #tpu.memory_space<vmem>>, vector<1x16xf32>,
    %swap3A_432 = vector.shape_cast %swap3A_431 : vector<1x16xf32> to vector<16xf32>
    %swap3A_433 = vector.shape_cast %broadcast_in_dim3A_427 : vector<16xf32> to vector<1x16xf32>
    tpu.vector_store %arg14[%swap3A_429, %swap3A_430], %swap3A_433 {strides = array<i32>} : memref<16x128xf32, #tpu.memory_space<vmem>>, vector<1x16xf32>,
    %broadcast_in_dim3A_434 = arith.constant 0.000000e+00 : f32
    %broadcast_in_dim3A_435 = vector.broadcast %broadcast_in_dim3A_434 : f32 to vector<16xf32>
    %swap3A_436 = arith.constant 5 : i32
    %swap3A_437 = arith.index_cast %swap3A_436 : i32 to index
    %swap3A_438 = arith.constant 96 : index
    %swap3A_439 = tpu.vector_load %arg14[%swap3A_437, %swap3A_438] {strides = array<i32>} : memref<16x128xf32, #tpu.memory_space<vmem>>, vector<1x16xf32>,
    %swap3A_440 = vector.shape_cast %swap3A_439 : vector<1x16xf32> to vector<16xf32>
    %swap3A_441 = vector.shape_cast %broadcast_in_dim3A_435 : vector<16xf32> to vector<1x16xf32>
    tpu.vector_store %arg14[%swap3A_437, %swap3A_438], %swap3A_441 {strides = array<i32>} : memref<16x128xf32, #tpu.memory_space<vmem>>, vector<1x16xf32>,
    %broadcast_in_dim3A_442 = arith.constant 0.000000e+00 : f32
    %broadcast_in_dim3A_443 = vector.broadcast %broadcast_in_dim3A_442 : f32 to vector<16xf32>
    %swap3A_444 = arith.constant 5 : i32
    %swap3A_445 = arith.index_cast %swap3A_444 : i32 to index
    %swap3A_446 = arith.constant 112 : index
    %swap3A_447 = tpu.vector_load %arg14[%swap3A_445, %swap3A_446] {strides = array<i32>} : memref<16x128xf32, #tpu.memory_space<vmem>>, vector<1x16xf32>,
    %swap3A_448 = vector.shape_cast %swap3A_447 : vector<1x16xf32> to vector<16xf32>
    %swap3A_449 = vector.shape_cast %broadcast_in_dim3A_443 : vector<16xf32> to vector<1x16xf32>
    tpu.vector_store %arg14[%swap3A_445, %swap3A_446], %swap3A_449 {strides = array<i32>} : memref<16x128xf32, #tpu.memory_space<vmem>>, vector<1x16xf32>,
    %broadcast_in_dim3A_450 = arith.constant 0.000000e+00 : f32
    %broadcast_in_dim3A_451 = vector.broadcast %broadcast_in_dim3A_450 : f32 to vector<16xf32>
    %swap3A_452 = arith.constant 6 : i32
    %swap3A_453 = arith.index_cast %swap3A_452 : i32 to index
    %swap3A_454 = arith.constant 0 : index
    %swap3A_455 = tpu.vector_load %arg14[%swap3A_453, %swap3A_454] {strides = array<i32>} : memref<16x128xf32, #tpu.memory_space<vmem>>, vector<1x16xf32>,
    %swap3A_456 = vector.shape_cast %swap3A_455 : vector<1x16xf32> to vector<16xf32>
    %swap3A_457 = vector.shape_cast %broadcast_in_dim3A_451 : vector<16xf32> to vector<1x16xf32>
    tpu.vector_store %arg14[%swap3A_453, %swap3A_454], %swap3A_457 {strides = array<i32>} : memref<16x128xf32, #tpu.memory_space<vmem>>, vector<1x16xf32>,
    %broadcast_in_dim3A_458 = arith.constant 0.000000e+00 : f32
    %broadcast_in_dim3A_459 = vector.broadcast %broadcast_in_dim3A_458 : f32 to vector<16xf32>
    %swap3A_460 = arith.constant 6 : i32
    %swap3A_461 = arith.index_cast %swap3A_460 : i32 to index
    %swap3A_462 = arith.constant 16 : index
    %swap3A_463 = tpu.vector_load %arg14[%swap3A_461, %swap3A_462] {strides = array<i32>} : memref<16x128xf32, #tpu.memory_space<vmem>>, vector<1x16xf32>,
    %swap3A_464 = vector.shape_cast %swap3A_463 : vector<1x16xf32> to vector<16xf32>
    %swap3A_465 = vector.shape_cast %broadcast_in_dim3A_459 : vector<16xf32> to vector<1x16xf32>
    tpu.vector_store %arg14[%swap3A_461, %swap3A_462], %swap3A_465 {strides = array<i32>} : memref<16x128xf32, #tpu.memory_space<vmem>>, vector<1x16xf32>,
    %broadcast_in_dim3A_466 = arith.constant 0.000000e+00 : f32
    %broadcast_in_dim3A_467 = vector.broadcast %broadcast_in_dim3A_466 : f32 to vector<16xf32>
    %swap3A_468 = arith.constant 6 : i32
    %swap3A_469 = arith.index_cast %swap3A_468 : i32 to index
    %swap3A_470 = arith.constant 32 : index
    %swap3A_471 = tpu.vector_load %arg14[%swap3A_469, %swap3A_470] {strides = array<i32>} : memref<16x128xf32, #tpu.memory_space<vmem>>, vector<1x16xf32>,
    %swap3A_472 = vector.shape_cast %swap3A_471 : vector<1x16xf32> to vector<16xf32>
    %swap3A_473 = vector.shape_cast %broadcast_in_dim3A_467 : vector<16xf32> to vector<1x16xf32>
    tpu.vector_store %arg14[%swap3A_469, %swap3A_470], %swap3A_473 {strides = array<i32>} : memref<16x128xf32, #tpu.memory_space<vmem>>, vector<1x16xf32>,
    %broadcast_in_dim3A_474 = arith.constant 0.000000e+00 : f32
    %broadcast_in_dim3A_475 = vector.broadcast %broadcast_in_dim3A_474 : f32 to vector<16xf32>
    %swap3A_476 = arith.constant 6 : i32
    %swap3A_477 = arith.index_cast %swap3A_476 : i32 to index
    %swap3A_478 = arith.constant 48 : index
    %swap3A_479 = tpu.vector_load %arg14[%swap3A_477, %swap3A_478] {strides = array<i32>} : memref<16x128xf32, #tpu.memory_space<vmem>>, vector<1x16xf32>,
    %swap3A_480 = vector.shape_cast %swap3A_479 : vector<1x16xf32> to vector<16xf32>
    %swap3A_481 = vector.shape_cast %broadcast_in_dim3A_475 : vector<16xf32> to vector<1x16xf32>
    tpu.vector_store %arg14[%swap3A_477, %swap3A_478], %swap3A_481 {strides = array<i32>} : memref<16x128xf32, #tpu.memory_space<vmem>>, vector<1x16xf32>,
    %broadcast_in_dim3A_482 = arith.constant 0.000000e+00 : f32
    %broadcast_in_dim3A_483 = vector.broadcast %broadcast_in_dim3A_482 : f32 to vector<16xf32>
    %swap3A_484 = arith.constant 6 : i32
    %swap3A_485 = arith.index_cast %swap3A_484 : i32 to index
    %swap3A_486 = arith.constant 64 : index
    %swap3A_487 = tpu.vector_load %arg14[%swap3A_485, %swap3A_486] {strides = array<i32>} : memref<16x128xf32, #tpu.memory_space<vmem>>, vector<1x16xf32>,
    %swap3A_488 = vector.shape_cast %swap3A_487 : vector<1x16xf32> to vector<16xf32>
    %swap3A_489 = vector.shape_cast %broadcast_in_dim3A_483 : vector<16xf32> to vector<1x16xf32>
    tpu.vector_store %arg14[%swap3A_485, %swap3A_486], %swap3A_489 {strides = array<i32>} : memref<16x128xf32, #tpu.memory_space<vmem>>, vector<1x16xf32>,
    %broadcast_in_dim3A_490 = arith.constant 0.000000e+00 : f32
    %broadcast_in_dim3A_491 = vector.broadcast %broadcast_in_dim3A_490 : f32 to vector<16xf32>
    %swap3A_492 = arith.constant 6 : i32
    %swap3A_493 = arith.index_cast %swap3A_492 : i32 to index
    %swap3A_494 = arith.constant 80 : index
    %swap3A_495 = tpu.vector_load %arg14[%swap3A_493, %swap3A_494] {strides = array<i32>} : memref<16x128xf32, #tpu.memory_space<vmem>>, vector<1x16xf32>,
    %swap3A_496 = vector.shape_cast %swap3A_495 : vector<1x16xf32> to vector<16xf32>
    %swap3A_497 = vector.shape_cast %broadcast_in_dim3A_491 : vector<16xf32> to vector<1x16xf32>
    tpu.vector_store %arg14[%swap3A_493, %swap3A_494], %swap3A_497 {strides = array<i32>} : memref<16x128xf32, #tpu.memory_space<vmem>>, vector<1x16xf32>,
    %broadcast_in_dim3A_498 = arith.constant 0.000000e+00 : f32
    %broadcast_in_dim3A_499 = vector.broadcast %broadcast_in_dim3A_498 : f32 to vector<16xf32>
    %swap3A_500 = arith.constant 6 : i32
    %swap3A_501 = arith.index_cast %swap3A_500 : i32 to index
    %swap3A_502 = arith.constant 96 : index
    %swap3A_503 = tpu.vector_load %arg14[%swap3A_501, %swap3A_502] {strides = array<i32>} : memref<16x128xf32, #tpu.memory_space<vmem>>, vector<1x16xf32>,
    %swap3A_504 = vector.shape_cast %swap3A_503 : vector<1x16xf32> to vector<16xf32>
    %swap3A_505 = vector.shape_cast %broadcast_in_dim3A_499 : vector<16xf32> to vector<1x16xf32>
    tpu.vector_store %arg14[%swap3A_501, %swap3A_502], %swap3A_505 {strides = array<i32>} : memref<16x128xf32, #tpu.memory_space<vmem>>, vector<1x16xf32>,
    %broadcast_in_dim3A_506 = arith.constant 0.000000e+00 : f32
    %broadcast_in_dim3A_507 = vector.broadcast %broadcast_in_dim3A_506 : f32 to vector<16xf32>
    %swap3A_508 = arith.constant 6 : i32
    %swap3A_509 = arith.index_cast %swap3A_508 : i32 to index
    %swap3A_510 = arith.constant 112 : index
    %swap3A_511 = tpu.vector_load %arg14[%swap3A_509, %swap3A_510] {strides = array<i32>} : memref<16x128xf32, #tpu.memory_space<vmem>>, vector<1x16xf32>,
    %swap3A_512 = vector.shape_cast %swap3A_511 : vector<1x16xf32> to vector<16xf32>
    %swap3A_513 = vector.shape_cast %broadcast_in_dim3A_507 : vector<16xf32> to vector<1x16xf32>
    tpu.vector_store %arg14[%swap3A_509, %swap3A_510], %swap3A_513 {strides = array<i32>} : memref<16x128xf32, #tpu.memory_space<vmem>>, vector<1x16xf32>,
    %broadcast_in_dim3A_514 = arith.constant 0.000000e+00 : f32
    %broadcast_in_dim3A_515 = vector.broadcast %broadcast_in_dim3A_514 : f32 to vector<16xf32>
    %swap3A_516 = arith.constant 7 : i32
    %swap3A_517 = arith.index_cast %swap3A_516 : i32 to index
    %swap3A_518 = arith.constant 0 : index
    %swap3A_519 = tpu.vector_load %arg14[%swap3A_517, %swap3A_518] {strides = array<i32>} : memref<16x128xf32, #tpu.memory_space<vmem>>, vector<1x16xf32>,
    %swap3A_520 = vector.shape_cast %swap3A_519 : vector<1x16xf32> to vector<16xf32>
    %swap3A_521 = vector.shape_cast %broadcast_in_dim3A_515 : vector<16xf32> to vector<1x16xf32>
    tpu.vector_store %arg14[%swap3A_517, %swap3A_518], %swap3A_521 {strides = array<i32>} : memref<16x128xf32, #tpu.memory_space<vmem>>, vector<1x16xf32>,
    %broadcast_in_dim3A_522 = arith.constant 0.000000e+00 : f32
    %broadcast_in_dim3A_523 = vector.broadcast %broadcast_in_dim3A_522 : f32 to vector<16xf32>
    %swap3A_524 = arith.constant 7 : i32
    %swap3A_525 = arith.index_cast %swap3A_524 : i32 to index
    %swap3A_526 = arith.constant 16 : index
    %swap3A_527 = tpu.vector_load %arg14[%swap3A_525, %swap3A_526] {strides = array<i32>} : memref<16x128xf32, #tpu.memory_space<vmem>>, vector<1x16xf32>,
    %swap3A_528 = vector.shape_cast %swap3A_527 : vector<1x16xf32> to vector<16xf32>
    %swap3A_529 = vector.shape_cast %broadcast_in_dim3A_523 : vector<16xf32> to vector<1x16xf32>
    tpu.vector_store %arg14[%swap3A_525, %swap3A_526], %swap3A_529 {strides = array<i32>} : memref<16x128xf32, #tpu.memory_space<vmem>>, vector<1x16xf32>,
    %broadcast_in_dim3A_530 = arith.constant 0.000000e+00 : f32
    %broadcast_in_dim3A_531 = vector.broadcast %broadcast_in_dim3A_530 : f32 to vector<16xf32>
    %swap3A_532 = arith.constant 7 : i32
    %swap3A_533 = arith.index_cast %swap3A_532 : i32 to index
    %swap3A_534 = arith.constant 32 : index
    %swap3A_535 = tpu.vector_load %arg14[%swap3A_533, %swap3A_534] {strides = array<i32>} : memref<16x128xf32, #tpu.memory_space<vmem>>, vector<1x16xf32>,
    %swap3A_536 = vector.shape_cast %swap3A_535 : vector<1x16xf32> to vector<16xf32>
    %swap3A_537 = vector.shape_cast %broadcast_in_dim3A_531 : vector<16xf32> to vector<1x16xf32>
    tpu.vector_store %arg14[%swap3A_533, %swap3A_534], %swap3A_537 {strides = array<i32>} : memref<16x128xf32, #tpu.memory_space<vmem>>, vector<1x16xf32>,
    %broadcast_in_dim3A_538 = arith.constant 0.000000e+00 : f32
    %broadcast_in_dim3A_539 = vector.broadcast %broadcast_in_dim3A_538 : f32 to vector<16xf32>
    %swap3A_540 = arith.constant 7 : i32
    %swap3A_541 = arith.index_cast %swap3A_540 : i32 to index
    %swap3A_542 = arith.constant 48 : index
    %swap3A_543 = tpu.vector_load %arg14[%swap3A_541, %swap3A_542] {strides = array<i32>} : memref<16x128xf32, #tpu.memory_space<vmem>>, vector<1x16xf32>,
    %swap3A_544 = vector.shape_cast %swap3A_543 : vector<1x16xf32> to vector<16xf32>
    %swap3A_545 = vector.shape_cast %broadcast_in_dim3A_539 : vector<16xf32> to vector<1x16xf32>
    tpu.vector_store %arg14[%swap3A_541, %swap3A_542], %swap3A_545 {strides = array<i32>} : memref<16x128xf32, #tpu.memory_space<vmem>>, vector<1x16xf32>,
    %broadcast_in_dim3A_546 = arith.constant 0.000000e+00 : f32
    %broadcast_in_dim3A_547 = vector.broadcast %broadcast_in_dim3A_546 : f32 to vector<16xf32>
    %swap3A_548 = arith.constant 7 : i32
    %swap3A_549 = arith.index_cast %swap3A_548 : i32 to index
    %swap3A_550 = arith.constant 64 : index
    %swap3A_551 = tpu.vector_load %arg14[%swap3A_549, %swap3A_550] {strides = array<i32>} : memref<16x128xf32, #tpu.memory_space<vmem>>, vector<1x16xf32>,
    %swap3A_552 = vector.shape_cast %swap3A_551 : vector<1x16xf32> to vector<16xf32>
    %swap3A_553 = vector.shape_cast %broadcast_in_dim3A_547 : vector<16xf32> to vector<1x16xf32>
    tpu.vector_store %arg14[%swap3A_549, %swap3A_550], %swap3A_553 {strides = array<i32>} : memref<16x128xf32, #tpu.memory_space<vmem>>, vector<1x16xf32>,
    %broadcast_in_dim3A_554 = arith.constant 0.000000e+00 : f32
    %broadcast_in_dim3A_555 = vector.broadcast %broadcast_in_dim3A_554 : f32 to vector<16xf32>
    %swap3A_556 = arith.constant 7 : i32
    %swap3A_557 = arith.index_cast %swap3A_556 : i32 to index
    %swap3A_558 = arith.constant 80 : index
    %swap3A_559 = tpu.vector_load %arg14[%swap3A_557, %swap3A_558] {strides = array<i32>} : memref<16x128xf32, #tpu.memory_space<vmem>>, vector<1x16xf32>,
    %swap3A_560 = vector.shape_cast %swap3A_559 : vector<1x16xf32> to vector<16xf32>
    %swap3A_561 = vector.shape_cast %broadcast_in_dim3A_555 : vector<16xf32> to vector<1x16xf32>
    tpu.vector_store %arg14[%swap3A_557, %swap3A_558], %swap3A_561 {strides = array<i32>} : memref<16x128xf32, #tpu.memory_space<vmem>>, vector<1x16xf32>,
    %broadcast_in_dim3A_562 = arith.constant 0.000000e+00 : f32
    %broadcast_in_dim3A_563 = vector.broadcast %broadcast_in_dim3A_562 : f32 to vector<16xf32>
    %swap3A_564 = arith.constant 7 : i32
    %swap3A_565 = arith.index_cast %swap3A_564 : i32 to index
    %swap3A_566 = arith.constant 96 : index
    %swap3A_567 = tpu.vector_load %arg14[%swap3A_565, %swap3A_566] {strides = array<i32>} : memref<16x128xf32, #tpu.memory_space<vmem>>, vector<1x16xf32>,
    %swap3A_568 = vector.shape_cast %swap3A_567 : vector<1x16xf32> to vector<16xf32>
    %swap3A_569 = vector.shape_cast %broadcast_in_dim3A_563 : vector<16xf32> to vector<1x16xf32>
    tpu.vector_store %arg14[%swap3A_565, %swap3A_566], %swap3A_569 {strides = array<i32>} : memref<16x128xf32, #tpu.memory_space<vmem>>, vector<1x16xf32>,
    %broadcast_in_dim3A_570 = arith.constant 0.000000e+00 : f32
    %broadcast_in_dim3A_571 = vector.broadcast %broadcast_in_dim3A_570 : f32 to vector<16xf32>
    %swap3A_572 = arith.constant 7 : i32
    %swap3A_573 = arith.index_cast %swap3A_572 : i32 to index
    %swap3A_574 = arith.constant 112 : index
    %swap3A_575 = tpu.vector_load %arg14[%swap3A_573, %swap3A_574] {strides = array<i32>} : memref<16x128xf32, #tpu.memory_space<vmem>>, vector<1x16xf32>,
    %swap3A_576 = vector.shape_cast %swap3A_575 : vector<1x16xf32> to vector<16xf32>
    %swap3A_577 = vector.shape_cast %broadcast_in_dim3A_571 : vector<16xf32> to vector<1x16xf32>
    tpu.vector_store %arg14[%swap3A_573, %swap3A_574], %swap3A_577 {strides = array<i32>} : memref<16x128xf32, #tpu.memory_space<vmem>>, vector<1x16xf32>,
    %broadcast_in_dim3A_578 = arith.constant 0.000000e+00 : f32
    %broadcast_in_dim3A_579 = vector.broadcast %broadcast_in_dim3A_578 : f32 to vector<16xf32>
    %swap3A_580 = arith.constant 8 : i32
    %swap3A_581 = arith.index_cast %swap3A_580 : i32 to index
    %swap3A_582 = arith.constant 0 : index
    %swap3A_583 = tpu.vector_load %arg14[%swap3A_581, %swap3A_582] {strides = array<i32>} : memref<16x128xf32, #tpu.memory_space<vmem>>, vector<1x16xf32>,
    %swap3A_584 = vector.shape_cast %swap3A_583 : vector<1x16xf32> to vector<16xf32>
    %swap3A_585 = vector.shape_cast %broadcast_in_dim3A_579 : vector<16xf32> to vector<1x16xf32>
    tpu.vector_store %arg14[%swap3A_581, %swap3A_582], %swap3A_585 {strides = array<i32>} : memref<16x128xf32, #tpu.memory_space<vmem>>, vector<1x16xf32>,
    %broadcast_in_dim3A_586 = arith.constant 0.000000e+00 : f32
    %broadcast_in_dim3A_587 = vector.broadcast %broadcast_in_dim3A_586 : f32 to vector<16xf32>
    %swap3A_588 = arith.constant 8 : i32
    %swap3A_589 = arith.index_cast %swap3A_588 : i32 to index
    %swap3A_590 = arith.constant 16 : index
    %swap3A_591 = tpu.vector_load %arg14[%swap3A_589, %swap3A_590] {strides = array<i32>} : memref<16x128xf32, #tpu.memory_space<vmem>>, vector<1x16xf32>,
    %swap3A_592 = vector.shape_cast %swap3A_591 : vector<1x16xf32> to vector<16xf32>
    %swap3A_593 = vector.shape_cast %broadcast_in_dim3A_587 : vector<16xf32> to vector<1x16xf32>
    tpu.vector_store %arg14[%swap3A_589, %swap3A_590], %swap3A_593 {strides = array<i32>} : memref<16x128xf32, #tpu.memory_space<vmem>>, vector<1x16xf32>,
    %broadcast_in_dim3A_594 = arith.constant 0.000000e+00 : f32
    %broadcast_in_dim3A_595 = vector.broadcast %broadcast_in_dim3A_594 : f32 to vector<16xf32>
    %swap3A_596 = arith.constant 8 : i32
    %swap3A_597 = arith.index_cast %swap3A_596 : i32 to index
    %swap3A_598 = arith.constant 32 : index
    %swap3A_599 = tpu.vector_load %arg14[%swap3A_597, %swap3A_598] {strides = array<i32>} : memref<16x128xf32, #tpu.memory_space<vmem>>, vector<1x16xf32>,
    %swap3A_600 = vector.shape_cast %swap3A_599 : vector<1x16xf32> to vector<16xf32>
    %swap3A_601 = vector.shape_cast %broadcast_in_dim3A_595 : vector<16xf32> to vector<1x16xf32>
    tpu.vector_store %arg14[%swap3A_597, %swap3A_598], %swap3A_601 {strides = array<i32>} : memref<16x128xf32, #tpu.memory_space<vmem>>, vector<1x16xf32>,
    %broadcast_in_dim3A_602 = arith.constant 0.000000e+00 : f32
    %broadcast_in_dim3A_603 = vector.broadcast %broadcast_in_dim3A_602 : f32 to vector<16xf32>
    %swap3A_604 = arith.constant 8 : i32
    %swap3A_605 = arith.index_cast %swap3A_604 : i32 to index
    %swap3A_606 = arith.constant 48 : index
    %swap3A_607 = tpu.vector_load %arg14[%swap3A_605, %swap3A_606] {strides = array<i32>} : memref<16x128xf32, #tpu.memory_space<vmem>>, vector<1x16xf32>,
    %swap3A_608 = vector.shape_cast %swap3A_607 : vector<1x16xf32> to vector<16xf32>
    %swap3A_609 = vector.shape_cast %broadcast_in_dim3A_603 : vector<16xf32> to vector<1x16xf32>
    tpu.vector_store %arg14[%swap3A_605, %swap3A_606], %swap3A_609 {strides = array<i32>} : memref<16x128xf32, #tpu.memory_space<vmem>>, vector<1x16xf32>,
    %broadcast_in_dim3A_610 = arith.constant 0.000000e+00 : f32
    %broadcast_in_dim3A_611 = vector.broadcast %broadcast_in_dim3A_610 : f32 to vector<16xf32>
    %swap3A_612 = arith.constant 8 : i32
    %swap3A_613 = arith.index_cast %swap3A_612 : i32 to index
    %swap3A_614 = arith.constant 64 : index
    %swap3A_615 = tpu.vector_load %arg14[%swap3A_613, %swap3A_614] {strides = array<i32>} : memref<16x128xf32, #tpu.memory_space<vmem>>, vector<1x16xf32>,
    %swap3A_616 = vector.shape_cast %swap3A_615 : vector<1x16xf32> to vector<16xf32>
    %swap3A_617 = vector.shape_cast %broadcast_in_dim3A_611 : vector<16xf32> to vector<1x16xf32>
    tpu.vector_store %arg14[%swap3A_613, %swap3A_614], %swap3A_617 {strides = array<i32>} : memref<16x128xf32, #tpu.memory_space<vmem>>, vector<1x16xf32>,
    %broadcast_in_dim3A_618 = arith.constant 0.000000e+00 : f32
    %broadcast_in_dim3A_619 = vector.broadcast %broadcast_in_dim3A_618 : f32 to vector<16xf32>
    %swap3A_620 = arith.constant 8 : i32
    %swap3A_621 = arith.index_cast %swap3A_620 : i32 to index
    %swap3A_622 = arith.constant 80 : index
    %swap3A_623 = tpu.vector_load %arg14[%swap3A_621, %swap3A_622] {strides = array<i32>} : memref<16x128xf32, #tpu.memory_space<vmem>>, vector<1x16xf32>,
    %swap3A_624 = vector.shape_cast %swap3A_623 : vector<1x16xf32> to vector<16xf32>
    %swap3A_625 = vector.shape_cast %broadcast_in_dim3A_619 : vector<16xf32> to vector<1x16xf32>
    tpu.vector_store %arg14[%swap3A_621, %swap3A_622], %swap3A_625 {strides = array<i32>} : memref<16x128xf32, #tpu.memory_space<vmem>>, vector<1x16xf32>,
    %broadcast_in_dim3A_626 = arith.constant 0.000000e+00 : f32
    %broadcast_in_dim3A_627 = vector.broadcast %broadcast_in_dim3A_626 : f32 to vector<16xf32>
    %swap3A_628 = arith.constant 8 : i32
    %swap3A_629 = arith.index_cast %swap3A_628 : i32 to index
    %swap3A_630 = arith.constant 96 : index
    %swap3A_631 = tpu.vector_load %arg14[%swap3A_629, %swap3A_630] {strides = array<i32>} : memref<16x128xf32, #tpu.memory_space<vmem>>, vector<1x16xf32>,
    %swap3A_632 = vector.shape_cast %swap3A_631 : vector<1x16xf32> to vector<16xf32>
    %swap3A_633 = vector.shape_cast %broadcast_in_dim3A_627 : vector<16xf32> to vector<1x16xf32>
    tpu.vector_store %arg14[%swap3A_629, %swap3A_630], %swap3A_633 {strides = array<i32>} : memref<16x128xf32, #tpu.memory_space<vmem>>, vector<1x16xf32>,
    %broadcast_in_dim3A_634 = arith.constant 0.000000e+00 : f32
    %broadcast_in_dim3A_635 = vector.broadcast %broadcast_in_dim3A_634 : f32 to vector<16xf32>
    %swap3A_636 = arith.constant 8 : i32
    %swap3A_637 = arith.index_cast %swap3A_636 : i32 to index
    %swap3A_638 = arith.constant 112 : index
    %swap3A_639 = tpu.vector_load %arg14[%swap3A_637, %swap3A_638] {strides = array<i32>} : memref<16x128xf32, #tpu.memory_space<vmem>>, vector<1x16xf32>,
    %swap3A_640 = vector.shape_cast %swap3A_639 : vector<1x16xf32> to vector<16xf32>
    %swap3A_641 = vector.shape_cast %broadcast_in_dim3A_635 : vector<16xf32> to vector<1x16xf32>
    tpu.vector_store %arg14[%swap3A_637, %swap3A_638], %swap3A_641 {strides = array<i32>} : memref<16x128xf32, #tpu.memory_space<vmem>>, vector<1x16xf32>,
    %broadcast_in_dim3A_642 = arith.constant 0.000000e+00 : f32
    %broadcast_in_dim3A_643 = vector.broadcast %broadcast_in_dim3A_642 : f32 to vector<16xf32>
    %swap3A_644 = arith.constant 9 : i32
    %swap3A_645 = arith.index_cast %swap3A_644 : i32 to index
    %swap3A_646 = arith.constant 0 : index
    %swap3A_647 = tpu.vector_load %arg14[%swap3A_645, %swap3A_646] {strides = array<i32>} : memref<16x128xf32, #tpu.memory_space<vmem>>, vector<1x16xf32>,
    %swap3A_648 = vector.shape_cast %swap3A_647 : vector<1x16xf32> to vector<16xf32>
    %swap3A_649 = vector.shape_cast %broadcast_in_dim3A_643 : vector<16xf32> to vector<1x16xf32>
    tpu.vector_store %arg14[%swap3A_645, %swap3A_646], %swap3A_649 {strides = array<i32>} : memref<16x128xf32, #tpu.memory_space<vmem>>, vector<1x16xf32>,
    %broadcast_in_dim3A_650 = arith.constant 0.000000e+00 : f32
    %broadcast_in_dim3A_651 = vector.broadcast %broadcast_in_dim3A_650 : f32 to vector<16xf32>
    %swap3A_652 = arith.constant 9 : i32
    %swap3A_653 = arith.index_cast %swap3A_652 : i32 to index
    %swap3A_654 = arith.constant 16 : index
    %swap3A_655 = tpu.vector_load %arg14[%swap3A_653, %swap3A_654] {strides = array<i32>} : memref<16x128xf32, #tpu.memory_space<vmem>>, vector<1x16xf32>,
    %swap3A_656 = vector.shape_cast %swap3A_655 : vector<1x16xf32> to vector<16xf32>
    %swap3A_657 = vector.shape_cast %broadcast_in_dim3A_651 : vector<16xf32> to vector<1x16xf32>
    tpu.vector_store %arg14[%swap3A_653, %swap3A_654], %swap3A_657 {strides = array<i32>} : memref<16x128xf32, #tpu.memory_space<vmem>>, vector<1x16xf32>,
    %broadcast_in_dim3A_658 = arith.constant 0.000000e+00 : f32
    %broadcast_in_dim3A_659 = vector.broadcast %broadcast_in_dim3A_658 : f32 to vector<16xf32>
    %swap3A_660 = arith.constant 9 : i32
    %swap3A_661 = arith.index_cast %swap3A_660 : i32 to index
    %swap3A_662 = arith.constant 32 : index
    %swap3A_663 = tpu.vector_load %arg14[%swap3A_661, %swap3A_662] {strides = array<i32>} : memref<16x128xf32, #tpu.memory_space<vmem>>, vector<1x16xf32>,
    %swap3A_664 = vector.shape_cast %swap3A_663 : vector<1x16xf32> to vector<16xf32>
    %swap3A_665 = vector.shape_cast %broadcast_in_dim3A_659 : vector<16xf32> to vector<1x16xf32>
    tpu.vector_store %arg14[%swap3A_661, %swap3A_662], %swap3A_665 {strides = array<i32>} : memref<16x128xf32, #tpu.memory_space<vmem>>, vector<1x16xf32>,
    %broadcast_in_dim3A_666 = arith.constant 0.000000e+00 : f32
    %broadcast_in_dim3A_667 = vector.broadcast %broadcast_in_dim3A_666 : f32 to vector<16xf32>
    %swap3A_668 = arith.constant 9 : i32
    %swap3A_669 = arith.index_cast %swap3A_668 : i32 to index
    %swap3A_670 = arith.constant 48 : index
    %swap3A_671 = tpu.vector_load %arg14[%swap3A_669, %swap3A_670] {strides = array<i32>} : memref<16x128xf32, #tpu.memory_space<vmem>>, vector<1x16xf32>,
    %swap3A_672 = vector.shape_cast %swap3A_671 : vector<1x16xf32> to vector<16xf32>
    %swap3A_673 = vector.shape_cast %broadcast_in_dim3A_667 : vector<16xf32> to vector<1x16xf32>
    tpu.vector_store %arg14[%swap3A_669, %swap3A_670], %swap3A_673 {strides = array<i32>} : memref<16x128xf32, #tpu.memory_space<vmem>>, vector<1x16xf32>,
    %broadcast_in_dim3A_674 = arith.constant 0.000000e+00 : f32
    %broadcast_in_dim3A_675 = vector.broadcast %broadcast_in_dim3A_674 : f32 to vector<16xf32>
    %swap3A_676 = arith.constant 9 : i32
    %swap3A_677 = arith.index_cast %swap3A_676 : i32 to index
    %swap3A_678 = arith.constant 64 : index
    %swap3A_679 = tpu.vector_load %arg14[%swap3A_677, %swap3A_678] {strides = array<i32>} : memref<16x128xf32, #tpu.memory_space<vmem>>, vector<1x16xf32>,
    %swap3A_680 = vector.shape_cast %swap3A_679 : vector<1x16xf32> to vector<16xf32>
    %swap3A_681 = vector.shape_cast %broadcast_in_dim3A_675 : vector<16xf32> to vector<1x16xf32>
    tpu.vector_store %arg14[%swap3A_677, %swap3A_678], %swap3A_681 {strides = array<i32>} : memref<16x128xf32, #tpu.memory_space<vmem>>, vector<1x16xf32>,
    %broadcast_in_dim3A_682 = arith.constant 0.000000e+00 : f32
    %broadcast_in_dim3A_683 = vector.broadcast %broadcast_in_dim3A_682 : f32 to vector<16xf32>
    %swap3A_684 = arith.constant 9 : i32
    %swap3A_685 = arith.index_cast %swap3A_684 : i32 to index
    %swap3A_686 = arith.constant 80 : index
    %swap3A_687 = tpu.vector_load %arg14[%swap3A_685, %swap3A_686] {strides = array<i32>} : memref<16x128xf32, #tpu.memory_space<vmem>>, vector<1x16xf32>,
    %swap3A_688 = vector.shape_cast %swap3A_687 : vector<1x16xf32> to vector<16xf32>
    %swap3A_689 = vector.shape_cast %broadcast_in_dim3A_683 : vector<16xf32> to vector<1x16xf32>
    tpu.vector_store %arg14[%swap3A_685, %swap3A_686], %swap3A_689 {strides = array<i32>} : memref<16x128xf32, #tpu.memory_space<vmem>>, vector<1x16xf32>,
    %broadcast_in_dim3A_690 = arith.constant 0.000000e+00 : f32
    %broadcast_in_dim3A_691 = vector.broadcast %broadcast_in_dim3A_690 : f32 to vector<16xf32>
    %swap3A_692 = arith.constant 9 : i32
    %swap3A_693 = arith.index_cast %swap3A_692 : i32 to index
    %swap3A_694 = arith.constant 96 : index
    %swap3A_695 = tpu.vector_load %arg14[%swap3A_693, %swap3A_694] {strides = array<i32>} : memref<16x128xf32, #tpu.memory_space<vmem>>, vector<1x16xf32>,
    %swap3A_696 = vector.shape_cast %swap3A_695 : vector<1x16xf32> to vector<16xf32>
    %swap3A_697 = vector.shape_cast %broadcast_in_dim3A_691 : vector<16xf32> to vector<1x16xf32>
    tpu.vector_store %arg14[%swap3A_693, %swap3A_694], %swap3A_697 {strides = array<i32>} : memref<16x128xf32, #tpu.memory_space<vmem>>, vector<1x16xf32>,
    %broadcast_in_dim3A_698 = arith.constant 0.000000e+00 : f32
    %broadcast_in_dim3A_699 = vector.broadcast %broadcast_in_dim3A_698 : f32 to vector<16xf32>
    %swap3A_700 = arith.constant 9 : i32
    %swap3A_701 = arith.index_cast %swap3A_700 : i32 to index
    %swap3A_702 = arith.constant 112 : index
    %swap3A_703 = tpu.vector_load %arg14[%swap3A_701, %swap3A_702] {strides = array<i32>} : memref<16x128xf32, #tpu.memory_space<vmem>>, vector<1x16xf32>,
    %swap3A_704 = vector.shape_cast %swap3A_703 : vector<1x16xf32> to vector<16xf32>
    %swap3A_705 = vector.shape_cast %broadcast_in_dim3A_699 : vector<16xf32> to vector<1x16xf32>
    tpu.vector_store %arg14[%swap3A_701, %swap3A_702], %swap3A_705 {strides = array<i32>} : memref<16x128xf32, #tpu.memory_space<vmem>>, vector<1x16xf32>,
    %broadcast_in_dim3A_706 = arith.constant 0.000000e+00 : f32
    %broadcast_in_dim3A_707 = vector.broadcast %broadcast_in_dim3A_706 : f32 to vector<16xf32>
    %swap3A_708 = arith.constant 10 : i32
    %swap3A_709 = arith.index_cast %swap3A_708 : i32 to index
    %swap3A_710 = arith.constant 0 : index
    %swap3A_711 = tpu.vector_load %arg14[%swap3A_709, %swap3A_710] {strides = array<i32>} : memref<16x128xf32, #tpu.memory_space<vmem>>, vector<1x16xf32>,
    %swap3A_712 = vector.shape_cast %swap3A_711 : vector<1x16xf32> to vector<16xf32>
    %swap3A_713 = vector.shape_cast %broadcast_in_dim3A_707 : vector<16xf32> to vector<1x16xf32>
    tpu.vector_store %arg14[%swap3A_709, %swap3A_710], %swap3A_713 {strides = array<i32>} : memref<16x128xf32, #tpu.memory_space<vmem>>, vector<1x16xf32>,
    %broadcast_in_dim3A_714 = arith.constant 0.000000e+00 : f32
    %broadcast_in_dim3A_715 = vector.broadcast %broadcast_in_dim3A_714 : f32 to vector<16xf32>
    %swap3A_716 = arith.constant 10 : i32
    %swap3A_717 = arith.index_cast %swap3A_716 : i32 to index
    %swap3A_718 = arith.constant 16 : index
    %swap3A_719 = tpu.vector_load %arg14[%swap3A_717, %swap3A_718] {strides = array<i32>} : memref<16x128xf32, #tpu.memory_space<vmem>>, vector<1x16xf32>,
    %swap3A_720 = vector.shape_cast %swap3A_719 : vector<1x16xf32> to vector<16xf32>
    %swap3A_721 = vector.shape_cast %broadcast_in_dim3A_715 : vector<16xf32> to vector<1x16xf32>
    tpu.vector_store %arg14[%swap3A_717, %swap3A_718], %swap3A_721 {strides = array<i32>} : memref<16x128xf32, #tpu.memory_space<vmem>>, vector<1x16xf32>,
    %broadcast_in_dim3A_722 = arith.constant 0.000000e+00 : f32
    %broadcast_in_dim3A_723 = vector.broadcast %broadcast_in_dim3A_722 : f32 to vector<16xf32>
    %swap3A_724 = arith.constant 10 : i32
    %swap3A_725 = arith.index_cast %swap3A_724 : i32 to index
    %swap3A_726 = arith.constant 32 : index
    %swap3A_727 = tpu.vector_load %arg14[%swap3A_725, %swap3A_726] {strides = array<i32>} : memref<16x128xf32, #tpu.memory_space<vmem>>, vector<1x16xf32>,
    %swap3A_728 = vector.shape_cast %swap3A_727 : vector<1x16xf32> to vector<16xf32>
    %swap3A_729 = vector.shape_cast %broadcast_in_dim3A_723 : vector<16xf32> to vector<1x16xf32>
    tpu.vector_store %arg14[%swap3A_725, %swap3A_726], %swap3A_729 {strides = array<i32>} : memref<16x128xf32, #tpu.memory_space<vmem>>, vector<1x16xf32>,
    %broadcast_in_dim3A_730 = arith.constant 0.000000e+00 : f32
    %broadcast_in_dim3A_731 = vector.broadcast %broadcast_in_dim3A_730 : f32 to vector<16xf32>
    %swap3A_732 = arith.constant 10 : i32
    %swap3A_733 = arith.index_cast %swap3A_732 : i32 to index
    %swap3A_734 = arith.constant 48 : index
    %swap3A_735 = tpu.vector_load %arg14[%swap3A_733, %swap3A_734] {strides = array<i32>} : memref<16x128xf32, #tpu.memory_space<vmem>>, vector<1x16xf32>,
    %swap3A_736 = vector.shape_cast %swap3A_735 : vector<1x16xf32> to vector<16xf32>
    %swap3A_737 = vector.shape_cast %broadcast_in_dim3A_731 : vector<16xf32> to vector<1x16xf32>
    tpu.vector_store %arg14[%swap3A_733, %swap3A_734], %swap3A_737 {strides = array<i32>} : memref<16x128xf32, #tpu.memory_space<vmem>>, vector<1x16xf32>,
    %broadcast_in_dim3A_738 = arith.constant 0.000000e+00 : f32
    %broadcast_in_dim3A_739 = vector.broadcast %broadcast_in_dim3A_738 : f32 to vector<16xf32>
    %swap3A_740 = arith.constant 10 : i32
    %swap3A_741 = arith.index_cast %swap3A_740 : i32 to index
    %swap3A_742 = arith.constant 64 : index
    %swap3A_743 = tpu.vector_load %arg14[%swap3A_741, %swap3A_742] {strides = array<i32>} : memref<16x128xf32, #tpu.memory_space<vmem>>, vector<1x16xf32>,
    %swap3A_744 = vector.shape_cast %swap3A_743 : vector<1x16xf32> to vector<16xf32>
    %swap3A_745 = vector.shape_cast %broadcast_in_dim3A_739 : vector<16xf32> to vector<1x16xf32>
    tpu.vector_store %arg14[%swap3A_741, %swap3A_742], %swap3A_745 {strides = array<i32>} : memref<16x128xf32, #tpu.memory_space<vmem>>, vector<1x16xf32>,
    %broadcast_in_dim3A_746 = arith.constant 0.000000e+00 : f32
    %broadcast_in_dim3A_747 = vector.broadcast %broadcast_in_dim3A_746 : f32 to vector<16xf32>
    %swap3A_748 = arith.constant 10 : i32
    %swap3A_749 = arith.index_cast %swap3A_748 : i32 to index
    %swap3A_750 = arith.constant 80 : index
    %swap3A_751 = tpu.vector_load %arg14[%swap3A_749, %swap3A_750] {strides = array<i32>} : memref<16x128xf32, #tpu.memory_space<vmem>>, vector<1x16xf32>,
    %swap3A_752 = vector.shape_cast %swap3A_751 : vector<1x16xf32> to vector<16xf32>
    %swap3A_753 = vector.shape_cast %broadcast_in_dim3A_747 : vector<16xf32> to vector<1x16xf32>
    tpu.vector_store %arg14[%swap3A_749, %swap3A_750], %swap3A_753 {strides = array<i32>} : memref<16x128xf32, #tpu.memory_space<vmem>>, vector<1x16xf32>,
    %broadcast_in_dim3A_754 = arith.constant 0.000000e+00 : f32
    %broadcast_in_dim3A_755 = vector.broadcast %broadcast_in_dim3A_754 : f32 to vector<16xf32>
    %swap3A_756 = arith.constant 10 : i32
    %swap3A_757 = arith.index_cast %swap3A_756 : i32 to index
    %swap3A_758 = arith.constant 96 : index
    %swap3A_759 = tpu.vector_load %arg14[%swap3A_757, %swap3A_758] {strides = array<i32>} : memref<16x128xf32, #tpu.memory_space<vmem>>, vector<1x16xf32>,
    %swap3A_760 = vector.shape_cast %swap3A_759 : vector<1x16xf32> to vector<16xf32>
    %swap3A_761 = vector.shape_cast %broadcast_in_dim3A_755 : vector<16xf32> to vector<1x16xf32>
    tpu.vector_store %arg14[%swap3A_757, %swap3A_758], %swap3A_761 {strides = array<i32>} : memref<16x128xf32, #tpu.memory_space<vmem>>, vector<1x16xf32>,
    %broadcast_in_dim3A_762 = arith.constant 0.000000e+00 : f32
    %broadcast_in_dim3A_763 = vector.broadcast %broadcast_in_dim3A_762 : f32 to vector<16xf32>
    %swap3A_764 = arith.constant 10 : i32
    %swap3A_765 = arith.index_cast %swap3A_764 : i32 to index
    %swap3A_766 = arith.constant 112 : index
    %swap3A_767 = tpu.vector_load %arg14[%swap3A_765, %swap3A_766] {strides = array<i32>} : memref<16x128xf32, #tpu.memory_space<vmem>>, vector<1x16xf32>,
    %swap3A_768 = vector.shape_cast %swap3A_767 : vector<1x16xf32> to vector<16xf32>
    %swap3A_769 = vector.shape_cast %broadcast_in_dim3A_763 : vector<16xf32> to vector<1x16xf32>
    tpu.vector_store %arg14[%swap3A_765, %swap3A_766], %swap3A_769 {strides = array<i32>} : memref<16x128xf32, #tpu.memory_space<vmem>>, vector<1x16xf32>,
    %broadcast_in_dim3A_770 = arith.constant 0.000000e+00 : f32
    %broadcast_in_dim3A_771 = vector.broadcast %broadcast_in_dim3A_770 : f32 to vector<16xf32>
    %swap3A_772 = arith.constant 11 : i32
    %swap3A_773 = arith.index_cast %swap3A_772 : i32 to index
    %swap3A_774 = arith.constant 0 : index
    %swap3A_775 = tpu.vector_load %arg14[%swap3A_773, %swap3A_774] {strides = array<i32>} : memref<16x128xf32, #tpu.memory_space<vmem>>, vector<1x16xf32>,
    %swap3A_776 = vector.shape_cast %swap3A_775 : vector<1x16xf32> to vector<16xf32>
    %swap3A_777 = vector.shape_cast %broadcast_in_dim3A_771 : vector<16xf32> to vector<1x16xf32>
    tpu.vector_store %arg14[%swap3A_773, %swap3A_774], %swap3A_777 {strides = array<i32>} : memref<16x128xf32, #tpu.memory_space<vmem>>, vector<1x16xf32>,
    %broadcast_in_dim3A_778 = arith.constant 0.000000e+00 : f32
    %broadcast_in_dim3A_779 = vector.broadcast %broadcast_in_dim3A_778 : f32 to vector<16xf32>
    %swap3A_780 = arith.constant 11 : i32
    %swap3A_781 = arith.index_cast %swap3A_780 : i32 to index
    %swap3A_782 = arith.constant 16 : index
    %swap3A_783 = tpu.vector_load %arg14[%swap3A_781, %swap3A_782] {strides = array<i32>} : memref<16x128xf32, #tpu.memory_space<vmem>>, vector<1x16xf32>,
    %swap3A_784 = vector.shape_cast %swap3A_783 : vector<1x16xf32> to vector<16xf32>
    %swap3A_785 = vector.shape_cast %broadcast_in_dim3A_779 : vector<16xf32> to vector<1x16xf32>
    tpu.vector_store %arg14[%swap3A_781, %swap3A_782], %swap3A_785 {strides = array<i32>} : memref<16x128xf32, #tpu.memory_space<vmem>>, vector<1x16xf32>,
    %broadcast_in_dim3A_786 = arith.constant 0.000000e+00 : f32
    %broadcast_in_dim3A_787 = vector.broadcast %broadcast_in_dim3A_786 : f32 to vector<16xf32>
    %swap3A_788 = arith.constant 11 : i32
    %swap3A_789 = arith.index_cast %swap3A_788 : i32 to index
    %swap3A_790 = arith.constant 32 : index
    %swap3A_791 = tpu.vector_load %arg14[%swap3A_789, %swap3A_790] {strides = array<i32>} : memref<16x128xf32, #tpu.memory_space<vmem>>, vector<1x16xf32>,
    %swap3A_792 = vector.shape_cast %swap3A_791 : vector<1x16xf32> to vector<16xf32>
    %swap3A_793 = vector.shape_cast %broadcast_in_dim3A_787 : vector<16xf32> to vector<1x16xf32>
    tpu.vector_store %arg14[%swap3A_789, %swap3A_790], %swap3A_793 {strides = array<i32>} : memref<16x128xf32, #tpu.memory_space<vmem>>, vector<1x16xf32>,
    %broadcast_in_dim3A_794 = arith.constant 0.000000e+00 : f32
    %broadcast_in_dim3A_795 = vector.broadcast %broadcast_in_dim3A_794 : f32 to vector<16xf32>
    %swap3A_796 = arith.constant 11 : i32
    %swap3A_797 = arith.index_cast %swap3A_796 : i32 to index
    %swap3A_798 = arith.constant 48 : index
    %swap3A_799 = tpu.vector_load %arg14[%swap3A_797, %swap3A_798] {strides = array<i32>} : memref<16x128xf32, #tpu.memory_space<vmem>>, vector<1x16xf32>,
    %swap3A_800 = vector.shape_cast %swap3A_799 : vector<1x16xf32> to vector<16xf32>
    %swap3A_801 = vector.shape_cast %broadcast_in_dim3A_795 : vector<16xf32> to vector<1x16xf32>
    tpu.vector_store %arg14[%swap3A_797, %swap3A_798], %swap3A_801 {strides = array<i32>} : memref<16x128xf32, #tpu.memory_space<vmem>>, vector<1x16xf32>,
    %broadcast_in_dim3A_802 = arith.constant 0.000000e+00 : f32
    %broadcast_in_dim3A_803 = vector.broadcast %broadcast_in_dim3A_802 : f32 to vector<16xf32>
    %swap3A_804 = arith.constant 11 : i32
    %swap3A_805 = arith.index_cast %swap3A_804 : i32 to index
    %swap3A_806 = arith.constant 64 : index
    %swap3A_807 = tpu.vector_load %arg14[%swap3A_805, %swap3A_806] {strides = array<i32>} : memref<16x128xf32, #tpu.memory_space<vmem>>, vector<1x16xf32>,
    %swap3A_808 = vector.shape_cast %swap3A_807 : vector<1x16xf32> to vector<16xf32>
    %swap3A_809 = vector.shape_cast %broadcast_in_dim3A_803 : vector<16xf32> to vector<1x16xf32>
    tpu.vector_store %arg14[%swap3A_805, %swap3A_806], %swap3A_809 {strides = array<i32>} : memref<16x128xf32, #tpu.memory_space<vmem>>, vector<1x16xf32>,
    %broadcast_in_dim3A_810 = arith.constant 0.000000e+00 : f32
    %broadcast_in_dim3A_811 = vector.broadcast %broadcast_in_dim3A_810 : f32 to vector<16xf32>
    %swap3A_812 = arith.constant 11 : i32
    %swap3A_813 = arith.index_cast %swap3A_812 : i32 to index
    %swap3A_814 = arith.constant 80 : index
    %swap3A_815 = tpu.vector_load %arg14[%swap3A_813, %swap3A_814] {strides = array<i32>} : memref<16x128xf32, #tpu.memory_space<vmem>>, vector<1x16xf32>,
    %swap3A_816 = vector.shape_cast %swap3A_815 : vector<1x16xf32> to vector<16xf32>
    %swap3A_817 = vector.shape_cast %broadcast_in_dim3A_811 : vector<16xf32> to vector<1x16xf32>
    tpu.vector_store %arg14[%swap3A_813, %swap3A_814], %swap3A_817 {strides = array<i32>} : memref<16x128xf32, #tpu.memory_space<vmem>>, vector<1x16xf32>,
    %broadcast_in_dim3A_818 = arith.constant 0.000000e+00 : f32
    %broadcast_in_dim3A_819 = vector.broadcast %broadcast_in_dim3A_818 : f32 to vector<16xf32>
    %swap3A_820 = arith.constant 11 : i32
    %swap3A_821 = arith.index_cast %swap3A_820 : i32 to index
    %swap3A_822 = arith.constant 96 : index
    %swap3A_823 = tpu.vector_load %arg14[%swap3A_821, %swap3A_822] {strides = array<i32>} : memref<16x128xf32, #tpu.memory_space<vmem>>, vector<1x16xf32>,
    %swap3A_824 = vector.shape_cast %swap3A_823 : vector<1x16xf32> to vector<16xf32>
    %swap3A_825 = vector.shape_cast %broadcast_in_dim3A_819 : vector<16xf32> to vector<1x16xf32>
    tpu.vector_store %arg14[%swap3A_821, %swap3A_822], %swap3A_825 {strides = array<i32>} : memref<16x128xf32, #tpu.memory_space<vmem>>, vector<1x16xf32>,
    %broadcast_in_dim3A_826 = arith.constant 0.000000e+00 : f32
    %broadcast_in_dim3A_827 = vector.broadcast %broadcast_in_dim3A_826 : f32 to vector<16xf32>
    %swap3A_828 = arith.constant 11 : i32
    %swap3A_829 = arith.index_cast %swap3A_828 : i32 to index
    %swap3A_830 = arith.constant 112 : index
    %swap3A_831 = tpu.vector_load %arg14[%swap3A_829, %swap3A_830] {strides = array<i32>} : memref<16x128xf32, #tpu.memory_space<vmem>>, vector<1x16xf32>,
    %swap3A_832 = vector.shape_cast %swap3A_831 : vector<1x16xf32> to vector<16xf32>
    %swap3A_833 = vector.shape_cast %broadcast_in_dim3A_827 : vector<16xf32> to vector<1x16xf32>
    tpu.vector_store %arg14[%swap3A_829, %swap3A_830], %swap3A_833 {strides = array<i32>} : memref<16x128xf32, #tpu.memory_space<vmem>>, vector<1x16xf32>,
    %broadcast_in_dim3A_834 = arith.constant 0.000000e+00 : f32
    %broadcast_in_dim3A_835 = vector.broadcast %broadcast_in_dim3A_834 : f32 to vector<16xf32>
    %swap3A_836 = arith.constant 12 : i32
    %swap3A_837 = arith.index_cast %swap3A_836 : i32 to index
    %swap3A_838 = arith.constant 0 : index
    %swap3A_839 = tpu.vector_load %arg14[%swap3A_837, %swap3A_838] {strides = array<i32>} : memref<16x128xf32, #tpu.memory_space<vmem>>, vector<1x16xf32>,
    %swap3A_840 = vector.shape_cast %swap3A_839 : vector<1x16xf32> to vector<16xf32>
    %swap3A_841 = vector.shape_cast %broadcast_in_dim3A_835 : vector<16xf32> to vector<1x16xf32>
    tpu.vector_store %arg14[%swap3A_837, %swap3A_838], %swap3A_841 {strides = array<i32>} : memref<16x128xf32, #tpu.memory_space<vmem>>, vector<1x16xf32>,
    %broadcast_in_dim3A_842 = arith.constant 0.000000e+00 : f32
    %broadcast_in_dim3A_843 = vector.broadcast %broadcast_in_dim3A_842 : f32 to vector<16xf32>
    %swap3A_844 = arith.constant 12 : i32
    %swap3A_845 = arith.index_cast %swap3A_844 : i32 to index
    %swap3A_846 = arith.constant 16 : index
    %swap3A_847 = tpu.vector_load %arg14[%swap3A_845, %swap3A_846] {strides = array<i32>} : memref<16x128xf32, #tpu.memory_space<vmem>>, vector<1x16xf32>,
    %swap3A_848 = vector.shape_cast %swap3A_847 : vector<1x16xf32> to vector<16xf32>
    %swap3A_849 = vector.shape_cast %broadcast_in_dim3A_843 : vector<16xf32> to vector<1x16xf32>
    tpu.vector_store %arg14[%swap3A_845, %swap3A_846], %swap3A_849 {strides = array<i32>} : memref<16x128xf32, #tpu.memory_space<vmem>>, vector<1x16xf32>,
    %broadcast_in_dim3A_850 = arith.constant 0.000000e+00 : f32
    %broadcast_in_dim3A_851 = vector.broadcast %broadcast_in_dim3A_850 : f32 to vector<16xf32>
    %swap3A_852 = arith.constant 12 : i32
    %swap3A_853 = arith.index_cast %swap3A_852 : i32 to index
    %swap3A_854 = arith.constant 32 : index
    %swap3A_855 = tpu.vector_load %arg14[%swap3A_853, %swap3A_854] {strides = array<i32>} : memref<16x128xf32, #tpu.memory_space<vmem>>, vector<1x16xf32>,
    %swap3A_856 = vector.shape_cast %swap3A_855 : vector<1x16xf32> to vector<16xf32>
    %swap3A_857 = vector.shape_cast %broadcast_in_dim3A_851 : vector<16xf32> to vector<1x16xf32>
    tpu.vector_store %arg14[%swap3A_853, %swap3A_854], %swap3A_857 {strides = array<i32>} : memref<16x128xf32, #tpu.memory_space<vmem>>, vector<1x16xf32>,
    %broadcast_in_dim3A_858 = arith.constant 0.000000e+00 : f32
    %broadcast_in_dim3A_859 = vector.broadcast %broadcast_in_dim3A_858 : f32 to vector<16xf32>
    %swap3A_860 = arith.constant 12 : i32
    %swap3A_861 = arith.index_cast %swap3A_860 : i32 to index
    %swap3A_862 = arith.constant 48 : index
    %swap3A_863 = tpu.vector_load %arg14[%swap3A_861, %swap3A_862] {strides = array<i32>} : memref<16x128xf32, #tpu.memory_space<vmem>>, vector<1x16xf32>,
    %swap3A_864 = vector.shape_cast %swap3A_863 : vector<1x16xf32> to vector<16xf32>
    %swap3A_865 = vector.shape_cast %broadcast_in_dim3A_859 : vector<16xf32> to vector<1x16xf32>
    tpu.vector_store %arg14[%swap3A_861, %swap3A_862], %swap3A_865 {strides = array<i32>} : memref<16x128xf32, #tpu.memory_space<vmem>>, vector<1x16xf32>,
    %broadcast_in_dim3A_866 = arith.constant 0.000000e+00 : f32
    %broadcast_in_dim3A_867 = vector.broadcast %broadcast_in_dim3A_866 : f32 to vector<16xf32>
    %swap3A_868 = arith.constant 12 : i32
    %swap3A_869 = arith.index_cast %swap3A_868 : i32 to index
    %swap3A_870 = arith.constant 64 : index
    %swap3A_871 = tpu.vector_load %arg14[%swap3A_869, %swap3A_870] {strides = array<i32>} : memref<16x128xf32, #tpu.memory_space<vmem>>, vector<1x16xf32>,
    %swap3A_872 = vector.shape_cast %swap3A_871 : vector<1x16xf32> to vector<16xf32>
    %swap3A_873 = vector.shape_cast %broadcast_in_dim3A_867 : vector<16xf32> to vector<1x16xf32>
    tpu.vector_store %arg14[%swap3A_869, %swap3A_870], %swap3A_873 {strides = array<i32>} : memref<16x128xf32, #tpu.memory_space<vmem>>, vector<1x16xf32>,
    %broadcast_in_dim3A_874 = arith.constant 0.000000e+00 : f32
    %broadcast_in_dim3A_875 = vector.broadcast %broadcast_in_dim3A_874 : f32 to vector<16xf32>
    %swap3A_876 = arith.constant 12 : i32
    %swap3A_877 = arith.index_cast %swap3A_876 : i32 to index
    %swap3A_878 = arith.constant 80 : index
    %swap3A_879 = tpu.vector_load %arg14[%swap3A_877, %swap3A_878] {strides = array<i32>} : memref<16x128xf32, #tpu.memory_space<vmem>>, vector<1x16xf32>,
    %swap3A_880 = vector.shape_cast %swap3A_879 : vector<1x16xf32> to vector<16xf32>
    %swap3A_881 = vector.shape_cast %broadcast_in_dim3A_875 : vector<16xf32> to vector<1x16xf32>
    tpu.vector_store %arg14[%swap3A_877, %swap3A_878], %swap3A_881 {strides = array<i32>} : memref<16x128xf32, #tpu.memory_space<vmem>>, vector<1x16xf32>,
    %broadcast_in_dim3A_882 = arith.constant 0.000000e+00 : f32
    %broadcast_in_dim3A_883 = vector.broadcast %broadcast_in_dim3A_882 : f32 to vector<16xf32>
    %swap3A_884 = arith.constant 12 : i32
    %swap3A_885 = arith.index_cast %swap3A_884 : i32 to index
    %swap3A_886 = arith.constant 96 : index
    %swap3A_887 = tpu.vector_load %arg14[%swap3A_885, %swap3A_886] {strides = array<i32>} : memref<16x128xf32, #tpu.memory_space<vmem>>, vector<1x16xf32>,
    %swap3A_888 = vector.shape_cast %swap3A_887 : vector<1x16xf32> to vector<16xf32>
    %swap3A_889 = vector.shape_cast %broadcast_in_dim3A_883 : vector<16xf32> to vector<1x16xf32>
    tpu.vector_store %arg14[%swap3A_885, %swap3A_886], %swap3A_889 {strides = array<i32>} : memref<16x128xf32, #tpu.memory_space<vmem>>, vector<1x16xf32>,
    %broadcast_in_dim3A_890 = arith.constant 0.000000e+00 : f32
    %broadcast_in_dim3A_891 = vector.broadcast %broadcast_in_dim3A_890 : f32 to vector<16xf32>
    %swap3A_892 = arith.constant 12 : i32
    %swap3A_893 = arith.index_cast %swap3A_892 : i32 to index
    %swap3A_894 = arith.constant 112 : index
    %swap3A_895 = tpu.vector_load %arg14[%swap3A_893, %swap3A_894] {strides = array<i32>} : memref<16x128xf32, #tpu.memory_space<vmem>>, vector<1x16xf32>,
    %swap3A_896 = vector.shape_cast %swap3A_895 : vector<1x16xf32> to vector<16xf32>
    %swap3A_897 = vector.shape_cast %broadcast_in_dim3A_891 : vector<16xf32> to vector<1x16xf32>
    tpu.vector_store %arg14[%swap3A_893, %swap3A_894], %swap3A_897 {strides = array<i32>} : memref<16x128xf32, #tpu.memory_space<vmem>>, vector<1x16xf32>,
    %broadcast_in_dim3A_898 = arith.constant 0.000000e+00 : f32
    %broadcast_in_dim3A_899 = vector.broadcast %broadcast_in_dim3A_898 : f32 to vector<16xf32>
    %swap3A_900 = arith.constant 13 : i32
    %swap3A_901 = arith.index_cast %swap3A_900 : i32 to index
    %swap3A_902 = arith.constant 0 : index
    %swap3A_903 = tpu.vector_load %arg14[%swap3A_901, %swap3A_902] {strides = array<i32>} : memref<16x128xf32, #tpu.memory_space<vmem>>, vector<1x16xf32>,
    %swap3A_904 = vector.shape_cast %swap3A_903 : vector<1x16xf32> to vector<16xf32>
    %swap3A_905 = vector.shape_cast %broadcast_in_dim3A_899 : vector<16xf32> to vector<1x16xf32>
    tpu.vector_store %arg14[%swap3A_901, %swap3A_902], %swap3A_905 {strides = array<i32>} : memref<16x128xf32, #tpu.memory_space<vmem>>, vector<1x16xf32>,
    %broadcast_in_dim3A_906 = arith.constant 0.000000e+00 : f32
    %broadcast_in_dim3A_907 = vector.broadcast %broadcast_in_dim3A_906 : f32 to vector<16xf32>
    %swap3A_908 = arith.constant 13 : i32
    %swap3A_909 = arith.index_cast %swap3A_908 : i32 to index
    %swap3A_910 = arith.constant 16 : index
    %swap3A_911 = tpu.vector_load %arg14[%swap3A_909, %swap3A_910] {strides = array<i32>} : memref<16x128xf32, #tpu.memory_space<vmem>>, vector<1x16xf32>,
    %swap3A_912 = vector.shape_cast %swap3A_911 : vector<1x16xf32> to vector<16xf32>
    %swap3A_913 = vector.shape_cast %broadcast_in_dim3A_907 : vector<16xf32> to vector<1x16xf32>
    tpu.vector_store %arg14[%swap3A_909, %swap3A_910], %swap3A_913 {strides = array<i32>} : memref<16x128xf32, #tpu.memory_space<vmem>>, vector<1x16xf32>,
    %broadcast_in_dim3A_914 = arith.constant 0.000000e+00 : f32
    %broadcast_in_dim3A_915 = vector.broadcast %broadcast_in_dim3A_914 : f32 to vector<16xf32>
    %swap3A_916 = arith.constant 13 : i32
    %swap3A_917 = arith.index_cast %swap3A_916 : i32 to index
    %swap3A_918 = arith.constant 32 : index
    %swap3A_919 = tpu.vector_load %arg14[%swap3A_917, %swap3A_918] {strides = array<i32>} : memref<16x128xf32, #tpu.memory_space<vmem>>, vector<1x16xf32>,
    %swap3A_920 = vector.shape_cast %swap3A_919 : vector<1x16xf32> to vector<16xf32>
    %swap3A_921 = vector.shape_cast %broadcast_in_dim3A_915 : vector<16xf32> to vector<1x16xf32>
    tpu.vector_store %arg14[%swap3A_917, %swap3A_918], %swap3A_921 {strides = array<i32>} : memref<16x128xf32, #tpu.memory_space<vmem>>, vector<1x16xf32>,
    %broadcast_in_dim3A_922 = arith.constant 0.000000e+00 : f32
    %broadcast_in_dim3A_923 = vector.broadcast %broadcast_in_dim3A_922 : f32 to vector<16xf32>
    %swap3A_924 = arith.constant 13 : i32
    %swap3A_925 = arith.index_cast %swap3A_924 : i32 to index
    %swap3A_926 = arith.constant 48 : index
    %swap3A_927 = tpu.vector_load %arg14[%swap3A_925, %swap3A_926] {strides = array<i32>} : memref<16x128xf32, #tpu.memory_space<vmem>>, vector<1x16xf32>,
    %swap3A_928 = vector.shape_cast %swap3A_927 : vector<1x16xf32> to vector<16xf32>
    %swap3A_929 = vector.shape_cast %broadcast_in_dim3A_923 : vector<16xf32> to vector<1x16xf32>
    tpu.vector_store %arg14[%swap3A_925, %swap3A_926], %swap3A_929 {strides = array<i32>} : memref<16x128xf32, #tpu.memory_space<vmem>>, vector<1x16xf32>,
    %broadcast_in_dim3A_930 = arith.constant 0.000000e+00 : f32
    %broadcast_in_dim3A_931 = vector.broadcast %broadcast_in_dim3A_930 : f32 to vector<16xf32>
    %swap3A_932 = arith.constant 13 : i32
    %swap3A_933 = arith.index_cast %swap3A_932 : i32 to index
    %swap3A_934 = arith.constant 64 : index
    %swap3A_935 = tpu.vector_load %arg14[%swap3A_933, %swap3A_934] {strides = array<i32>} : memref<16x128xf32, #tpu.memory_space<vmem>>, vector<1x16xf32>,
    %swap3A_936 = vector.shape_cast %swap3A_935 : vector<1x16xf32> to vector<16xf32>
    %swap3A_937 = vector.shape_cast %broadcast_in_dim3A_931 : vector<16xf32> to vector<1x16xf32>
    tpu.vector_store %arg14[%swap3A_933, %swap3A_934], %swap3A_937 {strides = array<i32>} : memref<16x128xf32, #tpu.memory_space<vmem>>, vector<1x16xf32>,
    %broadcast_in_dim3A_938 = arith.constant 0.000000e+00 : f32
    %broadcast_in_dim3A_939 = vector.broadcast %broadcast_in_dim3A_938 : f32 to vector<16xf32>
    %swap3A_940 = arith.constant 13 : i32
    %swap3A_941 = arith.index_cast %swap3A_940 : i32 to index
    %swap3A_942 = arith.constant 80 : index
    %swap3A_943 = tpu.vector_load %arg14[%swap3A_941, %swap3A_942] {strides = array<i32>} : memref<16x128xf32, #tpu.memory_space<vmem>>, vector<1x16xf32>,
    %swap3A_944 = vector.shape_cast %swap3A_943 : vector<1x16xf32> to vector<16xf32>
    %swap3A_945 = vector.shape_cast %broadcast_in_dim3A_939 : vector<16xf32> to vector<1x16xf32>
    tpu.vector_store %arg14[%swap3A_941, %swap3A_942], %swap3A_945 {strides = array<i32>} : memref<16x128xf32, #tpu.memory_space<vmem>>, vector<1x16xf32>,
    %broadcast_in_dim3A_946 = arith.constant 0.000000e+00 : f32
    %broadcast_in_dim3A_947 = vector.broadcast %broadcast_in_dim3A_946 : f32 to vector<16xf32>
    %swap3A_948 = arith.constant 13 : i32
    %swap3A_949 = arith.index_cast %swap3A_948 : i32 to index
    %swap3A_950 = arith.constant 96 : index
    %swap3A_951 = tpu.vector_load %arg14[%swap3A_949, %swap3A_950] {strides = array<i32>} : memref<16x128xf32, #tpu.memory_space<vmem>>, vector<1x16xf32>,
    %swap3A_952 = vector.shape_cast %swap3A_951 : vector<1x16xf32> to vector<16xf32>
    %swap3A_953 = vector.shape_cast %broadcast_in_dim3A_947 : vector<16xf32> to vector<1x16xf32>
    tpu.vector_store %arg14[%swap3A_949, %swap3A_950], %swap3A_953 {strides = array<i32>} : memref<16x128xf32, #tpu.memory_space<vmem>>, vector<1x16xf32>,
    %broadcast_in_dim3A_954 = arith.constant 0.000000e+00 : f32
    %broadcast_in_dim3A_955 = vector.broadcast %broadcast_in_dim3A_954 : f32 to vector<16xf32>
    %swap3A_956 = arith.constant 13 : i32
    %swap3A_957 = arith.index_cast %swap3A_956 : i32 to index
    %swap3A_958 = arith.constant 112 : index
    %swap3A_959 = tpu.vector_load %arg14[%swap3A_957, %swap3A_958] {strides = array<i32>} : memref<16x128xf32, #tpu.memory_space<vmem>>, vector<1x16xf32>,
    %swap3A_960 = vector.shape_cast %swap3A_959 : vector<1x16xf32> to vector<16xf32>
    %swap3A_961 = vector.shape_cast %broadcast_in_dim3A_955 : vector<16xf32> to vector<1x16xf32>
    tpu.vector_store %arg14[%swap3A_957, %swap3A_958], %swap3A_961 {strides = array<i32>} : memref<16x128xf32, #tpu.memory_space<vmem>>, vector<1x16xf32>,
    %broadcast_in_dim3A_962 = arith.constant 0.000000e+00 : f32
    %broadcast_in_dim3A_963 = vector.broadcast %broadcast_in_dim3A_962 : f32 to vector<16xf32>
    %swap3A_964 = arith.constant 14 : i32
    %swap3A_965 = arith.index_cast %swap3A_964 : i32 to index
    %swap3A_966 = arith.constant 0 : index
    %swap3A_967 = tpu.vector_load %arg14[%swap3A_965, %swap3A_966] {strides = array<i32>} : memref<16x128xf32, #tpu.memory_space<vmem>>, vector<1x16xf32>,
    %swap3A_968 = vector.shape_cast %swap3A_967 : vector<1x16xf32> to vector<16xf32>
    %swap3A_969 = vector.shape_cast %broadcast_in_dim3A_963 : vector<16xf32> to vector<1x16xf32>
    tpu.vector_store %arg14[%swap3A_965, %swap3A_966], %swap3A_969 {strides = array<i32>} : memref<16x128xf32, #tpu.memory_space<vmem>>, vector<1x16xf32>,
    %broadcast_in_dim3A_970 = arith.constant 0.000000e+00 : f32
    %broadcast_in_dim3A_971 = vector.broadcast %broadcast_in_dim3A_970 : f32 to vector<16xf32>
    %swap3A_972 = arith.constant 14 : i32
    %swap3A_973 = arith.index_cast %swap3A_972 : i32 to index
    %swap3A_974 = arith.constant 16 : index
    %swap3A_975 = tpu.vector_load %arg14[%swap3A_973, %swap3A_974] {strides = array<i32>} : memref<16x128xf32, #tpu.memory_space<vmem>>, vector<1x16xf32>,
    %swap3A_976 = vector.shape_cast %swap3A_975 : vector<1x16xf32> to vector<16xf32>
    %swap3A_977 = vector.shape_cast %broadcast_in_dim3A_971 : vector<16xf32> to vector<1x16xf32>
    tpu.vector_store %arg14[%swap3A_973, %swap3A_974], %swap3A_977 {strides = array<i32>} : memref<16x128xf32, #tpu.memory_space<vmem>>, vector<1x16xf32>,
    %broadcast_in_dim3A_978 = arith.constant 0.000000e+00 : f32
    %broadcast_in_dim3A_979 = vector.broadcast %broadcast_in_dim3A_978 : f32 to vector<16xf32>
    %swap3A_980 = arith.constant 14 : i32
    %swap3A_981 = arith.index_cast %swap3A_980 : i32 to index
    %swap3A_982 = arith.constant 32 : index
    %swap3A_983 = tpu.vector_load %arg14[%swap3A_981, %swap3A_982] {strides = array<i32>} : memref<16x128xf32, #tpu.memory_space<vmem>>, vector<1x16xf32>,
    %swap3A_984 = vector.shape_cast %swap3A_983 : vector<1x16xf32> to vector<16xf32>
    %swap3A_985 = vector.shape_cast %broadcast_in_dim3A_979 : vector<16xf32> to vector<1x16xf32>
    tpu.vector_store %arg14[%swap3A_981, %swap3A_982], %swap3A_985 {strides = array<i32>} : memref<16x128xf32, #tpu.memory_space<vmem>>, vector<1x16xf32>,
    %broadcast_in_dim3A_986 = arith.constant 0.000000e+00 : f32
    %broadcast_in_dim3A_987 = vector.broadcast %broadcast_in_dim3A_986 : f32 to vector<16xf32>
    %swap3A_988 = arith.constant 14 : i32
    %swap3A_989 = arith.index_cast %swap3A_988 : i32 to index
    %swap3A_990 = arith.constant 48 : index
    %swap3A_991 = tpu.vector_load %arg14[%swap3A_989, %swap3A_990] {strides = array<i32>} : memref<16x128xf32, #tpu.memory_space<vmem>>, vector<1x16xf32>,
    %swap3A_992 = vector.shape_cast %swap3A_991 : vector<1x16xf32> to vector<16xf32>
    %swap3A_993 = vector.shape_cast %broadcast_in_dim3A_987 : vector<16xf32> to vector<1x16xf32>
    tpu.vector_store %arg14[%swap3A_989, %swap3A_990], %swap3A_993 {strides = array<i32>} : memref<16x128xf32, #tpu.memory_space<vmem>>, vector<1x16xf32>,
    %broadcast_in_dim3A_994 = arith.constant 0.000000e+00 : f32
    %broadcast_in_dim3A_995 = vector.broadcast %broadcast_in_dim3A_994 : f32 to vector<16xf32>
    %swap3A_996 = arith.constant 14 : i32
    %swap3A_997 = arith.index_cast %swap3A_996 : i32 to index
    %swap3A_998 = arith.constant 64 : index
    %swap3A_999 = tpu.vector_load %arg14[%swap3A_997, %swap3A_998] {strides = array<i32>} : memref<16x128xf32, #tpu.memory_space<vmem>>, vector<1x16xf32>,
    %swap3A_1000 = vector.shape_cast %swap3A_999 : vector<1x16xf32> to vector<16xf32>
    %swap3A_1001 = vector.shape_cast %broadcast_in_dim3A_995 : vector<16xf32> to vector<1x16xf32>
    tpu.vector_store %arg14[%swap3A_997, %swap3A_998], %swap3A_1001 {strides = array<i32>} : memref<16x128xf32, #tpu.memory_space<vmem>>, vector<1x16xf32>,
    %broadcast_in_dim3A_1002 = arith.constant 0.000000e+00 : f32
    %broadcast_in_dim3A_1003 = vector.broadcast %broadcast_in_dim3A_1002 : f32 to vector<16xf32>
    %swap3A_1004 = arith.constant 14 : i32
    %swap3A_1005 = arith.index_cast %swap3A_1004 : i32 to index
    %swap3A_1006 = arith.constant 80 : index
    %swap3A_1007 = tpu.vector_load %arg14[%swap3A_1005, %swap3A_1006] {strides = array<i32>} : memref<16x128xf32, #tpu.memory_space<vmem>>, vector<1x16xf32>,
    %swap3A_1008 = vector.shape_cast %swap3A_1007 : vector<1x16xf32> to vector<16xf32>
    %swap3A_1009 = vector.shape_cast %broadcast_in_dim3A_1003 : vector<16xf32> to vector<1x16xf32>
    tpu.vector_store %arg14[%swap3A_1005, %swap3A_1006], %swap3A_1009 {strides = array<i32>} : memref<16x128xf32, #tpu.memory_space<vmem>>, vector<1x16xf32>,
    %broadcast_in_dim3A_1010 = arith.constant 0.000000e+00 : f32
    %broadcast_in_dim3A_1011 = vector.broadcast %broadcast_in_dim3A_1010 : f32 to vector<16xf32>
    %swap3A_1012 = arith.constant 14 : i32
    %swap3A_1013 = arith.index_cast %swap3A_1012 : i32 to index
    %swap3A_1014 = arith.constant 96 : index
    %swap3A_1015 = tpu.vector_load %arg14[%swap3A_1013, %swap3A_1014] {strides = array<i32>} : memref<16x128xf32, #tpu.memory_space<vmem>>, vector<1x16xf32>,
    %swap3A_1016 = vector.shape_cast %swap3A_1015 : vector<1x16xf32> to vector<16xf32>
    %swap3A_1017 = vector.shape_cast %broadcast_in_dim3A_1011 : vector<16xf32> to vector<1x16xf32>
    tpu.vector_store %arg14[%swap3A_1013, %swap3A_1014], %swap3A_1017 {strides = array<i32>} : memref<16x128xf32, #tpu.memory_space<vmem>>, vector<1x16xf32>,
    %broadcast_in_dim3A_1018 = arith.constant 0.000000e+00 : f32
    %broadcast_in_dim3A_1019 = vector.broadcast %broadcast_in_dim3A_1018 : f32 to vector<16xf32>
    %swap3A_1020 = arith.constant 14 : i32
    %swap3A_1021 = arith.index_cast %swap3A_1020 : i32 to index
    %swap3A_1022 = arith.constant 112 : index
    %swap3A_1023 = tpu.vector_load %arg14[%swap3A_1021, %swap3A_1022] {strides = array<i32>} : memref<16x128xf32, #tpu.memory_space<vmem>>, vector<1x16xf32>,
    %swap3A_1024 = vector.shape_cast %swap3A_1023 : vector<1x16xf32> to vector<16xf32>
    %swap3A_1025 = vector.shape_cast %broadcast_in_dim3A_1019 : vector<16xf32> to vector<1x16xf32>
    tpu.vector_store %arg14[%swap3A_1021, %swap3A_1022], %swap3A_1025 {strides = array<i32>} : memref<16x128xf32, #tpu.memory_space<vmem>>, vector<1x16xf32>,
    %broadcast_in_dim3A_1026 = arith.constant 0.000000e+00 : f32
    %broadcast_in_dim3A_1027 = vector.broadcast %broadcast_in_dim3A_1026 : f32 to vector<16xf32>
    %swap3A_1028 = arith.constant 15 : i32
    %swap3A_1029 = arith.index_cast %swap3A_1028 : i32 to index
    %swap3A_1030 = arith.constant 0 : index
    %swap3A_1031 = tpu.vector_load %arg14[%swap3A_1029, %swap3A_1030] {strides = array<i32>} : memref<16x128xf32, #tpu.memory_space<vmem>>, vector<1x16xf32>,
    %swap3A_1032 = vector.shape_cast %swap3A_1031 : vector<1x16xf32> to vector<16xf32>
    %swap3A_1033 = vector.shape_cast %broadcast_in_dim3A_1027 : vector<16xf32> to vector<1x16xf32>
    tpu.vector_store %arg14[%swap3A_1029, %swap3A_1030], %swap3A_1033 {strides = array<i32>} : memref<16x128xf32, #tpu.memory_space<vmem>>, vector<1x16xf32>,
    %broadcast_in_dim3A_1034 = arith.constant 0.000000e+00 : f32
    %broadcast_in_dim3A_1035 = vector.broadcast %broadcast_in_dim3A_1034 : f32 to vector<16xf32>
    %swap3A_1036 = arith.constant 15 : i32
    %swap3A_1037 = arith.index_cast %swap3A_1036 : i32 to index
    %swap3A_1038 = arith.constant 16 : index
    %swap3A_1039 = tpu.vector_load %arg14[%swap3A_1037, %swap3A_1038] {strides = array<i32>} : memref<16x128xf32, #tpu.memory_space<vmem>>, vector<1x16xf32>,
    %swap3A_1040 = vector.shape_cast %swap3A_1039 : vector<1x16xf32> to vector<16xf32>
    %swap3A_1041 = vector.shape_cast %broadcast_in_dim3A_1035 : vector<16xf32> to vector<1x16xf32>
    tpu.vector_store %arg14[%swap3A_1037, %swap3A_1038], %swap3A_1041 {strides = array<i32>} : memref<16x128xf32, #tpu.memory_space<vmem>>, vector<1x16xf32>,
    %broadcast_in_dim3A_1042 = arith.constant 0.000000e+00 : f32
    %broadcast_in_dim3A_1043 = vector.broadcast %broadcast_in_dim3A_1042 : f32 to vector<16xf32>
    %swap3A_1044 = arith.constant 15 : i32
    %swap3A_1045 = arith.index_cast %swap3A_1044 : i32 to index
    %swap3A_1046 = arith.constant 32 : index
    %swap3A_1047 = tpu.vector_load %arg14[%swap3A_1045, %swap3A_1046] {strides = array<i32>} : memref<16x128xf32, #tpu.memory_space<vmem>>, vector<1x16xf32>,
    %swap3A_1048 = vector.shape_cast %swap3A_1047 : vector<1x16xf32> to vector<16xf32>
    %swap3A_1049 = vector.shape_cast %broadcast_in_dim3A_1043 : vector<16xf32> to vector<1x16xf32>
    tpu.vector_store %arg14[%swap3A_1045, %swap3A_1046], %swap3A_1049 {strides = array<i32>} : memref<16x128xf32, #tpu.memory_space<vmem>>, vector<1x16xf32>,
    %broadcast_in_dim3A_1050 = arith.constant 0.000000e+00 : f32
    %broadcast_in_dim3A_1051 = vector.broadcast %broadcast_in_dim3A_1050 : f32 to vector<16xf32>
    %swap3A_1052 = arith.constant 15 : i32
    %swap3A_1053 = arith.index_cast %swap3A_1052 : i32 to index
    %swap3A_1054 = arith.constant 48 : index
    %swap3A_1055 = tpu.vector_load %arg14[%swap3A_1053, %swap3A_1054] {strides = array<i32>} : memref<16x128xf32, #tpu.memory_space<vmem>>, vector<1x16xf32>,
    %swap3A_1056 = vector.shape_cast %swap3A_1055 : vector<1x16xf32> to vector<16xf32>
    %swap3A_1057 = vector.shape_cast %broadcast_in_dim3A_1051 : vector<16xf32> to vector<1x16xf32>
    tpu.vector_store %arg14[%swap3A_1053, %swap3A_1054], %swap3A_1057 {strides = array<i32>} : memref<16x128xf32, #tpu.memory_space<vmem>>, vector<1x16xf32>,
    %broadcast_in_dim3A_1058 = arith.constant 0.000000e+00 : f32
    %broadcast_in_dim3A_1059 = vector.broadcast %broadcast_in_dim3A_1058 : f32 to vector<16xf32>
    %swap3A_1060 = arith.constant 15 : i32
    %swap3A_1061 = arith.index_cast %swap3A_1060 : i32 to index
    %swap3A_1062 = arith.constant 64 : index
    %swap3A_1063 = tpu.vector_load %arg14[%swap3A_1061, %swap3A_1062] {strides = array<i32>} : memref<16x128xf32, #tpu.memory_space<vmem>>, vector<1x16xf32>,
    %swap3A_1064 = vector.shape_cast %swap3A_1063 : vector<1x16xf32> to vector<16xf32>
    %swap3A_1065 = vector.shape_cast %broadcast_in_dim3A_1059 : vector<16xf32> to vector<1x16xf32>
    tpu.vector_store %arg14[%swap3A_1061, %swap3A_1062], %swap3A_1065 {strides = array<i32>} : memref<16x128xf32, #tpu.memory_space<vmem>>, vector<1x16xf32>,
    %broadcast_in_dim3A_1066 = arith.constant 0.000000e+00 : f32
    %broadcast_in_dim3A_1067 = vector.broadcast %broadcast_in_dim3A_1066 : f32 to vector<16xf32>
    %swap3A_1068 = arith.constant 15 : i32
    %swap3A_1069 = arith.index_cast %swap3A_1068 : i32 to index
    %swap3A_1070 = arith.constant 80 : index
    %swap3A_1071 = tpu.vector_load %arg14[%swap3A_1069, %swap3A_1070] {strides = array<i32>} : memref<16x128xf32, #tpu.memory_space<vmem>>, vector<1x16xf32>,
    %swap3A_1072 = vector.shape_cast %swap3A_1071 : vector<1x16xf32> to vector<16xf32>
    %swap3A_1073 = vector.shape_cast %broadcast_in_dim3A_1067 : vector<16xf32> to vector<1x16xf32>
    tpu.vector_store %arg14[%swap3A_1069, %swap3A_1070], %swap3A_1073 {strides = array<i32>} : memref<16x128xf32, #tpu.memory_space<vmem>>, vector<1x16xf32>,
    %broadcast_in_dim3A_1074 = arith.constant 0.000000e+00 : f32
    %broadcast_in_dim3A_1075 = vector.broadcast %broadcast_in_dim3A_1074 : f32 to vector<16xf32>
    %swap3A_1076 = arith.constant 15 : i32
    %swap3A_1077 = arith.index_cast %swap3A_1076 : i32 to index
    %swap3A_1078 = arith.constant 96 : index
    %swap3A_1079 = tpu.vector_load %arg14[%swap3A_1077, %swap3A_1078] {strides = array<i32>} : memref<16x128xf32, #tpu.memory_space<vmem>>, vector<1x16xf32>,
    %swap3A_1080 = vector.shape_cast %swap3A_1079 : vector<1x16xf32> to vector<16xf32>
    %swap3A_1081 = vector.shape_cast %broadcast_in_dim3A_1075 : vector<16xf32> to vector<1x16xf32>
    tpu.vector_store %arg14[%swap3A_1077, %swap3A_1078], %swap3A_1081 {strides = array<i32>} : memref<16x128xf32, #tpu.memory_space<vmem>>, vector<1x16xf32>,
    %broadcast_in_dim3A_1082 = arith.constant 0.000000e+00 : f32
    %broadcast_in_dim3A_1083 = vector.broadcast %broadcast_in_dim3A_1082 : f32 to vector<16xf32>
    %swap3A_1084 = arith.constant 15 : i32
    %swap3A_1085 = arith.index_cast %swap3A_1084 : i32 to index
    %swap3A_1086 = arith.constant 112 : index
    %swap3A_1087 = tpu.vector_load %arg14[%swap3A_1085, %swap3A_1086] {strides = array<i32>} : memref<16x128xf32, #tpu.memory_space<vmem>>, vector<1x16xf32>,
    %swap3A_1088 = vector.shape_cast %swap3A_1087 : vector<1x16xf32> to vector<16xf32>
    %swap3A_1089 = vector.shape_cast %broadcast_in_dim3A_1083 : vector<16xf32> to vector<1x16xf32>
    tpu.vector_store %arg14[%swap3A_1085, %swap3A_1086], %swap3A_1089 {strides = array<i32>} : memref<16x128xf32, #tpu.memory_space<vmem>>, vector<1x16xf32>,
    %mul3A_1090 = arith.constant 16 : i32
    %mul3A_1091 = arith.muli %arg1, %mul3A_1090 : i32
    "tpu.region"() ({
      %run_scoped3A = tpu.sem_alloc : memref<!tpu.dma_semaphore, #tpu.memory_space<semaphore_mem>>
      %dma_start3A_1144 = arith.constant 0 : i32
      %dma_start3A_1145 = tpu.memref_slice %arg15[%mul3A_1091, %dma_start3A_1144] : memref<257x128xf32, #tpu.memory_space<vmem_shared>> -> memref<16x128xf32, #tpu.memory_space<vmem_shared>>
      %dma_start3A_1146 = arith.constant 0 : i32
      %dma_start3A_1147 = tpu.memref_slice %arg15[%mul3A_1091, %dma_start3A_1146] : memref<257x128xf32, #tpu.memory_space<vmem_shared>> -> memref<16x128xf32, #tpu.memory_space<vmem_shared>>
      tpu.enqueue_dma source(%arg14 : memref<16x128xf32, #tpu.memory_space<vmem>>) target(%dma_start3A_1147 : memref<16x128xf32, #tpu.memory_space<vmem_shared>>) target_semaphore(%run_scoped3A : memref<!tpu.dma_semaphore, #tpu.memory_space<semaphore_mem>>)
      %dma_wait3A_1148 = arith.constant 0 : i32
      %dma_wait3A_1149 = tpu.memref_slice %arg15[%mul3A_1091, %dma_wait3A_1148] : memref<257x128xf32, #tpu.memory_space<vmem_shared>> -> memref<16x128xf32, #tpu.memory_space<vmem_shared>>
      %dma_wait3A_1150 = arith.constant 0 : i32
      %dma_wait3A_1151 = tpu.memref_slice %arg15[%mul3A_1091, %dma_wait3A_1150] : memref<257x128xf32, #tpu.memory_space<vmem_shared>> -> memref<16x128xf32, #tpu.memory_space<vmem_shared>>
      tpu.wait_dma2 semaphore(%run_scoped3A : memref<!tpu.dma_semaphore, #tpu.memory_space<semaphore_mem>>) src(%arg14 : memref<16x128xf32, #tpu.memory_space<vmem>>) dst(%dma_wait3A_1151 : memref<16x128xf32, #tpu.memory_space<vmem_shared>>)
      tpu.yield
    }) : () -> ()
    %eq3A = arith.constant 0 : i32
    %eq3A_1092 = arith.cmpi eq, %arg1, %eq3A : i32
    %convert_element_type3A = arith.extui %eq3A_1092 : i1 to i32
    %cond3A = arith.constant 0 : i32
    %cond3A_1093 = arith.cmpi ne, %convert_element_type3A, %cond3A : i32
    scf.if %cond3A_1093 {
      "tpu.region"() ({
        %run_scoped3A = tpu.sem_alloc : memref<!tpu.dma_semaphore, #tpu.memory_space<semaphore_mem>>
        %dma_start3A_1144 = arith.constant 0 : i32
        %dma_start3A_1145 = arith.constant 0 : i32
        %dma_start3A_1146 = tpu.memref_slice %arg14[%dma_start3A_1144, %dma_start3A_1145] : memref<16x128xf32, #tpu.memory_space<vmem>> -> memref<1x128xf32, #tpu.memory_space<vmem>>
        %dma_start3A_1147 = arith.constant 256 : i32
        %dma_start3A_1148 = arith.constant 0 : i32
        %dma_start3A_1149 = tpu.memref_slice %arg15[%dma_start3A_1147, %dma_start3A_1148] : memref<257x128xf32, #tpu.memory_space<vmem_shared>> -> memref<1x128xf32, #tpu.memory_space<vmem_shared>>
        %dma_start3A_1150 = arith.constant 256 : i32
        %dma_start3A_1151 = arith.constant 0 : i32
        %dma_start3A_1152 = tpu.memref_slice %arg15[%dma_start3A_1150, %dma_start3A_1151] : memref<257x128xf32, #tpu.memory_space<vmem_shared>> -> memref<1x128xf32, #tpu.memory_space<vmem_shared>>
        %dma_start3A_1153 = arith.constant 0 : i32
        %dma_start3A_1154 = arith.constant 0 : i32
        %dma_start3A_1155 = tpu.memref_slice %arg14[%dma_start3A_1153, %dma_start3A_1154] : memref<16x128xf32, #tpu.memory_space<vmem>> -> memref<1x128xf32, #tpu.memory_space<vmem>>
        tpu.enqueue_dma source(%dma_start3A_1155 : memref<1x128xf32, #tpu.memory_space<vmem>>) target(%dma_start3A_1152 : memref<1x128xf32, #tpu.memory_space<vmem_shared>>) target_semaphore(%run_scoped3A : memref<!tpu.dma_semaphore, #tpu.memory_space<semaphore_mem>>)
        %dma_wait3A_1156 = arith.constant 0 : i32
        %dma_wait3A_1157 = arith.constant 0 : i32
        %dma_wait3A_1158 = tpu.memref_slice %arg14[%dma_wait3A_1156, %dma_wait3A_1157] : memref<16x128xf32, #tpu.memory_space<vmem>> -> memref<1x128xf32, #tpu.memory_space<vmem>>
        %dma_wait3A_1159 = arith.constant 256 : i32
        %dma_wait3A_1160 = arith.constant 0 : i32
        %dma_wait3A_1161 = tpu.memref_slice %arg15[%dma_wait3A_1159, %dma_wait3A_1160] : memref<257x128xf32, #tpu.memory_space<vmem_shared>> -> memref<1x128xf32, #tpu.memory_space<vmem_shared>>
        %dma_wait3A_1162 = arith.constant 256 : i32
        %dma_wait3A_1163 = arith.constant 0 : i32
        %dma_wait3A_1164 = tpu.memref_slice %arg15[%dma_wait3A_1162, %dma_wait3A_1163] : memref<257x128xf32, #tpu.memory_space<vmem_shared>> -> memref<1x128xf32, #tpu.memory_space<vmem_shared>>
        %dma_wait3A_1165 = arith.constant 0 : i32
        %dma_wait3A_1166 = arith.constant 0 : i32
        %dma_wait3A_1167 = tpu.memref_slice %arg14[%dma_wait3A_1165, %dma_wait3A_1166] : memref<16x128xf32, #tpu.memory_space<vmem>> -> memref<1x128xf32, #tpu.memory_space<vmem>>
        tpu.wait_dma2 semaphore(%run_scoped3A : memref<!tpu.dma_semaphore, #tpu.memory_space<semaphore_mem>>) src(%dma_wait3A_1167 : memref<1x128xf32, #tpu.memory_space<vmem>>) dst(%dma_wait3A_1164 : memref<1x128xf32, #tpu.memory_space<vmem_shared>>)
        tpu.yield
      }) : () -> ()
    } else {
    }
    %dma_wait3A = arith.constant 0 : i32
    %dma_wait3A_1094 = arith.constant 0 : i32
    %dma_wait3A_1095 = arith.constant 0 : i32
    %dma_wait3A_1096 = tpu.memref_slice %arg2[%dma_wait3A, %dma_wait3A_1094, %dma_wait3A_1095] : memref<32x48x128xi32, #tpu.memory_space<hbm>> -> memref<1x48x128xi32, #tpu.memory_space<hbm>>
    %dma_wait3A_1097 = tpu.memref_squeeze %dma_wait3A_1096 : memref<1x48x128xi32, #tpu.memory_space<hbm>> -> memref<48x128xi32, #tpu.memory_space<hbm>>
    %dma_wait3A_1098 = arith.constant 0 : i32
    %dma_wait3A_1099 = arith.constant 0 : i32
    %dma_wait3A_1100 = tpu.memref_slice %arg2[%dma_wait3A, %dma_wait3A_1098, %dma_wait3A_1099] : memref<32x48x128xi32, #tpu.memory_space<hbm>> -> memref<1x48x128xi32, #tpu.memory_space<hbm>>
    %dma_wait3A_1101 = tpu.memref_squeeze %dma_wait3A_1100 : memref<1x48x128xi32, #tpu.memory_space<hbm>> -> memref<48x128xi32, #tpu.memory_space<hbm>>
    tpu.wait_dma2 semaphore(%arg16 : memref<!tpu.dma_semaphore, #tpu.memory_space<semaphore_mem>>) src(%dma_wait3A_1101 : memref<48x128xi32, #tpu.memory_space<hbm>>) dst(%arg9 : memref<48x128xi32, #tpu.memory_space<vmem>>)
    %dma_wait3A_1102 = arith.constant 0 : i32
    %dma_wait3A_1103 = arith.constant 0 : i32
    %dma_wait3A_1104 = tpu.memref_slice %arg5[%dma_wait3A_1102, %dma_wait3A_1103] : memref<32x48xi32, #tpu.memory_space<hbm>> -> memref<1x48xi32, #tpu.memory_space<hbm>>
    %dma_wait3A_1105 = tpu.memref_squeeze %dma_wait3A_1104 : memref<1x48xi32, #tpu.memory_space<hbm>> -> memref<48xi32, #tpu.memory_space<hbm>>
    %dma_wait3A_1106 = arith.constant 0 : i32
    %dma_wait3A_1107 = tpu.memref_slice %arg5[%dma_wait3A_1102, %dma_wait3A_1106] : memref<32x48xi32, #tpu.memory_space<hbm>> -> memref<1x48xi32, #tpu.memory_space<hbm>>
    %dma_wait3A_1108 = tpu.memref_squeeze %dma_wait3A_1107 : memref<1x48xi32, #tpu.memory_space<hbm>> -> memref<48xi32, #tpu.memory_space<hbm>>
    tpu.wait_dma2 semaphore(%arg18 : memref<!tpu.dma_semaphore, #tpu.memory_space<semaphore_mem>>) src(%dma_wait3A_1108 : memref<48xi32, #tpu.memory_space<hbm>>) dst(%arg11 : memref<48xi32, #tpu.memory_space<vmem>>)
    %dma_wait3A_1109 = arith.constant 0 : i32
    %dma_wait3A_1110 = arith.constant 0 : i32
    %dma_wait3A_1111 = tpu.memref_slice %arg6[%dma_wait3A_1109, %dma_wait3A_1110] : memref<32x64xi32, #tpu.memory_space<hbm>> -> memref<1x64xi32, #tpu.memory_space<hbm>>
    %dma_wait3A_1112 = tpu.memref_squeeze %dma_wait3A_1111 : memref<1x64xi32, #tpu.memory_space<hbm>> -> memref<64xi32, #tpu.memory_space<hbm>>
    %dma_wait3A_1113 = arith.constant 0 : i32
    %dma_wait3A_1114 = tpu.memref_slice %arg6[%dma_wait3A_1109, %dma_wait3A_1113] : memref<32x64xi32, #tpu.memory_space<hbm>> -> memref<1x64xi32, #tpu.memory_space<hbm>>
    %dma_wait3A_1115 = tpu.memref_squeeze %dma_wait3A_1114 : memref<1x64xi32, #tpu.memory_space<hbm>> -> memref<64xi32, #tpu.memory_space<hbm>>
    tpu.wait_dma2 semaphore(%arg18 : memref<!tpu.dma_semaphore, #tpu.memory_space<semaphore_mem>>) src(%dma_wait3A_1115 : memref<64xi32, #tpu.memory_space<hbm>>) dst(%arg12 : memref<64xi32, #tpu.memory_space<vmem>>)
    %dma_wait3A_1116 = arith.constant 0 : i32
    %dma_wait3A_1117 = arith.constant 0 : i32
    %dma_wait3A_1118 = tpu.memref_slice %arg4[%dma_wait3A_1116, %dma_wait3A_1117] : memref<1500x128xf32, #tpu.memory_space<hbm>> -> memref<48x128xf32, #tpu.memory_space<hbm>>
    %dma_wait3A_1119 = arith.constant 0 : i32
    %dma_wait3A_1120 = arith.constant 0 : i32
    %dma_wait3A_1121 = tpu.memref_slice %arg4[%dma_wait3A_1119, %dma_wait3A_1120] : memref<1500x128xf32, #tpu.memory_space<hbm>> -> memref<48x128xf32, #tpu.memory_space<hbm>>
    tpu.wait_dma2 semaphore(%arg17 : memref<!tpu.dma_semaphore, #tpu.memory_space<semaphore_mem>>) src(%dma_wait3A_1121 : memref<48x128xf32, #tpu.memory_space<hbm>>) dst(%arg10 : memref<48x128xf32, #tpu.memory_space<vmem>>)
    %barrier3A = arith.constant 0 : index
    tpu.barrier barrier_id(%barrier3A)
    "tpu.region"() ({
      %run_scoped3A = tpu.sem_alloc : memref<!tpu.dma_semaphore, #tpu.memory_space<semaphore_mem>>
      %dma_start3A_1144 = arith.constant 0 : i32
      %dma_start3A_1145 = arith.constant 0 : i32
      %dma_start3A_1146 = tpu.memref_slice %arg15[%dma_start3A_1144, %dma_start3A_1145] : memref<257x128xf32, #tpu.memory_space<vmem_shared>> -> memref<257x128xf32, #tpu.memory_space<vmem_shared>>
      tpu.enqueue_indirect_dma source(%arg10 : memref<48x128xf32, #tpu.memory_space<vmem>>) target(%dma_start3A_1146 : memref<257x128xf32, #tpu.memory_space<vmem_shared>>) offsets(%arg11 : memref<48xi32, #tpu.memory_space<vmem>>) semaphore(%run_scoped3A : memref<!tpu.dma_semaphore, #tpu.memory_space<semaphore_mem>>) {add = true}
      %dma_wait3A_1147 = arith.constant 0 : i32
      %dma_wait3A_1148 = arith.constant 0 : i32
      %dma_wait3A_1149 = tpu.memref_slice %arg15[%dma_wait3A_1147, %dma_wait3A_1148] : memref<257x128xf32, #tpu.memory_space<vmem_shared>> -> memref<257x128xf32, #tpu.memory_space<vmem_shared>>
      tpu.wait_indirect_dma semaphore(%run_scoped3A : memref<!tpu.dma_semaphore, #tpu.memory_space<semaphore_mem>>) src(%arg10 : memref<48x128xf32, #tpu.memory_space<vmem>>) dst(%dma_wait3A_1149 : memref<257x128xf32, #tpu.memory_space<vmem_shared>>)
      tpu.yield
    }) : () -> ()
    %scan3A = arith.constant 0 : i32
    %scan3A_1122 = arith.constant 0 : i32
    %scan3A_1123 = arith.constant 48 : i32
    %scan3A_1124 = arith.addi %scan3A_1122, %scan3A_1123 : i32
    %scan3A_1125 = arith.constant 1 : i32
    scf.for %scan3A_1144 = %scan3A_1122 to %scan3A_1124 step %scan3A_1125  : i32 {
      %get3A = arith.index_cast %scan3A_1144 : i32 to index
      %get3A_1145 = tpu.vector_load %arg12[%get3A] {strides = array<i32>} : memref<64xi32, #tpu.memory_space<vmem>>, vector<16xi32>,
      %get3A_1146 = vector.shape_cast %get3A_1145 : vector<16xi32> to vector<16xi32>
      %slice3A = vector.extract_strided_slice %get3A_1146 {offsets = [0], sizes = [1], strides = [1]} : vector<16xi32> to vector<1xi32>
      %squeeze3A = vector.extract %slice3A[0] : i32 from vector<1xi32>
      %gt3A = arith.constant 0 : i32
      %gt3A_1147 = arith.cmpi sgt, %squeeze3A, %gt3A : i32
      %convert_element_type3A_1148 = arith.extui %gt3A_1147 : i1 to i32
      %cond3A_1149 = arith.constant 0 : i32
      %cond3A_1150 = arith.cmpi ne, %convert_element_type3A_1148, %cond3A_1149 : i32
      scf.if %cond3A_1150 {
        %add3A_1151 = arith.addi %multiple_of3A, %scan3A_1144 : i32
        %mul3A_1152 = arith.constant 128 : i32
        %mul3A_1153 = arith.muli %add3A_1151, %mul3A_1152 : i32
        "tpu.region"() ({
          %run_scoped3A = tpu.sem_alloc : memref<!tpu.dma_semaphore, #tpu.memory_space<semaphore_mem>>
          %dma_start3A_1154 = arith.constant 0 : i32
          %dma_start3A_1155 = tpu.memref_slice %arg3[%mul3A_1153, %dma_start3A_1154] : memref<160000x128xf32, #tpu.memory_space<hbm>> -> memref<128x128xf32, #tpu.memory_space<hbm>>
          %dma_start3A_1156 = arith.constant 0 : i32
          %dma_start3A_1157 = tpu.memref_slice %arg3[%mul3A_1153, %dma_start3A_1156] : memref<160000x128xf32, #tpu.memory_space<hbm>> -> memref<128x128xf32, #tpu.memory_space<hbm>>
          tpu.enqueue_dma source(%dma_start3A_1157 : memref<128x128xf32, #tpu.memory_space<hbm>>) target(%arg13 : memref<128x128xf32, #tpu.memory_space<vmem>>) target_semaphore(%run_scoped3A : memref<!tpu.dma_semaphore, #tpu.memory_space<semaphore_mem>>)
          %dma_wait3A_1158 = arith.constant 0 : i32
          %dma_wait3A_1159 = tpu.memref_slice %arg3[%mul3A_1153, %dma_wait3A_1158] : memref<160000x128xf32, #tpu.memory_space<hbm>> -> memref<128x128xf32, #tpu.memory_space<hbm>>
          %dma_wait3A_1160 = arith.constant 0 : i32
          %dma_wait3A_1161 = tpu.memref_slice %arg3[%mul3A_1153, %dma_wait3A_1160] : memref<160000x128xf32, #tpu.memory_space<hbm>> -> memref<128x128xf32, #tpu.memory_space<hbm>>
          tpu.wait_dma2 semaphore(%run_scoped3A : memref<!tpu.dma_semaphore, #tpu.memory_space<semaphore_mem>>) src(%dma_wait3A_1161 : memref<128x128xf32, #tpu.memory_space<hbm>>) dst(%arg13 : memref<128x128xf32, #tpu.memory_space<vmem>>)
          tpu.yield
        }) : () -> ()
        "tpu.region"() ({
          %run_scoped3A = tpu.sem_alloc : memref<!tpu.dma_semaphore, #tpu.memory_space<semaphore_mem>>
          %dma_start3A_1154 = arith.constant 0 : i32
          %dma_start3A_1155 = tpu.memref_slice %arg9[%scan3A_1144, %dma_start3A_1154] : memref<48x128xi32, #tpu.memory_space<vmem>> -> memref<1x128xi32, #tpu.memory_space<vmem>>
          %dma_start3A_1156 = tpu.memref_squeeze %dma_start3A_1155 : memref<1x128xi32, #tpu.memory_space<vmem>> -> memref<128xi32, #tpu.memory_space<vmem>>
          %dma_start3A_1157 = arith.constant 0 : i32
          %dma_start3A_1158 = arith.constant 0 : i32
          %dma_start3A_1159 = tpu.memref_slice %arg15[%dma_start3A_1157, %dma_start3A_1158] : memref<257x128xf32, #tpu.memory_space<vmem_shared>> -> memref<257x128xf32, #tpu.memory_space<vmem_shared>>
          tpu.enqueue_indirect_dma source(%arg13 : memref<128x128xf32, #tpu.memory_space<vmem>>) target(%dma_start3A_1159 : memref<257x128xf32, #tpu.memory_space<vmem_shared>>) offsets(%dma_start3A_1156 : memref<128xi32, #tpu.memory_space<vmem>>) semaphore(%run_scoped3A : memref<!tpu.dma_semaphore, #tpu.memory_space<semaphore_mem>>) {add = true}
          %dma_wait3A_1160 = arith.constant 0 : i32
          %dma_wait3A_1161 = tpu.memref_slice %arg9[%scan3A_1144, %dma_wait3A_1160] : memref<48x128xi32, #tpu.memory_space<vmem>> -> memref<1x128xi32, #tpu.memory_space<vmem>>
          %dma_wait3A_1162 = tpu.memref_squeeze %dma_wait3A_1161 : memref<1x128xi32, #tpu.memory_space<vmem>> -> memref<128xi32, #tpu.memory_space<vmem>>
          %dma_wait3A_1163 = arith.constant 0 : i32
          %dma_wait3A_1164 = arith.constant 0 : i32
          %dma_wait3A_1165 = tpu.memref_slice %arg15[%dma_wait3A_1163, %dma_wait3A_1164] : memref<257x128xf32, #tpu.memory_space<vmem_shared>> -> memref<257x128xf32, #tpu.memory_space<vmem_shared>>
          tpu.wait_indirect_dma semaphore(%run_scoped3A : memref<!tpu.dma_semaphore, #tpu.memory_space<semaphore_mem>>) src(%arg13 : memref<128x128xf32, #tpu.memory_space<vmem>>) dst(%dma_wait3A_1165 : memref<257x128xf32, #tpu.memory_space<vmem_shared>>)
          tpu.yield
        }) : () -> ()
      } else {
      }
    }
    %scan3A_1126 = arith.constant 48 : i32
    %barrier3A_1127 = arith.constant 0 : index
    tpu.barrier barrier_id(%barrier3A_1127)
    %eq3A_1128 = arith.constant 0 : i32
    %eq3A_1129 = arith.cmpi eq, %arg1, %eq3A_1128 : i32
    %eq3A_1130 = arith.constant 0 : i32
    %eq3A_1131 = arith.cmpi eq, %arg0, %eq3A_1130 : i32
    %and3A_1132 = arith.andi %eq3A_1129, %eq3A_1131 : i1
    %convert_element_type3A_1133 = arith.extui %and3A_1132 : i1 to i32
    %cond3A_1134 = arith.constant 0 : i32
    %cond3A_1135 = arith.cmpi ne, %convert_element_type3A_1133, %cond3A_1134 : i32
    scf.if %cond3A_1135 {
      "tpu.region"() ({
        %run_scoped3A = tpu.sem_alloc : memref<!tpu.dma_semaphore, #tpu.memory_space<semaphore_mem>>
        %dma_start3A_1144 = arith.constant 0 : i32
        %dma_start3A_1145 = arith.constant 0 : i32
        %dma_start3A_1146 = tpu.memref_slice %arg15[%dma_start3A_1144, %dma_start3A_1145] : memref<257x128xf32, #tpu.memory_space<vmem_shared>> -> memref<256x128xf32, #tpu.memory_space<vmem_shared>>
        tpu.enqueue_dma source(%dma_start3A_1146 : memref<256x128xf32, #tpu.memory_space<vmem_shared>>) target(%arg7 : memref<256x128xf32, #tpu.memory_space<hbm>>) target_semaphore(%run_scoped3A : memref<!tpu.dma_semaphore, #tpu.memory_space<semaphore_mem>>)
        %dma_wait3A_1147 = arith.constant 0 : i32
        %dma_wait3A_1148 = arith.constant 0 : i32
        %dma_wait3A_1149 = tpu.memref_slice %arg15[%dma_wait3A_1147, %dma_wait3A_1148] : memref<257x128xf32, #tpu.memory_space<vmem_shared>> -> memref<256x128xf32, #tpu.memory_space<vmem_shared>>
        tpu.wait_dma2 semaphore(%run_scoped3A : memref<!tpu.dma_semaphore, #tpu.memory_space<semaphore_mem>>) src(%dma_wait3A_1149 : memref<256x128xf32, #tpu.memory_space<vmem_shared>>) dst(%arg7 : memref<256x128xf32, #tpu.memory_space<hbm>>)
        tpu.yield
      }) : () -> ()
    } else {
    }
    %eq3A_1136 = arith.constant 0 : i32
    %eq3A_1137 = arith.cmpi eq, %arg1, %eq3A_1136 : i32
    %eq3A_1138 = arith.constant 1 : i32
    %eq3A_1139 = arith.cmpi eq, %arg0, %eq3A_1138 : i32
    %and3A_1140 = arith.andi %eq3A_1137, %eq3A_1139 : i1
    %convert_element_type3A_1141 = arith.extui %and3A_1140 : i1 to i32
    %cond3A_1142 = arith.constant 0 : i32
    %cond3A_1143 = arith.cmpi ne, %convert_element_type3A_1141, %cond3A_1142 : i32
    scf.if %cond3A_1143 {
      "tpu.region"() ({
        %run_scoped3A = tpu.sem_alloc : memref<!tpu.dma_semaphore, #tpu.memory_space<semaphore_mem>>
        %dma_start3A_1144 = arith.constant 0 : i32
        %dma_start3A_1145 = arith.constant 0 : i32
        %dma_start3A_1146 = tpu.memref_slice %arg15[%dma_start3A_1144, %dma_start3A_1145] : memref<257x128xf32, #tpu.memory_space<vmem_shared>> -> memref<256x128xf32, #tpu.memory_space<vmem_shared>>
        tpu.enqueue_dma source(%dma_start3A_1146 : memref<256x128xf32, #tpu.memory_space<vmem_shared>>) target(%arg8 : memref<256x128xf32, #tpu.memory_space<hbm>>) target_semaphore(%run_scoped3A : memref<!tpu.dma_semaphore, #tpu.memory_space<semaphore_mem>>)
        %dma_wait3A_1147 = arith.constant 0 : i32
        %dma_wait3A_1148 = arith.constant 0 : i32
        %dma_wait3A_1149 = tpu.memref_slice %arg15[%dma_wait3A_1147, %dma_wait3A_1148] : memref<257x128xf32, #tpu.memory_space<vmem_shared>> -> memref<256x128xf32, #tpu.memory_space<vmem_shared>>
        tpu.wait_dma2 semaphore(%run_scoped3A : memref<!tpu.dma_semaphore, #tpu.memory_space<semaphore_mem>>) src(%dma_wait3A_1149 : memref<256x128xf32, #tpu.memory_space<vmem_shared>>) dst(%arg8 : memref<256x128xf32, #tpu.memory_space<hbm>>)
        tpu.yield
      }) : () -> ()
    } else {
    }
    return
  }
}

#map = affine_map<(d0, d1) -> (0, 0, 0)>
#map1 = affine_map<(d0, d1) -> (0, 0)>
module attributes {stable_mosaic.version = 14 : i64} {
  func.func @_sc_chunk_body(%arg0: i32, %arg1: i32, %arg2: memref<32x48x128xi32, #tpu.memory_space<hbm>>, %arg3: memref<160000x128xf32, #tpu.memory_space<hbm>>, %arg4: memref<1500x128xf32, #tpu.memory_space<hbm>>, %arg5: memref<32x48xi32, #tpu.memory_space<hbm>>, %arg6: memref<32x64xi32, #tpu.memory_space<hbm>>, %arg7: memref<256x128xf32, #tpu.memory_space<hbm>>, %arg8: memref<256x128xf32, #tpu.memory_space<hbm>>, %arg9: memref<48x128xi32, #tpu.memory_space<vmem>>, %arg10: memref<48x128xf32, #tpu.memory_space<vmem>>, %arg11: memref<48xi32, #tpu.memory_space<vmem>>, %arg12: memref<64xi32, #tpu.memory_space<vmem>>, %arg13: memref<128x128xf32, #tpu.memory_space<vmem>>, %arg14: memref<16x128xf32, #tpu.memory_space<vmem>>, %arg15: memref<257x128xf32, #tpu.memory_space<vmem_shared>>, %arg16: memref<!tpu.dma_semaphore, #tpu.memory_space<semaphore_mem>>, %arg17: memref<!tpu.dma_semaphore, #tpu.memory_space<semaphore_mem>>, %arg18: memref<!tpu.dma_semaphore, #tpu.memory_space<semaphore_mem>>) attributes {dimension_semantics = [#tpu.dimension_semantics<core_parallel>, #tpu.dimension_semantics<subcore_parallel>], iteration_bounds = array<i64: 2, 16>, scalar_prefetch = 0 : i64, scratch_operands = 10 : i64, tpu.core_type = #tpu.core_type<sc_vector_subcore>, window_params = [{transform_indices = #map}, {transform_indices = #map1}, {transform_indices = #map1}, {transform_indices = #map1}, {transform_indices = #map1}, {transform_indices = #map1}, {transform_indices = #map1}]} {
    %mul3A = arith.constant 16 : i32
    %mul3A_0 = arith.muli %arg0, %mul3A : i32
    %add3A = arith.addi %mul3A_0, %arg1 : i32
    %mul3A_1 = arith.constant 1250 : i32
    %mul3A_2 = arith.muli %mul3A_1, %add3A : i32
    %jit3A = arith.constant 32 : i32
    %div3A = arith.divsi %mul3A_2, %jit3A : i32
    %sign3A = arith.constant 0 : i32
    %sign3A_3 = arith.cmpi sgt, %mul3A_2, %sign3A : i32
    %sign3A_4 = arith.extui %sign3A_3 : i1 to i32
    %sign3A_5 = arith.constant 0 : i32
    %sign3A_6 = arith.cmpi slt, %mul3A_2, %sign3A_5 : i32
    %sign3A_7 = arith.extui %sign3A_6 : i1 to i32
    %sign3A_8 = arith.subi %sign3A_4, %sign3A_7 : i32
    %sign3A_9 = arith.constant 0 : i32
    %sign3A_10 = arith.cmpi sgt, %jit3A, %sign3A_9 : i32
    %sign3A_11 = arith.extui %sign3A_10 : i1 to i32
    %sign3A_12 = arith.constant 0 : i32
    %sign3A_13 = arith.cmpi slt, %jit3A, %sign3A_12 : i32
    %sign3A_14 = arith.extui %sign3A_13 : i1 to i32
    %sign3A_15 = arith.subi %sign3A_11, %sign3A_14 : i32
    %ne3A = arith.cmpi ne, %sign3A_8, %sign3A_15 : i32
    %rem3A = arith.remsi %mul3A_2, %jit3A : i32
    %ne3A_16 = arith.constant 0 : i32
    %ne3A_17 = arith.cmpi ne, %rem3A, %ne3A_16 : i32
    %and3A = arith.andi %ne3A, %ne3A_17 : i1
    %sub3A = arith.constant 1 : i32
    %sub3A_18 = arith.subi %div3A, %sub3A : i32
    %select_n3A = arith.select %and3A, %sub3A_18, %div3A : i32
    %jit3A_19 = arith.constant 8 : i32
    %div3A_20 = arith.divsi %select_n3A, %jit3A_19 : i32
    %sign3A_21 = arith.constant 0 : i32
    %sign3A_22 = arith.cmpi sgt, %select_n3A, %sign3A_21 : i32
    %sign3A_23 = arith.extui %sign3A_22 : i1 to i32
    %sign3A_24 = arith.constant 0 : i32
    %sign3A_25 = arith.cmpi slt, %select_n3A, %sign3A_24 : i32
    %sign3A_26 = arith.extui %sign3A_25 : i1 to i32
    %sign3A_27 = arith.subi %sign3A_23, %sign3A_26 : i32
    %sign3A_28 = arith.constant 0 : i32
    %sign3A_29 = arith.cmpi sgt, %jit3A_19, %sign3A_28 : i32
    %sign3A_30 = arith.extui %sign3A_29 : i1 to i32
    %sign3A_31 = arith.constant 0 : i32
    %sign3A_32 = arith.cmpi slt, %jit3A_19, %sign3A_31 : i32
    %sign3A_33 = arith.extui %sign3A_32 : i1 to i32
    %sign3A_34 = arith.subi %sign3A_30, %sign3A_33 : i32
    %ne3A_35 = arith.cmpi ne, %sign3A_27, %sign3A_34 : i32
    %rem3A_36 = arith.remsi %select_n3A, %jit3A_19 : i32
    %ne3A_37 = arith.constant 0 : i32
    %ne3A_38 = arith.cmpi ne, %rem3A_36, %ne3A_37 : i32
    %and3A_39 = arith.andi %ne3A_35, %ne3A_38 : i1
    %sub3A_40 = arith.constant 1 : i32
    %sub3A_41 = arith.subi %div3A_20, %sub3A_40 : i32
    %select_n3A_42 = arith.select %and3A_39, %sub3A_41, %div3A_20 : i32
    %mul3A_43 = arith.constant 8 : i32
    %mul3A_44 = arith.muli %select_n3A_42, %mul3A_43 : i32
    %multiple_of3A = tpu.assume_multiple %mul3A_44, 8 : i32
    %dma_start3A = arith.constant 0 : i32
    %dma_start3A_45 = arith.constant 0 : i32
    %dma_start3A_46 = tpu.memref_slice %arg2[%add3A, %dma_start3A, %dma_start3A_45] : memref<32x48x128xi32, #tpu.memory_space<hbm>> -> memref<1x48x128xi32, #tpu.memory_space<hbm>>
    %dma_start3A_47 = tpu.memref_squeeze %dma_start3A_46 : memref<1x48x128xi32, #tpu.memory_space<hbm>> -> memref<48x128xi32, #tpu.memory_space<hbm>>
    %dma_start3A_48 = arith.constant 0 : i32
    %dma_start3A_49 = arith.constant 0 : i32
    %dma_start3A_50 = tpu.memref_slice %arg2[%add3A, %dma_start3A_48, %dma_start3A_49] : memref<32x48x128xi32, #tpu.memory_space<hbm>> -> memref<1x48x128xi32, #tpu.memory_space<hbm>>
    %dma_start3A_51 = tpu.memref_squeeze %dma_start3A_50 : memref<1x48x128xi32, #tpu.memory_space<hbm>> -> memref<48x128xi32, #tpu.memory_space<hbm>>
    tpu.enqueue_dma source(%dma_start3A_51 : memref<48x128xi32, #tpu.memory_space<hbm>>) target(%arg9 : memref<48x128xi32, #tpu.memory_space<vmem>>) target_semaphore(%arg16 : memref<!tpu.dma_semaphore, #tpu.memory_space<semaphore_mem>>)
    %dma_start3A_52 = arith.constant 0 : i32
    %dma_start3A_53 = tpu.memref_slice %arg4[%multiple_of3A, %dma_start3A_52] : memref<1500x128xf32, #tpu.memory_space<hbm>> -> memref<48x128xf32, #tpu.memory_space<hbm>>
    %dma_start3A_54 = arith.constant 0 : i32
    %dma_start3A_55 = tpu.memref_slice %arg4[%multiple_of3A, %dma_start3A_54] : memref<1500x128xf32, #tpu.memory_space<hbm>> -> memref<48x128xf32, #tpu.memory_space<hbm>>
    tpu.enqueue_dma source(%dma_start3A_55 : memref<48x128xf32, #tpu.memory_space<hbm>>) target(%arg10 : memref<48x128xf32, #tpu.memory_space<vmem>>) target_semaphore(%arg17 : memref<!tpu.dma_semaphore, #tpu.memory_space<semaphore_mem>>)
    %dma_start3A_56 = arith.constant 0 : i32
    %dma_start3A_57 = tpu.memref_slice %arg5[%add3A, %dma_start3A_56] : memref<32x48xi32, #tpu.memory_space<hbm>> -> memref<1x48xi32, #tpu.memory_space<hbm>>
    %dma_start3A_58 = tpu.memref_squeeze %dma_start3A_57 : memref<1x48xi32, #tpu.memory_space<hbm>> -> memref<48xi32, #tpu.memory_space<hbm>>
    %dma_start3A_59 = arith.constant 0 : i32
    %dma_start3A_60 = tpu.memref_slice %arg5[%add3A, %dma_start3A_59] : memref<32x48xi32, #tpu.memory_space<hbm>> -> memref<1x48xi32, #tpu.memory_space<hbm>>
    %dma_start3A_61 = tpu.memref_squeeze %dma_start3A_60 : memref<1x48xi32, #tpu.memory_space<hbm>> -> memref<48xi32, #tpu.memory_space<hbm>>
    tpu.enqueue_dma source(%dma_start3A_61 : memref<48xi32, #tpu.memory_space<hbm>>) target(%arg11 : memref<48xi32, #tpu.memory_space<vmem>>) target_semaphore(%arg18 : memref<!tpu.dma_semaphore, #tpu.memory_space<semaphore_mem>>)
    %dma_start3A_62 = arith.constant 0 : i32
    %dma_start3A_63 = tpu.memref_slice %arg6[%add3A, %dma_start3A_62] : memref<32x64xi32, #tpu.memory_space<hbm>> -> memref<1x64xi32, #tpu.memory_space<hbm>>
    %dma_start3A_64 = tpu.memref_squeeze %dma_start3A_63 : memref<1x64xi32, #tpu.memory_space<hbm>> -> memref<64xi32, #tpu.memory_space<hbm>>
    %dma_start3A_65 = arith.constant 0 : i32
    %dma_start3A_66 = tpu.memref_slice %arg6[%add3A, %dma_start3A_65] : memref<32x64xi32, #tpu.memory_space<hbm>> -> memref<1x64xi32, #tpu.memory_space<hbm>>
    %dma_start3A_67 = tpu.memref_squeeze %dma_start3A_66 : memref<1x64xi32, #tpu.memory_space<hbm>> -> memref<64xi32, #tpu.memory_space<hbm>>
    tpu.enqueue_dma source(%dma_start3A_67 : memref<64xi32, #tpu.memory_space<hbm>>) target(%arg12 : memref<64xi32, #tpu.memory_space<vmem>>) target_semaphore(%arg18 : memref<!tpu.dma_semaphore, #tpu.memory_space<semaphore_mem>>)
    %broadcast_in_dim3A = arith.constant 0.000000e+00 : f32
    %broadcast_in_dim3A_68 = vector.broadcast %broadcast_in_dim3A : f32 to vector<16xf32>
    %swap3A = arith.constant 0 : i32
    %swap3A_69 = arith.index_cast %swap3A : i32 to index
    %swap3A_70 = arith.constant 0 : index
    %swap3A_71 = tpu.vector_load %arg14[%swap3A_69, %swap3A_70] {strides = array<i32>} : memref<16x128xf32, #tpu.memory_space<vmem>>, vector<1x16xf32>,
    %swap3A_72 = vector.shape_cast %swap3A_71 : vector<1x16xf32> to vector<16xf32>
    %swap3A_73 = vector.shape_cast %broadcast_in_dim3A_68 : vector<16xf32> to vector<1x16xf32>
    tpu.vector_store %arg14[%swap3A_69, %swap3A_70], %swap3A_73 {strides = array<i32>} : memref<16x128xf32, #tpu.memory_space<vmem>>, vector<1x16xf32>,
    %broadcast_in_dim3A_74 = arith.constant 0.000000e+00 : f32
    %broadcast_in_dim3A_75 = vector.broadcast %broadcast_in_dim3A_74 : f32 to vector<16xf32>
    %swap3A_76 = arith.constant 0 : i32
    %swap3A_77 = arith.index_cast %swap3A_76 : i32 to index
    %swap3A_78 = arith.constant 16 : index
    %swap3A_79 = tpu.vector_load %arg14[%swap3A_77, %swap3A_78] {strides = array<i32>} : memref<16x128xf32, #tpu.memory_space<vmem>>, vector<1x16xf32>,
    %swap3A_80 = vector.shape_cast %swap3A_79 : vector<1x16xf32> to vector<16xf32>
    %swap3A_81 = vector.shape_cast %broadcast_in_dim3A_75 : vector<16xf32> to vector<1x16xf32>
    tpu.vector_store %arg14[%swap3A_77, %swap3A_78], %swap3A_81 {strides = array<i32>} : memref<16x128xf32, #tpu.memory_space<vmem>>, vector<1x16xf32>,
    %broadcast_in_dim3A_82 = arith.constant 0.000000e+00 : f32
    %broadcast_in_dim3A_83 = vector.broadcast %broadcast_in_dim3A_82 : f32 to vector<16xf32>
    %swap3A_84 = arith.constant 0 : i32
    %swap3A_85 = arith.index_cast %swap3A_84 : i32 to index
    %swap3A_86 = arith.constant 32 : index
    %swap3A_87 = tpu.vector_load %arg14[%swap3A_85, %swap3A_86] {strides = array<i32>} : memref<16x128xf32, #tpu.memory_space<vmem>>, vector<1x16xf32>,
    %swap3A_88 = vector.shape_cast %swap3A_87 : vector<1x16xf32> to vector<16xf32>
    %swap3A_89 = vector.shape_cast %broadcast_in_dim3A_83 : vector<16xf32> to vector<1x16xf32>
    tpu.vector_store %arg14[%swap3A_85, %swap3A_86], %swap3A_89 {strides = array<i32>} : memref<16x128xf32, #tpu.memory_space<vmem>>, vector<1x16xf32>,
    %broadcast_in_dim3A_90 = arith.constant 0.000000e+00 : f32
    %broadcast_in_dim3A_91 = vector.broadcast %broadcast_in_dim3A_90 : f32 to vector<16xf32>
    %swap3A_92 = arith.constant 0 : i32
    %swap3A_93 = arith.index_cast %swap3A_92 : i32 to index
    %swap3A_94 = arith.constant 48 : index
    %swap3A_95 = tpu.vector_load %arg14[%swap3A_93, %swap3A_94] {strides = array<i32>} : memref<16x128xf32, #tpu.memory_space<vmem>>, vector<1x16xf32>,
    %swap3A_96 = vector.shape_cast %swap3A_95 : vector<1x16xf32> to vector<16xf32>
    %swap3A_97 = vector.shape_cast %broadcast_in_dim3A_91 : vector<16xf32> to vector<1x16xf32>
    tpu.vector_store %arg14[%swap3A_93, %swap3A_94], %swap3A_97 {strides = array<i32>} : memref<16x128xf32, #tpu.memory_space<vmem>>, vector<1x16xf32>,
    %broadcast_in_dim3A_98 = arith.constant 0.000000e+00 : f32
    %broadcast_in_dim3A_99 = vector.broadcast %broadcast_in_dim3A_98 : f32 to vector<16xf32>
    %swap3A_100 = arith.constant 0 : i32
    %swap3A_101 = arith.index_cast %swap3A_100 : i32 to index
    %swap3A_102 = arith.constant 64 : index
    %swap3A_103 = tpu.vector_load %arg14[%swap3A_101, %swap3A_102] {strides = array<i32>} : memref<16x128xf32, #tpu.memory_space<vmem>>, vector<1x16xf32>,
    %swap3A_104 = vector.shape_cast %swap3A_103 : vector<1x16xf32> to vector<16xf32>
    %swap3A_105 = vector.shape_cast %broadcast_in_dim3A_99 : vector<16xf32> to vector<1x16xf32>
    tpu.vector_store %arg14[%swap3A_101, %swap3A_102], %swap3A_105 {strides = array<i32>} : memref<16x128xf32, #tpu.memory_space<vmem>>, vector<1x16xf32>,
    %broadcast_in_dim3A_106 = arith.constant 0.000000e+00 : f32
    %broadcast_in_dim3A_107 = vector.broadcast %broadcast_in_dim3A_106 : f32 to vector<16xf32>
    %swap3A_108 = arith.constant 0 : i32
    %swap3A_109 = arith.index_cast %swap3A_108 : i32 to index
    %swap3A_110 = arith.constant 80 : index
    %swap3A_111 = tpu.vector_load %arg14[%swap3A_109, %swap3A_110] {strides = array<i32>} : memref<16x128xf32, #tpu.memory_space<vmem>>, vector<1x16xf32>,
    %swap3A_112 = vector.shape_cast %swap3A_111 : vector<1x16xf32> to vector<16xf32>
    %swap3A_113 = vector.shape_cast %broadcast_in_dim3A_107 : vector<16xf32> to vector<1x16xf32>
    tpu.vector_store %arg14[%swap3A_109, %swap3A_110], %swap3A_113 {strides = array<i32>} : memref<16x128xf32, #tpu.memory_space<vmem>>, vector<1x16xf32>,
    %broadcast_in_dim3A_114 = arith.constant 0.000000e+00 : f32
    %broadcast_in_dim3A_115 = vector.broadcast %broadcast_in_dim3A_114 : f32 to vector<16xf32>
    %swap3A_116 = arith.constant 0 : i32
    %swap3A_117 = arith.index_cast %swap3A_116 : i32 to index
    %swap3A_118 = arith.constant 96 : index
    %swap3A_119 = tpu.vector_load %arg14[%swap3A_117, %swap3A_118] {strides = array<i32>} : memref<16x128xf32, #tpu.memory_space<vmem>>, vector<1x16xf32>,
    %swap3A_120 = vector.shape_cast %swap3A_119 : vector<1x16xf32> to vector<16xf32>
    %swap3A_121 = vector.shape_cast %broadcast_in_dim3A_115 : vector<16xf32> to vector<1x16xf32>
    tpu.vector_store %arg14[%swap3A_117, %swap3A_118], %swap3A_121 {strides = array<i32>} : memref<16x128xf32, #tpu.memory_space<vmem>>, vector<1x16xf32>,
    %broadcast_in_dim3A_122 = arith.constant 0.000000e+00 : f32
    %broadcast_in_dim3A_123 = vector.broadcast %broadcast_in_dim3A_122 : f32 to vector<16xf32>
    %swap3A_124 = arith.constant 0 : i32
    %swap3A_125 = arith.index_cast %swap3A_124 : i32 to index
    %swap3A_126 = arith.constant 112 : index
    %swap3A_127 = tpu.vector_load %arg14[%swap3A_125, %swap3A_126] {strides = array<i32>} : memref<16x128xf32, #tpu.memory_space<vmem>>, vector<1x16xf32>,
    %swap3A_128 = vector.shape_cast %swap3A_127 : vector<1x16xf32> to vector<16xf32>
    %swap3A_129 = vector.shape_cast %broadcast_in_dim3A_123 : vector<16xf32> to vector<1x16xf32>
    tpu.vector_store %arg14[%swap3A_125, %swap3A_126], %swap3A_129 {strides = array<i32>} : memref<16x128xf32, #tpu.memory_space<vmem>>, vector<1x16xf32>,
    %broadcast_in_dim3A_130 = arith.constant 0.000000e+00 : f32
    %broadcast_in_dim3A_131 = vector.broadcast %broadcast_in_dim3A_130 : f32 to vector<16xf32>
    %swap3A_132 = arith.constant 1 : i32
    %swap3A_133 = arith.index_cast %swap3A_132 : i32 to index
    %swap3A_134 = arith.constant 0 : index
    %swap3A_135 = tpu.vector_load %arg14[%swap3A_133, %swap3A_134] {strides = array<i32>} : memref<16x128xf32, #tpu.memory_space<vmem>>, vector<1x16xf32>,
    %swap3A_136 = vector.shape_cast %swap3A_135 : vector<1x16xf32> to vector<16xf32>
    %swap3A_137 = vector.shape_cast %broadcast_in_dim3A_131 : vector<16xf32> to vector<1x16xf32>
    tpu.vector_store %arg14[%swap3A_133, %swap3A_134], %swap3A_137 {strides = array<i32>} : memref<16x128xf32, #tpu.memory_space<vmem>>, vector<1x16xf32>,
    %broadcast_in_dim3A_138 = arith.constant 0.000000e+00 : f32
    %broadcast_in_dim3A_139 = vector.broadcast %broadcast_in_dim3A_138 : f32 to vector<16xf32>
    %swap3A_140 = arith.constant 1 : i32
    %swap3A_141 = arith.index_cast %swap3A_140 : i32 to index
    %swap3A_142 = arith.constant 16 : index
    %swap3A_143 = tpu.vector_load %arg14[%swap3A_141, %swap3A_142] {strides = array<i32>} : memref<16x128xf32, #tpu.memory_space<vmem>>, vector<1x16xf32>,
    %swap3A_144 = vector.shape_cast %swap3A_143 : vector<1x16xf32> to vector<16xf32>
    %swap3A_145 = vector.shape_cast %broadcast_in_dim3A_139 : vector<16xf32> to vector<1x16xf32>
    tpu.vector_store %arg14[%swap3A_141, %swap3A_142], %swap3A_145 {strides = array<i32>} : memref<16x128xf32, #tpu.memory_space<vmem>>, vector<1x16xf32>,
    %broadcast_in_dim3A_146 = arith.constant 0.000000e+00 : f32
    %broadcast_in_dim3A_147 = vector.broadcast %broadcast_in_dim3A_146 : f32 to vector<16xf32>
    %swap3A_148 = arith.constant 1 : i32
    %swap3A_149 = arith.index_cast %swap3A_148 : i32 to index
    %swap3A_150 = arith.constant 32 : index
    %swap3A_151 = tpu.vector_load %arg14[%swap3A_149, %swap3A_150] {strides = array<i32>} : memref<16x128xf32, #tpu.memory_space<vmem>>, vector<1x16xf32>,
    %swap3A_152 = vector.shape_cast %swap3A_151 : vector<1x16xf32> to vector<16xf32>
    %swap3A_153 = vector.shape_cast %broadcast_in_dim3A_147 : vector<16xf32> to vector<1x16xf32>
    tpu.vector_store %arg14[%swap3A_149, %swap3A_150], %swap3A_153 {strides = array<i32>} : memref<16x128xf32, #tpu.memory_space<vmem>>, vector<1x16xf32>,
    %broadcast_in_dim3A_154 = arith.constant 0.000000e+00 : f32
    %broadcast_in_dim3A_155 = vector.broadcast %broadcast_in_dim3A_154 : f32 to vector<16xf32>
    %swap3A_156 = arith.constant 1 : i32
    %swap3A_157 = arith.index_cast %swap3A_156 : i32 to index
    %swap3A_158 = arith.constant 48 : index
    %swap3A_159 = tpu.vector_load %arg14[%swap3A_157, %swap3A_158] {strides = array<i32>} : memref<16x128xf32, #tpu.memory_space<vmem>>, vector<1x16xf32>,
    %swap3A_160 = vector.shape_cast %swap3A_159 : vector<1x16xf32> to vector<16xf32>
    %swap3A_161 = vector.shape_cast %broadcast_in_dim3A_155 : vector<16xf32> to vector<1x16xf32>
    tpu.vector_store %arg14[%swap3A_157, %swap3A_158], %swap3A_161 {strides = array<i32>} : memref<16x128xf32, #tpu.memory_space<vmem>>, vector<1x16xf32>,
    %broadcast_in_dim3A_162 = arith.constant 0.000000e+00 : f32
    %broadcast_in_dim3A_163 = vector.broadcast %broadcast_in_dim3A_162 : f32 to vector<16xf32>
    %swap3A_164 = arith.constant 1 : i32
    %swap3A_165 = arith.index_cast %swap3A_164 : i32 to index
    %swap3A_166 = arith.constant 64 : index
    %swap3A_167 = tpu.vector_load %arg14[%swap3A_165, %swap3A_166] {strides = array<i32>} : memref<16x128xf32, #tpu.memory_space<vmem>>, vector<1x16xf32>,
    %swap3A_168 = vector.shape_cast %swap3A_167 : vector<1x16xf32> to vector<16xf32>
    %swap3A_169 = vector.shape_cast %broadcast_in_dim3A_163 : vector<16xf32> to vector<1x16xf32>
    tpu.vector_store %arg14[%swap3A_165, %swap3A_166], %swap3A_169 {strides = array<i32>} : memref<16x128xf32, #tpu.memory_space<vmem>>, vector<1x16xf32>,
    %broadcast_in_dim3A_170 = arith.constant 0.000000e+00 : f32
    %broadcast_in_dim3A_171 = vector.broadcast %broadcast_in_dim3A_170 : f32 to vector<16xf32>
    %swap3A_172 = arith.constant 1 : i32
    %swap3A_173 = arith.index_cast %swap3A_172 : i32 to index
    %swap3A_174 = arith.constant 80 : index
    %swap3A_175 = tpu.vector_load %arg14[%swap3A_173, %swap3A_174] {strides = array<i32>} : memref<16x128xf32, #tpu.memory_space<vmem>>, vector<1x16xf32>,
    %swap3A_176 = vector.shape_cast %swap3A_175 : vector<1x16xf32> to vector<16xf32>
    %swap3A_177 = vector.shape_cast %broadcast_in_dim3A_171 : vector<16xf32> to vector<1x16xf32>
    tpu.vector_store %arg14[%swap3A_173, %swap3A_174], %swap3A_177 {strides = array<i32>} : memref<16x128xf32, #tpu.memory_space<vmem>>, vector<1x16xf32>,
    %broadcast_in_dim3A_178 = arith.constant 0.000000e+00 : f32
    %broadcast_in_dim3A_179 = vector.broadcast %broadcast_in_dim3A_178 : f32 to vector<16xf32>
    %swap3A_180 = arith.constant 1 : i32
    %swap3A_181 = arith.index_cast %swap3A_180 : i32 to index
    %swap3A_182 = arith.constant 96 : index
    %swap3A_183 = tpu.vector_load %arg14[%swap3A_181, %swap3A_182] {strides = array<i32>} : memref<16x128xf32, #tpu.memory_space<vmem>>, vector<1x16xf32>,
    %swap3A_184 = vector.shape_cast %swap3A_183 : vector<1x16xf32> to vector<16xf32>
    %swap3A_185 = vector.shape_cast %broadcast_in_dim3A_179 : vector<16xf32> to vector<1x16xf32>
    tpu.vector_store %arg14[%swap3A_181, %swap3A_182], %swap3A_185 {strides = array<i32>} : memref<16x128xf32, #tpu.memory_space<vmem>>, vector<1x16xf32>,
    %broadcast_in_dim3A_186 = arith.constant 0.000000e+00 : f32
    %broadcast_in_dim3A_187 = vector.broadcast %broadcast_in_dim3A_186 : f32 to vector<16xf32>
    %swap3A_188 = arith.constant 1 : i32
    %swap3A_189 = arith.index_cast %swap3A_188 : i32 to index
    %swap3A_190 = arith.constant 112 : index
    %swap3A_191 = tpu.vector_load %arg14[%swap3A_189, %swap3A_190] {strides = array<i32>} : memref<16x128xf32, #tpu.memory_space<vmem>>, vector<1x16xf32>,
    %swap3A_192 = vector.shape_cast %swap3A_191 : vector<1x16xf32> to vector<16xf32>
    %swap3A_193 = vector.shape_cast %broadcast_in_dim3A_187 : vector<16xf32> to vector<1x16xf32>
    tpu.vector_store %arg14[%swap3A_189, %swap3A_190], %swap3A_193 {strides = array<i32>} : memref<16x128xf32, #tpu.memory_space<vmem>>, vector<1x16xf32>,
    %broadcast_in_dim3A_194 = arith.constant 0.000000e+00 : f32
    %broadcast_in_dim3A_195 = vector.broadcast %broadcast_in_dim3A_194 : f32 to vector<16xf32>
    %swap3A_196 = arith.constant 2 : i32
    %swap3A_197 = arith.index_cast %swap3A_196 : i32 to index
    %swap3A_198 = arith.constant 0 : index
    %swap3A_199 = tpu.vector_load %arg14[%swap3A_197, %swap3A_198] {strides = array<i32>} : memref<16x128xf32, #tpu.memory_space<vmem>>, vector<1x16xf32>,
    %swap3A_200 = vector.shape_cast %swap3A_199 : vector<1x16xf32> to vector<16xf32>
    %swap3A_201 = vector.shape_cast %broadcast_in_dim3A_195 : vector<16xf32> to vector<1x16xf32>
    tpu.vector_store %arg14[%swap3A_197, %swap3A_198], %swap3A_201 {strides = array<i32>} : memref<16x128xf32, #tpu.memory_space<vmem>>, vector<1x16xf32>,
    %broadcast_in_dim3A_202 = arith.constant 0.000000e+00 : f32
    %broadcast_in_dim3A_203 = vector.broadcast %broadcast_in_dim3A_202 : f32 to vector<16xf32>
    %swap3A_204 = arith.constant 2 : i32
    %swap3A_205 = arith.index_cast %swap3A_204 : i32 to index
    %swap3A_206 = arith.constant 16 : index
    %swap3A_207 = tpu.vector_load %arg14[%swap3A_205, %swap3A_206] {strides = array<i32>} : memref<16x128xf32, #tpu.memory_space<vmem>>, vector<1x16xf32>,
    %swap3A_208 = vector.shape_cast %swap3A_207 : vector<1x16xf32> to vector<16xf32>
    %swap3A_209 = vector.shape_cast %broadcast_in_dim3A_203 : vector<16xf32> to vector<1x16xf32>
    tpu.vector_store %arg14[%swap3A_205, %swap3A_206], %swap3A_209 {strides = array<i32>} : memref<16x128xf32, #tpu.memory_space<vmem>>, vector<1x16xf32>,
    %broadcast_in_dim3A_210 = arith.constant 0.000000e+00 : f32
    %broadcast_in_dim3A_211 = vector.broadcast %broadcast_in_dim3A_210 : f32 to vector<16xf32>
    %swap3A_212 = arith.constant 2 : i32
    %swap3A_213 = arith.index_cast %swap3A_212 : i32 to index
    %swap3A_214 = arith.constant 32 : index
    %swap3A_215 = tpu.vector_load %arg14[%swap3A_213, %swap3A_214] {strides = array<i32>} : memref<16x128xf32, #tpu.memory_space<vmem>>, vector<1x16xf32>,
    %swap3A_216 = vector.shape_cast %swap3A_215 : vector<1x16xf32> to vector<16xf32>
    %swap3A_217 = vector.shape_cast %broadcast_in_dim3A_211 : vector<16xf32> to vector<1x16xf32>
    tpu.vector_store %arg14[%swap3A_213, %swap3A_214], %swap3A_217 {strides = array<i32>} : memref<16x128xf32, #tpu.memory_space<vmem>>, vector<1x16xf32>,
    %broadcast_in_dim3A_218 = arith.constant 0.000000e+00 : f32
    %broadcast_in_dim3A_219 = vector.broadcast %broadcast_in_dim3A_218 : f32 to vector<16xf32>
    %swap3A_220 = arith.constant 2 : i32
    %swap3A_221 = arith.index_cast %swap3A_220 : i32 to index
    %swap3A_222 = arith.constant 48 : index
    %swap3A_223 = tpu.vector_load %arg14[%swap3A_221, %swap3A_222] {strides = array<i32>} : memref<16x128xf32, #tpu.memory_space<vmem>>, vector<1x16xf32>,
    %swap3A_224 = vector.shape_cast %swap3A_223 : vector<1x16xf32> to vector<16xf32>
    %swap3A_225 = vector.shape_cast %broadcast_in_dim3A_219 : vector<16xf32> to vector<1x16xf32>
    tpu.vector_store %arg14[%swap3A_221, %swap3A_222], %swap3A_225 {strides = array<i32>} : memref<16x128xf32, #tpu.memory_space<vmem>>, vector<1x16xf32>,
    %broadcast_in_dim3A_226 = arith.constant 0.000000e+00 : f32
    %broadcast_in_dim3A_227 = vector.broadcast %broadcast_in_dim3A_226 : f32 to vector<16xf32>
    %swap3A_228 = arith.constant 2 : i32
    %swap3A_229 = arith.index_cast %swap3A_228 : i32 to index
    %swap3A_230 = arith.constant 64 : index
    %swap3A_231 = tpu.vector_load %arg14[%swap3A_229, %swap3A_230] {strides = array<i32>} : memref<16x128xf32, #tpu.memory_space<vmem>>, vector<1x16xf32>,
    %swap3A_232 = vector.shape_cast %swap3A_231 : vector<1x16xf32> to vector<16xf32>
    %swap3A_233 = vector.shape_cast %broadcast_in_dim3A_227 : vector<16xf32> to vector<1x16xf32>
    tpu.vector_store %arg14[%swap3A_229, %swap3A_230], %swap3A_233 {strides = array<i32>} : memref<16x128xf32, #tpu.memory_space<vmem>>, vector<1x16xf32>,
    %broadcast_in_dim3A_234 = arith.constant 0.000000e+00 : f32
    %broadcast_in_dim3A_235 = vector.broadcast %broadcast_in_dim3A_234 : f32 to vector<16xf32>
    %swap3A_236 = arith.constant 2 : i32
    %swap3A_237 = arith.index_cast %swap3A_236 : i32 to index
    %swap3A_238 = arith.constant 80 : index
    %swap3A_239 = tpu.vector_load %arg14[%swap3A_237, %swap3A_238] {strides = array<i32>} : memref<16x128xf32, #tpu.memory_space<vmem>>, vector<1x16xf32>,
    %swap3A_240 = vector.shape_cast %swap3A_239 : vector<1x16xf32> to vector<16xf32>
    %swap3A_241 = vector.shape_cast %broadcast_in_dim3A_235 : vector<16xf32> to vector<1x16xf32>
    tpu.vector_store %arg14[%swap3A_237, %swap3A_238], %swap3A_241 {strides = array<i32>} : memref<16x128xf32, #tpu.memory_space<vmem>>, vector<1x16xf32>,
    %broadcast_in_dim3A_242 = arith.constant 0.000000e+00 : f32
    %broadcast_in_dim3A_243 = vector.broadcast %broadcast_in_dim3A_242 : f32 to vector<16xf32>
    %swap3A_244 = arith.constant 2 : i32
    %swap3A_245 = arith.index_cast %swap3A_244 : i32 to index
    %swap3A_246 = arith.constant 96 : index
    %swap3A_247 = tpu.vector_load %arg14[%swap3A_245, %swap3A_246] {strides = array<i32>} : memref<16x128xf32, #tpu.memory_space<vmem>>, vector<1x16xf32>,
    %swap3A_248 = vector.shape_cast %swap3A_247 : vector<1x16xf32> to vector<16xf32>
    %swap3A_249 = vector.shape_cast %broadcast_in_dim3A_243 : vector<16xf32> to vector<1x16xf32>
    tpu.vector_store %arg14[%swap3A_245, %swap3A_246], %swap3A_249 {strides = array<i32>} : memref<16x128xf32, #tpu.memory_space<vmem>>, vector<1x16xf32>,
    %broadcast_in_dim3A_250 = arith.constant 0.000000e+00 : f32
    %broadcast_in_dim3A_251 = vector.broadcast %broadcast_in_dim3A_250 : f32 to vector<16xf32>
    %swap3A_252 = arith.constant 2 : i32
    %swap3A_253 = arith.index_cast %swap3A_252 : i32 to index
    %swap3A_254 = arith.constant 112 : index
    %swap3A_255 = tpu.vector_load %arg14[%swap3A_253, %swap3A_254] {strides = array<i32>} : memref<16x128xf32, #tpu.memory_space<vmem>>, vector<1x16xf32>,
    %swap3A_256 = vector.shape_cast %swap3A_255 : vector<1x16xf32> to vector<16xf32>
    %swap3A_257 = vector.shape_cast %broadcast_in_dim3A_251 : vector<16xf32> to vector<1x16xf32>
    tpu.vector_store %arg14[%swap3A_253, %swap3A_254], %swap3A_257 {strides = array<i32>} : memref<16x128xf32, #tpu.memory_space<vmem>>, vector<1x16xf32>,
    %broadcast_in_dim3A_258 = arith.constant 0.000000e+00 : f32
    %broadcast_in_dim3A_259 = vector.broadcast %broadcast_in_dim3A_258 : f32 to vector<16xf32>
    %swap3A_260 = arith.constant 3 : i32
    %swap3A_261 = arith.index_cast %swap3A_260 : i32 to index
    %swap3A_262 = arith.constant 0 : index
    %swap3A_263 = tpu.vector_load %arg14[%swap3A_261, %swap3A_262] {strides = array<i32>} : memref<16x128xf32, #tpu.memory_space<vmem>>, vector<1x16xf32>,
    %swap3A_264 = vector.shape_cast %swap3A_263 : vector<1x16xf32> to vector<16xf32>
    %swap3A_265 = vector.shape_cast %broadcast_in_dim3A_259 : vector<16xf32> to vector<1x16xf32>
    tpu.vector_store %arg14[%swap3A_261, %swap3A_262], %swap3A_265 {strides = array<i32>} : memref<16x128xf32, #tpu.memory_space<vmem>>, vector<1x16xf32>,
    %broadcast_in_dim3A_266 = arith.constant 0.000000e+00 : f32
    %broadcast_in_dim3A_267 = vector.broadcast %broadcast_in_dim3A_266 : f32 to vector<16xf32>
    %swap3A_268 = arith.constant 3 : i32
    %swap3A_269 = arith.index_cast %swap3A_268 : i32 to index
    %swap3A_270 = arith.constant 16 : index
    %swap3A_271 = tpu.vector_load %arg14[%swap3A_269, %swap3A_270] {strides = array<i32>} : memref<16x128xf32, #tpu.memory_space<vmem>>, vector<1x16xf32>,
    %swap3A_272 = vector.shape_cast %swap3A_271 : vector<1x16xf32> to vector<16xf32>
    %swap3A_273 = vector.shape_cast %broadcast_in_dim3A_267 : vector<16xf32> to vector<1x16xf32>
    tpu.vector_store %arg14[%swap3A_269, %swap3A_270], %swap3A_273 {strides = array<i32>} : memref<16x128xf32, #tpu.memory_space<vmem>>, vector<1x16xf32>,
    %broadcast_in_dim3A_274 = arith.constant 0.000000e+00 : f32
    %broadcast_in_dim3A_275 = vector.broadcast %broadcast_in_dim3A_274 : f32 to vector<16xf32>
    %swap3A_276 = arith.constant 3 : i32
    %swap3A_277 = arith.index_cast %swap3A_276 : i32 to index
    %swap3A_278 = arith.constant 32 : index
    %swap3A_279 = tpu.vector_load %arg14[%swap3A_277, %swap3A_278] {strides = array<i32>} : memref<16x128xf32, #tpu.memory_space<vmem>>, vector<1x16xf32>,
    %swap3A_280 = vector.shape_cast %swap3A_279 : vector<1x16xf32> to vector<16xf32>
    %swap3A_281 = vector.shape_cast %broadcast_in_dim3A_275 : vector<16xf32> to vector<1x16xf32>
    tpu.vector_store %arg14[%swap3A_277, %swap3A_278], %swap3A_281 {strides = array<i32>} : memref<16x128xf32, #tpu.memory_space<vmem>>, vector<1x16xf32>,
    %broadcast_in_dim3A_282 = arith.constant 0.000000e+00 : f32
    %broadcast_in_dim3A_283 = vector.broadcast %broadcast_in_dim3A_282 : f32 to vector<16xf32>
    %swap3A_284 = arith.constant 3 : i32
    %swap3A_285 = arith.index_cast %swap3A_284 : i32 to index
    %swap3A_286 = arith.constant 48 : index
    %swap3A_287 = tpu.vector_load %arg14[%swap3A_285, %swap3A_286] {strides = array<i32>} : memref<16x128xf32, #tpu.memory_space<vmem>>, vector<1x16xf32>,
    %swap3A_288 = vector.shape_cast %swap3A_287 : vector<1x16xf32> to vector<16xf32>
    %swap3A_289 = vector.shape_cast %broadcast_in_dim3A_283 : vector<16xf32> to vector<1x16xf32>
    tpu.vector_store %arg14[%swap3A_285, %swap3A_286], %swap3A_289 {strides = array<i32>} : memref<16x128xf32, #tpu.memory_space<vmem>>, vector<1x16xf32>,
    %broadcast_in_dim3A_290 = arith.constant 0.000000e+00 : f32
    %broadcast_in_dim3A_291 = vector.broadcast %broadcast_in_dim3A_290 : f32 to vector<16xf32>
    %swap3A_292 = arith.constant 3 : i32
    %swap3A_293 = arith.index_cast %swap3A_292 : i32 to index
    %swap3A_294 = arith.constant 64 : index
    %swap3A_295 = tpu.vector_load %arg14[%swap3A_293, %swap3A_294] {strides = array<i32>} : memref<16x128xf32, #tpu.memory_space<vmem>>, vector<1x16xf32>,
    %swap3A_296 = vector.shape_cast %swap3A_295 : vector<1x16xf32> to vector<16xf32>
    %swap3A_297 = vector.shape_cast %broadcast_in_dim3A_291 : vector<16xf32> to vector<1x16xf32>
    tpu.vector_store %arg14[%swap3A_293, %swap3A_294], %swap3A_297 {strides = array<i32>} : memref<16x128xf32, #tpu.memory_space<vmem>>, vector<1x16xf32>,
    %broadcast_in_dim3A_298 = arith.constant 0.000000e+00 : f32
    %broadcast_in_dim3A_299 = vector.broadcast %broadcast_in_dim3A_298 : f32 to vector<16xf32>
    %swap3A_300 = arith.constant 3 : i32
    %swap3A_301 = arith.index_cast %swap3A_300 : i32 to index
    %swap3A_302 = arith.constant 80 : index
    %swap3A_303 = tpu.vector_load %arg14[%swap3A_301, %swap3A_302] {strides = array<i32>} : memref<16x128xf32, #tpu.memory_space<vmem>>, vector<1x16xf32>,
    %swap3A_304 = vector.shape_cast %swap3A_303 : vector<1x16xf32> to vector<16xf32>
    %swap3A_305 = vector.shape_cast %broadcast_in_dim3A_299 : vector<16xf32> to vector<1x16xf32>
    tpu.vector_store %arg14[%swap3A_301, %swap3A_302], %swap3A_305 {strides = array<i32>} : memref<16x128xf32, #tpu.memory_space<vmem>>, vector<1x16xf32>,
    %broadcast_in_dim3A_306 = arith.constant 0.000000e+00 : f32
    %broadcast_in_dim3A_307 = vector.broadcast %broadcast_in_dim3A_306 : f32 to vector<16xf32>
    %swap3A_308 = arith.constant 3 : i32
    %swap3A_309 = arith.index_cast %swap3A_308 : i32 to index
    %swap3A_310 = arith.constant 96 : index
    %swap3A_311 = tpu.vector_load %arg14[%swap3A_309, %swap3A_310] {strides = array<i32>} : memref<16x128xf32, #tpu.memory_space<vmem>>, vector<1x16xf32>,
    %swap3A_312 = vector.shape_cast %swap3A_311 : vector<1x16xf32> to vector<16xf32>
    %swap3A_313 = vector.shape_cast %broadcast_in_dim3A_307 : vector<16xf32> to vector<1x16xf32>
    tpu.vector_store %arg14[%swap3A_309, %swap3A_310], %swap3A_313 {strides = array<i32>} : memref<16x128xf32, #tpu.memory_space<vmem>>, vector<1x16xf32>,
    %broadcast_in_dim3A_314 = arith.constant 0.000000e+00 : f32
    %broadcast_in_dim3A_315 = vector.broadcast %broadcast_in_dim3A_314 : f32 to vector<16xf32>
    %swap3A_316 = arith.constant 3 : i32
    %swap3A_317 = arith.index_cast %swap3A_316 : i32 to index
    %swap3A_318 = arith.constant 112 : index
    %swap3A_319 = tpu.vector_load %arg14[%swap3A_317, %swap3A_318] {strides = array<i32>} : memref<16x128xf32, #tpu.memory_space<vmem>>, vector<1x16xf32>,
    %swap3A_320 = vector.shape_cast %swap3A_319 : vector<1x16xf32> to vector<16xf32>
    %swap3A_321 = vector.shape_cast %broadcast_in_dim3A_315 : vector<16xf32> to vector<1x16xf32>
    tpu.vector_store %arg14[%swap3A_317, %swap3A_318], %swap3A_321 {strides = array<i32>} : memref<16x128xf32, #tpu.memory_space<vmem>>, vector<1x16xf32>,
    %broadcast_in_dim3A_322 = arith.constant 0.000000e+00 : f32
    %broadcast_in_dim3A_323 = vector.broadcast %broadcast_in_dim3A_322 : f32 to vector<16xf32>
    %swap3A_324 = arith.constant 4 : i32
    %swap3A_325 = arith.index_cast %swap3A_324 : i32 to index
    %swap3A_326 = arith.constant 0 : index
    %swap3A_327 = tpu.vector_load %arg14[%swap3A_325, %swap3A_326] {strides = array<i32>} : memref<16x128xf32, #tpu.memory_space<vmem>>, vector<1x16xf32>,
    %swap3A_328 = vector.shape_cast %swap3A_327 : vector<1x16xf32> to vector<16xf32>
    %swap3A_329 = vector.shape_cast %broadcast_in_dim3A_323 : vector<16xf32> to vector<1x16xf32>
    tpu.vector_store %arg14[%swap3A_325, %swap3A_326], %swap3A_329 {strides = array<i32>} : memref<16x128xf32, #tpu.memory_space<vmem>>, vector<1x16xf32>,
    %broadcast_in_dim3A_330 = arith.constant 0.000000e+00 : f32
    %broadcast_in_dim3A_331 = vector.broadcast %broadcast_in_dim3A_330 : f32 to vector<16xf32>
    %swap3A_332 = arith.constant 4 : i32
    %swap3A_333 = arith.index_cast %swap3A_332 : i32 to index
    %swap3A_334 = arith.constant 16 : index
    %swap3A_335 = tpu.vector_load %arg14[%swap3A_333, %swap3A_334] {strides = array<i32>} : memref<16x128xf32, #tpu.memory_space<vmem>>, vector<1x16xf32>,
    %swap3A_336 = vector.shape_cast %swap3A_335 : vector<1x16xf32> to vector<16xf32>
    %swap3A_337 = vector.shape_cast %broadcast_in_dim3A_331 : vector<16xf32> to vector<1x16xf32>
    tpu.vector_store %arg14[%swap3A_333, %swap3A_334], %swap3A_337 {strides = array<i32>} : memref<16x128xf32, #tpu.memory_space<vmem>>, vector<1x16xf32>,
    %broadcast_in_dim3A_338 = arith.constant 0.000000e+00 : f32
    %broadcast_in_dim3A_339 = vector.broadcast %broadcast_in_dim3A_338 : f32 to vector<16xf32>
    %swap3A_340 = arith.constant 4 : i32
    %swap3A_341 = arith.index_cast %swap3A_340 : i32 to index
    %swap3A_342 = arith.constant 32 : index
    %swap3A_343 = tpu.vector_load %arg14[%swap3A_341, %swap3A_342] {strides = array<i32>} : memref<16x128xf32, #tpu.memory_space<vmem>>, vector<1x16xf32>,
    %swap3A_344 = vector.shape_cast %swap3A_343 : vector<1x16xf32> to vector<16xf32>
    %swap3A_345 = vector.shape_cast %broadcast_in_dim3A_339 : vector<16xf32> to vector<1x16xf32>
    tpu.vector_store %arg14[%swap3A_341, %swap3A_342], %swap3A_345 {strides = array<i32>} : memref<16x128xf32, #tpu.memory_space<vmem>>, vector<1x16xf32>,
    %broadcast_in_dim3A_346 = arith.constant 0.000000e+00 : f32
    %broadcast_in_dim3A_347 = vector.broadcast %broadcast_in_dim3A_346 : f32 to vector<16xf32>
    %swap3A_348 = arith.constant 4 : i32
    %swap3A_349 = arith.index_cast %swap3A_348 : i32 to index
    %swap3A_350 = arith.constant 48 : index
    %swap3A_351 = tpu.vector_load %arg14[%swap3A_349, %swap3A_350] {strides = array<i32>} : memref<16x128xf32, #tpu.memory_space<vmem>>, vector<1x16xf32>,
    %swap3A_352 = vector.shape_cast %swap3A_351 : vector<1x16xf32> to vector<16xf32>
    %swap3A_353 = vector.shape_cast %broadcast_in_dim3A_347 : vector<16xf32> to vector<1x16xf32>
    tpu.vector_store %arg14[%swap3A_349, %swap3A_350], %swap3A_353 {strides = array<i32>} : memref<16x128xf32, #tpu.memory_space<vmem>>, vector<1x16xf32>,
    %broadcast_in_dim3A_354 = arith.constant 0.000000e+00 : f32
    %broadcast_in_dim3A_355 = vector.broadcast %broadcast_in_dim3A_354 : f32 to vector<16xf32>
    %swap3A_356 = arith.constant 4 : i32
    %swap3A_357 = arith.index_cast %swap3A_356 : i32 to index
    %swap3A_358 = arith.constant 64 : index
    %swap3A_359 = tpu.vector_load %arg14[%swap3A_357, %swap3A_358] {strides = array<i32>} : memref<16x128xf32, #tpu.memory_space<vmem>>, vector<1x16xf32>,
    %swap3A_360 = vector.shape_cast %swap3A_359 : vector<1x16xf32> to vector<16xf32>
    %swap3A_361 = vector.shape_cast %broadcast_in_dim3A_355 : vector<16xf32> to vector<1x16xf32>
    tpu.vector_store %arg14[%swap3A_357, %swap3A_358], %swap3A_361 {strides = array<i32>} : memref<16x128xf32, #tpu.memory_space<vmem>>, vector<1x16xf32>,
    %broadcast_in_dim3A_362 = arith.constant 0.000000e+00 : f32
    %broadcast_in_dim3A_363 = vector.broadcast %broadcast_in_dim3A_362 : f32 to vector<16xf32>
    %swap3A_364 = arith.constant 4 : i32
    %swap3A_365 = arith.index_cast %swap3A_364 : i32 to index
    %swap3A_366 = arith.constant 80 : index
    %swap3A_367 = tpu.vector_load %arg14[%swap3A_365, %swap3A_366] {strides = array<i32>} : memref<16x128xf32, #tpu.memory_space<vmem>>, vector<1x16xf32>,
    %swap3A_368 = vector.shape_cast %swap3A_367 : vector<1x16xf32> to vector<16xf32>
    %swap3A_369 = vector.shape_cast %broadcast_in_dim3A_363 : vector<16xf32> to vector<1x16xf32>
    tpu.vector_store %arg14[%swap3A_365, %swap3A_366], %swap3A_369 {strides = array<i32>} : memref<16x128xf32, #tpu.memory_space<vmem>>, vector<1x16xf32>,
    %broadcast_in_dim3A_370 = arith.constant 0.000000e+00 : f32
    %broadcast_in_dim3A_371 = vector.broadcast %broadcast_in_dim3A_370 : f32 to vector<16xf32>
    %swap3A_372 = arith.constant 4 : i32
    %swap3A_373 = arith.index_cast %swap3A_372 : i32 to index
    %swap3A_374 = arith.constant 96 : index
    %swap3A_375 = tpu.vector_load %arg14[%swap3A_373, %swap3A_374] {strides = array<i32>} : memref<16x128xf32, #tpu.memory_space<vmem>>, vector<1x16xf32>,
    %swap3A_376 = vector.shape_cast %swap3A_375 : vector<1x16xf32> to vector<16xf32>
    %swap3A_377 = vector.shape_cast %broadcast_in_dim3A_371 : vector<16xf32> to vector<1x16xf32>
    tpu.vector_store %arg14[%swap3A_373, %swap3A_374], %swap3A_377 {strides = array<i32>} : memref<16x128xf32, #tpu.memory_space<vmem>>, vector<1x16xf32>,
    %broadcast_in_dim3A_378 = arith.constant 0.000000e+00 : f32
    %broadcast_in_dim3A_379 = vector.broadcast %broadcast_in_dim3A_378 : f32 to vector<16xf32>
    %swap3A_380 = arith.constant 4 : i32
    %swap3A_381 = arith.index_cast %swap3A_380 : i32 to index
    %swap3A_382 = arith.constant 112 : index
    %swap3A_383 = tpu.vector_load %arg14[%swap3A_381, %swap3A_382] {strides = array<i32>} : memref<16x128xf32, #tpu.memory_space<vmem>>, vector<1x16xf32>,
    %swap3A_384 = vector.shape_cast %swap3A_383 : vector<1x16xf32> to vector<16xf32>
    %swap3A_385 = vector.shape_cast %broadcast_in_dim3A_379 : vector<16xf32> to vector<1x16xf32>
    tpu.vector_store %arg14[%swap3A_381, %swap3A_382], %swap3A_385 {strides = array<i32>} : memref<16x128xf32, #tpu.memory_space<vmem>>, vector<1x16xf32>,
    %broadcast_in_dim3A_386 = arith.constant 0.000000e+00 : f32
    %broadcast_in_dim3A_387 = vector.broadcast %broadcast_in_dim3A_386 : f32 to vector<16xf32>
    %swap3A_388 = arith.constant 5 : i32
    %swap3A_389 = arith.index_cast %swap3A_388 : i32 to index
    %swap3A_390 = arith.constant 0 : index
    %swap3A_391 = tpu.vector_load %arg14[%swap3A_389, %swap3A_390] {strides = array<i32>} : memref<16x128xf32, #tpu.memory_space<vmem>>, vector<1x16xf32>,
    %swap3A_392 = vector.shape_cast %swap3A_391 : vector<1x16xf32> to vector<16xf32>
    %swap3A_393 = vector.shape_cast %broadcast_in_dim3A_387 : vector<16xf32> to vector<1x16xf32>
    tpu.vector_store %arg14[%swap3A_389, %swap3A_390], %swap3A_393 {strides = array<i32>} : memref<16x128xf32, #tpu.memory_space<vmem>>, vector<1x16xf32>,
    %broadcast_in_dim3A_394 = arith.constant 0.000000e+00 : f32
    %broadcast_in_dim3A_395 = vector.broadcast %broadcast_in_dim3A_394 : f32 to vector<16xf32>
    %swap3A_396 = arith.constant 5 : i32
    %swap3A_397 = arith.index_cast %swap3A_396 : i32 to index
    %swap3A_398 = arith.constant 16 : index
    %swap3A_399 = tpu.vector_load %arg14[%swap3A_397, %swap3A_398] {strides = array<i32>} : memref<16x128xf32, #tpu.memory_space<vmem>>, vector<1x16xf32>,
    %swap3A_400 = vector.shape_cast %swap3A_399 : vector<1x16xf32> to vector<16xf32>
    %swap3A_401 = vector.shape_cast %broadcast_in_dim3A_395 : vector<16xf32> to vector<1x16xf32>
    tpu.vector_store %arg14[%swap3A_397, %swap3A_398], %swap3A_401 {strides = array<i32>} : memref<16x128xf32, #tpu.memory_space<vmem>>, vector<1x16xf32>,
    %broadcast_in_dim3A_402 = arith.constant 0.000000e+00 : f32
    %broadcast_in_dim3A_403 = vector.broadcast %broadcast_in_dim3A_402 : f32 to vector<16xf32>
    %swap3A_404 = arith.constant 5 : i32
    %swap3A_405 = arith.index_cast %swap3A_404 : i32 to index
    %swap3A_406 = arith.constant 32 : index
    %swap3A_407 = tpu.vector_load %arg14[%swap3A_405, %swap3A_406] {strides = array<i32>} : memref<16x128xf32, #tpu.memory_space<vmem>>, vector<1x16xf32>,
    %swap3A_408 = vector.shape_cast %swap3A_407 : vector<1x16xf32> to vector<16xf32>
    %swap3A_409 = vector.shape_cast %broadcast_in_dim3A_403 : vector<16xf32> to vector<1x16xf32>
    tpu.vector_store %arg14[%swap3A_405, %swap3A_406], %swap3A_409 {strides = array<i32>} : memref<16x128xf32, #tpu.memory_space<vmem>>, vector<1x16xf32>,
    %broadcast_in_dim3A_410 = arith.constant 0.000000e+00 : f32
    %broadcast_in_dim3A_411 = vector.broadcast %broadcast_in_dim3A_410 : f32 to vector<16xf32>
    %swap3A_412 = arith.constant 5 : i32
    %swap3A_413 = arith.index_cast %swap3A_412 : i32 to index
    %swap3A_414 = arith.constant 48 : index
    %swap3A_415 = tpu.vector_load %arg14[%swap3A_413, %swap3A_414] {strides = array<i32>} : memref<16x128xf32, #tpu.memory_space<vmem>>, vector<1x16xf32>,
    %swap3A_416 = vector.shape_cast %swap3A_415 : vector<1x16xf32> to vector<16xf32>
    %swap3A_417 = vector.shape_cast %broadcast_in_dim3A_411 : vector<16xf32> to vector<1x16xf32>
    tpu.vector_store %arg14[%swap3A_413, %swap3A_414], %swap3A_417 {strides = array<i32>} : memref<16x128xf32, #tpu.memory_space<vmem>>, vector<1x16xf32>,
    %broadcast_in_dim3A_418 = arith.constant 0.000000e+00 : f32
    %broadcast_in_dim3A_419 = vector.broadcast %broadcast_in_dim3A_418 : f32 to vector<16xf32>
    %swap3A_420 = arith.constant 5 : i32
    %swap3A_421 = arith.index_cast %swap3A_420 : i32 to index
    %swap3A_422 = arith.constant 64 : index
    %swap3A_423 = tpu.vector_load %arg14[%swap3A_421, %swap3A_422] {strides = array<i32>} : memref<16x128xf32, #tpu.memory_space<vmem>>, vector<1x16xf32>,
    %swap3A_424 = vector.shape_cast %swap3A_423 : vector<1x16xf32> to vector<16xf32>
    %swap3A_425 = vector.shape_cast %broadcast_in_dim3A_419 : vector<16xf32> to vector<1x16xf32>
    tpu.vector_store %arg14[%swap3A_421, %swap3A_422], %swap3A_425 {strides = array<i32>} : memref<16x128xf32, #tpu.memory_space<vmem>>, vector<1x16xf32>,
    %broadcast_in_dim3A_426 = arith.constant 0.000000e+00 : f32
    %broadcast_in_dim3A_427 = vector.broadcast %broadcast_in_dim3A_426 : f32 to vector<16xf32>
    %swap3A_428 = arith.constant 5 : i32
    %swap3A_429 = arith.index_cast %swap3A_428 : i32 to index
    %swap3A_430 = arith.constant 80 : index
    %swap3A_431 = tpu.vector_load %arg14[%swap3A_429, %swap3A_430] {strides = array<i32>} : memref<16x128xf32, #tpu.memory_space<vmem>>, vector<1x16xf32>,
    %swap3A_432 = vector.shape_cast %swap3A_431 : vector<1x16xf32> to vector<16xf32>
    %swap3A_433 = vector.shape_cast %broadcast_in_dim3A_427 : vector<16xf32> to vector<1x16xf32>
    tpu.vector_store %arg14[%swap3A_429, %swap3A_430], %swap3A_433 {strides = array<i32>} : memref<16x128xf32, #tpu.memory_space<vmem>>, vector<1x16xf32>,
    %broadcast_in_dim3A_434 = arith.constant 0.000000e+00 : f32
    %broadcast_in_dim3A_435 = vector.broadcast %broadcast_in_dim3A_434 : f32 to vector<16xf32>
    %swap3A_436 = arith.constant 5 : i32
    %swap3A_437 = arith.index_cast %swap3A_436 : i32 to index
    %swap3A_438 = arith.constant 96 : index
    %swap3A_439 = tpu.vector_load %arg14[%swap3A_437, %swap3A_438] {strides = array<i32>} : memref<16x128xf32, #tpu.memory_space<vmem>>, vector<1x16xf32>,
    %swap3A_440 = vector.shape_cast %swap3A_439 : vector<1x16xf32> to vector<16xf32>
    %swap3A_441 = vector.shape_cast %broadcast_in_dim3A_435 : vector<16xf32> to vector<1x16xf32>
    tpu.vector_store %arg14[%swap3A_437, %swap3A_438], %swap3A_441 {strides = array<i32>} : memref<16x128xf32, #tpu.memory_space<vmem>>, vector<1x16xf32>,
    %broadcast_in_dim3A_442 = arith.constant 0.000000e+00 : f32
    %broadcast_in_dim3A_443 = vector.broadcast %broadcast_in_dim3A_442 : f32 to vector<16xf32>
    %swap3A_444 = arith.constant 5 : i32
    %swap3A_445 = arith.index_cast %swap3A_444 : i32 to index
    %swap3A_446 = arith.constant 112 : index
    %swap3A_447 = tpu.vector_load %arg14[%swap3A_445, %swap3A_446] {strides = array<i32>} : memref<16x128xf32, #tpu.memory_space<vmem>>, vector<1x16xf32>,
    %swap3A_448 = vector.shape_cast %swap3A_447 : vector<1x16xf32> to vector<16xf32>
    %swap3A_449 = vector.shape_cast %broadcast_in_dim3A_443 : vector<16xf32> to vector<1x16xf32>
    tpu.vector_store %arg14[%swap3A_445, %swap3A_446], %swap3A_449 {strides = array<i32>} : memref<16x128xf32, #tpu.memory_space<vmem>>, vector<1x16xf32>,
    %broadcast_in_dim3A_450 = arith.constant 0.000000e+00 : f32
    %broadcast_in_dim3A_451 = vector.broadcast %broadcast_in_dim3A_450 : f32 to vector<16xf32>
    %swap3A_452 = arith.constant 6 : i32
    %swap3A_453 = arith.index_cast %swap3A_452 : i32 to index
    %swap3A_454 = arith.constant 0 : index
    %swap3A_455 = tpu.vector_load %arg14[%swap3A_453, %swap3A_454] {strides = array<i32>} : memref<16x128xf32, #tpu.memory_space<vmem>>, vector<1x16xf32>,
    %swap3A_456 = vector.shape_cast %swap3A_455 : vector<1x16xf32> to vector<16xf32>
    %swap3A_457 = vector.shape_cast %broadcast_in_dim3A_451 : vector<16xf32> to vector<1x16xf32>
    tpu.vector_store %arg14[%swap3A_453, %swap3A_454], %swap3A_457 {strides = array<i32>} : memref<16x128xf32, #tpu.memory_space<vmem>>, vector<1x16xf32>,
    %broadcast_in_dim3A_458 = arith.constant 0.000000e+00 : f32
    %broadcast_in_dim3A_459 = vector.broadcast %broadcast_in_dim3A_458 : f32 to vector<16xf32>
    %swap3A_460 = arith.constant 6 : i32
    %swap3A_461 = arith.index_cast %swap3A_460 : i32 to index
    %swap3A_462 = arith.constant 16 : index
    %swap3A_463 = tpu.vector_load %arg14[%swap3A_461, %swap3A_462] {strides = array<i32>} : memref<16x128xf32, #tpu.memory_space<vmem>>, vector<1x16xf32>,
    %swap3A_464 = vector.shape_cast %swap3A_463 : vector<1x16xf32> to vector<16xf32>
    %swap3A_465 = vector.shape_cast %broadcast_in_dim3A_459 : vector<16xf32> to vector<1x16xf32>
    tpu.vector_store %arg14[%swap3A_461, %swap3A_462], %swap3A_465 {strides = array<i32>} : memref<16x128xf32, #tpu.memory_space<vmem>>, vector<1x16xf32>,
    %broadcast_in_dim3A_466 = arith.constant 0.000000e+00 : f32
    %broadcast_in_dim3A_467 = vector.broadcast %broadcast_in_dim3A_466 : f32 to vector<16xf32>
    %swap3A_468 = arith.constant 6 : i32
    %swap3A_469 = arith.index_cast %swap3A_468 : i32 to index
    %swap3A_470 = arith.constant 32 : index
    %swap3A_471 = tpu.vector_load %arg14[%swap3A_469, %swap3A_470] {strides = array<i32>} : memref<16x128xf32, #tpu.memory_space<vmem>>, vector<1x16xf32>,
    %swap3A_472 = vector.shape_cast %swap3A_471 : vector<1x16xf32> to vector<16xf32>
    %swap3A_473 = vector.shape_cast %broadcast_in_dim3A_467 : vector<16xf32> to vector<1x16xf32>
    tpu.vector_store %arg14[%swap3A_469, %swap3A_470], %swap3A_473 {strides = array<i32>} : memref<16x128xf32, #tpu.memory_space<vmem>>, vector<1x16xf32>,
    %broadcast_in_dim3A_474 = arith.constant 0.000000e+00 : f32
    %broadcast_in_dim3A_475 = vector.broadcast %broadcast_in_dim3A_474 : f32 to vector<16xf32>
    %swap3A_476 = arith.constant 6 : i32
    %swap3A_477 = arith.index_cast %swap3A_476 : i32 to index
    %swap3A_478 = arith.constant 48 : index
    %swap3A_479 = tpu.vector_load %arg14[%swap3A_477, %swap3A_478] {strides = array<i32>} : memref<16x128xf32, #tpu.memory_space<vmem>>, vector<1x16xf32>,
    %swap3A_480 = vector.shape_cast %swap3A_479 : vector<1x16xf32> to vector<16xf32>
    %swap3A_481 = vector.shape_cast %broadcast_in_dim3A_475 : vector<16xf32> to vector<1x16xf32>
    tpu.vector_store %arg14[%swap3A_477, %swap3A_478], %swap3A_481 {strides = array<i32>} : memref<16x128xf32, #tpu.memory_space<vmem>>, vector<1x16xf32>,
    %broadcast_in_dim3A_482 = arith.constant 0.000000e+00 : f32
    %broadcast_in_dim3A_483 = vector.broadcast %broadcast_in_dim3A_482 : f32 to vector<16xf32>
    %swap3A_484 = arith.constant 6 : i32
    %swap3A_485 = arith.index_cast %swap3A_484 : i32 to index
    %swap3A_486 = arith.constant 64 : index
    %swap3A_487 = tpu.vector_load %arg14[%swap3A_485, %swap3A_486] {strides = array<i32>} : memref<16x128xf32, #tpu.memory_space<vmem>>, vector<1x16xf32>,
    %swap3A_488 = vector.shape_cast %swap3A_487 : vector<1x16xf32> to vector<16xf32>
    %swap3A_489 = vector.shape_cast %broadcast_in_dim3A_483 : vector<16xf32> to vector<1x16xf32>
    tpu.vector_store %arg14[%swap3A_485, %swap3A_486], %swap3A_489 {strides = array<i32>} : memref<16x128xf32, #tpu.memory_space<vmem>>, vector<1x16xf32>,
    %broadcast_in_dim3A_490 = arith.constant 0.000000e+00 : f32
    %broadcast_in_dim3A_491 = vector.broadcast %broadcast_in_dim3A_490 : f32 to vector<16xf32>
    %swap3A_492 = arith.constant 6 : i32
    %swap3A_493 = arith.index_cast %swap3A_492 : i32 to index
    %swap3A_494 = arith.constant 80 : index
    %swap3A_495 = tpu.vector_load %arg14[%swap3A_493, %swap3A_494] {strides = array<i32>} : memref<16x128xf32, #tpu.memory_space<vmem>>, vector<1x16xf32>,
    %swap3A_496 = vector.shape_cast %swap3A_495 : vector<1x16xf32> to vector<16xf32>
    %swap3A_497 = vector.shape_cast %broadcast_in_dim3A_491 : vector<16xf32> to vector<1x16xf32>
    tpu.vector_store %arg14[%swap3A_493, %swap3A_494], %swap3A_497 {strides = array<i32>} : memref<16x128xf32, #tpu.memory_space<vmem>>, vector<1x16xf32>,
    %broadcast_in_dim3A_498 = arith.constant 0.000000e+00 : f32
    %broadcast_in_dim3A_499 = vector.broadcast %broadcast_in_dim3A_498 : f32 to vector<16xf32>
    %swap3A_500 = arith.constant 6 : i32
    %swap3A_501 = arith.index_cast %swap3A_500 : i32 to index
    %swap3A_502 = arith.constant 96 : index
    %swap3A_503 = tpu.vector_load %arg14[%swap3A_501, %swap3A_502] {strides = array<i32>} : memref<16x128xf32, #tpu.memory_space<vmem>>, vector<1x16xf32>,
    %swap3A_504 = vector.shape_cast %swap3A_503 : vector<1x16xf32> to vector<16xf32>
    %swap3A_505 = vector.shape_cast %broadcast_in_dim3A_499 : vector<16xf32> to vector<1x16xf32>
    tpu.vector_store %arg14[%swap3A_501, %swap3A_502], %swap3A_505 {strides = array<i32>} : memref<16x128xf32, #tpu.memory_space<vmem>>, vector<1x16xf32>,
    %broadcast_in_dim3A_506 = arith.constant 0.000000e+00 : f32
    %broadcast_in_dim3A_507 = vector.broadcast %broadcast_in_dim3A_506 : f32 to vector<16xf32>
    %swap3A_508 = arith.constant 6 : i32
    %swap3A_509 = arith.index_cast %swap3A_508 : i32 to index
    %swap3A_510 = arith.constant 112 : index
    %swap3A_511 = tpu.vector_load %arg14[%swap3A_509, %swap3A_510] {strides = array<i32>} : memref<16x128xf32, #tpu.memory_space<vmem>>, vector<1x16xf32>,
    %swap3A_512 = vector.shape_cast %swap3A_511 : vector<1x16xf32> to vector<16xf32>
    %swap3A_513 = vector.shape_cast %broadcast_in_dim3A_507 : vector<16xf32> to vector<1x16xf32>
    tpu.vector_store %arg14[%swap3A_509, %swap3A_510], %swap3A_513 {strides = array<i32>} : memref<16x128xf32, #tpu.memory_space<vmem>>, vector<1x16xf32>,
    %broadcast_in_dim3A_514 = arith.constant 0.000000e+00 : f32
    %broadcast_in_dim3A_515 = vector.broadcast %broadcast_in_dim3A_514 : f32 to vector<16xf32>
    %swap3A_516 = arith.constant 7 : i32
    %swap3A_517 = arith.index_cast %swap3A_516 : i32 to index
    %swap3A_518 = arith.constant 0 : index
    %swap3A_519 = tpu.vector_load %arg14[%swap3A_517, %swap3A_518] {strides = array<i32>} : memref<16x128xf32, #tpu.memory_space<vmem>>, vector<1x16xf32>,
    %swap3A_520 = vector.shape_cast %swap3A_519 : vector<1x16xf32> to vector<16xf32>
    %swap3A_521 = vector.shape_cast %broadcast_in_dim3A_515 : vector<16xf32> to vector<1x16xf32>
    tpu.vector_store %arg14[%swap3A_517, %swap3A_518], %swap3A_521 {strides = array<i32>} : memref<16x128xf32, #tpu.memory_space<vmem>>, vector<1x16xf32>,
    %broadcast_in_dim3A_522 = arith.constant 0.000000e+00 : f32
    %broadcast_in_dim3A_523 = vector.broadcast %broadcast_in_dim3A_522 : f32 to vector<16xf32>
    %swap3A_524 = arith.constant 7 : i32
    %swap3A_525 = arith.index_cast %swap3A_524 : i32 to index
    %swap3A_526 = arith.constant 16 : index
    %swap3A_527 = tpu.vector_load %arg14[%swap3A_525, %swap3A_526] {strides = array<i32>} : memref<16x128xf32, #tpu.memory_space<vmem>>, vector<1x16xf32>,
    %swap3A_528 = vector.shape_cast %swap3A_527 : vector<1x16xf32> to vector<16xf32>
    %swap3A_529 = vector.shape_cast %broadcast_in_dim3A_523 : vector<16xf32> to vector<1x16xf32>
    tpu.vector_store %arg14[%swap3A_525, %swap3A_526], %swap3A_529 {strides = array<i32>} : memref<16x128xf32, #tpu.memory_space<vmem>>, vector<1x16xf32>,
    %broadcast_in_dim3A_530 = arith.constant 0.000000e+00 : f32
    %broadcast_in_dim3A_531 = vector.broadcast %broadcast_in_dim3A_530 : f32 to vector<16xf32>
    %swap3A_532 = arith.constant 7 : i32
    %swap3A_533 = arith.index_cast %swap3A_532 : i32 to index
    %swap3A_534 = arith.constant 32 : index
    %swap3A_535 = tpu.vector_load %arg14[%swap3A_533, %swap3A_534] {strides = array<i32>} : memref<16x128xf32, #tpu.memory_space<vmem>>, vector<1x16xf32>,
    %swap3A_536 = vector.shape_cast %swap3A_535 : vector<1x16xf32> to vector<16xf32>
    %swap3A_537 = vector.shape_cast %broadcast_in_dim3A_531 : vector<16xf32> to vector<1x16xf32>
    tpu.vector_store %arg14[%swap3A_533, %swap3A_534], %swap3A_537 {strides = array<i32>} : memref<16x128xf32, #tpu.memory_space<vmem>>, vector<1x16xf32>,
    %broadcast_in_dim3A_538 = arith.constant 0.000000e+00 : f32
    %broadcast_in_dim3A_539 = vector.broadcast %broadcast_in_dim3A_538 : f32 to vector<16xf32>
    %swap3A_540 = arith.constant 7 : i32
    %swap3A_541 = arith.index_cast %swap3A_540 : i32 to index
    %swap3A_542 = arith.constant 48 : index
    %swap3A_543 = tpu.vector_load %arg14[%swap3A_541, %swap3A_542] {strides = array<i32>} : memref<16x128xf32, #tpu.memory_space<vmem>>, vector<1x16xf32>,
    %swap3A_544 = vector.shape_cast %swap3A_543 : vector<1x16xf32> to vector<16xf32>
    %swap3A_545 = vector.shape_cast %broadcast_in_dim3A_539 : vector<16xf32> to vector<1x16xf32>
    tpu.vector_store %arg14[%swap3A_541, %swap3A_542], %swap3A_545 {strides = array<i32>} : memref<16x128xf32, #tpu.memory_space<vmem>>, vector<1x16xf32>,
    %broadcast_in_dim3A_546 = arith.constant 0.000000e+00 : f32
    %broadcast_in_dim3A_547 = vector.broadcast %broadcast_in_dim3A_546 : f32 to vector<16xf32>
    %swap3A_548 = arith.constant 7 : i32
    %swap3A_549 = arith.index_cast %swap3A_548 : i32 to index
    %swap3A_550 = arith.constant 64 : index
    %swap3A_551 = tpu.vector_load %arg14[%swap3A_549, %swap3A_550] {strides = array<i32>} : memref<16x128xf32, #tpu.memory_space<vmem>>, vector<1x16xf32>,
    %swap3A_552 = vector.shape_cast %swap3A_551 : vector<1x16xf32> to vector<16xf32>
    %swap3A_553 = vector.shape_cast %broadcast_in_dim3A_547 : vector<16xf32> to vector<1x16xf32>
    tpu.vector_store %arg14[%swap3A_549, %swap3A_550], %swap3A_553 {strides = array<i32>} : memref<16x128xf32, #tpu.memory_space<vmem>>, vector<1x16xf32>,
    %broadcast_in_dim3A_554 = arith.constant 0.000000e+00 : f32
    %broadcast_in_dim3A_555 = vector.broadcast %broadcast_in_dim3A_554 : f32 to vector<16xf32>
    %swap3A_556 = arith.constant 7 : i32
    %swap3A_557 = arith.index_cast %swap3A_556 : i32 to index
    %swap3A_558 = arith.constant 80 : index
    %swap3A_559 = tpu.vector_load %arg14[%swap3A_557, %swap3A_558] {strides = array<i32>} : memref<16x128xf32, #tpu.memory_space<vmem>>, vector<1x16xf32>,
    %swap3A_560 = vector.shape_cast %swap3A_559 : vector<1x16xf32> to vector<16xf32>
    %swap3A_561 = vector.shape_cast %broadcast_in_dim3A_555 : vector<16xf32> to vector<1x16xf32>
    tpu.vector_store %arg14[%swap3A_557, %swap3A_558], %swap3A_561 {strides = array<i32>} : memref<16x128xf32, #tpu.memory_space<vmem>>, vector<1x16xf32>,
    %broadcast_in_dim3A_562 = arith.constant 0.000000e+00 : f32
    %broadcast_in_dim3A_563 = vector.broadcast %broadcast_in_dim3A_562 : f32 to vector<16xf32>
    %swap3A_564 = arith.constant 7 : i32
    %swap3A_565 = arith.index_cast %swap3A_564 : i32 to index
    %swap3A_566 = arith.constant 96 : index
    %swap3A_567 = tpu.vector_load %arg14[%swap3A_565, %swap3A_566] {strides = array<i32>} : memref<16x128xf32, #tpu.memory_space<vmem>>, vector<1x16xf32>,
    %swap3A_568 = vector.shape_cast %swap3A_567 : vector<1x16xf32> to vector<16xf32>
    %swap3A_569 = vector.shape_cast %broadcast_in_dim3A_563 : vector<16xf32> to vector<1x16xf32>
    tpu.vector_store %arg14[%swap3A_565, %swap3A_566], %swap3A_569 {strides = array<i32>} : memref<16x128xf32, #tpu.memory_space<vmem>>, vector<1x16xf32>,
    %broadcast_in_dim3A_570 = arith.constant 0.000000e+00 : f32
    %broadcast_in_dim3A_571 = vector.broadcast %broadcast_in_dim3A_570 : f32 to vector<16xf32>
    %swap3A_572 = arith.constant 7 : i32
    %swap3A_573 = arith.index_cast %swap3A_572 : i32 to index
    %swap3A_574 = arith.constant 112 : index
    %swap3A_575 = tpu.vector_load %arg14[%swap3A_573, %swap3A_574] {strides = array<i32>} : memref<16x128xf32, #tpu.memory_space<vmem>>, vector<1x16xf32>,
    %swap3A_576 = vector.shape_cast %swap3A_575 : vector<1x16xf32> to vector<16xf32>
    %swap3A_577 = vector.shape_cast %broadcast_in_dim3A_571 : vector<16xf32> to vector<1x16xf32>
    tpu.vector_store %arg14[%swap3A_573, %swap3A_574], %swap3A_577 {strides = array<i32>} : memref<16x128xf32, #tpu.memory_space<vmem>>, vector<1x16xf32>,
    %broadcast_in_dim3A_578 = arith.constant 0.000000e+00 : f32
    %broadcast_in_dim3A_579 = vector.broadcast %broadcast_in_dim3A_578 : f32 to vector<16xf32>
    %swap3A_580 = arith.constant 8 : i32
    %swap3A_581 = arith.index_cast %swap3A_580 : i32 to index
    %swap3A_582 = arith.constant 0 : index
    %swap3A_583 = tpu.vector_load %arg14[%swap3A_581, %swap3A_582] {strides = array<i32>} : memref<16x128xf32, #tpu.memory_space<vmem>>, vector<1x16xf32>,
    %swap3A_584 = vector.shape_cast %swap3A_583 : vector<1x16xf32> to vector<16xf32>
    %swap3A_585 = vector.shape_cast %broadcast_in_dim3A_579 : vector<16xf32> to vector<1x16xf32>
    tpu.vector_store %arg14[%swap3A_581, %swap3A_582], %swap3A_585 {strides = array<i32>} : memref<16x128xf32, #tpu.memory_space<vmem>>, vector<1x16xf32>,
    %broadcast_in_dim3A_586 = arith.constant 0.000000e+00 : f32
    %broadcast_in_dim3A_587 = vector.broadcast %broadcast_in_dim3A_586 : f32 to vector<16xf32>
    %swap3A_588 = arith.constant 8 : i32
    %swap3A_589 = arith.index_cast %swap3A_588 : i32 to index
    %swap3A_590 = arith.constant 16 : index
    %swap3A_591 = tpu.vector_load %arg14[%swap3A_589, %swap3A_590] {strides = array<i32>} : memref<16x128xf32, #tpu.memory_space<vmem>>, vector<1x16xf32>,
    %swap3A_592 = vector.shape_cast %swap3A_591 : vector<1x16xf32> to vector<16xf32>
    %swap3A_593 = vector.shape_cast %broadcast_in_dim3A_587 : vector<16xf32> to vector<1x16xf32>
    tpu.vector_store %arg14[%swap3A_589, %swap3A_590], %swap3A_593 {strides = array<i32>} : memref<16x128xf32, #tpu.memory_space<vmem>>, vector<1x16xf32>,
    %broadcast_in_dim3A_594 = arith.constant 0.000000e+00 : f32
    %broadcast_in_dim3A_595 = vector.broadcast %broadcast_in_dim3A_594 : f32 to vector<16xf32>
    %swap3A_596 = arith.constant 8 : i32
    %swap3A_597 = arith.index_cast %swap3A_596 : i32 to index
    %swap3A_598 = arith.constant 32 : index
    %swap3A_599 = tpu.vector_load %arg14[%swap3A_597, %swap3A_598] {strides = array<i32>} : memref<16x128xf32, #tpu.memory_space<vmem>>, vector<1x16xf32>,
    %swap3A_600 = vector.shape_cast %swap3A_599 : vector<1x16xf32> to vector<16xf32>
    %swap3A_601 = vector.shape_cast %broadcast_in_dim3A_595 : vector<16xf32> to vector<1x16xf32>
    tpu.vector_store %arg14[%swap3A_597, %swap3A_598], %swap3A_601 {strides = array<i32>} : memref<16x128xf32, #tpu.memory_space<vmem>>, vector<1x16xf32>,
    %broadcast_in_dim3A_602 = arith.constant 0.000000e+00 : f32
    %broadcast_in_dim3A_603 = vector.broadcast %broadcast_in_dim3A_602 : f32 to vector<16xf32>
    %swap3A_604 = arith.constant 8 : i32
    %swap3A_605 = arith.index_cast %swap3A_604 : i32 to index
    %swap3A_606 = arith.constant 48 : index
    %swap3A_607 = tpu.vector_load %arg14[%swap3A_605, %swap3A_606] {strides = array<i32>} : memref<16x128xf32, #tpu.memory_space<vmem>>, vector<1x16xf32>,
    %swap3A_608 = vector.shape_cast %swap3A_607 : vector<1x16xf32> to vector<16xf32>
    %swap3A_609 = vector.shape_cast %broadcast_in_dim3A_603 : vector<16xf32> to vector<1x16xf32>
    tpu.vector_store %arg14[%swap3A_605, %swap3A_606], %swap3A_609 {strides = array<i32>} : memref<16x128xf32, #tpu.memory_space<vmem>>, vector<1x16xf32>,
    %broadcast_in_dim3A_610 = arith.constant 0.000000e+00 : f32
    %broadcast_in_dim3A_611 = vector.broadcast %broadcast_in_dim3A_610 : f32 to vector<16xf32>
    %swap3A_612 = arith.constant 8 : i32
    %swap3A_613 = arith.index_cast %swap3A_612 : i32 to index
    %swap3A_614 = arith.constant 64 : index
    %swap3A_615 = tpu.vector_load %arg14[%swap3A_613, %swap3A_614] {strides = array<i32>} : memref<16x128xf32, #tpu.memory_space<vmem>>, vector<1x16xf32>,
    %swap3A_616 = vector.shape_cast %swap3A_615 : vector<1x16xf32> to vector<16xf32>
    %swap3A_617 = vector.shape_cast %broadcast_in_dim3A_611 : vector<16xf32> to vector<1x16xf32>
    tpu.vector_store %arg14[%swap3A_613, %swap3A_614], %swap3A_617 {strides = array<i32>} : memref<16x128xf32, #tpu.memory_space<vmem>>, vector<1x16xf32>,
    %broadcast_in_dim3A_618 = arith.constant 0.000000e+00 : f32
    %broadcast_in_dim3A_619 = vector.broadcast %broadcast_in_dim3A_618 : f32 to vector<16xf32>
    %swap3A_620 = arith.constant 8 : i32
    %swap3A_621 = arith.index_cast %swap3A_620 : i32 to index
    %swap3A_622 = arith.constant 80 : index
    %swap3A_623 = tpu.vector_load %arg14[%swap3A_621, %swap3A_622] {strides = array<i32>} : memref<16x128xf32, #tpu.memory_space<vmem>>, vector<1x16xf32>,
    %swap3A_624 = vector.shape_cast %swap3A_623 : vector<1x16xf32> to vector<16xf32>
    %swap3A_625 = vector.shape_cast %broadcast_in_dim3A_619 : vector<16xf32> to vector<1x16xf32>
    tpu.vector_store %arg14[%swap3A_621, %swap3A_622], %swap3A_625 {strides = array<i32>} : memref<16x128xf32, #tpu.memory_space<vmem>>, vector<1x16xf32>,
    %broadcast_in_dim3A_626 = arith.constant 0.000000e+00 : f32
    %broadcast_in_dim3A_627 = vector.broadcast %broadcast_in_dim3A_626 : f32 to vector<16xf32>
    %swap3A_628 = arith.constant 8 : i32
    %swap3A_629 = arith.index_cast %swap3A_628 : i32 to index
    %swap3A_630 = arith.constant 96 : index
    %swap3A_631 = tpu.vector_load %arg14[%swap3A_629, %swap3A_630] {strides = array<i32>} : memref<16x128xf32, #tpu.memory_space<vmem>>, vector<1x16xf32>,
    %swap3A_632 = vector.shape_cast %swap3A_631 : vector<1x16xf32> to vector<16xf32>
    %swap3A_633 = vector.shape_cast %broadcast_in_dim3A_627 : vector<16xf32> to vector<1x16xf32>
    tpu.vector_store %arg14[%swap3A_629, %swap3A_630], %swap3A_633 {strides = array<i32>} : memref<16x128xf32, #tpu.memory_space<vmem>>, vector<1x16xf32>,
    %broadcast_in_dim3A_634 = arith.constant 0.000000e+00 : f32
    %broadcast_in_dim3A_635 = vector.broadcast %broadcast_in_dim3A_634 : f32 to vector<16xf32>
    %swap3A_636 = arith.constant 8 : i32
    %swap3A_637 = arith.index_cast %swap3A_636 : i32 to index
    %swap3A_638 = arith.constant 112 : index
    %swap3A_639 = tpu.vector_load %arg14[%swap3A_637, %swap3A_638] {strides = array<i32>} : memref<16x128xf32, #tpu.memory_space<vmem>>, vector<1x16xf32>,
    %swap3A_640 = vector.shape_cast %swap3A_639 : vector<1x16xf32> to vector<16xf32>
    %swap3A_641 = vector.shape_cast %broadcast_in_dim3A_635 : vector<16xf32> to vector<1x16xf32>
    tpu.vector_store %arg14[%swap3A_637, %swap3A_638], %swap3A_641 {strides = array<i32>} : memref<16x128xf32, #tpu.memory_space<vmem>>, vector<1x16xf32>,
    %broadcast_in_dim3A_642 = arith.constant 0.000000e+00 : f32
    %broadcast_in_dim3A_643 = vector.broadcast %broadcast_in_dim3A_642 : f32 to vector<16xf32>
    %swap3A_644 = arith.constant 9 : i32
    %swap3A_645 = arith.index_cast %swap3A_644 : i32 to index
    %swap3A_646 = arith.constant 0 : index
    %swap3A_647 = tpu.vector_load %arg14[%swap3A_645, %swap3A_646] {strides = array<i32>} : memref<16x128xf32, #tpu.memory_space<vmem>>, vector<1x16xf32>,
    %swap3A_648 = vector.shape_cast %swap3A_647 : vector<1x16xf32> to vector<16xf32>
    %swap3A_649 = vector.shape_cast %broadcast_in_dim3A_643 : vector<16xf32> to vector<1x16xf32>
    tpu.vector_store %arg14[%swap3A_645, %swap3A_646], %swap3A_649 {strides = array<i32>} : memref<16x128xf32, #tpu.memory_space<vmem>>, vector<1x16xf32>,
    %broadcast_in_dim3A_650 = arith.constant 0.000000e+00 : f32
    %broadcast_in_dim3A_651 = vector.broadcast %broadcast_in_dim3A_650 : f32 to vector<16xf32>
    %swap3A_652 = arith.constant 9 : i32
    %swap3A_653 = arith.index_cast %swap3A_652 : i32 to index
    %swap3A_654 = arith.constant 16 : index
    %swap3A_655 = tpu.vector_load %arg14[%swap3A_653, %swap3A_654] {strides = array<i32>} : memref<16x128xf32, #tpu.memory_space<vmem>>, vector<1x16xf32>,
    %swap3A_656 = vector.shape_cast %swap3A_655 : vector<1x16xf32> to vector<16xf32>
    %swap3A_657 = vector.shape_cast %broadcast_in_dim3A_651 : vector<16xf32> to vector<1x16xf32>
    tpu.vector_store %arg14[%swap3A_653, %swap3A_654], %swap3A_657 {strides = array<i32>} : memref<16x128xf32, #tpu.memory_space<vmem>>, vector<1x16xf32>,
    %broadcast_in_dim3A_658 = arith.constant 0.000000e+00 : f32
    %broadcast_in_dim3A_659 = vector.broadcast %broadcast_in_dim3A_658 : f32 to vector<16xf32>
    %swap3A_660 = arith.constant 9 : i32
    %swap3A_661 = arith.index_cast %swap3A_660 : i32 to index
    %swap3A_662 = arith.constant 32 : index
    %swap3A_663 = tpu.vector_load %arg14[%swap3A_661, %swap3A_662] {strides = array<i32>} : memref<16x128xf32, #tpu.memory_space<vmem>>, vector<1x16xf32>,
    %swap3A_664 = vector.shape_cast %swap3A_663 : vector<1x16xf32> to vector<16xf32>
    %swap3A_665 = vector.shape_cast %broadcast_in_dim3A_659 : vector<16xf32> to vector<1x16xf32>
    tpu.vector_store %arg14[%swap3A_661, %swap3A_662], %swap3A_665 {strides = array<i32>} : memref<16x128xf32, #tpu.memory_space<vmem>>, vector<1x16xf32>,
    %broadcast_in_dim3A_666 = arith.constant 0.000000e+00 : f32
    %broadcast_in_dim3A_667 = vector.broadcast %broadcast_in_dim3A_666 : f32 to vector<16xf32>
    %swap3A_668 = arith.constant 9 : i32
    %swap3A_669 = arith.index_cast %swap3A_668 : i32 to index
    %swap3A_670 = arith.constant 48 : index
    %swap3A_671 = tpu.vector_load %arg14[%swap3A_669, %swap3A_670] {strides = array<i32>} : memref<16x128xf32, #tpu.memory_space<vmem>>, vector<1x16xf32>,
    %swap3A_672 = vector.shape_cast %swap3A_671 : vector<1x16xf32> to vector<16xf32>
    %swap3A_673 = vector.shape_cast %broadcast_in_dim3A_667 : vector<16xf32> to vector<1x16xf32>
    tpu.vector_store %arg14[%swap3A_669, %swap3A_670], %swap3A_673 {strides = array<i32>} : memref<16x128xf32, #tpu.memory_space<vmem>>, vector<1x16xf32>,
    %broadcast_in_dim3A_674 = arith.constant 0.000000e+00 : f32
    %broadcast_in_dim3A_675 = vector.broadcast %broadcast_in_dim3A_674 : f32 to vector<16xf32>
    %swap3A_676 = arith.constant 9 : i32
    %swap3A_677 = arith.index_cast %swap3A_676 : i32 to index
    %swap3A_678 = arith.constant 64 : index
    %swap3A_679 = tpu.vector_load %arg14[%swap3A_677, %swap3A_678] {strides = array<i32>} : memref<16x128xf32, #tpu.memory_space<vmem>>, vector<1x16xf32>,
    %swap3A_680 = vector.shape_cast %swap3A_679 : vector<1x16xf32> to vector<16xf32>
    %swap3A_681 = vector.shape_cast %broadcast_in_dim3A_675 : vector<16xf32> to vector<1x16xf32>
    tpu.vector_store %arg14[%swap3A_677, %swap3A_678], %swap3A_681 {strides = array<i32>} : memref<16x128xf32, #tpu.memory_space<vmem>>, vector<1x16xf32>,
    %broadcast_in_dim3A_682 = arith.constant 0.000000e+00 : f32
    %broadcast_in_dim3A_683 = vector.broadcast %broadcast_in_dim3A_682 : f32 to vector<16xf32>
    %swap3A_684 = arith.constant 9 : i32
    %swap3A_685 = arith.index_cast %swap3A_684 : i32 to index
    %swap3A_686 = arith.constant 80 : index
    %swap3A_687 = tpu.vector_load %arg14[%swap3A_685, %swap3A_686] {strides = array<i32>} : memref<16x128xf32, #tpu.memory_space<vmem>>, vector<1x16xf32>,
    %swap3A_688 = vector.shape_cast %swap3A_687 : vector<1x16xf32> to vector<16xf32>
    %swap3A_689 = vector.shape_cast %broadcast_in_dim3A_683 : vector<16xf32> to vector<1x16xf32>
    tpu.vector_store %arg14[%swap3A_685, %swap3A_686], %swap3A_689 {strides = array<i32>} : memref<16x128xf32, #tpu.memory_space<vmem>>, vector<1x16xf32>,
    %broadcast_in_dim3A_690 = arith.constant 0.000000e+00 : f32
    %broadcast_in_dim3A_691 = vector.broadcast %broadcast_in_dim3A_690 : f32 to vector<16xf32>
    %swap3A_692 = arith.constant 9 : i32
    %swap3A_693 = arith.index_cast %swap3A_692 : i32 to index
    %swap3A_694 = arith.constant 96 : index
    %swap3A_695 = tpu.vector_load %arg14[%swap3A_693, %swap3A_694] {strides = array<i32>} : memref<16x128xf32, #tpu.memory_space<vmem>>, vector<1x16xf32>,
    %swap3A_696 = vector.shape_cast %swap3A_695 : vector<1x16xf32> to vector<16xf32>
    %swap3A_697 = vector.shape_cast %broadcast_in_dim3A_691 : vector<16xf32> to vector<1x16xf32>
    tpu.vector_store %arg14[%swap3A_693, %swap3A_694], %swap3A_697 {strides = array<i32>} : memref<16x128xf32, #tpu.memory_space<vmem>>, vector<1x16xf32>,
    %broadcast_in_dim3A_698 = arith.constant 0.000000e+00 : f32
    %broadcast_in_dim3A_699 = vector.broadcast %broadcast_in_dim3A_698 : f32 to vector<16xf32>
    %swap3A_700 = arith.constant 9 : i32
    %swap3A_701 = arith.index_cast %swap3A_700 : i32 to index
    %swap3A_702 = arith.constant 112 : index
    %swap3A_703 = tpu.vector_load %arg14[%swap3A_701, %swap3A_702] {strides = array<i32>} : memref<16x128xf32, #tpu.memory_space<vmem>>, vector<1x16xf32>,
    %swap3A_704 = vector.shape_cast %swap3A_703 : vector<1x16xf32> to vector<16xf32>
    %swap3A_705 = vector.shape_cast %broadcast_in_dim3A_699 : vector<16xf32> to vector<1x16xf32>
    tpu.vector_store %arg14[%swap3A_701, %swap3A_702], %swap3A_705 {strides = array<i32>} : memref<16x128xf32, #tpu.memory_space<vmem>>, vector<1x16xf32>,
    %broadcast_in_dim3A_706 = arith.constant 0.000000e+00 : f32
    %broadcast_in_dim3A_707 = vector.broadcast %broadcast_in_dim3A_706 : f32 to vector<16xf32>
    %swap3A_708 = arith.constant 10 : i32
    %swap3A_709 = arith.index_cast %swap3A_708 : i32 to index
    %swap3A_710 = arith.constant 0 : index
    %swap3A_711 = tpu.vector_load %arg14[%swap3A_709, %swap3A_710] {strides = array<i32>} : memref<16x128xf32, #tpu.memory_space<vmem>>, vector<1x16xf32>,
    %swap3A_712 = vector.shape_cast %swap3A_711 : vector<1x16xf32> to vector<16xf32>
    %swap3A_713 = vector.shape_cast %broadcast_in_dim3A_707 : vector<16xf32> to vector<1x16xf32>
    tpu.vector_store %arg14[%swap3A_709, %swap3A_710], %swap3A_713 {strides = array<i32>} : memref<16x128xf32, #tpu.memory_space<vmem>>, vector<1x16xf32>,
    %broadcast_in_dim3A_714 = arith.constant 0.000000e+00 : f32
    %broadcast_in_dim3A_715 = vector.broadcast %broadcast_in_dim3A_714 : f32 to vector<16xf32>
    %swap3A_716 = arith.constant 10 : i32
    %swap3A_717 = arith.index_cast %swap3A_716 : i32 to index
    %swap3A_718 = arith.constant 16 : index
    %swap3A_719 = tpu.vector_load %arg14[%swap3A_717, %swap3A_718] {strides = array<i32>} : memref<16x128xf32, #tpu.memory_space<vmem>>, vector<1x16xf32>,
    %swap3A_720 = vector.shape_cast %swap3A_719 : vector<1x16xf32> to vector<16xf32>
    %swap3A_721 = vector.shape_cast %broadcast_in_dim3A_715 : vector<16xf32> to vector<1x16xf32>
    tpu.vector_store %arg14[%swap3A_717, %swap3A_718], %swap3A_721 {strides = array<i32>} : memref<16x128xf32, #tpu.memory_space<vmem>>, vector<1x16xf32>,
    %broadcast_in_dim3A_722 = arith.constant 0.000000e+00 : f32
    %broadcast_in_dim3A_723 = vector.broadcast %broadcast_in_dim3A_722 : f32 to vector<16xf32>
    %swap3A_724 = arith.constant 10 : i32
    %swap3A_725 = arith.index_cast %swap3A_724 : i32 to index
    %swap3A_726 = arith.constant 32 : index
    %swap3A_727 = tpu.vector_load %arg14[%swap3A_725, %swap3A_726] {strides = array<i32>} : memref<16x128xf32, #tpu.memory_space<vmem>>, vector<1x16xf32>,
    %swap3A_728 = vector.shape_cast %swap3A_727 : vector<1x16xf32> to vector<16xf32>
    %swap3A_729 = vector.shape_cast %broadcast_in_dim3A_723 : vector<16xf32> to vector<1x16xf32>
    tpu.vector_store %arg14[%swap3A_725, %swap3A_726], %swap3A_729 {strides = array<i32>} : memref<16x128xf32, #tpu.memory_space<vmem>>, vector<1x16xf32>,
    %broadcast_in_dim3A_730 = arith.constant 0.000000e+00 : f32
    %broadcast_in_dim3A_731 = vector.broadcast %broadcast_in_dim3A_730 : f32 to vector<16xf32>
    %swap3A_732 = arith.constant 10 : i32
    %swap3A_733 = arith.index_cast %swap3A_732 : i32 to index
    %swap3A_734 = arith.constant 48 : index
    %swap3A_735 = tpu.vector_load %arg14[%swap3A_733, %swap3A_734] {strides = array<i32>} : memref<16x128xf32, #tpu.memory_space<vmem>>, vector<1x16xf32>,
    %swap3A_736 = vector.shape_cast %swap3A_735 : vector<1x16xf32> to vector<16xf32>
    %swap3A_737 = vector.shape_cast %broadcast_in_dim3A_731 : vector<16xf32> to vector<1x16xf32>
    tpu.vector_store %arg14[%swap3A_733, %swap3A_734], %swap3A_737 {strides = array<i32>} : memref<16x128xf32, #tpu.memory_space<vmem>>, vector<1x16xf32>,
    %broadcast_in_dim3A_738 = arith.constant 0.000000e+00 : f32
    %broadcast_in_dim3A_739 = vector.broadcast %broadcast_in_dim3A_738 : f32 to vector<16xf32>
    %swap3A_740 = arith.constant 10 : i32
    %swap3A_741 = arith.index_cast %swap3A_740 : i32 to index
    %swap3A_742 = arith.constant 64 : index
    %swap3A_743 = tpu.vector_load %arg14[%swap3A_741, %swap3A_742] {strides = array<i32>} : memref<16x128xf32, #tpu.memory_space<vmem>>, vector<1x16xf32>,
    %swap3A_744 = vector.shape_cast %swap3A_743 : vector<1x16xf32> to vector<16xf32>
    %swap3A_745 = vector.shape_cast %broadcast_in_dim3A_739 : vector<16xf32> to vector<1x16xf32>
    tpu.vector_store %arg14[%swap3A_741, %swap3A_742], %swap3A_745 {strides = array<i32>} : memref<16x128xf32, #tpu.memory_space<vmem>>, vector<1x16xf32>,
    %broadcast_in_dim3A_746 = arith.constant 0.000000e+00 : f32
    %broadcast_in_dim3A_747 = vector.broadcast %broadcast_in_dim3A_746 : f32 to vector<16xf32>
    %swap3A_748 = arith.constant 10 : i32
    %swap3A_749 = arith.index_cast %swap3A_748 : i32 to index
    %swap3A_750 = arith.constant 80 : index
    %swap3A_751 = tpu.vector_load %arg14[%swap3A_749, %swap3A_750] {strides = array<i32>} : memref<16x128xf32, #tpu.memory_space<vmem>>, vector<1x16xf32>,
    %swap3A_752 = vector.shape_cast %swap3A_751 : vector<1x16xf32> to vector<16xf32>
    %swap3A_753 = vector.shape_cast %broadcast_in_dim3A_747 : vector<16xf32> to vector<1x16xf32>
    tpu.vector_store %arg14[%swap3A_749, %swap3A_750], %swap3A_753 {strides = array<i32>} : memref<16x128xf32, #tpu.memory_space<vmem>>, vector<1x16xf32>,
    %broadcast_in_dim3A_754 = arith.constant 0.000000e+00 : f32
    %broadcast_in_dim3A_755 = vector.broadcast %broadcast_in_dim3A_754 : f32 to vector<16xf32>
    %swap3A_756 = arith.constant 10 : i32
    %swap3A_757 = arith.index_cast %swap3A_756 : i32 to index
    %swap3A_758 = arith.constant 96 : index
    %swap3A_759 = tpu.vector_load %arg14[%swap3A_757, %swap3A_758] {strides = array<i32>} : memref<16x128xf32, #tpu.memory_space<vmem>>, vector<1x16xf32>,
    %swap3A_760 = vector.shape_cast %swap3A_759 : vector<1x16xf32> to vector<16xf32>
    %swap3A_761 = vector.shape_cast %broadcast_in_dim3A_755 : vector<16xf32> to vector<1x16xf32>
    tpu.vector_store %arg14[%swap3A_757, %swap3A_758], %swap3A_761 {strides = array<i32>} : memref<16x128xf32, #tpu.memory_space<vmem>>, vector<1x16xf32>,
    %broadcast_in_dim3A_762 = arith.constant 0.000000e+00 : f32
    %broadcast_in_dim3A_763 = vector.broadcast %broadcast_in_dim3A_762 : f32 to vector<16xf32>
    %swap3A_764 = arith.constant 10 : i32
    %swap3A_765 = arith.index_cast %swap3A_764 : i32 to index
    %swap3A_766 = arith.constant 112 : index
    %swap3A_767 = tpu.vector_load %arg14[%swap3A_765, %swap3A_766] {strides = array<i32>} : memref<16x128xf32, #tpu.memory_space<vmem>>, vector<1x16xf32>,
    %swap3A_768 = vector.shape_cast %swap3A_767 : vector<1x16xf32> to vector<16xf32>
    %swap3A_769 = vector.shape_cast %broadcast_in_dim3A_763 : vector<16xf32> to vector<1x16xf32>
    tpu.vector_store %arg14[%swap3A_765, %swap3A_766], %swap3A_769 {strides = array<i32>} : memref<16x128xf32, #tpu.memory_space<vmem>>, vector<1x16xf32>,
    %broadcast_in_dim3A_770 = arith.constant 0.000000e+00 : f32
    %broadcast_in_dim3A_771 = vector.broadcast %broadcast_in_dim3A_770 : f32 to vector<16xf32>
    %swap3A_772 = arith.constant 11 : i32
    %swap3A_773 = arith.index_cast %swap3A_772 : i32 to index
    %swap3A_774 = arith.constant 0 : index
    %swap3A_775 = tpu.vector_load %arg14[%swap3A_773, %swap3A_774] {strides = array<i32>} : memref<16x128xf32, #tpu.memory_space<vmem>>, vector<1x16xf32>,
    %swap3A_776 = vector.shape_cast %swap3A_775 : vector<1x16xf32> to vector<16xf32>
    %swap3A_777 = vector.shape_cast %broadcast_in_dim3A_771 : vector<16xf32> to vector<1x16xf32>
    tpu.vector_store %arg14[%swap3A_773, %swap3A_774], %swap3A_777 {strides = array<i32>} : memref<16x128xf32, #tpu.memory_space<vmem>>, vector<1x16xf32>,
    %broadcast_in_dim3A_778 = arith.constant 0.000000e+00 : f32
    %broadcast_in_dim3A_779 = vector.broadcast %broadcast_in_dim3A_778 : f32 to vector<16xf32>
    %swap3A_780 = arith.constant 11 : i32
    %swap3A_781 = arith.index_cast %swap3A_780 : i32 to index
    %swap3A_782 = arith.constant 16 : index
    %swap3A_783 = tpu.vector_load %arg14[%swap3A_781, %swap3A_782] {strides = array<i32>} : memref<16x128xf32, #tpu.memory_space<vmem>>, vector<1x16xf32>,
    %swap3A_784 = vector.shape_cast %swap3A_783 : vector<1x16xf32> to vector<16xf32>
    %swap3A_785 = vector.shape_cast %broadcast_in_dim3A_779 : vector<16xf32> to vector<1x16xf32>
    tpu.vector_store %arg14[%swap3A_781, %swap3A_782], %swap3A_785 {strides = array<i32>} : memref<16x128xf32, #tpu.memory_space<vmem>>, vector<1x16xf32>,
    %broadcast_in_dim3A_786 = arith.constant 0.000000e+00 : f32
    %broadcast_in_dim3A_787 = vector.broadcast %broadcast_in_dim3A_786 : f32 to vector<16xf32>
    %swap3A_788 = arith.constant 11 : i32
    %swap3A_789 = arith.index_cast %swap3A_788 : i32 to index
    %swap3A_790 = arith.constant 32 : index
    %swap3A_791 = tpu.vector_load %arg14[%swap3A_789, %swap3A_790] {strides = array<i32>} : memref<16x128xf32, #tpu.memory_space<vmem>>, vector<1x16xf32>,
    %swap3A_792 = vector.shape_cast %swap3A_791 : vector<1x16xf32> to vector<16xf32>
    %swap3A_793 = vector.shape_cast %broadcast_in_dim3A_787 : vector<16xf32> to vector<1x16xf32>
    tpu.vector_store %arg14[%swap3A_789, %swap3A_790], %swap3A_793 {strides = array<i32>} : memref<16x128xf32, #tpu.memory_space<vmem>>, vector<1x16xf32>,
    %broadcast_in_dim3A_794 = arith.constant 0.000000e+00 : f32
    %broadcast_in_dim3A_795 = vector.broadcast %broadcast_in_dim3A_794 : f32 to vector<16xf32>
    %swap3A_796 = arith.constant 11 : i32
    %swap3A_797 = arith.index_cast %swap3A_796 : i32 to index
    %swap3A_798 = arith.constant 48 : index
    %swap3A_799 = tpu.vector_load %arg14[%swap3A_797, %swap3A_798] {strides = array<i32>} : memref<16x128xf32, #tpu.memory_space<vmem>>, vector<1x16xf32>,
    %swap3A_800 = vector.shape_cast %swap3A_799 : vector<1x16xf32> to vector<16xf32>
    %swap3A_801 = vector.shape_cast %broadcast_in_dim3A_795 : vector<16xf32> to vector<1x16xf32>
    tpu.vector_store %arg14[%swap3A_797, %swap3A_798], %swap3A_801 {strides = array<i32>} : memref<16x128xf32, #tpu.memory_space<vmem>>, vector<1x16xf32>,
    %broadcast_in_dim3A_802 = arith.constant 0.000000e+00 : f32
    %broadcast_in_dim3A_803 = vector.broadcast %broadcast_in_dim3A_802 : f32 to vector<16xf32>
    %swap3A_804 = arith.constant 11 : i32
    %swap3A_805 = arith.index_cast %swap3A_804 : i32 to index
    %swap3A_806 = arith.constant 64 : index
    %swap3A_807 = tpu.vector_load %arg14[%swap3A_805, %swap3A_806] {strides = array<i32>} : memref<16x128xf32, #tpu.memory_space<vmem>>, vector<1x16xf32>,
    %swap3A_808 = vector.shape_cast %swap3A_807 : vector<1x16xf32> to vector<16xf32>
    %swap3A_809 = vector.shape_cast %broadcast_in_dim3A_803 : vector<16xf32> to vector<1x16xf32>
    tpu.vector_store %arg14[%swap3A_805, %swap3A_806], %swap3A_809 {strides = array<i32>} : memref<16x128xf32, #tpu.memory_space<vmem>>, vector<1x16xf32>,
    %broadcast_in_dim3A_810 = arith.constant 0.000000e+00 : f32
    %broadcast_in_dim3A_811 = vector.broadcast %broadcast_in_dim3A_810 : f32 to vector<16xf32>
    %swap3A_812 = arith.constant 11 : i32
    %swap3A_813 = arith.index_cast %swap3A_812 : i32 to index
    %swap3A_814 = arith.constant 80 : index
    %swap3A_815 = tpu.vector_load %arg14[%swap3A_813, %swap3A_814] {strides = array<i32>} : memref<16x128xf32, #tpu.memory_space<vmem>>, vector<1x16xf32>,
    %swap3A_816 = vector.shape_cast %swap3A_815 : vector<1x16xf32> to vector<16xf32>
    %swap3A_817 = vector.shape_cast %broadcast_in_dim3A_811 : vector<16xf32> to vector<1x16xf32>
    tpu.vector_store %arg14[%swap3A_813, %swap3A_814], %swap3A_817 {strides = array<i32>} : memref<16x128xf32, #tpu.memory_space<vmem>>, vector<1x16xf32>,
    %broadcast_in_dim3A_818 = arith.constant 0.000000e+00 : f32
    %broadcast_in_dim3A_819 = vector.broadcast %broadcast_in_dim3A_818 : f32 to vector<16xf32>
    %swap3A_820 = arith.constant 11 : i32
    %swap3A_821 = arith.index_cast %swap3A_820 : i32 to index
    %swap3A_822 = arith.constant 96 : index
    %swap3A_823 = tpu.vector_load %arg14[%swap3A_821, %swap3A_822] {strides = array<i32>} : memref<16x128xf32, #tpu.memory_space<vmem>>, vector<1x16xf32>,
    %swap3A_824 = vector.shape_cast %swap3A_823 : vector<1x16xf32> to vector<16xf32>
    %swap3A_825 = vector.shape_cast %broadcast_in_dim3A_819 : vector<16xf32> to vector<1x16xf32>
    tpu.vector_store %arg14[%swap3A_821, %swap3A_822], %swap3A_825 {strides = array<i32>} : memref<16x128xf32, #tpu.memory_space<vmem>>, vector<1x16xf32>,
    %broadcast_in_dim3A_826 = arith.constant 0.000000e+00 : f32
    %broadcast_in_dim3A_827 = vector.broadcast %broadcast_in_dim3A_826 : f32 to vector<16xf32>
    %swap3A_828 = arith.constant 11 : i32
    %swap3A_829 = arith.index_cast %swap3A_828 : i32 to index
    %swap3A_830 = arith.constant 112 : index
    %swap3A_831 = tpu.vector_load %arg14[%swap3A_829, %swap3A_830] {strides = array<i32>} : memref<16x128xf32, #tpu.memory_space<vmem>>, vector<1x16xf32>,
    %swap3A_832 = vector.shape_cast %swap3A_831 : vector<1x16xf32> to vector<16xf32>
    %swap3A_833 = vector.shape_cast %broadcast_in_dim3A_827 : vector<16xf32> to vector<1x16xf32>
    tpu.vector_store %arg14[%swap3A_829, %swap3A_830], %swap3A_833 {strides = array<i32>} : memref<16x128xf32, #tpu.memory_space<vmem>>, vector<1x16xf32>,
    %broadcast_in_dim3A_834 = arith.constant 0.000000e+00 : f32
    %broadcast_in_dim3A_835 = vector.broadcast %broadcast_in_dim3A_834 : f32 to vector<16xf32>
    %swap3A_836 = arith.constant 12 : i32
    %swap3A_837 = arith.index_cast %swap3A_836 : i32 to index
    %swap3A_838 = arith.constant 0 : index
    %swap3A_839 = tpu.vector_load %arg14[%swap3A_837, %swap3A_838] {strides = array<i32>} : memref<16x128xf32, #tpu.memory_space<vmem>>, vector<1x16xf32>,
    %swap3A_840 = vector.shape_cast %swap3A_839 : vector<1x16xf32> to vector<16xf32>
    %swap3A_841 = vector.shape_cast %broadcast_in_dim3A_835 : vector<16xf32> to vector<1x16xf32>
    tpu.vector_store %arg14[%swap3A_837, %swap3A_838], %swap3A_841 {strides = array<i32>} : memref<16x128xf32, #tpu.memory_space<vmem>>, vector<1x16xf32>,
    %broadcast_in_dim3A_842 = arith.constant 0.000000e+00 : f32
    %broadcast_in_dim3A_843 = vector.broadcast %broadcast_in_dim3A_842 : f32 to vector<16xf32>
    %swap3A_844 = arith.constant 12 : i32
    %swap3A_845 = arith.index_cast %swap3A_844 : i32 to index
    %swap3A_846 = arith.constant 16 : index
    %swap3A_847 = tpu.vector_load %arg14[%swap3A_845, %swap3A_846] {strides = array<i32>} : memref<16x128xf32, #tpu.memory_space<vmem>>, vector<1x16xf32>,
    %swap3A_848 = vector.shape_cast %swap3A_847 : vector<1x16xf32> to vector<16xf32>
    %swap3A_849 = vector.shape_cast %broadcast_in_dim3A_843 : vector<16xf32> to vector<1x16xf32>
    tpu.vector_store %arg14[%swap3A_845, %swap3A_846], %swap3A_849 {strides = array<i32>} : memref<16x128xf32, #tpu.memory_space<vmem>>, vector<1x16xf32>,
    %broadcast_in_dim3A_850 = arith.constant 0.000000e+00 : f32
    %broadcast_in_dim3A_851 = vector.broadcast %broadcast_in_dim3A_850 : f32 to vector<16xf32>
    %swap3A_852 = arith.constant 12 : i32
    %swap3A_853 = arith.index_cast %swap3A_852 : i32 to index
    %swap3A_854 = arith.constant 32 : index
    %swap3A_855 = tpu.vector_load %arg14[%swap3A_853, %swap3A_854] {strides = array<i32>} : memref<16x128xf32, #tpu.memory_space<vmem>>, vector<1x16xf32>,
    %swap3A_856 = vector.shape_cast %swap3A_855 : vector<1x16xf32> to vector<16xf32>
    %swap3A_857 = vector.shape_cast %broadcast_in_dim3A_851 : vector<16xf32> to vector<1x16xf32>
    tpu.vector_store %arg14[%swap3A_853, %swap3A_854], %swap3A_857 {strides = array<i32>} : memref<16x128xf32, #tpu.memory_space<vmem>>, vector<1x16xf32>,
    %broadcast_in_dim3A_858 = arith.constant 0.000000e+00 : f32
    %broadcast_in_dim3A_859 = vector.broadcast %broadcast_in_dim3A_858 : f32 to vector<16xf32>
    %swap3A_860 = arith.constant 12 : i32
    %swap3A_861 = arith.index_cast %swap3A_860 : i32 to index
    %swap3A_862 = arith.constant 48 : index
    %swap3A_863 = tpu.vector_load %arg14[%swap3A_861, %swap3A_862] {strides = array<i32>} : memref<16x128xf32, #tpu.memory_space<vmem>>, vector<1x16xf32>,
    %swap3A_864 = vector.shape_cast %swap3A_863 : vector<1x16xf32> to vector<16xf32>
    %swap3A_865 = vector.shape_cast %broadcast_in_dim3A_859 : vector<16xf32> to vector<1x16xf32>
    tpu.vector_store %arg14[%swap3A_861, %swap3A_862], %swap3A_865 {strides = array<i32>} : memref<16x128xf32, #tpu.memory_space<vmem>>, vector<1x16xf32>,
    %broadcast_in_dim3A_866 = arith.constant 0.000000e+00 : f32
    %broadcast_in_dim3A_867 = vector.broadcast %broadcast_in_dim3A_866 : f32 to vector<16xf32>
    %swap3A_868 = arith.constant 12 : i32
    %swap3A_869 = arith.index_cast %swap3A_868 : i32 to index
    %swap3A_870 = arith.constant 64 : index
    %swap3A_871 = tpu.vector_load %arg14[%swap3A_869, %swap3A_870] {strides = array<i32>} : memref<16x128xf32, #tpu.memory_space<vmem>>, vector<1x16xf32>,
    %swap3A_872 = vector.shape_cast %swap3A_871 : vector<1x16xf32> to vector<16xf32>
    %swap3A_873 = vector.shape_cast %broadcast_in_dim3A_867 : vector<16xf32> to vector<1x16xf32>
    tpu.vector_store %arg14[%swap3A_869, %swap3A_870], %swap3A_873 {strides = array<i32>} : memref<16x128xf32, #tpu.memory_space<vmem>>, vector<1x16xf32>,
    %broadcast_in_dim3A_874 = arith.constant 0.000000e+00 : f32
    %broadcast_in_dim3A_875 = vector.broadcast %broadcast_in_dim3A_874 : f32 to vector<16xf32>
    %swap3A_876 = arith.constant 12 : i32
    %swap3A_877 = arith.index_cast %swap3A_876 : i32 to index
    %swap3A_878 = arith.constant 80 : index
    %swap3A_879 = tpu.vector_load %arg14[%swap3A_877, %swap3A_878] {strides = array<i32>} : memref<16x128xf32, #tpu.memory_space<vmem>>, vector<1x16xf32>,
    %swap3A_880 = vector.shape_cast %swap3A_879 : vector<1x16xf32> to vector<16xf32>
    %swap3A_881 = vector.shape_cast %broadcast_in_dim3A_875 : vector<16xf32> to vector<1x16xf32>
    tpu.vector_store %arg14[%swap3A_877, %swap3A_878], %swap3A_881 {strides = array<i32>} : memref<16x128xf32, #tpu.memory_space<vmem>>, vector<1x16xf32>,
    %broadcast_in_dim3A_882 = arith.constant 0.000000e+00 : f32
    %broadcast_in_dim3A_883 = vector.broadcast %broadcast_in_dim3A_882 : f32 to vector<16xf32>
    %swap3A_884 = arith.constant 12 : i32
    %swap3A_885 = arith.index_cast %swap3A_884 : i32 to index
    %swap3A_886 = arith.constant 96 : index
    %swap3A_887 = tpu.vector_load %arg14[%swap3A_885, %swap3A_886] {strides = array<i32>} : memref<16x128xf32, #tpu.memory_space<vmem>>, vector<1x16xf32>,
    %swap3A_888 = vector.shape_cast %swap3A_887 : vector<1x16xf32> to vector<16xf32>
    %swap3A_889 = vector.shape_cast %broadcast_in_dim3A_883 : vector<16xf32> to vector<1x16xf32>
    tpu.vector_store %arg14[%swap3A_885, %swap3A_886], %swap3A_889 {strides = array<i32>} : memref<16x128xf32, #tpu.memory_space<vmem>>, vector<1x16xf32>,
    %broadcast_in_dim3A_890 = arith.constant 0.000000e+00 : f32
    %broadcast_in_dim3A_891 = vector.broadcast %broadcast_in_dim3A_890 : f32 to vector<16xf32>
    %swap3A_892 = arith.constant 12 : i32
    %swap3A_893 = arith.index_cast %swap3A_892 : i32 to index
    %swap3A_894 = arith.constant 112 : index
    %swap3A_895 = tpu.vector_load %arg14[%swap3A_893, %swap3A_894] {strides = array<i32>} : memref<16x128xf32, #tpu.memory_space<vmem>>, vector<1x16xf32>,
    %swap3A_896 = vector.shape_cast %swap3A_895 : vector<1x16xf32> to vector<16xf32>
    %swap3A_897 = vector.shape_cast %broadcast_in_dim3A_891 : vector<16xf32> to vector<1x16xf32>
    tpu.vector_store %arg14[%swap3A_893, %swap3A_894], %swap3A_897 {strides = array<i32>} : memref<16x128xf32, #tpu.memory_space<vmem>>, vector<1x16xf32>,
    %broadcast_in_dim3A_898 = arith.constant 0.000000e+00 : f32
    %broadcast_in_dim3A_899 = vector.broadcast %broadcast_in_dim3A_898 : f32 to vector<16xf32>
    %swap3A_900 = arith.constant 13 : i32
    %swap3A_901 = arith.index_cast %swap3A_900 : i32 to index
    %swap3A_902 = arith.constant 0 : index
    %swap3A_903 = tpu.vector_load %arg14[%swap3A_901, %swap3A_902] {strides = array<i32>} : memref<16x128xf32, #tpu.memory_space<vmem>>, vector<1x16xf32>,
    %swap3A_904 = vector.shape_cast %swap3A_903 : vector<1x16xf32> to vector<16xf32>
    %swap3A_905 = vector.shape_cast %broadcast_in_dim3A_899 : vector<16xf32> to vector<1x16xf32>
    tpu.vector_store %arg14[%swap3A_901, %swap3A_902], %swap3A_905 {strides = array<i32>} : memref<16x128xf32, #tpu.memory_space<vmem>>, vector<1x16xf32>,
    %broadcast_in_dim3A_906 = arith.constant 0.000000e+00 : f32
    %broadcast_in_dim3A_907 = vector.broadcast %broadcast_in_dim3A_906 : f32 to vector<16xf32>
    %swap3A_908 = arith.constant 13 : i32
    %swap3A_909 = arith.index_cast %swap3A_908 : i32 to index
    %swap3A_910 = arith.constant 16 : index
    %swap3A_911 = tpu.vector_load %arg14[%swap3A_909, %swap3A_910] {strides = array<i32>} : memref<16x128xf32, #tpu.memory_space<vmem>>, vector<1x16xf32>,
    %swap3A_912 = vector.shape_cast %swap3A_911 : vector<1x16xf32> to vector<16xf32>
    %swap3A_913 = vector.shape_cast %broadcast_in_dim3A_907 : vector<16xf32> to vector<1x16xf32>
    tpu.vector_store %arg14[%swap3A_909, %swap3A_910], %swap3A_913 {strides = array<i32>} : memref<16x128xf32, #tpu.memory_space<vmem>>, vector<1x16xf32>,
    %broadcast_in_dim3A_914 = arith.constant 0.000000e+00 : f32
    %broadcast_in_dim3A_915 = vector.broadcast %broadcast_in_dim3A_914 : f32 to vector<16xf32>
    %swap3A_916 = arith.constant 13 : i32
    %swap3A_917 = arith.index_cast %swap3A_916 : i32 to index
    %swap3A_918 = arith.constant 32 : index
    %swap3A_919 = tpu.vector_load %arg14[%swap3A_917, %swap3A_918] {strides = array<i32>} : memref<16x128xf32, #tpu.memory_space<vmem>>, vector<1x16xf32>,
    %swap3A_920 = vector.shape_cast %swap3A_919 : vector<1x16xf32> to vector<16xf32>
    %swap3A_921 = vector.shape_cast %broadcast_in_dim3A_915 : vector<16xf32> to vector<1x16xf32>
    tpu.vector_store %arg14[%swap3A_917, %swap3A_918], %swap3A_921 {strides = array<i32>} : memref<16x128xf32, #tpu.memory_space<vmem>>, vector<1x16xf32>,
    %broadcast_in_dim3A_922 = arith.constant 0.000000e+00 : f32
    %broadcast_in_dim3A_923 = vector.broadcast %broadcast_in_dim3A_922 : f32 to vector<16xf32>
    %swap3A_924 = arith.constant 13 : i32
    %swap3A_925 = arith.index_cast %swap3A_924 : i32 to index
    %swap3A_926 = arith.constant 48 : index
    %swap3A_927 = tpu.vector_load %arg14[%swap3A_925, %swap3A_926] {strides = array<i32>} : memref<16x128xf32, #tpu.memory_space<vmem>>, vector<1x16xf32>,
    %swap3A_928 = vector.shape_cast %swap3A_927 : vector<1x16xf32> to vector<16xf32>
    %swap3A_929 = vector.shape_cast %broadcast_in_dim3A_923 : vector<16xf32> to vector<1x16xf32>
    tpu.vector_store %arg14[%swap3A_925, %swap3A_926], %swap3A_929 {strides = array<i32>} : memref<16x128xf32, #tpu.memory_space<vmem>>, vector<1x16xf32>,
    %broadcast_in_dim3A_930 = arith.constant 0.000000e+00 : f32
    %broadcast_in_dim3A_931 = vector.broadcast %broadcast_in_dim3A_930 : f32 to vector<16xf32>
    %swap3A_932 = arith.constant 13 : i32
    %swap3A_933 = arith.index_cast %swap3A_932 : i32 to index
    %swap3A_934 = arith.constant 64 : index
    %swap3A_935 = tpu.vector_load %arg14[%swap3A_933, %swap3A_934] {strides = array<i32>} : memref<16x128xf32, #tpu.memory_space<vmem>>, vector<1x16xf32>,
    %swap3A_936 = vector.shape_cast %swap3A_935 : vector<1x16xf32> to vector<16xf32>
    %swap3A_937 = vector.shape_cast %broadcast_in_dim3A_931 : vector<16xf32> to vector<1x16xf32>
    tpu.vector_store %arg14[%swap3A_933, %swap3A_934], %swap3A_937 {strides = array<i32>} : memref<16x128xf32, #tpu.memory_space<vmem>>, vector<1x16xf32>,
    %broadcast_in_dim3A_938 = arith.constant 0.000000e+00 : f32
    %broadcast_in_dim3A_939 = vector.broadcast %broadcast_in_dim3A_938 : f32 to vector<16xf32>
    %swap3A_940 = arith.constant 13 : i32
    %swap3A_941 = arith.index_cast %swap3A_940 : i32 to index
    %swap3A_942 = arith.constant 80 : index
    %swap3A_943 = tpu.vector_load %arg14[%swap3A_941, %swap3A_942] {strides = array<i32>} : memref<16x128xf32, #tpu.memory_space<vmem>>, vector<1x16xf32>,
    %swap3A_944 = vector.shape_cast %swap3A_943 : vector<1x16xf32> to vector<16xf32>
    %swap3A_945 = vector.shape_cast %broadcast_in_dim3A_939 : vector<16xf32> to vector<1x16xf32>
    tpu.vector_store %arg14[%swap3A_941, %swap3A_942], %swap3A_945 {strides = array<i32>} : memref<16x128xf32, #tpu.memory_space<vmem>>, vector<1x16xf32>,
    %broadcast_in_dim3A_946 = arith.constant 0.000000e+00 : f32
    %broadcast_in_dim3A_947 = vector.broadcast %broadcast_in_dim3A_946 : f32 to vector<16xf32>
    %swap3A_948 = arith.constant 13 : i32
    %swap3A_949 = arith.index_cast %swap3A_948 : i32 to index
    %swap3A_950 = arith.constant 96 : index
    %swap3A_951 = tpu.vector_load %arg14[%swap3A_949, %swap3A_950] {strides = array<i32>} : memref<16x128xf32, #tpu.memory_space<vmem>>, vector<1x16xf32>,
    %swap3A_952 = vector.shape_cast %swap3A_951 : vector<1x16xf32> to vector<16xf32>
    %swap3A_953 = vector.shape_cast %broadcast_in_dim3A_947 : vector<16xf32> to vector<1x16xf32>
    tpu.vector_store %arg14[%swap3A_949, %swap3A_950], %swap3A_953 {strides = array<i32>} : memref<16x128xf32, #tpu.memory_space<vmem>>, vector<1x16xf32>,
    %broadcast_in_dim3A_954 = arith.constant 0.000000e+00 : f32
    %broadcast_in_dim3A_955 = vector.broadcast %broadcast_in_dim3A_954 : f32 to vector<16xf32>
    %swap3A_956 = arith.constant 13 : i32
    %swap3A_957 = arith.index_cast %swap3A_956 : i32 to index
    %swap3A_958 = arith.constant 112 : index
    %swap3A_959 = tpu.vector_load %arg14[%swap3A_957, %swap3A_958] {strides = array<i32>} : memref<16x128xf32, #tpu.memory_space<vmem>>, vector<1x16xf32>,
    %swap3A_960 = vector.shape_cast %swap3A_959 : vector<1x16xf32> to vector<16xf32>
    %swap3A_961 = vector.shape_cast %broadcast_in_dim3A_955 : vector<16xf32> to vector<1x16xf32>
    tpu.vector_store %arg14[%swap3A_957, %swap3A_958], %swap3A_961 {strides = array<i32>} : memref<16x128xf32, #tpu.memory_space<vmem>>, vector<1x16xf32>,
    %broadcast_in_dim3A_962 = arith.constant 0.000000e+00 : f32
    %broadcast_in_dim3A_963 = vector.broadcast %broadcast_in_dim3A_962 : f32 to vector<16xf32>
    %swap3A_964 = arith.constant 14 : i32
    %swap3A_965 = arith.index_cast %swap3A_964 : i32 to index
    %swap3A_966 = arith.constant 0 : index
    %swap3A_967 = tpu.vector_load %arg14[%swap3A_965, %swap3A_966] {strides = array<i32>} : memref<16x128xf32, #tpu.memory_space<vmem>>, vector<1x16xf32>,
    %swap3A_968 = vector.shape_cast %swap3A_967 : vector<1x16xf32> to vector<16xf32>
    %swap3A_969 = vector.shape_cast %broadcast_in_dim3A_963 : vector<16xf32> to vector<1x16xf32>
    tpu.vector_store %arg14[%swap3A_965, %swap3A_966], %swap3A_969 {strides = array<i32>} : memref<16x128xf32, #tpu.memory_space<vmem>>, vector<1x16xf32>,
    %broadcast_in_dim3A_970 = arith.constant 0.000000e+00 : f32
    %broadcast_in_dim3A_971 = vector.broadcast %broadcast_in_dim3A_970 : f32 to vector<16xf32>
    %swap3A_972 = arith.constant 14 : i32
    %swap3A_973 = arith.index_cast %swap3A_972 : i32 to index
    %swap3A_974 = arith.constant 16 : index
    %swap3A_975 = tpu.vector_load %arg14[%swap3A_973, %swap3A_974] {strides = array<i32>} : memref<16x128xf32, #tpu.memory_space<vmem>>, vector<1x16xf32>,
    %swap3A_976 = vector.shape_cast %swap3A_975 : vector<1x16xf32> to vector<16xf32>
    %swap3A_977 = vector.shape_cast %broadcast_in_dim3A_971 : vector<16xf32> to vector<1x16xf32>
    tpu.vector_store %arg14[%swap3A_973, %swap3A_974], %swap3A_977 {strides = array<i32>} : memref<16x128xf32, #tpu.memory_space<vmem>>, vector<1x16xf32>,
    %broadcast_in_dim3A_978 = arith.constant 0.000000e+00 : f32
    %broadcast_in_dim3A_979 = vector.broadcast %broadcast_in_dim3A_978 : f32 to vector<16xf32>
    %swap3A_980 = arith.constant 14 : i32
    %swap3A_981 = arith.index_cast %swap3A_980 : i32 to index
    %swap3A_982 = arith.constant 32 : index
    %swap3A_983 = tpu.vector_load %arg14[%swap3A_981, %swap3A_982] {strides = array<i32>} : memref<16x128xf32, #tpu.memory_space<vmem>>, vector<1x16xf32>,
    %swap3A_984 = vector.shape_cast %swap3A_983 : vector<1x16xf32> to vector<16xf32>
    %swap3A_985 = vector.shape_cast %broadcast_in_dim3A_979 : vector<16xf32> to vector<1x16xf32>
    tpu.vector_store %arg14[%swap3A_981, %swap3A_982], %swap3A_985 {strides = array<i32>} : memref<16x128xf32, #tpu.memory_space<vmem>>, vector<1x16xf32>,
    %broadcast_in_dim3A_986 = arith.constant 0.000000e+00 : f32
    %broadcast_in_dim3A_987 = vector.broadcast %broadcast_in_dim3A_986 : f32 to vector<16xf32>
    %swap3A_988 = arith.constant 14 : i32
    %swap3A_989 = arith.index_cast %swap3A_988 : i32 to index
    %swap3A_990 = arith.constant 48 : index
    %swap3A_991 = tpu.vector_load %arg14[%swap3A_989, %swap3A_990] {strides = array<i32>} : memref<16x128xf32, #tpu.memory_space<vmem>>, vector<1x16xf32>,
    %swap3A_992 = vector.shape_cast %swap3A_991 : vector<1x16xf32> to vector<16xf32>
    %swap3A_993 = vector.shape_cast %broadcast_in_dim3A_987 : vector<16xf32> to vector<1x16xf32>
    tpu.vector_store %arg14[%swap3A_989, %swap3A_990], %swap3A_993 {strides = array<i32>} : memref<16x128xf32, #tpu.memory_space<vmem>>, vector<1x16xf32>,
    %broadcast_in_dim3A_994 = arith.constant 0.000000e+00 : f32
    %broadcast_in_dim3A_995 = vector.broadcast %broadcast_in_dim3A_994 : f32 to vector<16xf32>
    %swap3A_996 = arith.constant 14 : i32
    %swap3A_997 = arith.index_cast %swap3A_996 : i32 to index
    %swap3A_998 = arith.constant 64 : index
    %swap3A_999 = tpu.vector_load %arg14[%swap3A_997, %swap3A_998] {strides = array<i32>} : memref<16x128xf32, #tpu.memory_space<vmem>>, vector<1x16xf32>,
    %swap3A_1000 = vector.shape_cast %swap3A_999 : vector<1x16xf32> to vector<16xf32>
    %swap3A_1001 = vector.shape_cast %broadcast_in_dim3A_995 : vector<16xf32> to vector<1x16xf32>
    tpu.vector_store %arg14[%swap3A_997, %swap3A_998], %swap3A_1001 {strides = array<i32>} : memref<16x128xf32, #tpu.memory_space<vmem>>, vector<1x16xf32>,
    %broadcast_in_dim3A_1002 = arith.constant 0.000000e+00 : f32
    %broadcast_in_dim3A_1003 = vector.broadcast %broadcast_in_dim3A_1002 : f32 to vector<16xf32>
    %swap3A_1004 = arith.constant 14 : i32
    %swap3A_1005 = arith.index_cast %swap3A_1004 : i32 to index
    %swap3A_1006 = arith.constant 80 : index
    %swap3A_1007 = tpu.vector_load %arg14[%swap3A_1005, %swap3A_1006] {strides = array<i32>} : memref<16x128xf32, #tpu.memory_space<vmem>>, vector<1x16xf32>,
    %swap3A_1008 = vector.shape_cast %swap3A_1007 : vector<1x16xf32> to vector<16xf32>
    %swap3A_1009 = vector.shape_cast %broadcast_in_dim3A_1003 : vector<16xf32> to vector<1x16xf32>
    tpu.vector_store %arg14[%swap3A_1005, %swap3A_1006], %swap3A_1009 {strides = array<i32>} : memref<16x128xf32, #tpu.memory_space<vmem>>, vector<1x16xf32>,
    %broadcast_in_dim3A_1010 = arith.constant 0.000000e+00 : f32
    %broadcast_in_dim3A_1011 = vector.broadcast %broadcast_in_dim3A_1010 : f32 to vector<16xf32>
    %swap3A_1012 = arith.constant 14 : i32
    %swap3A_1013 = arith.index_cast %swap3A_1012 : i32 to index
    %swap3A_1014 = arith.constant 96 : index
    %swap3A_1015 = tpu.vector_load %arg14[%swap3A_1013, %swap3A_1014] {strides = array<i32>} : memref<16x128xf32, #tpu.memory_space<vmem>>, vector<1x16xf32>,
    %swap3A_1016 = vector.shape_cast %swap3A_1015 : vector<1x16xf32> to vector<16xf32>
    %swap3A_1017 = vector.shape_cast %broadcast_in_dim3A_1011 : vector<16xf32> to vector<1x16xf32>
    tpu.vector_store %arg14[%swap3A_1013, %swap3A_1014], %swap3A_1017 {strides = array<i32>} : memref<16x128xf32, #tpu.memory_space<vmem>>, vector<1x16xf32>,
    %broadcast_in_dim3A_1018 = arith.constant 0.000000e+00 : f32
    %broadcast_in_dim3A_1019 = vector.broadcast %broadcast_in_dim3A_1018 : f32 to vector<16xf32>
    %swap3A_1020 = arith.constant 14 : i32
    %swap3A_1021 = arith.index_cast %swap3A_1020 : i32 to index
    %swap3A_1022 = arith.constant 112 : index
    %swap3A_1023 = tpu.vector_load %arg14[%swap3A_1021, %swap3A_1022] {strides = array<i32>} : memref<16x128xf32, #tpu.memory_space<vmem>>, vector<1x16xf32>,
    %swap3A_1024 = vector.shape_cast %swap3A_1023 : vector<1x16xf32> to vector<16xf32>
    %swap3A_1025 = vector.shape_cast %broadcast_in_dim3A_1019 : vector<16xf32> to vector<1x16xf32>
    tpu.vector_store %arg14[%swap3A_1021, %swap3A_1022], %swap3A_1025 {strides = array<i32>} : memref<16x128xf32, #tpu.memory_space<vmem>>, vector<1x16xf32>,
    %broadcast_in_dim3A_1026 = arith.constant 0.000000e+00 : f32
    %broadcast_in_dim3A_1027 = vector.broadcast %broadcast_in_dim3A_1026 : f32 to vector<16xf32>
    %swap3A_1028 = arith.constant 15 : i32
    %swap3A_1029 = arith.index_cast %swap3A_1028 : i32 to index
    %swap3A_1030 = arith.constant 0 : index
    %swap3A_1031 = tpu.vector_load %arg14[%swap3A_1029, %swap3A_1030] {strides = array<i32>} : memref<16x128xf32, #tpu.memory_space<vmem>>, vector<1x16xf32>,
    %swap3A_1032 = vector.shape_cast %swap3A_1031 : vector<1x16xf32> to vector<16xf32>
    %swap3A_1033 = vector.shape_cast %broadcast_in_dim3A_1027 : vector<16xf32> to vector<1x16xf32>
    tpu.vector_store %arg14[%swap3A_1029, %swap3A_1030], %swap3A_1033 {strides = array<i32>} : memref<16x128xf32, #tpu.memory_space<vmem>>, vector<1x16xf32>,
    %broadcast_in_dim3A_1034 = arith.constant 0.000000e+00 : f32
    %broadcast_in_dim3A_1035 = vector.broadcast %broadcast_in_dim3A_1034 : f32 to vector<16xf32>
    %swap3A_1036 = arith.constant 15 : i32
    %swap3A_1037 = arith.index_cast %swap3A_1036 : i32 to index
    %swap3A_1038 = arith.constant 16 : index
    %swap3A_1039 = tpu.vector_load %arg14[%swap3A_1037, %swap3A_1038] {strides = array<i32>} : memref<16x128xf32, #tpu.memory_space<vmem>>, vector<1x16xf32>,
    %swap3A_1040 = vector.shape_cast %swap3A_1039 : vector<1x16xf32> to vector<16xf32>
    %swap3A_1041 = vector.shape_cast %broadcast_in_dim3A_1035 : vector<16xf32> to vector<1x16xf32>
    tpu.vector_store %arg14[%swap3A_1037, %swap3A_1038], %swap3A_1041 {strides = array<i32>} : memref<16x128xf32, #tpu.memory_space<vmem>>, vector<1x16xf32>,
    %broadcast_in_dim3A_1042 = arith.constant 0.000000e+00 : f32
    %broadcast_in_dim3A_1043 = vector.broadcast %broadcast_in_dim3A_1042 : f32 to vector<16xf32>
    %swap3A_1044 = arith.constant 15 : i32
    %swap3A_1045 = arith.index_cast %swap3A_1044 : i32 to index
    %swap3A_1046 = arith.constant 32 : index
    %swap3A_1047 = tpu.vector_load %arg14[%swap3A_1045, %swap3A_1046] {strides = array<i32>} : memref<16x128xf32, #tpu.memory_space<vmem>>, vector<1x16xf32>,
    %swap3A_1048 = vector.shape_cast %swap3A_1047 : vector<1x16xf32> to vector<16xf32>
    %swap3A_1049 = vector.shape_cast %broadcast_in_dim3A_1043 : vector<16xf32> to vector<1x16xf32>
    tpu.vector_store %arg14[%swap3A_1045, %swap3A_1046], %swap3A_1049 {strides = array<i32>} : memref<16x128xf32, #tpu.memory_space<vmem>>, vector<1x16xf32>,
    %broadcast_in_dim3A_1050 = arith.constant 0.000000e+00 : f32
    %broadcast_in_dim3A_1051 = vector.broadcast %broadcast_in_dim3A_1050 : f32 to vector<16xf32>
    %swap3A_1052 = arith.constant 15 : i32
    %swap3A_1053 = arith.index_cast %swap3A_1052 : i32 to index
    %swap3A_1054 = arith.constant 48 : index
    %swap3A_1055 = tpu.vector_load %arg14[%swap3A_1053, %swap3A_1054] {strides = array<i32>} : memref<16x128xf32, #tpu.memory_space<vmem>>, vector<1x16xf32>,
    %swap3A_1056 = vector.shape_cast %swap3A_1055 : vector<1x16xf32> to vector<16xf32>
    %swap3A_1057 = vector.shape_cast %broadcast_in_dim3A_1051 : vector<16xf32> to vector<1x16xf32>
    tpu.vector_store %arg14[%swap3A_1053, %swap3A_1054], %swap3A_1057 {strides = array<i32>} : memref<16x128xf32, #tpu.memory_space<vmem>>, vector<1x16xf32>,
    %broadcast_in_dim3A_1058 = arith.constant 0.000000e+00 : f32
    %broadcast_in_dim3A_1059 = vector.broadcast %broadcast_in_dim3A_1058 : f32 to vector<16xf32>
    %swap3A_1060 = arith.constant 15 : i32
    %swap3A_1061 = arith.index_cast %swap3A_1060 : i32 to index
    %swap3A_1062 = arith.constant 64 : index
    %swap3A_1063 = tpu.vector_load %arg14[%swap3A_1061, %swap3A_1062] {strides = array<i32>} : memref<16x128xf32, #tpu.memory_space<vmem>>, vector<1x16xf32>,
    %swap3A_1064 = vector.shape_cast %swap3A_1063 : vector<1x16xf32> to vector<16xf32>
    %swap3A_1065 = vector.shape_cast %broadcast_in_dim3A_1059 : vector<16xf32> to vector<1x16xf32>
    tpu.vector_store %arg14[%swap3A_1061, %swap3A_1062], %swap3A_1065 {strides = array<i32>} : memref<16x128xf32, #tpu.memory_space<vmem>>, vector<1x16xf32>,
    %broadcast_in_dim3A_1066 = arith.constant 0.000000e+00 : f32
    %broadcast_in_dim3A_1067 = vector.broadcast %broadcast_in_dim3A_1066 : f32 to vector<16xf32>
    %swap3A_1068 = arith.constant 15 : i32
    %swap3A_1069 = arith.index_cast %swap3A_1068 : i32 to index
    %swap3A_1070 = arith.constant 80 : index
    %swap3A_1071 = tpu.vector_load %arg14[%swap3A_1069, %swap3A_1070] {strides = array<i32>} : memref<16x128xf32, #tpu.memory_space<vmem>>, vector<1x16xf32>,
    %swap3A_1072 = vector.shape_cast %swap3A_1071 : vector<1x16xf32> to vector<16xf32>
    %swap3A_1073 = vector.shape_cast %broadcast_in_dim3A_1067 : vector<16xf32> to vector<1x16xf32>
    tpu.vector_store %arg14[%swap3A_1069, %swap3A_1070], %swap3A_1073 {strides = array<i32>} : memref<16x128xf32, #tpu.memory_space<vmem>>, vector<1x16xf32>,
    %broadcast_in_dim3A_1074 = arith.constant 0.000000e+00 : f32
    %broadcast_in_dim3A_1075 = vector.broadcast %broadcast_in_dim3A_1074 : f32 to vector<16xf32>
    %swap3A_1076 = arith.constant 15 : i32
    %swap3A_1077 = arith.index_cast %swap3A_1076 : i32 to index
    %swap3A_1078 = arith.constant 96 : index
    %swap3A_1079 = tpu.vector_load %arg14[%swap3A_1077, %swap3A_1078] {strides = array<i32>} : memref<16x128xf32, #tpu.memory_space<vmem>>, vector<1x16xf32>,
    %swap3A_1080 = vector.shape_cast %swap3A_1079 : vector<1x16xf32> to vector<16xf32>
    %swap3A_1081 = vector.shape_cast %broadcast_in_dim3A_1075 : vector<16xf32> to vector<1x16xf32>
    tpu.vector_store %arg14[%swap3A_1077, %swap3A_1078], %swap3A_1081 {strides = array<i32>} : memref<16x128xf32, #tpu.memory_space<vmem>>, vector<1x16xf32>,
    %broadcast_in_dim3A_1082 = arith.constant 0.000000e+00 : f32
    %broadcast_in_dim3A_1083 = vector.broadcast %broadcast_in_dim3A_1082 : f32 to vector<16xf32>
    %swap3A_1084 = arith.constant 15 : i32
    %swap3A_1085 = arith.index_cast %swap3A_1084 : i32 to index
    %swap3A_1086 = arith.constant 112 : index
    %swap3A_1087 = tpu.vector_load %arg14[%swap3A_1085, %swap3A_1086] {strides = array<i32>} : memref<16x128xf32, #tpu.memory_space<vmem>>, vector<1x16xf32>,
    %swap3A_1088 = vector.shape_cast %swap3A_1087 : vector<1x16xf32> to vector<16xf32>
    %swap3A_1089 = vector.shape_cast %broadcast_in_dim3A_1083 : vector<16xf32> to vector<1x16xf32>
    tpu.vector_store %arg14[%swap3A_1085, %swap3A_1086], %swap3A_1089 {strides = array<i32>} : memref<16x128xf32, #tpu.memory_space<vmem>>, vector<1x16xf32>,
    %mul3A_1090 = arith.constant 16 : i32
    %mul3A_1091 = arith.muli %arg1, %mul3A_1090 : i32
    "tpu.region"() ({
      %run_scoped3A = tpu.sem_alloc : memref<!tpu.dma_semaphore, #tpu.memory_space<semaphore_mem>>
      %dma_start3A_1144 = arith.constant 0 : i32
      %dma_start3A_1145 = tpu.memref_slice %arg15[%mul3A_1091, %dma_start3A_1144] : memref<257x128xf32, #tpu.memory_space<vmem_shared>> -> memref<16x128xf32, #tpu.memory_space<vmem_shared>>
      %dma_start3A_1146 = arith.constant 0 : i32
      %dma_start3A_1147 = tpu.memref_slice %arg15[%mul3A_1091, %dma_start3A_1146] : memref<257x128xf32, #tpu.memory_space<vmem_shared>> -> memref<16x128xf32, #tpu.memory_space<vmem_shared>>
      tpu.enqueue_dma source(%arg14 : memref<16x128xf32, #tpu.memory_space<vmem>>) target(%dma_start3A_1147 : memref<16x128xf32, #tpu.memory_space<vmem_shared>>) target_semaphore(%run_scoped3A : memref<!tpu.dma_semaphore, #tpu.memory_space<semaphore_mem>>)
      %dma_wait3A_1148 = arith.constant 0 : i32
      %dma_wait3A_1149 = tpu.memref_slice %arg15[%mul3A_1091, %dma_wait3A_1148] : memref<257x128xf32, #tpu.memory_space<vmem_shared>> -> memref<16x128xf32, #tpu.memory_space<vmem_shared>>
      %dma_wait3A_1150 = arith.constant 0 : i32
      %dma_wait3A_1151 = tpu.memref_slice %arg15[%mul3A_1091, %dma_wait3A_1150] : memref<257x128xf32, #tpu.memory_space<vmem_shared>> -> memref<16x128xf32, #tpu.memory_space<vmem_shared>>
      tpu.wait_dma2 semaphore(%run_scoped3A : memref<!tpu.dma_semaphore, #tpu.memory_space<semaphore_mem>>) src(%arg14 : memref<16x128xf32, #tpu.memory_space<vmem>>) dst(%dma_wait3A_1151 : memref<16x128xf32, #tpu.memory_space<vmem_shared>>)
      tpu.yield
    }) : () -> ()
    %eq3A = arith.constant 0 : i32
    %eq3A_1092 = arith.cmpi eq, %arg1, %eq3A : i32
    %convert_element_type3A = arith.extui %eq3A_1092 : i1 to i32
    %cond3A = arith.constant 0 : i32
    %cond3A_1093 = arith.cmpi ne, %convert_element_type3A, %cond3A : i32
    scf.if %cond3A_1093 {
      "tpu.region"() ({
        %run_scoped3A = tpu.sem_alloc : memref<!tpu.dma_semaphore, #tpu.memory_space<semaphore_mem>>
        %dma_start3A_1144 = arith.constant 0 : i32
        %dma_start3A_1145 = arith.constant 0 : i32
        %dma_start3A_1146 = tpu.memref_slice %arg14[%dma_start3A_1144, %dma_start3A_1145] : memref<16x128xf32, #tpu.memory_space<vmem>> -> memref<1x128xf32, #tpu.memory_space<vmem>>
        %dma_start3A_1147 = arith.constant 256 : i32
        %dma_start3A_1148 = arith.constant 0 : i32
        %dma_start3A_1149 = tpu.memref_slice %arg15[%dma_start3A_1147, %dma_start3A_1148] : memref<257x128xf32, #tpu.memory_space<vmem_shared>> -> memref<1x128xf32, #tpu.memory_space<vmem_shared>>
        %dma_start3A_1150 = arith.constant 256 : i32
        %dma_start3A_1151 = arith.constant 0 : i32
        %dma_start3A_1152 = tpu.memref_slice %arg15[%dma_start3A_1150, %dma_start3A_1151] : memref<257x128xf32, #tpu.memory_space<vmem_shared>> -> memref<1x128xf32, #tpu.memory_space<vmem_shared>>
        %dma_start3A_1153 = arith.constant 0 : i32
        %dma_start3A_1154 = arith.constant 0 : i32
        %dma_start3A_1155 = tpu.memref_slice %arg14[%dma_start3A_1153, %dma_start3A_1154] : memref<16x128xf32, #tpu.memory_space<vmem>> -> memref<1x128xf32, #tpu.memory_space<vmem>>
        tpu.enqueue_dma source(%dma_start3A_1155 : memref<1x128xf32, #tpu.memory_space<vmem>>) target(%dma_start3A_1152 : memref<1x128xf32, #tpu.memory_space<vmem_shared>>) target_semaphore(%run_scoped3A : memref<!tpu.dma_semaphore, #tpu.memory_space<semaphore_mem>>)
        %dma_wait3A_1156 = arith.constant 0 : i32
        %dma_wait3A_1157 = arith.constant 0 : i32
        %dma_wait3A_1158 = tpu.memref_slice %arg14[%dma_wait3A_1156, %dma_wait3A_1157] : memref<16x128xf32, #tpu.memory_space<vmem>> -> memref<1x128xf32, #tpu.memory_space<vmem>>
        %dma_wait3A_1159 = arith.constant 256 : i32
        %dma_wait3A_1160 = arith.constant 0 : i32
        %dma_wait3A_1161 = tpu.memref_slice %arg15[%dma_wait3A_1159, %dma_wait3A_1160] : memref<257x128xf32, #tpu.memory_space<vmem_shared>> -> memref<1x128xf32, #tpu.memory_space<vmem_shared>>
        %dma_wait3A_1162 = arith.constant 256 : i32
        %dma_wait3A_1163 = arith.constant 0 : i32
        %dma_wait3A_1164 = tpu.memref_slice %arg15[%dma_wait3A_1162, %dma_wait3A_1163] : memref<257x128xf32, #tpu.memory_space<vmem_shared>> -> memref<1x128xf32, #tpu.memory_space<vmem_shared>>
        %dma_wait3A_1165 = arith.constant 0 : i32
        %dma_wait3A_1166 = arith.constant 0 : i32
        %dma_wait3A_1167 = tpu.memref_slice %arg14[%dma_wait3A_1165, %dma_wait3A_1166] : memref<16x128xf32, #tpu.memory_space<vmem>> -> memref<1x128xf32, #tpu.memory_space<vmem>>
        tpu.wait_dma2 semaphore(%run_scoped3A : memref<!tpu.dma_semaphore, #tpu.memory_space<semaphore_mem>>) src(%dma_wait3A_1167 : memref<1x128xf32, #tpu.memory_space<vmem>>) dst(%dma_wait3A_1164 : memref<1x128xf32, #tpu.memory_space<vmem_shared>>)
        tpu.yield
      }) : () -> ()
    } else {
    }
    %dma_wait3A = arith.constant 0 : i32
    %dma_wait3A_1094 = arith.constant 0 : i32
    %dma_wait3A_1095 = arith.constant 0 : i32
    %dma_wait3A_1096 = tpu.memref_slice %arg2[%dma_wait3A, %dma_wait3A_1094, %dma_wait3A_1095] : memref<32x48x128xi32, #tpu.memory_space<hbm>> -> memref<1x48x128xi32, #tpu.memory_space<hbm>>
    %dma_wait3A_1097 = tpu.memref_squeeze %dma_wait3A_1096 : memref<1x48x128xi32, #tpu.memory_space<hbm>> -> memref<48x128xi32, #tpu.memory_space<hbm>>
    %dma_wait3A_1098 = arith.constant 0 : i32
    %dma_wait3A_1099 = arith.constant 0 : i32
    %dma_wait3A_1100 = tpu.memref_slice %arg2[%dma_wait3A, %dma_wait3A_1098, %dma_wait3A_1099] : memref<32x48x128xi32, #tpu.memory_space<hbm>> -> memref<1x48x128xi32, #tpu.memory_space<hbm>>
    %dma_wait3A_1101 = tpu.memref_squeeze %dma_wait3A_1100 : memref<1x48x128xi32, #tpu.memory_space<hbm>> -> memref<48x128xi32, #tpu.memory_space<hbm>>
    tpu.wait_dma2 semaphore(%arg16 : memref<!tpu.dma_semaphore, #tpu.memory_space<semaphore_mem>>) src(%dma_wait3A_1101 : memref<48x128xi32, #tpu.memory_space<hbm>>) dst(%arg9 : memref<48x128xi32, #tpu.memory_space<vmem>>)
    %dma_wait3A_1102 = arith.constant 0 : i32
    %dma_wait3A_1103 = arith.constant 0 : i32
    %dma_wait3A_1104 = tpu.memref_slice %arg5[%dma_wait3A_1102, %dma_wait3A_1103] : memref<32x48xi32, #tpu.memory_space<hbm>> -> memref<1x48xi32, #tpu.memory_space<hbm>>
    %dma_wait3A_1105 = tpu.memref_squeeze %dma_wait3A_1104 : memref<1x48xi32, #tpu.memory_space<hbm>> -> memref<48xi32, #tpu.memory_space<hbm>>
    %dma_wait3A_1106 = arith.constant 0 : i32
    %dma_wait3A_1107 = tpu.memref_slice %arg5[%dma_wait3A_1102, %dma_wait3A_1106] : memref<32x48xi32, #tpu.memory_space<hbm>> -> memref<1x48xi32, #tpu.memory_space<hbm>>
    %dma_wait3A_1108 = tpu.memref_squeeze %dma_wait3A_1107 : memref<1x48xi32, #tpu.memory_space<hbm>> -> memref<48xi32, #tpu.memory_space<hbm>>
    tpu.wait_dma2 semaphore(%arg18 : memref<!tpu.dma_semaphore, #tpu.memory_space<semaphore_mem>>) src(%dma_wait3A_1108 : memref<48xi32, #tpu.memory_space<hbm>>) dst(%arg11 : memref<48xi32, #tpu.memory_space<vmem>>)
    %dma_wait3A_1109 = arith.constant 0 : i32
    %dma_wait3A_1110 = arith.constant 0 : i32
    %dma_wait3A_1111 = tpu.memref_slice %arg6[%dma_wait3A_1109, %dma_wait3A_1110] : memref<32x64xi32, #tpu.memory_space<hbm>> -> memref<1x64xi32, #tpu.memory_space<hbm>>
    %dma_wait3A_1112 = tpu.memref_squeeze %dma_wait3A_1111 : memref<1x64xi32, #tpu.memory_space<hbm>> -> memref<64xi32, #tpu.memory_space<hbm>>
    %dma_wait3A_1113 = arith.constant 0 : i32
    %dma_wait3A_1114 = tpu.memref_slice %arg6[%dma_wait3A_1109, %dma_wait3A_1113] : memref<32x64xi32, #tpu.memory_space<hbm>> -> memref<1x64xi32, #tpu.memory_space<hbm>>
    %dma_wait3A_1115 = tpu.memref_squeeze %dma_wait3A_1114 : memref<1x64xi32, #tpu.memory_space<hbm>> -> memref<64xi32, #tpu.memory_space<hbm>>
    tpu.wait_dma2 semaphore(%arg18 : memref<!tpu.dma_semaphore, #tpu.memory_space<semaphore_mem>>) src(%dma_wait3A_1115 : memref<64xi32, #tpu.memory_space<hbm>>) dst(%arg12 : memref<64xi32, #tpu.memory_space<vmem>>)
    %dma_wait3A_1116 = arith.constant 0 : i32
    %dma_wait3A_1117 = arith.constant 0 : i32
    %dma_wait3A_1118 = tpu.memref_slice %arg4[%dma_wait3A_1116, %dma_wait3A_1117] : memref<1500x128xf32, #tpu.memory_space<hbm>> -> memref<48x128xf32, #tpu.memory_space<hbm>>
    %dma_wait3A_1119 = arith.constant 0 : i32
    %dma_wait3A_1120 = arith.constant 0 : i32
    %dma_wait3A_1121 = tpu.memref_slice %arg4[%dma_wait3A_1119, %dma_wait3A_1120] : memref<1500x128xf32, #tpu.memory_space<hbm>> -> memref<48x128xf32, #tpu.memory_space<hbm>>
    tpu.wait_dma2 semaphore(%arg17 : memref<!tpu.dma_semaphore, #tpu.memory_space<semaphore_mem>>) src(%dma_wait3A_1121 : memref<48x128xf32, #tpu.memory_space<hbm>>) dst(%arg10 : memref<48x128xf32, #tpu.memory_space<vmem>>)
    %barrier3A = arith.constant 0 : index
    tpu.barrier barrier_id(%barrier3A)
    "tpu.region"() ({
      %run_scoped3A = tpu.sem_alloc : memref<!tpu.dma_semaphore, #tpu.memory_space<semaphore_mem>>
      %dma_start3A_1144 = arith.constant 0 : i32
      %dma_start3A_1145 = arith.constant 0 : i32
      %dma_start3A_1146 = tpu.memref_slice %arg15[%dma_start3A_1144, %dma_start3A_1145] : memref<257x128xf32, #tpu.memory_space<vmem_shared>> -> memref<257x128xf32, #tpu.memory_space<vmem_shared>>
      tpu.enqueue_indirect_dma source(%arg10 : memref<48x128xf32, #tpu.memory_space<vmem>>) target(%dma_start3A_1146 : memref<257x128xf32, #tpu.memory_space<vmem_shared>>) offsets(%arg11 : memref<48xi32, #tpu.memory_space<vmem>>) semaphore(%run_scoped3A : memref<!tpu.dma_semaphore, #tpu.memory_space<semaphore_mem>>) {add = true}
      %dma_wait3A_1147 = arith.constant 0 : i32
      %dma_wait3A_1148 = arith.constant 0 : i32
      %dma_wait3A_1149 = tpu.memref_slice %arg15[%dma_wait3A_1147, %dma_wait3A_1148] : memref<257x128xf32, #tpu.memory_space<vmem_shared>> -> memref<257x128xf32, #tpu.memory_space<vmem_shared>>
      tpu.wait_indirect_dma semaphore(%run_scoped3A : memref<!tpu.dma_semaphore, #tpu.memory_space<semaphore_mem>>) src(%arg10 : memref<48x128xf32, #tpu.memory_space<vmem>>) dst(%dma_wait3A_1149 : memref<257x128xf32, #tpu.memory_space<vmem_shared>>)
      tpu.yield
    }) : () -> ()
    %scan3A = arith.constant 0 : i32
    %scan3A_1122 = arith.constant 0 : i32
    %scan3A_1123 = arith.constant 48 : i32
    %scan3A_1124 = arith.addi %scan3A_1122, %scan3A_1123 : i32
    %scan3A_1125 = arith.constant 1 : i32
    scf.for %scan3A_1144 = %scan3A_1122 to %scan3A_1124 step %scan3A_1125  : i32 {
      %get3A = arith.index_cast %scan3A_1144 : i32 to index
      %get3A_1145 = tpu.vector_load %arg12[%get3A] {strides = array<i32>} : memref<64xi32, #tpu.memory_space<vmem>>, vector<16xi32>,
      %get3A_1146 = vector.shape_cast %get3A_1145 : vector<16xi32> to vector<16xi32>
      %slice3A = vector.extract_strided_slice %get3A_1146 {offsets = [0], sizes = [1], strides = [1]} : vector<16xi32> to vector<1xi32>
      %squeeze3A = vector.extract %slice3A[0] : i32 from vector<1xi32>
      %gt3A = arith.constant 0 : i32
      %gt3A_1147 = arith.cmpi sgt, %squeeze3A, %gt3A : i32
      %convert_element_type3A_1148 = arith.extui %gt3A_1147 : i1 to i32
      %cond3A_1149 = arith.constant 0 : i32
      %cond3A_1150 = arith.cmpi ne, %convert_element_type3A_1148, %cond3A_1149 : i32
      scf.if %cond3A_1150 {
        %add3A_1151 = arith.addi %multiple_of3A, %scan3A_1144 : i32
        %mul3A_1152 = arith.constant 128 : i32
        %mul3A_1153 = arith.muli %add3A_1151, %mul3A_1152 : i32
        "tpu.region"() ({
          %run_scoped3A = tpu.sem_alloc : memref<!tpu.dma_semaphore, #tpu.memory_space<semaphore_mem>>
          %dma_start3A_1154 = arith.constant 0 : i32
          %dma_start3A_1155 = tpu.memref_slice %arg3[%mul3A_1153, %dma_start3A_1154] : memref<160000x128xf32, #tpu.memory_space<hbm>> -> memref<128x128xf32, #tpu.memory_space<hbm>>
          %dma_start3A_1156 = arith.constant 0 : i32
          %dma_start3A_1157 = tpu.memref_slice %arg3[%mul3A_1153, %dma_start3A_1156] : memref<160000x128xf32, #tpu.memory_space<hbm>> -> memref<128x128xf32, #tpu.memory_space<hbm>>
          tpu.enqueue_dma source(%dma_start3A_1157 : memref<128x128xf32, #tpu.memory_space<hbm>>) target(%arg13 : memref<128x128xf32, #tpu.memory_space<vmem>>) target_semaphore(%run_scoped3A : memref<!tpu.dma_semaphore, #tpu.memory_space<semaphore_mem>>)
          %dma_wait3A_1158 = arith.constant 0 : i32
          %dma_wait3A_1159 = tpu.memref_slice %arg3[%mul3A_1153, %dma_wait3A_1158] : memref<160000x128xf32, #tpu.memory_space<hbm>> -> memref<128x128xf32, #tpu.memory_space<hbm>>
          %dma_wait3A_1160 = arith.constant 0 : i32
          %dma_wait3A_1161 = tpu.memref_slice %arg3[%mul3A_1153, %dma_wait3A_1160] : memref<160000x128xf32, #tpu.memory_space<hbm>> -> memref<128x128xf32, #tpu.memory_space<hbm>>
          tpu.wait_dma2 semaphore(%run_scoped3A : memref<!tpu.dma_semaphore, #tpu.memory_space<semaphore_mem>>) src(%dma_wait3A_1161 : memref<128x128xf32, #tpu.memory_space<hbm>>) dst(%arg13 : memref<128x128xf32, #tpu.memory_space<vmem>>)
          tpu.yield
        }) : () -> ()
        "tpu.region"() ({
          %run_scoped3A = tpu.sem_alloc : memref<!tpu.dma_semaphore, #tpu.memory_space<semaphore_mem>>
          %dma_start3A_1154 = arith.constant 0 : i32
          %dma_start3A_1155 = tpu.memref_slice %arg9[%scan3A_1144, %dma_start3A_1154] : memref<48x128xi32, #tpu.memory_space<vmem>> -> memref<1x128xi32, #tpu.memory_space<vmem>>
          %dma_start3A_1156 = tpu.memref_squeeze %dma_start3A_1155 : memref<1x128xi32, #tpu.memory_space<vmem>> -> memref<128xi32, #tpu.memory_space<vmem>>
          %dma_start3A_1157 = arith.constant 0 : i32
          %dma_start3A_1158 = arith.constant 0 : i32
          %dma_start3A_1159 = tpu.memref_slice %arg15[%dma_start3A_1157, %dma_start3A_1158] : memref<257x128xf32, #tpu.memory_space<vmem_shared>> -> memref<257x128xf32, #tpu.memory_space<vmem_shared>>
          tpu.enqueue_indirect_dma source(%arg13 : memref<128x128xf32, #tpu.memory_space<vmem>>) target(%dma_start3A_1159 : memref<257x128xf32, #tpu.memory_space<vmem_shared>>) offsets(%dma_start3A_1156 : memref<128xi32, #tpu.memory_space<vmem>>) semaphore(%run_scoped3A : memref<!tpu.dma_semaphore, #tpu.memory_space<semaphore_mem>>) {add = true}
          %dma_wait3A_1160 = arith.constant 0 : i32
          %dma_wait3A_1161 = tpu.memref_slice %arg9[%scan3A_1144, %dma_wait3A_1160] : memref<48x128xi32, #tpu.memory_space<vmem>> -> memref<1x128xi32, #tpu.memory_space<vmem>>
          %dma_wait3A_1162 = tpu.memref_squeeze %dma_wait3A_1161 : memref<1x128xi32, #tpu.memory_space<vmem>> -> memref<128xi32, #tpu.memory_space<vmem>>
          %dma_wait3A_1163 = arith.constant 0 : i32
          %dma_wait3A_1164 = arith.constant 0 : i32
          %dma_wait3A_1165 = tpu.memref_slice %arg15[%dma_wait3A_1163, %dma_wait3A_1164] : memref<257x128xf32, #tpu.memory_space<vmem_shared>> -> memref<257x128xf32, #tpu.memory_space<vmem_shared>>
          tpu.wait_indirect_dma semaphore(%run_scoped3A : memref<!tpu.dma_semaphore, #tpu.memory_space<semaphore_mem>>) src(%arg13 : memref<128x128xf32, #tpu.memory_space<vmem>>) dst(%dma_wait3A_1165 : memref<257x128xf32, #tpu.memory_space<vmem_shared>>)
          tpu.yield
        }) : () -> ()
      } else {
      }
    }
    %scan3A_1126 = arith.constant 48 : i32
    %barrier3A_1127 = arith.constant 0 : index
    tpu.barrier barrier_id(%barrier3A_1127)
    %eq3A_1128 = arith.constant 0 : i32
    %eq3A_1129 = arith.cmpi eq, %arg1, %eq3A_1128 : i32
    %eq3A_1130 = arith.constant 0 : i32
    %eq3A_1131 = arith.cmpi eq, %arg0, %eq3A_1130 : i32
    %and3A_1132 = arith.andi %eq3A_1129, %eq3A_1131 : i1
    %convert_element_type3A_1133 = arith.extui %and3A_1132 : i1 to i32
    %cond3A_1134 = arith.constant 0 : i32
    %cond3A_1135 = arith.cmpi ne, %convert_element_type3A_1133, %cond3A_1134 : i32
    scf.if %cond3A_1135 {
      "tpu.region"() ({
        %run_scoped3A = tpu.sem_alloc : memref<!tpu.dma_semaphore, #tpu.memory_space<semaphore_mem>>
        %dma_start3A_1144 = arith.constant 0 : i32
        %dma_start3A_1145 = arith.constant 0 : i32
        %dma_start3A_1146 = tpu.memref_slice %arg15[%dma_start3A_1144, %dma_start3A_1145] : memref<257x128xf32, #tpu.memory_space<vmem_shared>> -> memref<256x128xf32, #tpu.memory_space<vmem_shared>>
        tpu.enqueue_dma source(%dma_start3A_1146 : memref<256x128xf32, #tpu.memory_space<vmem_shared>>) target(%arg7 : memref<256x128xf32, #tpu.memory_space<hbm>>) target_semaphore(%run_scoped3A : memref<!tpu.dma_semaphore, #tpu.memory_space<semaphore_mem>>)
        %dma_wait3A_1147 = arith.constant 0 : i32
        %dma_wait3A_1148 = arith.constant 0 : i32
        %dma_wait3A_1149 = tpu.memref_slice %arg15[%dma_wait3A_1147, %dma_wait3A_1148] : memref<257x128xf32, #tpu.memory_space<vmem_shared>> -> memref<256x128xf32, #tpu.memory_space<vmem_shared>>
        tpu.wait_dma2 semaphore(%run_scoped3A : memref<!tpu.dma_semaphore, #tpu.memory_space<semaphore_mem>>) src(%dma_wait3A_1149 : memref<256x128xf32, #tpu.memory_space<vmem_shared>>) dst(%arg7 : memref<256x128xf32, #tpu.memory_space<hbm>>)
        tpu.yield
      }) : () -> ()
    } else {
    }
    %eq3A_1136 = arith.constant 0 : i32
    %eq3A_1137 = arith.cmpi eq, %arg1, %eq3A_1136 : i32
    %eq3A_1138 = arith.constant 1 : i32
    %eq3A_1139 = arith.cmpi eq, %arg0, %eq3A_1138 : i32
    %and3A_1140 = arith.andi %eq3A_1137, %eq3A_1139 : i1
    %convert_element_type3A_1141 = arith.extui %and3A_1140 : i1 to i32
    %cond3A_1142 = arith.constant 0 : i32
    %cond3A_1143 = arith.cmpi ne, %convert_element_type3A_1141, %cond3A_1142 : i32
    scf.if %cond3A_1143 {
      "tpu.region"() ({
        %run_scoped3A = tpu.sem_alloc : memref<!tpu.dma_semaphore, #tpu.memory_space<semaphore_mem>>
        %dma_start3A_1144 = arith.constant 0 : i32
        %dma_start3A_1145 = arith.constant 0 : i32
        %dma_start3A_1146 = tpu.memref_slice %arg15[%dma_start3A_1144, %dma_start3A_1145] : memref<257x128xf32, #tpu.memory_space<vmem_shared>> -> memref<256x128xf32, #tpu.memory_space<vmem_shared>>
        tpu.enqueue_dma source(%dma_start3A_1146 : memref<256x128xf32, #tpu.memory_space<vmem_shared>>) target(%arg8 : memref<256x128xf32, #tpu.memory_space<hbm>>) target_semaphore(%run_scoped3A : memref<!tpu.dma_semaphore, #tpu.memory_space<semaphore_mem>>)
        %dma_wait3A_1147 = arith.constant 0 : i32
        %dma_wait3A_1148 = arith.constant 0 : i32
        %dma_wait3A_1149 = tpu.memref_slice %arg15[%dma_wait3A_1147, %dma_wait3A_1148] : memref<257x128xf32, #tpu.memory_space<vmem_shared>> -> memref<256x128xf32, #tpu.memory_space<vmem_shared>>
        tpu.wait_dma2 semaphore(%run_scoped3A : memref<!tpu.dma_semaphore, #tpu.memory_space<semaphore_mem>>) src(%dma_wait3A_1149 : memref<256x128xf32, #tpu.memory_space<vmem_shared>>) dst(%arg8 : memref<256x128xf32, #tpu.memory_space<hbm>>)
        tpu.yield
      }) : () -> ()
    } else {
    }
    return
  }
}

module attributes {stable_mosaic.version = 14 : i64} {
  func.func @_pre_ffn_body(%arg0: i32, %arg1: memref<16000x128xf32, #tpu.memory_space<vmem>>, %arg2: memref<128x128xbf16, #tpu.memory_space<vmem>>, %arg3: memref<1x128xf32, #tpu.memory_space<vmem>>, %arg4: memref<128x128xbf16, #tpu.memory_space<vmem>>, %arg5: memref<1x128xf32, #tpu.memory_space<vmem>>, %arg6: memref<16000x128xf32, #tpu.memory_space<vmem>>, %arg7: memref<1x125x128xf32, #tpu.memory_space<vmem>>) attributes {dimension_semantics = [#tpu.dimension_semantics<arbitrary>], iteration_bounds = array<i64: 10>, scalar_prefetch = 0 : i64, scratch_operands = 0 : i64, tpu.core_type = #tpu.core_type<tc>, window_params = [{transform_indices = @transform_0, window_bounds = array<i64: 16000, 128>}, {pipeline_mode = #tpu.pipeline_mode<synchronous>, transform_indices = @transform_1, window_bounds = array<i64: 128, 128>}, {pipeline_mode = #tpu.pipeline_mode<synchronous>, transform_indices = @transform_2, window_bounds = array<i64: 1, 128>}, {pipeline_mode = #tpu.pipeline_mode<synchronous>, transform_indices = @transform_3, window_bounds = array<i64: 128, 128>}, {pipeline_mode = #tpu.pipeline_mode<synchronous>, transform_indices = @transform_4, window_bounds = array<i64: 1, 128>}, {transform_indices = @transform_5, window_bounds = array<i64: 16000, 128>}, {transform_indices = @transform_6, window_bounds = array<i64: 1, 125, 128>}]} {
    %get3A = arith.constant 0 : index
    %get3A_0 = arith.constant 0 : index
    %get3A_1 = vector.load %arg1[%get3A, %get3A_0] : memref<16000x128xf32, #tpu.memory_space<vmem>>, vector<16000x128xf32>
    %convert_element_type3A = arith.truncf %get3A_1 : vector<16000x128xf32> to vector<16000x128xbf16>
    %get3A_2 = arith.constant 0 : index
    %get3A_3 = arith.constant 0 : index
    %get3A_4 = vector.load %arg2[%get3A_2, %get3A_3] : memref<128x128xbf16, #tpu.memory_space<vmem>>, vector<128x128xbf16>
    %dot_general3A = arith.constant dense<0.000000e+00> : vector<16000x128xf32>
    %dot_general3A_5 = tpu.matmul %convert_element_type3A, %get3A_4, %dot_general3A {dimension_numbers = #tpu.dot_dimension_numbers<[1], [0], [0], [1], [0, 0, 1, 1], [], []>, transpose_lhs_hint = false} : vector<16000x128xbf16>, vector<128x128xbf16>, vector<16000x128xf32> -> vector<16000x128xf32>
    %get3A_6 = arith.constant 0 : index
    %get3A_7 = arith.constant 0 : index
    %get3A_8 = vector.load %arg3[%get3A_6, %get3A_7] : memref<1x128xf32, #tpu.memory_space<vmem>>, vector<1x128xf32>
    %add3A = vector.broadcast %get3A_8 : vector<1x128xf32> to vector<16000x128xf32>
    %add3A_9 = arith.addf %dot_general3A_5, %add3A : vector<16000x128xf32>
    %max3A = arith.constant 0.000000e+00 : f32
    %max3A_10 = vector.broadcast %max3A : f32 to vector<16000x128xf32>
    %max3A_11 = arith.maximumf %add3A_9, %max3A_10 : vector<16000x128xf32>
    %convert_element_type3A_12 = arith.truncf %max3A_11 : vector<16000x128xf32> to vector<16000x128xbf16>
    %get3A_13 = arith.constant 0 : index
    %get3A_14 = arith.constant 0 : index
    %get3A_15 = vector.load %arg4[%get3A_13, %get3A_14] : memref<128x128xbf16, #tpu.memory_space<vmem>>, vector<128x128xbf16>
    %dot_general3A_16 = arith.constant dense<0.000000e+00> : vector<16000x128xf32>
    %dot_general3A_17 = tpu.matmul %convert_element_type3A_12, %get3A_15, %dot_general3A_16 {dimension_numbers = #tpu.dot_dimension_numbers<[1], [0], [0], [1], [0, 0, 1, 1], [], []>, transpose_lhs_hint = false} : vector<16000x128xbf16>, vector<128x128xbf16>, vector<16000x128xf32> -> vector<16000x128xf32>
    %get3A_18 = arith.constant 0 : index
    %get3A_19 = arith.constant 0 : index
    %get3A_20 = vector.load %arg5[%get3A_18, %get3A_19] : memref<1x128xf32, #tpu.memory_space<vmem>>, vector<1x128xf32>
    %add3A_21 = vector.broadcast %get3A_20 : vector<1x128xf32> to vector<16000x128xf32>
    %add3A_22 = arith.addf %dot_general3A_17, %add3A_21 : vector<16000x128xf32>
    %swap3A = arith.constant 0 : index
    %swap3A_23 = arith.constant 0 : index
    %swap3A_24 = vector.load %arg6[%swap3A, %swap3A_23] : memref<16000x128xf32, #tpu.memory_space<vmem>>, vector<16000x128xf32>
    tpu.vector_store %arg6[%swap3A, %swap3A_23], %add3A_22 {strides = array<i32>} : memref<16000x128xf32, #tpu.memory_space<vmem>>, vector<16000x128xf32>,
    %reshape3A = vector.shape_cast %add3A_22 : vector<16000x128xf32> to vector<125x128x128xf32>
    %reduce_sum3A = arith.constant dense<0.000000e+00> : vector<125x128xf32>
    %reduce_sum3A_25 = vector.multi_reduction <add>, %reshape3A, %reduce_sum3A [1] : vector<125x128x128xf32> to vector<125x128xf32>
    %swap3A_26 = arith.constant 0 : index
    %swap3A_27 = arith.constant 0 : index
    %swap3A_28 = arith.constant 0 : index
    %swap3A_29 = vector.load %arg7[%swap3A_26, %swap3A_27, %swap3A_28] : memref<1x125x128xf32, #tpu.memory_space<vmem>>, vector<1x125x128xf32>
    %swap3A_30 = vector.shape_cast %swap3A_29 : vector<1x125x128xf32> to vector<125x128xf32>
    %swap3A_31 = vector.shape_cast %reduce_sum3A_25 : vector<125x128xf32> to vector<1x125x128xf32>
    tpu.vector_store %arg7[%swap3A_26, %swap3A_27, %swap3A_28], %swap3A_31 {strides = array<i32>} : memref<1x125x128xf32, #tpu.memory_space<vmem>>, vector<1x125x128xf32>,
    return
  }
  func.func @transform_0(%arg0: i32) -> (i32, i32) {
    %add3A = arith.constant 10 : i32
    %add3A_0 = arith.addi %add3A, %arg0 : i32
    %c0_i32 = arith.constant 0 : i32
    %c0_i32_1 = arith.constant 0 : i32
    return %add3A_0, %c0_i32 : i32, i32
  }
  func.func @transform_1(%arg0: i32) -> (i32, i32) {
    %c0_i32 = arith.constant 0 : i32
    %c0_i32_0 = arith.constant 0 : i32
    %c0_i32_1 = arith.constant 0 : i32
    return %c0_i32, %c0_i32_0 : i32, i32
  }
  func.func @transform_2(%arg0: i32) -> (i32, i32) {
    %c0_i32 = arith.constant 0 : i32
    %c0_i32_0 = arith.constant 0 : i32
    %c0_i32_1 = arith.constant 0 : i32
    return %c0_i32, %c0_i32_0 : i32, i32
  }
  func.func @transform_3(%arg0: i32) -> (i32, i32) {
    %c0_i32 = arith.constant 0 : i32
    %c0_i32_0 = arith.constant 0 : i32
    %c0_i32_1 = arith.constant 0 : i32
    return %c0_i32, %c0_i32_0 : i32, i32
  }
  func.func @transform_4(%arg0: i32) -> (i32, i32) {
    %c0_i32 = arith.constant 0 : i32
    %c0_i32_0 = arith.constant 0 : i32
    %c0_i32_1 = arith.constant 0 : i32
    return %c0_i32, %c0_i32_0 : i32, i32
  }
  func.func @transform_5(%arg0: i32) -> (i32, i32) {
    %c0_i32 = arith.constant 0 : i32
    %c0_i32_0 = arith.constant 0 : i32
    return %arg0, %c0_i32 : i32, i32
  }
  func.func @transform_6(%arg0: i32) -> (i32, i32, i32) {
    %c0_i32 = arith.constant 0 : i32
    %c0_i32_0 = arith.constant 0 : i32
    %c0_i32_1 = arith.constant 0 : i32
    return %arg0, %c0_i32, %c0_i32_0 : i32, i32, i32
  }
}

module attributes {stable_mosaic.version = 14 : i64} {
  func.func @_pre_ffn_body(%arg0: i32, %arg1: memref<16000x128xf32, #tpu.memory_space<vmem>>, %arg2: memref<128x128xbf16, #tpu.memory_space<vmem>>, %arg3: memref<1x128xf32, #tpu.memory_space<vmem>>, %arg4: memref<128x128xbf16, #tpu.memory_space<vmem>>, %arg5: memref<1x128xf32, #tpu.memory_space<vmem>>, %arg6: memref<16000x128xf32, #tpu.memory_space<vmem>>, %arg7: memref<1x125x128xf32, #tpu.memory_space<vmem>>) attributes {dimension_semantics = [#tpu.dimension_semantics<arbitrary>], iteration_bounds = array<i64: 10>, scalar_prefetch = 0 : i64, scratch_operands = 0 : i64, tpu.core_type = #tpu.core_type<tc>, window_params = [{transform_indices = @transform_0, window_bounds = array<i64: 16000, 128>}, {pipeline_mode = #tpu.pipeline_mode<synchronous>, transform_indices = @transform_1, window_bounds = array<i64: 128, 128>}, {pipeline_mode = #tpu.pipeline_mode<synchronous>, transform_indices = @transform_2, window_bounds = array<i64: 1, 128>}, {pipeline_mode = #tpu.pipeline_mode<synchronous>, transform_indices = @transform_3, window_bounds = array<i64: 128, 128>}, {pipeline_mode = #tpu.pipeline_mode<synchronous>, transform_indices = @transform_4, window_bounds = array<i64: 1, 128>}, {transform_indices = @transform_5, window_bounds = array<i64: 16000, 128>}, {transform_indices = @transform_6, window_bounds = array<i64: 1, 125, 128>}]} {
    %get3A = arith.constant 0 : index
    %get3A_0 = arith.constant 0 : index
    %get3A_1 = vector.load %arg1[%get3A, %get3A_0] : memref<16000x128xf32, #tpu.memory_space<vmem>>, vector<16000x128xf32>
    %convert_element_type3A = arith.truncf %get3A_1 : vector<16000x128xf32> to vector<16000x128xbf16>
    %get3A_2 = arith.constant 0 : index
    %get3A_3 = arith.constant 0 : index
    %get3A_4 = vector.load %arg2[%get3A_2, %get3A_3] : memref<128x128xbf16, #tpu.memory_space<vmem>>, vector<128x128xbf16>
    %dot_general3A = arith.constant dense<0.000000e+00> : vector<16000x128xf32>
    %dot_general3A_5 = tpu.matmul %convert_element_type3A, %get3A_4, %dot_general3A {dimension_numbers = #tpu.dot_dimension_numbers<[1], [0], [0], [1], [0, 0, 1, 1], [], []>, transpose_lhs_hint = false} : vector<16000x128xbf16>, vector<128x128xbf16>, vector<16000x128xf32> -> vector<16000x128xf32>
    %get3A_6 = arith.constant 0 : index
    %get3A_7 = arith.constant 0 : index
    %get3A_8 = vector.load %arg3[%get3A_6, %get3A_7] : memref<1x128xf32, #tpu.memory_space<vmem>>, vector<1x128xf32>
    %add3A = vector.broadcast %get3A_8 : vector<1x128xf32> to vector<16000x128xf32>
    %add3A_9 = arith.addf %dot_general3A_5, %add3A : vector<16000x128xf32>
    %max3A = arith.constant 0.000000e+00 : f32
    %max3A_10 = vector.broadcast %max3A : f32 to vector<16000x128xf32>
    %max3A_11 = arith.maximumf %add3A_9, %max3A_10 : vector<16000x128xf32>
    %convert_element_type3A_12 = arith.truncf %max3A_11 : vector<16000x128xf32> to vector<16000x128xbf16>
    %get3A_13 = arith.constant 0 : index
    %get3A_14 = arith.constant 0 : index
    %get3A_15 = vector.load %arg4[%get3A_13, %get3A_14] : memref<128x128xbf16, #tpu.memory_space<vmem>>, vector<128x128xbf16>
    %dot_general3A_16 = arith.constant dense<0.000000e+00> : vector<16000x128xf32>
    %dot_general3A_17 = tpu.matmul %convert_element_type3A_12, %get3A_15, %dot_general3A_16 {dimension_numbers = #tpu.dot_dimension_numbers<[1], [0], [0], [1], [0, 0, 1, 1], [], []>, transpose_lhs_hint = false} : vector<16000x128xbf16>, vector<128x128xbf16>, vector<16000x128xf32> -> vector<16000x128xf32>
    %get3A_18 = arith.constant 0 : index
    %get3A_19 = arith.constant 0 : index
    %get3A_20 = vector.load %arg5[%get3A_18, %get3A_19] : memref<1x128xf32, #tpu.memory_space<vmem>>, vector<1x128xf32>
    %add3A_21 = vector.broadcast %get3A_20 : vector<1x128xf32> to vector<16000x128xf32>
    %add3A_22 = arith.addf %dot_general3A_17, %add3A_21 : vector<16000x128xf32>
    %swap3A = arith.constant 0 : index
    %swap3A_23 = arith.constant 0 : index
    %swap3A_24 = vector.load %arg6[%swap3A, %swap3A_23] : memref<16000x128xf32, #tpu.memory_space<vmem>>, vector<16000x128xf32>
    tpu.vector_store %arg6[%swap3A, %swap3A_23], %add3A_22 {strides = array<i32>} : memref<16000x128xf32, #tpu.memory_space<vmem>>, vector<16000x128xf32>,
    %reshape3A = vector.shape_cast %add3A_22 : vector<16000x128xf32> to vector<125x128x128xf32>
    %reduce_sum3A = arith.constant dense<0.000000e+00> : vector<125x128xf32>
    %reduce_sum3A_25 = vector.multi_reduction <add>, %reshape3A, %reduce_sum3A [1] : vector<125x128x128xf32> to vector<125x128xf32>
    %swap3A_26 = arith.constant 0 : index
    %swap3A_27 = arith.constant 0 : index
    %swap3A_28 = arith.constant 0 : index
    %swap3A_29 = vector.load %arg7[%swap3A_26, %swap3A_27, %swap3A_28] : memref<1x125x128xf32, #tpu.memory_space<vmem>>, vector<1x125x128xf32>
    %swap3A_30 = vector.shape_cast %swap3A_29 : vector<1x125x128xf32> to vector<125x128xf32>
    %swap3A_31 = vector.shape_cast %reduce_sum3A_25 : vector<125x128xf32> to vector<1x125x128xf32>
    tpu.vector_store %arg7[%swap3A_26, %swap3A_27, %swap3A_28], %swap3A_31 {strides = array<i32>} : memref<1x125x128xf32, #tpu.memory_space<vmem>>, vector<1x125x128xf32>,
    return
  }
  func.func @transform_0(%arg0: i32) -> (i32, i32) {
    %add3A = arith.constant 0 : i32
    %add3A_0 = arith.addi %add3A, %arg0 : i32
    %c0_i32 = arith.constant 0 : i32
    %c0_i32_1 = arith.constant 0 : i32
    return %add3A_0, %c0_i32 : i32, i32
  }
  func.func @transform_1(%arg0: i32) -> (i32, i32) {
    %c0_i32 = arith.constant 0 : i32
    %c0_i32_0 = arith.constant 0 : i32
    %c0_i32_1 = arith.constant 0 : i32
    return %c0_i32, %c0_i32_0 : i32, i32
  }
  func.func @transform_2(%arg0: i32) -> (i32, i32) {
    %c0_i32 = arith.constant 0 : i32
    %c0_i32_0 = arith.constant 0 : i32
    %c0_i32_1 = arith.constant 0 : i32
    return %c0_i32, %c0_i32_0 : i32, i32
  }
  func.func @transform_3(%arg0: i32) -> (i32, i32) {
    %c0_i32 = arith.constant 0 : i32
    %c0_i32_0 = arith.constant 0 : i32
    %c0_i32_1 = arith.constant 0 : i32
    return %c0_i32, %c0_i32_0 : i32, i32
  }
  func.func @transform_4(%arg0: i32) -> (i32, i32) {
    %c0_i32 = arith.constant 0 : i32
    %c0_i32_0 = arith.constant 0 : i32
    %c0_i32_1 = arith.constant 0 : i32
    return %c0_i32, %c0_i32_0 : i32, i32
  }
  func.func @transform_5(%arg0: i32) -> (i32, i32) {
    %c0_i32 = arith.constant 0 : i32
    %c0_i32_0 = arith.constant 0 : i32
    return %arg0, %c0_i32 : i32, i32
  }
  func.func @transform_6(%arg0: i32) -> (i32, i32, i32) {
    %c0_i32 = arith.constant 0 : i32
    %c0_i32_0 = arith.constant 0 : i32
    %c0_i32_1 = arith.constant 0 : i32
    return %arg0, %c0_i32, %c0_i32_0 : i32, i32, i32
  }
}

module attributes {stable_mosaic.version = 14 : i64} {
  func.func @_post_ffn_body(%arg0: memref<4x256x128xf32, #tpu.memory_space<vmem>>, %arg1: memref<128x128xf32, #tpu.memory_space<vmem>>, %arg2: memref<1x128xf32, #tpu.memory_space<vmem>>, %arg3: memref<128x64xf32, #tpu.memory_space<vmem>>, %arg4: memref<1x64xf32, #tpu.memory_space<vmem>>, %arg5: memref<256x64xf32, #tpu.memory_space<vmem>>) attributes {dimension_semantics = [], scalar_prefetch = 0 : i64, scratch_operands = 0 : i64, tpu.core_type = #tpu.core_type<tc>} {
    %get3A = arith.constant 0 : index
    %get3A_0 = arith.constant 0 : index
    %get3A_1 = arith.constant 0 : index
    %get3A_2 = vector.load %arg0[%get3A, %get3A_0, %get3A_1] : memref<4x256x128xf32, #tpu.memory_space<vmem>>, vector<4x256x128xf32>
    %reduce_sum3A = arith.constant dense<0.000000e+00> : vector<256x128xf32>
    %reduce_sum3A_3 = vector.multi_reduction <add>, %get3A_2, %reduce_sum3A [0] : vector<4x256x128xf32> to vector<256x128xf32>
    %get3A_4 = arith.constant 0 : index
    %get3A_5 = arith.constant 0 : index
    %get3A_6 = vector.load %arg1[%get3A_4, %get3A_5] : memref<128x128xf32, #tpu.memory_space<vmem>>, vector<128x128xf32>
    %dot_general3A = arith.constant dense<0.000000e+00> : vector<256x128xf32>
    %dot_general3A_7 = tpu.matmul %reduce_sum3A_3, %get3A_6, %dot_general3A {dimension_numbers = #tpu.dot_dimension_numbers<[1], [0], [0], [1], [0, 0, 1, 1], [], []>, transpose_lhs_hint = false} : vector<256x128xf32>, vector<128x128xf32>, vector<256x128xf32> -> vector<256x128xf32>
    %get3A_8 = arith.constant 0 : index
    %get3A_9 = arith.constant 0 : index
    %get3A_10 = vector.load %arg2[%get3A_8, %get3A_9] : memref<1x128xf32, #tpu.memory_space<vmem>>, vector<1x128xf32>
    %add3A = vector.broadcast %get3A_10 : vector<1x128xf32> to vector<256x128xf32>
    %add3A_11 = arith.addf %dot_general3A_7, %add3A : vector<256x128xf32>
    %max3A = arith.constant 0.000000e+00 : f32
    %max3A_12 = vector.broadcast %max3A : f32 to vector<256x128xf32>
    %max3A_13 = arith.maximumf %add3A_11, %max3A_12 : vector<256x128xf32>
    %get3A_14 = arith.constant 0 : index
    %get3A_15 = arith.constant 0 : index
    %get3A_16 = vector.load %arg3[%get3A_14, %get3A_15] : memref<128x64xf32, #tpu.memory_space<vmem>>, vector<128x64xf32>
    %dot_general3A_17 = arith.constant dense<0.000000e+00> : vector<256x64xf32>
    %dot_general3A_18 = tpu.matmul %max3A_13, %get3A_16, %dot_general3A_17 {dimension_numbers = #tpu.dot_dimension_numbers<[1], [0], [0], [1], [0, 0, 1, 1], [], []>, transpose_lhs_hint = false} : vector<256x128xf32>, vector<128x64xf32>, vector<256x64xf32> -> vector<256x64xf32>
    %get3A_19 = arith.constant 0 : index
    %get3A_20 = arith.constant 0 : index
    %get3A_21 = vector.load %arg4[%get3A_19, %get3A_20] : memref<1x64xf32, #tpu.memory_space<vmem>>, vector<1x64xf32>
    %add3A_22 = vector.broadcast %get3A_21 : vector<1x64xf32> to vector<256x64xf32>
    %add3A_23 = arith.addf %dot_general3A_18, %add3A_22 : vector<256x64xf32>
    %swap3A = arith.constant 0 : index
    %swap3A_24 = arith.constant 0 : index
    %swap3A_25 = vector.load %arg5[%swap3A, %swap3A_24] : memref<256x64xf32, #tpu.memory_space<vmem>>, vector<256x64xf32>
    tpu.vector_store %arg5[%swap3A, %swap3A_24], %add3A_23 {strides = array<i32>} : memref<256x64xf32, #tpu.memory_space<vmem>>, vector<256x64xf32>,
    return
  }
}

</mosaic_0001>

<sc_bundles>
// kernel: gather_offload_async_start.1
scs
__scs_entry_jumppad:
0x0: {  	(pc) =	sbr.rel $0x88, $3  }
0x1: {  	(tag) =	ssettag $0x0;
	lr =	simm.s32 $0x1  }
0x2: {  	[smem:$0x3F97] =	sst lr;
	_ =	strace $0xD0000000  }
0x3: {  	_ = 	snop  }
0x4: {  	_ = 	snop  }
0x5: {  	_ = 	snop  }
0x6: {  	_ = 	snop  }
0x7: {  	_ = 	snop  }
__scs_overlays_trampoline_lowered:
0x8: {  	[smem:$0x3FA6] =	sst s0  }
0x9: {  	[smem:$0x3FA7] =	sst s1  }
0xa: {  	[smem:$0x3FA8] =	sst s2  }
0xb: {  	[smem:$0x3FA9] =	sst s3  }
0xc: {  	[smem:$0x3FAA] =	sst s4  }
0xd: {  	[smem:$0x3FAB] =	sst s5  }
0xe: {  	[smem:$0x3FAC] =	sst s6  }
0xf: {  	[smem:$0x3FAD] =	sst s7  }
0x10: {  	[smem:$0x3FAE] =	sst s8  }
0x11: {  	[smem:$0x3FAF] =	sst s9;
	s0 =	simm.s32 @!p0 $0x0  }
0x12: {  	s1 =	sld [smem:$0x3F95];
	s0 =	simm.s32 @p0 $0x1  }
0x13: {  	[smem:$0x3FB0] =	sst s0;
	s0 =	simm.s32 @!p1 $0x0  }
0x14: {  	s2 =	sld [smem:$0x3F94];
	s0 =	simm.s32 @p1 $0x1  }
0x15: {  	[smem:$0x3FB1] =	sst s0;
	s0 =	simm.s32 @!p2 $0x0  }
0x16: {  	s3 =	sld [smem:$0x3FDB];
	s0 =	simm.s32 @p2 $0x1  }
0x17: {  	s4 =	simm.s32 $0x1BF5;
	[smem:$0x3FB3] =	sst s0  }
0x18: {  	s0 =	sld [smem:$0x3F96];
	_ =	swait.ge [sflag:s4], $0x0  }
0x19: {  	s7 =	sld [smem:$0x3F97]  }
0x1a: {  	s8 =	sadd.s32 $0xFFFFE003, lr  }
0x1b: {  	s9 =	sadd.s32 $0xFFFFFEF7, lr;
	s5 =	simm.s32 $0xFFFFFFFF;
	p2 =	slt.u32 s8, $0xFFFFF086  }
0x1c: {  	p1 =	slt.u32 s9, $0xF7A;
	s5 =	simm.s32 @!p2 $0x0  }
0x1d: {  	s5 =	simm.s32 @p1 $0x1;
	p0 =	seq.s32 s7, s2  }
0x1e: {  	s7 =	smul.u32 @!p0 $0xF7A, s2;
	p2 =	seq.s32 @!p0 s5, $0x0  }
0x1f: {  	s9 =	smul.u32 $0xF7A, s1;
	s8 =	simm.s32 @!p0 $0x1BF5;
	p2 =	por !p2, p0  }
0x20: {  	[sflag:s8] =	ssyncset.s32 @!p0 $0xFFFFF086;
	s6 =	sadd.s32 @!p0 s3, s7;
	s7 =	simm.s32 @!p0 $0x108  }
0x21: {  	s3 =	sadd.s32 s3, s9;
	s6 =	sadd.s32 @!p0 $0x88, s6;
	s7 =	simm.s32 @p2 $0x1082  }
0x22: {  	[simem:s7], [sflag:s8] =	dma.local @!p0 [hbm:s6], $0xF7A  }
0x23: {  	s9 =	sor.u32 $0xD0000000, s2;
	s6 =	simm.s32 $0x108;
	_ =	swait.ge @!p0 [sflag:s8], $0x0  }
0x24: {  	s3 =	sadd.s32 $0x88, s3;
	s6 =	simm.s32 @!p1 $0x1082;
	[sflag:s4] =	ssyncset.s32 $0xFFFFF086  }
0x25: {  	[simem:s6], [sflag:s4] =	dma.local [hbm:s3], $0xF7A  }
0x26: {  	[smem:$0x3F97] =	sst s1;
	(tag) =	ssettag s2;
	_ =	strace s9  }
0x27: {  	s1 =	sld [smem:$0x3FA7]  }
0x28: {  	s2 =	sld [smem:$0x3FA8]  }
0x29: {  	s4 =	sld [smem:$0x3FAA]  }
0x2a: {  	p0 =	seq.s32 s5, $0x0;
	s5 =	sld [smem:$0x3FAB]  }
0x2b: {  	s6 =	sld [smem:$0x3FAC]  }
0x2c: {  	s7 =	sld [smem:$0x3FAD]  }
0x2d: {  	s3 =	simm.s32 $0x108;
	s8 =	sld [smem:$0x3FAE]  }
0x2e: {  	s3 =	simm.s32 @!p0 $0x1082;
	s9 =	sld [smem:$0x3FAF]  }
0x2f: {  	lr =	sadd.s32 s0, s3;
	s0 =	sld [smem:$0x3FA6]  }
0x30: {  	s3 =	sld [smem:$0x3FA9]  }
0x31: {  	[smem:$0x3FB2] =	sst s10  }
0x32: {  	s10 =	sld [smem:$0x3FB0];
	_ =	sdelay $0x3  }
0x33: {  	p0 =	seq.s32 s10, $0x1;
	s10 =	sld [smem:$0x3FB2];
	_ =	sdelay $0x3  }
0x34: {  	[smem:$0x3FB2] =	sst s10  }
0x35: {  	s10 =	sld [smem:$0x3FB1];
	_ =	sdelay $0x3  }
0x36: {  	p1 =	seq.s32 s10, $0x1;
	s10 =	sld [smem:$0x3FB2];
	_ =	sdelay $0x3  }
0x37: {  	[smem:$0x3FB2] =	sst s10  }
0x38: {  	s10 =	sld [smem:$0x3FB3]  }
0x39: {  	_ = 	snop;
	(pc) =	sbr.ind lr, $3  }
0x3a: {  	_ = 	snop  }
0x3b: {  	_ = 	snop  }
0x3c: {  	p2 =	seq.s32 s10, $0x1;
	s10 =	sld [smem:$0x3FB2]  }
0x3d: {  	_ =	shalt  }
0x3e: {  	_ =	shalt  }
0x3f: {  	_ =	shalt  }
0x40: {  	_ =	shalt  }
0x41: {  	_ =	shalt  }
0x42: {  	_ =	shalt  }
0x43: {  	_ =	shalt  }
0x44: {  	_ =	shalt  }
0x45: {  	_ =	shalt  }
0x46: {  	_ =	shalt  }
0x47: {  	_ =	shalt  }
0x48: {  	_ =	shalt  }
0x49: {  	_ =	shalt  }
0x4a: {  	_ =	shalt  }
0x4b: {  	_ =	shalt  }
0x4c: {  	_ =	shalt  }
0x4d: {  	_ =	shalt  }
0x4e: {  	_ =	shalt  }
0x4f: {  	_ =	shalt  }
0x50: {  	_ =	shalt  }
0x51: {  	_ =	shalt  }
0x52: {  	_ =	shalt  }
0x53: {  	_ =	shalt  }
0x54: {  	_ =	shalt  }
0x55: {  	_ =	shalt  }
0x56: {  	_ =	shalt  }
0x57: {  	_ =	shalt  }
0x58: {  	_ =	shalt  }
0x59: {  	_ =	shalt  }
0x5a: {  	_ =	shalt  }
0x5b: {  	_ =	shalt  }
0x5c: {  	_ =	shalt  }
0x5d: {  	_ =	shalt  }
0x5e: {  	_ =	shalt  }
0x5f: {  	_ =	shalt  }
0x60: {  	_ =	shalt  }
0x61: {  	_ =	shalt  }
0x62: {  	_ =	shalt  }
0x63: {  	_ =	shalt  }
0x64: {  	_ =	shalt  }
0x65: {  	_ =	shalt  }
0x66: {  	_ =	shalt  }
0x67: {  	_ =	shalt  }
0x68: {  	_ =	shalt  }
0x69: {  	_ =	shalt  }
0x6a: {  	_ =	shalt  }
0x6b: {  	_ =	shalt  }
0x6c: {  	_ =	shalt  }
0x6d: {  	_ =	shalt  }
0x6e: {  	_ =	shalt  }
0x6f: {  	_ =	shalt  }
0x70: {  	_ =	shalt  }
0x71: {  	_ =	shalt  }
0x72: {  	_ =	shalt  }
0x73: {  	_ =	shalt  }
0x74: {  	_ =	shalt  }
0x75: {  	_ =	shalt  }
0x76: {  	_ =	shalt  }
0x77: {  	_ =	shalt  }
0x78: {  	_ =	shalt  }
0x79: {  	_ =	shalt  }
0x7a: {  	_ =	shalt  }
0x7b: {  	_ =	shalt  }
0x7c: {  	_ =	shalt  }
0x7d: {  	_ =	shalt  }
0x7e: {  	_ =	shalt  }
0x7f: {  	_ =	shalt  }
0x80: {  	_ =	shalt  }
0x81: {  	_ =	shalt  }
0x82: {  	_ =	shalt  }
0x83: {  	_ =	shalt  }
0x84: {  	_ =	shalt  }
0x85: {  	_ =	shalt  }
0x86: {  	_ =	shalt  }
0x87: {  	_ =	shalt  }
.Lfunc_end0:
.L_simem_size_0:
called_computation.1_lowered:
.L_overlay_start_0:
0x88: {  	s2 =	sld [smem:$0x3FD9]  }
0x89: {  	s3 =	sld [smem:$0x3FFE];
	_ =	sdelay $0x1  }
0x8a: {  	s1 =	srdreg.scid  }
0x8b: {  	s0 =	sand.u32 $0x1, s1  }
0x8c: {  	s17 =	sshll.u32 s0, $0xA;
	s2 =	sadd.s32 s3, s2  }
0x8d: {  	s2 =	sadd.s32 s2, s17  }
0x8e: {  	[smem:$0x3FBE] =	sst s2  }
0x8f: {  	_ = 	snop  }
0x90: {  	s2 =	sld [smem:$0x3FD0];
	(tm) =	ssettm $0x1  }
0x91: {  	s18 =	sld [smem:$0x3FFB];
	_ =	sdelay $0x3  }
0x92: {  	_ =	strace s18  }
0x93: {  	s3 =	sld [smem:$0x3FFC];
	_ =	sdelay $0x3  }
0x94: {  	_ =	strace s3  }
0x95: {  	s3 =	sld [smem:$0x3FFD];
	_ =	sdelay $0x3  }
0x96: {  	_ =	strace s3  }
0x97: {  	_ =	strace $0x8FFFFFFF  }
0x98: {  	s19 =	sld [smem:$0x3FDB];
	_ =	sdelay $0x1  }
0x99: {  	s4 =	simm.s32 $_scs_section_size  }
0x9a: {  	s5 =	simm.s32 $_size__tile_overlayer_lowered;
	s6 =	simm.s32 $_tile_overlayer_lowered  }
0x9b: {  	s22 =	simm.s32 $0x1BFF;
	s21 =	sshll.u32 s6, $0x1;
	s3 =	sadd.s32 s4, s19  }
0x9c: {  	s7 =	simm.s32 $0x0;
	s20 =	sshll.u32 s5, $0x1;
	s5 =	sadd.s32 s21, s3  }
0x9d: {  	[timem:s7], [sflag:s22] =	dma.local [hbm:s5], s20  }
0x9e: {  	_ =	swait.ge [sflag:s22], s20  }
0x9f: {  	s4 =	ssub.s32 $0x0, s20;
	[sflag:s22] =	ssyncset.done $0x0  }
0xa0: {  	[sflag:s22] =	ssyncadd.s32 s4;
	_ =	sdelay $0x1  }
0xa1: {  	s23 =	simm.s32 $0x1B8B  }
0xa2: {  	_ =	swait.ge [sflag:s23], $0x1  }
0xa3: {  	[sflag:s23] =	ssyncset.done $0x0  }
0xa4: {  	s25 =	simm.s32 $0x1B8E;
	s24 =	sld [smem:$0x3FFE];
	[sflag:s23] =	ssyncadd.s32 $0xFFFFFFFF  }
0xa5: {  	s26 =	simm.s32 $execute0_lowered;
	[smem:$0x3FD2] =	sst s25  }
0xa6: {  	s5 =	sshll.u32 s26, $0x1;
	_ =	strace $0x80000049;
	[dreg:$0x1] =	wrdreg $0xFFFFFFFF  }
0xa7: {  	s28 =	simm.s32 $_size_execute0_lowered;
	s3 =	sadd.s32 s3, s5;
	[dreg:$0x0] =	wrdreg $0x0  }
0xa8: {  	s5 =	sshll.u32 s28, $0x1;
	[dreg:$0x2] =	wrdreg s3  }
0xa9: {  	[dreg:$0x3] =	wrdreg s5  }
0xaa: {  	[dreg:$0x4] =	wrdreg $0xC0  }
0xab: {  	_ =	task [dreg:s7], $0x5FFFF  }
0xac: {  	[dreg:$0x1] =	wrdreg $0xFFFFFFFF  }
0xad: {  	[dreg:$0x0] =	wrdreg $0x60  }
0xae: {  	[dreg:$0x2] =	wrdreg s2  }
0xaf: {  	[dreg:$0x3] =	wrdreg s24  }
0xb0: {  	[dreg:$0x4] =	wrdreg $0x9  }
0xb1: {  	_ =	task.clear_ibuf [dreg:s7], $0x5FFFF;
	_ =	strace $0x90000049  }
0xb2: {  	s29 =	simm.s32 $0x9;
	_ =	strace $0x8000004B  }
0xb3: {  	_ =	swait.ge [sflag:s29], $0x1  }
0xb4: {  	[sflag:s29] =	ssyncadd.s32 $0xFFFFFFFF  }
0xb5: {  	_ =	strace $0x9000004B  }
0xb6: {  	_ =	sfence  }
0xb7: {  	s30 =	sld [smem:$0x0];
	_ =	sdelay $0x2  }
0xb8: {  	s31 =	sshll.u32 s1, $0xD;
	s1 =	sshrl.u32 s1, $0x2  }
0xb9: {  	s3 =	sand.u32 $0x4000, s31;
	s1 =	sadd.s32 s1, s30  }
0xba: {  	s0 =	sor.u32 s3, s0;
	s1 =	sshll.u32 s1, $0x11  }
0xbb: {  	s0 =	sor.u32 s1, s0  }
0xbc: {  	s0 =	sadd.s32 $0x8F2B, s0  }
0xbd: {  	[sflag:s0] =	ssyncadd.remote.s32 $0x1  }
0xbe: {  	_ =	sfence.sel $0xFFFF  }
0xbf: {  	[dreg:$0x0] =	wrdreg $0xFFFFFFFF;
	(pc) =	sbr.abs _section_cstart, $3  }
0xc0: {  	[dreg:$0x1] =	wrdreg $0xFFFFFFFF  }
0xc1: {  	_ =	task.clear_ibuf [dreg:s7], $0x2FFFF;
	_ =	strace $0x9FFFFFFF  }
0xc2: {  	(tm) =	ssettm $0x7FFFFFFF  }
0xc3: {  	_ =	shalt  }
tec
execute0_lowered:
.L_overlay_start_1:
0x0: {  	(tag) =	ssettag $0x1  }
0x1: {  	s1 =	srdreg.scid;
	s2 =	rddreg [dreg:$0x0]  }
0x2: {  	s0 =	stileid.u32;
	s5 =	rddreg [dreg:$0x1];
	s6 =	simm.s32 $0x1  }
0x3: {  	s9 =	simm.s32 $0x1;
	s10 =	simm.s32 $0x3;
	s1 =	sshll.u32 s1, $0x6  }
0x4: {  	s13 =	simm.s32 $0x0;
	s3 =	sshll.u32 s0, $0x7;
	s4 =	sand.u32 $0x40, s1  }
0x5: {  	s12 =	simm.s32 $0x0;
	s1 =	rddreg [dreg:$0x2];
	s3 =	sor.u32 s3, s4  }
0x6: {  	_ =	strace $0x8000004A;
	s4 =	sadd.s32 $0x3400, s5;
	s8 =	ssub.s32 $0xC00, s3  }
.Ltmp0:
0x7: {  	s5 =	sadd.s32 $0x27A400, s5;
	s7 =	sand.u32 $0x7C0, s8;
	(pc) =	sbr.rel .LBB2_1-.Ltmp0, $4  }
0x8: {  	[sflag:s6] =	ssyncpa.u1 $0x0;
	s11 =	smov.u32 s3;
	p0 =	sne.s32 s7, $0x0  }
0x9: {  	s8 =	sshrl.u32 s8, $0xB;
	s7 =	simm.s32 $0x2;
	s9 =	simm.s32 @!p0 $0x0  }
0xa: {  	[sflag:s7] =	ssyncpa.u1 $0x0;
	p0 =	por $0x0, $0x0;
	s8 =	sadd.s32 s9, s8  }
0xb: {  	vm0 =	vmmov $0xffff;
	[sflag:s10] =	ssyncpa.u1 $0x0;
	s10 =	simm.s32 $0x0;
	s9 =	sadd.s32 $0x1, s8  }
.LBB2_4:
0xc: {  	v2 =	vnsel vm1, $0x0, v2  }
0xd: {  	vm1 =	vgt.s32 v0, $0x0;
	v2 =	vmin.u32 v2, $0x9C3  }
0xe: {  	v0 =	vnsel vm1, $0x0, v0  }
0xf: {  	v0 =	vmin.u32 v0, $0x9C3  }
0x10: {  	[tilespmem:s15], [sflag:$0x1] =	stream.indirect_vreg.gather [hbm4b:s2+s10], $0x1, v1, vm0, $0x4038;
	[tilespmem:$0x100] =	vst v63  }
0x11: {  	(ifvalue) =	ssetifvalue $0x7FFFFFFF  }
0x12: {  	[tilespmem:s16], [sflag:$0x1] =	stream.indirect_vreg.gather [hbm4b:s2+s10], $0x1, v2, vm0, $0x4038;
	[tilespmem:$0x100] =	vst v63  }
0x13: {  	s29 =	sadd.s32 $0x10, s16;
	(ifvalue) =	ssetifvalue $0x7FFFFFFF  }
0x14: {  	[tilespmem:s29], [sflag:$0x1] =	stream.indirect_vreg.gather [hbm4b:s2+s10], $0x1, v0, vm0, $0x4038;
	[tilespmem:$0x100] =	vst v63  }
0x15: {  	_ =	swait.ge [sflag:s6], $0x40  }
0x16: {  	s30 =	sshrl.u32 s13, $0x3;
	[sflag:s6] =	ssyncset.done $0x0  }
0x17: {  	s31 =	sand.u32 $0x7, s13;
	s15 =	sadd.s32 s5, s30;
	[sflag:s6] =	ssyncadd.s32 $0xFFFFFFC0  }
0x18: {  	[hbm4b:s15+s31] =	stream.linear.scatter [tilespmem:s14], [sflag:$0x3], $0x40, $0x38;
	[tilespmem:$0x100] =	vst v63  }
.LBB2_5:
0x19: {  	s15 =	sadd.s32 $0x800, s11  }
0x1a: {  	p2 =	sgt.s32 s15, $0xBFF  }
0x1b: {  	s15 =	smov.u32 @p2 s3;
	p2 =	sne.s32 s12, s9  }
.Ltmp1:
0x1c: {  	p1 =	slt.u32 s12, $0x2;
	(pc) =	sbr.rel @!p2 .LBB2_6-.Ltmp1, $4  }
0x1d: {  	s14 =	simm.s32 @!p1 $0x3  }
0x1e: {  	s16 =	sadd.s32 $0x1, s12;
	_ =	swait.ge @!p1 [sflag:s14], $0x40  }
0x1f: {  	s13 =	smov.u32 s11;
	p0 =	por !p0, !p0;
	[sflag:s14] =	ssyncset.done @!p1 $0x0  }
0x20: {  	s12 =	smov.u32 s16;
	s11 =	smov.u32 s15;
	[sflag:s14] =	ssyncadd.s32 @!p1 $0xFFFFFFC0  }
.LBB2_1:
0x21: {  	p1 =	sge.u32 s12, s8  }
0x22: {  	s14 =	sxor.u32 @!p1 $0xFFFFFFFF, s12  }
0x23: {  	s31 =	sadd.s32 $0xFFFFFFFF, s12;
	s15 =	sshrl.u32 @!p1 s11, $0x3;
	s14 =	sshll.u32 @!p1 s14, $0x6  }
0x24: {  	s16 =	sand.u32 @!p1 $0x7, s11;
	s15 =	sadd.s32 @!p1 s4, s15;
	s14 =	sand.u32 @!p1 $0x40, s14  }
0x25: {  	[tilespmem:s14], [sflag:$0x2] =	stream.linear.gather @!p1 [hbm4b:s15+s16], $0x40, $0x38;
	[tilespmem:$0x100] =	vst v63  }
0x26: {  	p1 =	sge.u32 s31, s8  }
.Ltmp2:
0x27: {  	_ = 	snop;
	(pc) =	sbr.rel @p1 .LBB2_5-.Ltmp2, $1  }
0x28: {  	_ =	sdelay $0x3  }
0x29: {  	s14 =	simm.s32 $0x1  }
0x2a: {  	_ =	swait.ge [sflag:s7], $0x40;
	s14 =	simm.s32 @!p0 $0x0  }
0x2b: {  	[sflag:s7] =	ssyncset.done $0x0;
	s14 =	sshll.u32 s14, $0x6  }
0x2c: {  	[sflag:s7] =	ssyncadd.s32 $0xFFFFFFC0;
	(ifvalue) =	ssetifvalue $0x7FFFFFFF;
	v0 =	vld.msk [tilespmem:s14+$0x0 ss:$0x1], $0xffff;
	_ =	sdelay $0x4  }
0x2d: {  	s15 =	sadd.s32 $0x10, s14;
	vm1 =	vgt.s32 v0, $0x0  }
0x2e: {  	v2 =	vld.msk [tilespmem:s15+$0x0 ss:$0x1], $0xffff;
	v1 =	vnsel vm1, $0x0, v0  }
0x2f: {  	v1 =	vmin.u32 v1, $0x9C3;
	_ =	sdelay $0x1  }
0x30: {  	s16 =	sshll.u32 s12, $0x6;
	s18 =	simm.s32 $0x20  }
0x31: {  	s16 =	sand.u32 $0x40, s16;
	s17 =	sadd.s32 $0x10, s15;
	s15 =	sor.u32 $0x80, s14  }
0x32: {  	s14 =	sor.u32 $0x80, s16;
	s16 =	sadd.s32 $0x10, s15;
	v0 =	vld.msk [tilespmem:s17+$0x0 ss:$0x1], $0xffff;
	vm1 =	vgt.s32 v2, $0x0;
	(ifvalue) =	ssetifvalue $0x7FFFFFFF  }
.LBB2_3:
0x33: {  	[tilespmem:s15], [sflag:$0x1] =	stream.indirect_vreg.gather [hbm4b:s2+s10], $0x1, v1, vm0, $0x4038;
	[tilespmem:$0x100] =	vst v63  }
0x34: {  	s18 =	sadd.s32 $0x10, s18  }
0x35: {  	v2 =	vnsel vm1, $0x0, v2;
	p1 =	slt.u32 s18, $0x30  }
.Ltmp3:
0x36: {  	s15 =	smov.u32 s16;
	v1 =	vmin.u32 v2, $0x9C3;
	(pc) =	sbr.rel @p1 .LBB2_3-.Ltmp3, $3  }
0x37: {  	_ =	sdelay $0x1  }
0x38: {  	s17 =	sadd.s32 $0x10, s17  }
0x39: {  	vm1 =	vgt.s32 v0, $0x0;
	s16 =	sadd.s32 $0x10, s16;
	v2 =	vmov v0;
	(ifvalue) =	ssetifvalue $0x7FFFFFFF;
	v0 =	vld.msk [tilespmem:s17+$0x0 ss:$0x1], $0xffff  }
.Ltmp4:
0x3a: {  	_ = 	snop;
	(pc) =	sbr.rel .LBB2_4-.Ltmp4, $1  }
0x3b: {  	_ =	sdelay $0x3  }
.LBB2_6:
0x3c: {  	_ =	sfence.sel $0x180000  }
0x3d: {  	s2 =	simm.s32 $0x2;
	[bflag:$0x0] =	sbarrier.arrive $0xFFFF  }
0x3e: {  	s30 =	simm.s32 $0x3;
	[sflag:s2] =	ssyncpa.u1 $0x1  }
0x3f: {  	s31 =	simm.s32 $0x1;
	[sflag:s30] =	ssyncpa.u1 $0x1  }
0x40: {  	[sflag:s31] =	ssyncpa.u1 $0x1  }
0x41: {  	p0 =	sne.s32 s0, $0x0;
	_ =	strace $0x9000004A  }
0x42: {  	s0 =	sadd.s32 @!p0 $0x100000, s1;
	[bflag:$0x2] =	sbarrier.arrive $0xFFFF  }
0x43: {  	[sflag:s0] =	ssyncadd.tile.s32 @!p0 $0x1;
	_ =	shalt  }
.Lfunc_end2:
_tile_overlayer_lowered:
.L_overlay_start_2:
0x44: {  	(tag) =	ssettag $0x2  }
0x45: {  	s0 =	rddreg [dreg:$0x0];
	s2 =	stileid.u32  }
0x46: {  	s1 =	rddreg [dreg:$0x1];
	p0 =	sne.s32 s2, $0x0  }
0x47: {  	s3 =	rddreg [dreg:$0x2];
	[bflag:$0x3] =	sbarrier.arrive $0xFFFF;
	s2 =	simm.s32 @!p0 $0x1C01  }
0x48: {  	[timem:s3], [sflag:s2] =	dma.local @!p0 [hbm:s0], s1  }
0x49: {  	s0 =	simm.s32 @!p0 $0x1  }
0x4a: {  	_ =	swait.ge @!p0 [sflag:s0], s1  }
0x4b: {  	s1 =	ssub.s32 @!p0 $0x0, s1;
	[sflag:s0] =	ssyncset.done @!p0 $0x0  }
0x4c: {  	[sflag:s0] =	ssyncadd.s32 @!p0 s1  }
0x4d: {  	[bflag:$0x3] =	sbarrier.arrive $0xFFFF  }
0x4e: {  	_ =	shalt  }

// kernel: gather_offload_async_start.2
scs
__scs_entry_jumppad:
0x0: {  	(pc) =	sbr.rel $0x88, $3  }
0x1: {  	(tag) =	ssettag $0x0;
	lr =	simm.s32 $0x1  }
0x2: {  	[smem:$0x3F97] =	sst lr;
	_ =	strace $0xD0000000  }
0x3: {  	_ = 	snop  }
0x4: {  	_ = 	snop  }
0x5: {  	_ = 	snop  }
0x6: {  	_ = 	snop  }
0x7: {  	_ = 	snop  }
__scs_overlays_trampoline_lowered:
0x8: {  	[smem:$0x3FA6] =	sst s0  }
0x9: {  	[smem:$0x3FA7] =	sst s1  }
0xa: {  	[smem:$0x3FA8] =	sst s2  }
0xb: {  	[smem:$0x3FA9] =	sst s3  }
0xc: {  	[smem:$0x3FAA] =	sst s4  }
0xd: {  	[smem:$0x3FAB] =	sst s5  }
0xe: {  	[smem:$0x3FAC] =	sst s6  }
0xf: {  	[smem:$0x3FAD] =	sst s7  }
0x10: {  	[smem:$0x3FAE] =	sst s8  }
0x11: {  	[smem:$0x3FAF] =	sst s9;
	s0 =	simm.s32 @!p0 $0x0  }
0x12: {  	s1 =	sld [smem:$0x3F95];
	s0 =	simm.s32 @p0 $0x1  }
0x13: {  	[smem:$0x3FB0] =	sst s0;
	s0 =	simm.s32 @!p1 $0x0  }
0x14: {  	s2 =	sld [smem:$0x3F94];
	s0 =	simm.s32 @p1 $0x1  }
0x15: {  	[smem:$0x3FB1] =	sst s0;
	s0 =	simm.s32 @!p2 $0x0  }
0x16: {  	s3 =	sld [smem:$0x3FDB];
	s0 =	simm.s32 @p2 $0x1  }
0x17: {  	s4 =	simm.s32 $0x1BF5;
	[smem:$0x3FB3] =	sst s0  }
0x18: {  	s0 =	sld [smem:$0x3F96];
	_ =	swait.ge [sflag:s4], $0x0  }
0x19: {  	s7 =	sld [smem:$0x3F97]  }
0x1a: {  	s8 =	sadd.s32 $0xFFFFE003, lr  }
0x1b: {  	s9 =	sadd.s32 $0xFFFFFEF7, lr;
	s5 =	simm.s32 $0xFFFFFFFF;
	p2 =	slt.u32 s8, $0xFFFFF086  }
0x1c: {  	p1 =	slt.u32 s9, $0xF7A;
	s5 =	simm.s32 @!p2 $0x0  }
0x1d: {  	s5 =	simm.s32 @p1 $0x1;
	p0 =	seq.s32 s7, s2  }
0x1e: {  	s7 =	smul.u32 @!p0 $0xF7A, s2;
	p2 =	seq.s32 @!p0 s5, $0x0  }
0x1f: {  	s9 =	smul.u32 $0xF7A, s1;
	s8 =	simm.s32 @!p0 $0x1BF5;
	p2 =	por !p2, p0  }
0x20: {  	[sflag:s8] =	ssyncset.s32 @!p0 $0xFFFFF086;
	s6 =	sadd.s32 @!p0 s3, s7;
	s7 =	simm.s32 @!p0 $0x108  }
0x21: {  	s3 =	sadd.s32 s3, s9;
	s6 =	sadd.s32 @!p0 $0x88, s6;
	s7 =	simm.s32 @p2 $0x1082  }
0x22: {  	[simem:s7], [sflag:s8] =	dma.local @!p0 [hbm:s6], $0xF7A  }
0x23: {  	s9 =	sor.u32 $0xD0000000, s2;
	s6 =	simm.s32 $0x108;
	_ =	swait.ge @!p0 [sflag:s8], $0x0  }
0x24: {  	s3 =	sadd.s32 $0x88, s3;
	s6 =	simm.s32 @!p1 $0x1082;
	[sflag:s4] =	ssyncset.s32 $0xFFFFF086  }
0x25: {  	[simem:s6], [sflag:s4] =	dma.local [hbm:s3], $0xF7A  }
0x26: {  	[smem:$0x3F97] =	sst s1;
	(tag) =	ssettag s2;
	_ =	strace s9  }
0x27: {  	s1 =	sld [smem:$0x3FA7]  }
0x28: {  	s2 =	sld [smem:$0x3FA8]  }
0x29: {  	s4 =	sld [smem:$0x3FAA]  }
0x2a: {  	p0 =	seq.s32 s5, $0x0;
	s5 =	sld [smem:$0x3FAB]  }
0x2b: {  	s6 =	sld [smem:$0x3FAC]  }
0x2c: {  	s7 =	sld [smem:$0x3FAD]  }
0x2d: {  	s3 =	simm.s32 $0x108;
	s8 =	sld [smem:$0x3FAE]  }
0x2e: {  	s3 =	simm.s32 @!p0 $0x1082;
	s9 =	sld [smem:$0x3FAF]  }
0x2f: {  	lr =	sadd.s32 s0, s3;
	s0 =	sld [smem:$0x3FA6]  }
0x30: {  	s3 =	sld [smem:$0x3FA9]  }
0x31: {  	[smem:$0x3FB2] =	sst s10  }
0x32: {  	s10 =	sld [smem:$0x3FB0];
	_ =	sdelay $0x3  }
0x33: {  	p0 =	seq.s32 s10, $0x1;
	s10 =	sld [smem:$0x3FB2];
	_ =	sdelay $0x3  }
0x34: {  	[smem:$0x3FB2] =	sst s10  }
0x35: {  	s10 =	sld [smem:$0x3FB1];
	_ =	sdelay $0x3  }
0x36: {  	p1 =	seq.s32 s10, $0x1;
	s10 =	sld [smem:$0x3FB2];
	_ =	sdelay $0x3  }
0x37: {  	[smem:$0x3FB2] =	sst s10  }
0x38: {  	s10 =	sld [smem:$0x3FB3]  }
0x39: {  	_ = 	snop;
	(pc) =	sbr.ind lr, $3  }
0x3a: {  	_ = 	snop  }
0x3b: {  	_ = 	snop  }
0x3c: {  	p2 =	seq.s32 s10, $0x1;
	s10 =	sld [smem:$0x3FB2]  }
0x3d: {  	_ =	shalt  }
0x3e: {  	_ =	shalt  }
0x3f: {  	_ =	shalt  }
0x40: {  	_ =	shalt  }
0x41: {  	_ =	shalt  }
0x42: {  	_ =	shalt  }
0x43: {  	_ =	shalt  }
0x44: {  	_ =	shalt  }
0x45: {  	_ =	shalt  }
0x46: {  	_ =	shalt  }
0x47: {  	_ =	shalt  }
0x48: {  	_ =	shalt  }
0x49: {  	_ =	shalt  }
0x4a: {  	_ =	shalt  }
0x4b: {  	_ =	shalt  }
0x4c: {  	_ =	shalt  }
0x4d: {  	_ =	shalt  }
0x4e: {  	_ =	shalt  }
0x4f: {  	_ =	shalt  }
0x50: {  	_ =	shalt  }
0x51: {  	_ =	shalt  }
0x52: {  	_ =	shalt  }
0x53: {  	_ =	shalt  }
0x54: {  	_ =	shalt  }
0x55: {  	_ =	shalt  }
0x56: {  	_ =	shalt  }
0x57: {  	_ =	shalt  }
0x58: {  	_ =	shalt  }
0x59: {  	_ =	shalt  }
0x5a: {  	_ =	shalt  }
0x5b: {  	_ =	shalt  }
0x5c: {  	_ =	shalt  }
0x5d: {  	_ =	shalt  }
0x5e: {  	_ =	shalt  }
0x5f: {  	_ =	shalt  }
0x60: {  	_ =	shalt  }
0x61: {  	_ =	shalt  }
0x62: {  	_ =	shalt  }
0x63: {  	_ =	shalt  }
0x64: {  	_ =	shalt  }
0x65: {  	_ =	shalt  }
0x66: {  	_ =	shalt  }
0x67: {  	_ =	shalt  }
0x68: {  	_ =	shalt  }
0x69: {  	_ =	shalt  }
0x6a: {  	_ =	shalt  }
0x6b: {  	_ =	shalt  }
0x6c: {  	_ =	shalt  }
0x6d: {  	_ =	shalt  }
0x6e: {  	_ =	shalt  }
0x6f: {  	_ =	shalt  }
0x70: {  	_ =	shalt  }
0x71: {  	_ =	shalt  }
0x72: {  	_ =	shalt  }
0x73: {  	_ =	shalt  }
0x74: {  	_ =	shalt  }
0x75: {  	_ =	shalt  }
0x76: {  	_ =	shalt  }
0x77: {  	_ =	shalt  }
0x78: {  	_ =	shalt  }
0x79: {  	_ =	shalt  }
0x7a: {  	_ =	shalt  }
0x7b: {  	_ =	shalt  }
0x7c: {  	_ =	shalt  }
0x7d: {  	_ =	shalt  }
0x7e: {  	_ =	shalt  }
0x7f: {  	_ =	shalt  }
0x80: {  	_ =	shalt  }
0x81: {  	_ =	shalt  }
0x82: {  	_ =	shalt  }
0x83: {  	_ =	shalt  }
0x84: {  	_ =	shalt  }
0x85: {  	_ =	shalt  }
0x86: {  	_ =	shalt  }
0x87: {  	_ =	shalt  }
.Lfunc_end0:
.L_simem_size_0:
called_computation.2_lowered:
.L_overlay_start_0:
0x88: {  	s2 =	sld [smem:$0x3FD9]  }
0x89: {  	s3 =	sld [smem:$0x3FFE];
	_ =	sdelay $0x1  }
0x8a: {  	s1 =	srdreg.scid  }
0x8b: {  	s0 =	sand.u32 $0x1, s1  }
0x8c: {  	s16 =	sshll.u32 s0, $0xA;
	s2 =	sadd.s32 s3, s2  }
0x8d: {  	s2 =	sadd.s32 s2, s16  }
0x8e: {  	[smem:$0x3FBE] =	sst s2  }
0x8f: {  	_ = 	snop  }
0x90: {  	(tm) =	ssettm $0x1  }
0x91: {  	s17 =	sld [smem:$0x3FFB];
	_ =	sdelay $0x3  }
0x92: {  	_ =	strace s17  }
0x93: {  	s2 =	sld [smem:$0x3FFC];
	_ =	sdelay $0x3  }
0x94: {  	_ =	strace s2  }
0x95: {  	s2 =	sld [smem:$0x3FFD];
	_ =	sdelay $0x3  }
0x96: {  	_ =	strace s2  }
0x97: {  	_ =	strace $0x8FFFFFFF  }
0x98: {  	s18 =	sld [smem:$0x3FDB];
	_ =	sdelay $0x1  }
0x99: {  	s19 =	simm.s32 $_scs_section_size  }
0x9a: {  	s4 =	simm.s32 $_size__tile_overlayer_lowered;
	s5 =	simm.s32 $_tile_overlayer_lowered  }
0x9b: {  	s22 =	simm.s32 $0x1BFF;
	s21 =	sshll.u32 s5, $0x1;
	s2 =	sadd.s32 s19, s18  }
0x9c: {  	s6 =	simm.s32 $0x0;
	s20 =	sshll.u32 s4, $0x1;
	s4 =	sadd.s32 s21, s2  }
0x9d: {  	[timem:s6], [sflag:s22] =	dma.local [hbm:s4], s20  }
0x9e: {  	_ =	swait.ge [sflag:s22], s20  }
0x9f: {  	s3 =	ssub.s32 $0x0, s20;
	[sflag:s22] =	ssyncset.done $0x0  }
0xa0: {  	[sflag:s22] =	ssyncadd.s32 s3;
	_ =	sdelay $0x1  }
0xa1: {  	s23 =	simm.s32 $0x1B8B  }
0xa2: {  	_ =	swait.ge [sflag:s23], $0x1  }
0xa3: {  	[sflag:s23] =	ssyncset.done $0x0  }
0xa4: {  	s25 =	simm.s32 $0x1B8E;
	s24 =	sld [smem:$0x3FFE];
	[sflag:s23] =	ssyncadd.s32 $0xFFFFFFFF  }
0xa5: {  	s26 =	simm.s32 $execute0_lowered;
	[smem:$0x3FD2] =	sst s25  }
0xa6: {  	s4 =	sshll.u32 s26, $0x1;
	_ =	strace $0x80000046;
	[dreg:$0x1] =	wrdreg $0xFFFFFFFF  }
0xa7: {  	s28 =	simm.s32 $_size_execute0_lowered;
	s2 =	sadd.s32 s2, s4;
	[dreg:$0x0] =	wrdreg $0x0  }
0xa8: {  	s4 =	sshll.u32 s28, $0x1;
	[dreg:$0x2] =	wrdreg s2  }
0xa9: {  	[dreg:$0x3] =	wrdreg s4  }
0xaa: {  	[dreg:$0x4] =	wrdreg $0xC0  }
0xab: {  	_ =	task [dreg:s6], $0x5FFFF  }
0xac: {  	[dreg:$0x1] =	wrdreg $0xFFFFFFFF  }
0xad: {  	[dreg:$0x0] =	wrdreg $0x60  }
0xae: {  	[dreg:$0x2] =	wrdreg s24  }
0xaf: {  	[dreg:$0x3] =	wrdreg $0x9  }
0xb0: {  	_ =	task.clear_ibuf [dreg:s6], $0x4FFFF;
	_ =	strace $0x90000046  }
0xb1: {  	s29 =	simm.s32 $0x9;
	_ =	strace $0x80000048  }
0xb2: {  	_ =	swait.ge [sflag:s29], $0x1  }
0xb3: {  	[sflag:s29] =	ssyncadd.s32 $0xFFFFFFFF  }
0xb4: {  	_ =	strace $0x90000048  }
0xb5: {  	_ =	sfence  }
0xb6: {  	s30 =	sld [smem:$0x0];
	_ =	sdelay $0x2  }
0xb7: {  	s31 =	sshll.u32 s1, $0xD;
	s1 =	sshrl.u32 s1, $0x2  }
0xb8: {  	s3 =	sand.u32 $0x4000, s31;
	s1 =	sadd.s32 s1, s30  }
0xb9: {  	s0 =	sor.u32 s3, s0;
	s1 =	sshll.u32 s1, $0x11  }
0xba: {  	s0 =	sor.u32 s1, s0  }
0xbb: {  	s0 =	sadd.s32 $0x8F2B, s0  }
0xbc: {  	[sflag:s0] =	ssyncadd.remote.s32 $0x1  }
0xbd: {  	_ =	sfence.sel $0xFFFF  }
0xbe: {  	[dreg:$0x0] =	wrdreg $0xFFFFFFFF;
	(pc) =	sbr.abs _section_cstart, $3  }
0xbf: {  	[dreg:$0x1] =	wrdreg $0xFFFFFFFF  }
0xc0: {  	_ =	task.clear_ibuf [dreg:s6], $0x2FFFF;
	_ =	strace $0x9FFFFFFF  }
0xc1: {  	(tm) =	ssettm $0x7FFFFFFF  }
tec
execute0_lowered:
.L_overlay_start_1:
0x0: {  	(tag) =	ssettag $0x1  }
0x1: {  	s0 =	srdreg.scid  }
0x2: {  	s6 =	rddreg [dreg:$0x0];
	s3 =	simm.s32 $0x200;
	s7 =	simm.s32 $0x1  }
0x3: {  	s8 =	simm.s32 $0x3;
	s10 =	simm.s32 $0x4;
	s1 =	sshll.u32 s0, $0x4  }
0x4: {  	s11 =	simm.s32 $0x0;
	s0 =	stileid.u32;
	s1 =	sand.u32 $0x10, s1  }
0x5: {  	s12 =	simm.s32 $0xFFFFF800;
	s13 =	simm.s32 $0xFFFFFE00;
	s1 =	sor.u32 s0, s1  }
0x6: {  	s14 =	simm.s32 $0xFFFFFFFF;
	s2 =	smin.u32 s1, $0x6;
	p0 =	slt.u32 s1, $0x6  }
0x7: {  	s18 =	simm.s32 $0x0;
	s2 =	sshll.u32 s2, $0x9;
	s3 =	simm.s32 @!p0 $0x0  }
0x8: {  	s15 =	simm.s32 $0x0;
	s17 =	simm.s32 $0x0;
	s5 =	sadd.s32 s3, s2  }
0x9: {  	s4 =	sadd.s32 $0x3400, s6;
	s1 =	rddreg [dreg:$0x1];
	s5 =	smin.u32 s5, $0xC00  }
.Ltmp0:
0xa: {  	_ =	strace $0x80000047;
	s9 =	ssub.s32 s5, s2;
	(pc) =	sbr.rel .LBB2_1-.Ltmp0, $4  }
0xb: {  	[sflag:s7] =	ssyncpa.u1 $0x0;
	s7 =	simm.s32 $0x2;
	p0 =	sgt.s32 s9, $0x0  }
0xc: {  	s3 =	sadd.s32 $0x27A400, s6;
	[sflag:s7] =	ssyncpa.u1 $0x0;
	s9 =	simm.s32 @!p0 $0x0  }
0xd: {  	s6 =	sadd.s32 $0x27A600, s6;
	[sflag:s8] =	ssyncpa.u1 $0x0;
	s9 =	sshrl.u32 s9, $0x9  }
0xe: {  	v0 =	vlaneseq.u32;
	vm0 =	vmmov $0xffff;
	s16 =	smov.u32 s2;
	[sflag:s10] =	ssyncpa.u1 $0x0;
	s10 =	sadd.s32 $0x2, s9  }
.LBB2_7:
0xf: {  	p0 =	slt.u32 s17, $0x3  }
0x10: {  	s18 =	simm.s32 @!p0 $0x4  }
0x11: {  	_ =	swait.ge @!p0 [sflag:s18], $0x80  }
0x12: {  	s19 =	sadd.s32 $0x200, s16;
	[sflag:s18] =	ssyncset.done @!p0 $0x0  }
0x13: {  	s20 =	smov.u32 s2;
	[sflag:s18] =	ssyncadd.s32 @!p0 $0xFFFFFF80;
	p0 =	slt.s32 s19, s5  }
0x14: {  	s20 =	smov.u32 @p0 s19;
	p0 =	sne.s32 s17, s10  }
.Ltmp1:
0x15: {  	_ = 	snop;
	(pc) =	sbr.rel @!p0 .LBB2_8-.Ltmp1, $4  }
0x16: {  	_ = 	snop  }
0x17: {  	s31 =	sadd.s32 $0x1, s17;
	s12 =	sadd.s32 $0x800, s12  }
0x18: {  	s13 =	sadd.s32 $0x200, s13;
	s14 =	sadd.s32 $0x1, s14;
	s18 =	smov.u32 s15  }
0x19: {  	s15 =	smov.u32 s16;
	s17 =	smov.u32 s31;
	s16 =	smov.u32 s20  }
.LBB2_1:
0x1a: {  	p0 =	sge.u32 s17, s9  }
0x1b: {  	s19 =	smulhi.u32 @!p0 $0xAAAAAAAB, s17;
	_ =	sdelay $0x1  }
0x1c: {  	s19 =	sshrl.u32 @!p0 s19, $0x1  }
0x1d: {  	s19 =	smul.u32 @!p0 $0x3, s19;
	_ =	sdelay $0x1  }
0x1e: {  	s31 =	sadd.s32 $0xFFFFFFFF, s17;
	s20 =	sshrl.u32 @!p0 s16, $0x3;
	s19 =	ssub.s32 @!p0 s17, s19  }
0x1f: {  	s21 =	sand.u32 @!p0 $0x7, s16;
	s20 =	sadd.s32 @!p0 s4, s20;
	s19 =	sshll.u32 @!p0 s19, $0x9  }
0x20: {  	[tilespmem:s19], [sflag:$0x2] =	stream.linear.gather @!p0 [hbm4b:s20+s21], $0x200, $0x38;
	[tilespmem:$0xB00] =	vst v63  }
0x21: {  	p0 =	sge.u32 s31, s9  }
.Ltmp2:
0x22: {  	_ = 	snop;
	(pc) =	sbr.rel @p0 .LBB2_5-.Ltmp2, $1  }
0x23: {  	_ =	sdelay $0x3  }
0x24: {  	s19 =	smulhi.u32 $0xAAAAAAAB, s14;
	_ =	sdelay $0x1  }
0x25: {  	s19 =	sshrl.u32 s19, $0x1  }
0x26: {  	s19 =	smul.u32 $0xFFFFE800, s19;
	_ =	sdelay $0x1  }
0x27: {  	_ =	swait.ge [sflag:s7], $0x200;
	s19 =	sshra.s32 s19, $0x2  }
0x28: {  	[sflag:s7] =	ssyncset.done $0x0;
	s20 =	sadd.s32 s19, s13  }
0x29: {  	[sflag:s7] =	ssyncadd.s32 $0xFFFFFE00;
	(ifvalue) =	ssetifvalue $0x7FFFFFFF;
	v1 =	vld.msk [tilespmem:s20+$0x0 ss:$0x1], $0xffff  }
0x2a: {  	s21 =	sadd.s32 $0x10, s20  }
0x2b: {  	v2 =	vld.msk [tilespmem:s21+$0x0 ss:$0x1], $0xffff;
	_ =	sdelay $0x1  }
0x2c: {  	s19 =	ssub.s32 $0xC00, s15  }
0x2d: {  	p0 =	slt.s32 s19, $0x200;
	vm1 =	vgt.s32 v1, $0x0  }
0x2e: {  	s19 =	simm.s32 @!p0 $0x200;
	v1 =	vnsel vm1, $0x0, v1  }
0x2f: {  	p0 =	sgt.s32 s19, $0x0;
	s22 =	smov.u32 s19;
	vm1 =	vgt.s32 v2, $0x0;
	v1 =	vmin.u32 v1, $0x9C3  }
0x30: {  	s22 =	simm.s32 @!p0 $0x0;
	v2 =	vnsel vm1, $0x0, v2;
	v4 =	vshll.u32 v1, $0x2  }
0x31: {  	s22 =	smin.u32 s22, $0x10;
	v3 =	vshrl.u32 v1, $0x7;
	v1 =	vand.u32 $0xE00, v1;
	v4 =	vand.u32 $0x1FC, v4  }
0x32: {  	v5 =	vmin.u32 v2, $0x9C3;
	v2 =	vmov s22;
	v1 =	vor.u32 v1, v4  }
0x33: {  	vm1 =	vgt.u32 v2, v0;
	v1 =	vshrl.u32 v1, $0x2  }
0x34: {  	s30 =	sshrl.u32 s12, $0x2;
	s23 =	sadd.s32 $0xFFFFFFF0, s19;
	v1 =	vnsel vm1, $0x7FFFFFFF, v1  }
0x35: {  	s19 =	sadd.s32 $0x10, s21;
	p0 =	sgt.s32 s23, $0x0;
	s25 =	smov.u32 s23;
	v3 =	vand.u32 $0x3, v3  }
0x36: {  	s31 =	sand.u32 $0x200, s30;
	s25 =	simm.s32 @!p0 $0x0;
	v2 =	vld.msk [tilespmem:s19+$0x0 ss:$0x1], $0xffff;
	v4 =	vshrl.u32 v5, $0x7;
	[tilespmem:s20+$0x0] =	vst v3;
	v3 =	vshll.u32 v5, $0x2  }
0x37: {  	s24 =	simm.s32 $0x30;
	s25 =	smin.u32 s25, $0x10;
	s22 =	sadd.s32 $0x600, s31;
	v5 =	vand.u32 $0xE00, v5;
	v4 =	vand.u32 $0x3, v4;
	v6 =	vand.u32 $0x1FC, v3  }
0x38: {  	s20 =	sadd.s32 $0x10, s19;
	v3 =	vmov s25;
	[tilespmem:s21+$0x0] =	vst v4;
	v4 =	vor.u32 v5, v6;
	(ifvalue) =	ssetifvalue $0x7FFFFFFF;
	s21 =	sadd.s32 $0x10, s22  }
.LBB2_3:
0x39: {  	[tilespmem:s22], [sflag:$0x3] =	stream.indirect_vreg.gather [hbm4b:s3+s11], $0x1, v1, vm0, $0x4038;
	[tilespmem:$0xB00] =	vst v63  }
0x3a: {  	s24 =	sadd.s32 $0x10, s24  }
0x3b: {  	vm1 =	vgt.s32 v2, $0x0;
	vm2 =	vgt.u32 v3, v0;
	v3 =	vshrl.u32 v4, $0x2;
	v1 =	vmovc v2;
	v2 =	vld.msk [tilespmem:s20+$0x0 ss:$0x1], $0xffff;
	p0 =	slt.u32 s24, $0x1F0  }
.Ltmp3:
0x3c: {  	s23 =	sadd.s32 $0xFFFFFFF0, s23;
	v4 =	vnsel vm1, $0x0, v1;
	v1 =	vnsel vm2, $0x7FFFFFFF, v3;
	(pc) =	sbr.rel @p0 .LBB2_3-.Ltmp3, $4  }
0x3d: {  	s25 =	smov.u32 s19;
	p1 =	sgt.s32 s23, $0x0;
	s26 =	smov.u32 s23;
	v3 =	vmin.u32 v4, $0x9C3  }
0x3e: {  	s19 =	smov.u32 s20;
	s22 =	smov.u32 s21;
	s26 =	simm.s32 @!p1 $0x0;
	v4 =	vshrl.u32 v3, $0x7;
	v5 =	vshll.u32 v3, $0x2  }
0x3f: {  	s26 =	smin.u32 s26, $0x10;
	v6 =	vand.u32 $0x3, v4;
	v4 =	vand.u32 $0xE00, v3;
	v5 =	vand.u32 $0x1FC, v5  }
0x40: {  	s20 =	sadd.s32 $0x10, s20;
	s21 =	sadd.s32 $0x10, s21;
	v3 =	vmov s26;
	v4 =	vor.u32 v4, v5;
	[tilespmem:s25+$0x0] =	vst v6;
	(ifvalue) =	ssetifvalue $0x7FFFFFFF  }
0x41: {  	v5 =	vld.msk [tilespmem:s20+$0x0 ss:$0x1], $0xffff;
	_ =	sdelay $0x1  }
0x42: {  	s23 =	sadd.s32 $0xFFFFFFF0, s23;
	vm1 =	vgt.s32 v2, $0x0  }
0x43: {  	p0 =	sgt.s32 s23, $0x0;
	s24 =	smov.u32 s23;
	v2 =	vnsel vm1, $0x0, v2;
	vm1 =	vgt.u32 v3, v0;
	v3 =	vshrl.u32 v4, $0x2  }
0x44: {  	s24 =	simm.s32 @!p0 $0x0;
	v2 =	vmin.u32 v2, $0x9C3;
	v3 =	vnsel vm1, $0x7FFFFFFF, v3  }
0x45: {  	s24 =	smin.u32 s24, $0x10;
	v60 =	vshll.u32 v2, $0x2;
	v7 =	vand.u32 $0xE00, v2;
	vm1 =	vgt.s32 v5, $0x0  }
0x46: {  	s23 =	sadd.s32 $0xFFFFFFF0, s23;
	v2 =	vshrl.u32 v2, $0x7;
	v6 =	vmov s24;
	v5 =	vnsel vm1, $0x0, v5  }
0x47: {  	p0 =	sgt.s32 s23, $0x0;
	v4 =	vand.u32 $0x1FC, v60;
	v2 =	vand.u32 $0x3, v2;
	v5 =	vmin.u32 v5, $0x9C3  }
0x48: {  	s23 =	simm.s32 @!p0 $0x0;
	v4 =	vor.u32 v7, v4;
	vm1 =	vgt.u32 v6, v0;
	v61 =	vshll.u32 v5, $0x2  }
0x49: {  	s23 =	smin.u32 s23, $0x10;
	v4 =	vshrl.u32 v4, $0x2;
	v62 =	vand.u32 $0xE00, v5;
	v6 =	vand.u32 $0x1FC, v61  }
0x4a: {  	v63 =	vmov s23;
	v4 =	vnsel vm1, $0x7FFFFFFF, v4;
	v6 =	vor.u32 v62, v6  }
0x4b: {  	[tilespmem:s22], [sflag:$0x3] =	stream.indirect_vreg.gather [hbm4b:s3+s11], $0x1, v1, vm0, $0x4038;
	[tilespmem:s19+$0x0] =	vst v2;
	vm1 =	vgt.u32 v63, v0;
	v2 =	vshrl.u32 v6, $0x2  }
0x4c: {  	(ifvalue) =	ssetifvalue $0x7FFFFFFF;
	v1 =	vshrl.u32 v5, $0x7;
	v2 =	vnsel vm1, $0x7FFFFFFF, v2  }
0x4d: {  	[tilespmem:s21], [sflag:$0x3] =	stream.indirect_vreg.gather [hbm4b:s3+s11], $0x1, v3, vm0, $0x4038;
	v1 =	vand.u32 $0x3, v1;
	[tilespmem:$0xB00] =	vst v63  }
0x4e: {  	s31 =	sadd.s32 $0x10, s21;
	[tilespmem:s20+$0x0] =	vst v1;
	(ifvalue) =	ssetifvalue $0x7FFFFFFF  }
0x4f: {  	[tilespmem:s31], [sflag:$0x3] =	stream.indirect_vreg.gather [hbm4b:s3+s11], $0x1, v4, vm0, $0x4038;
	[tilespmem:$0xB00] =	vst v63  }
0x50: {  	s19 =	sadd.s32 $0x10, s31;
	(ifvalue) =	ssetifvalue $0x7FFFFFFF  }
0x51: {  	[tilespmem:s19], [sflag:$0x3] =	stream.indirect_vreg.gather [hbm4b:s3+s11], $0x1, v2, vm0, $0x4038;
	[tilespmem:$0xB00] =	vst v63  }
.LBB2_5:
0x52: {  	p0 =	slt.u32 s17, $0x2  }
0x53: {  	p1 =	sge.u32 @!p0 s17, s10  }
0x54: {  	p0 =	por p0, p1  }
.Ltmp4:
0x55: {  	_ = 	snop;
	(pc) =	sbr.rel @p0 .LBB2_7-.Ltmp4, $1  }
0x56: {  	_ =	sdelay $0x3  }
0x57: {  	s19 =	sadd.s32 $0xFFFFFFFE, s17  }
0x58: {  	s20 =	smulhi.u32 $0xAAAAAAAB, s19  }
0x59: {  	_ =	swait.ge [sflag:s8], $0x200  }
0x5a: {  	s21 =	sand.u32 $0x1, s17;
	[sflag:s8] =	ssyncset.done $0x0;
	s20 =	sshrl.u32 s20, $0x1  }
0x5b: {  	s28 =	sshll.u32 s21, $0x9;
	[sflag:s8] =	ssyncadd.s32 $0xFFFFFE00;
	s20 =	smul.u32 $0x3, s20  }
0x5c: {  	v1 =	vld [tilespmem:s28+$0x600]  }
0x5d: {  	v3 =	vld [tilespmem:s28+$0x680];
	s20 =	ssub.s32 s19, s20  }
0x5e: {  	v6 =	vld [tilespmem:s28+$0x700];
	s20 =	sshll.u32 s20, $0x9  }
0x5f: {  	v2 =	vld [tilespmem:s20+$0x0]  }
0x60: {  	v4 =	vld [tilespmem:s20+$0x80]  }
0x61: {  	v5 =	vld [tilespmem:s20+$0x100]  }
0x62: {  	v7 =	vld [tilespmem:s20+$0x180];
	_ =	sdelay $0x1  }
0x63: {  	v8 =	vld [tilespmem:s28+$0x780]  }
0x64: {  	v2 =	vshll.u32 v2, $0x3;
	v4 =	vshll.u32 v4, $0x3  }
0x65: {  	v1 =	vshrl.u32 v1, v2;
	v2 =	vshrl.u32 v3, v4;
	v3 =	vshll.u32 v5, $0x3  }
0x66: {  	v21 =	vshll.u32 v7, $0x3;
	v2 =	vshll.u32 v2, $0x8;
	v3 =	vshrl.u32 v6, v3  }
0x67: {  	v1 =	vand.u32 $0xFF, v1;
	v2 =	vand.u32 $0xFF00, v2;
	v3 =	vshll.u32 v3, $0x10  }
0x68: {  	v1 =	vor.u32 v1, v2;
	v2 =	vand.u32 $0xFF0000, v3;
	v3 =	vshrl.u32 v8, v21  }
0x69: {  	v1 =	vor.u32 v2, v1;
	v2 =	vshll.u32 v3, $0x18  }
0x6a: {  	s21 =	sshll.u32 s21, $0x7;
	v1 =	vor.u32 v2, v1  }
0x6b: {  	[tilespmem:s21+$0xA00] =	vst v1  }
0x6c: {  	v1 =	vld [tilespmem:s28+$0x610]  }
0x6d: {  	v2 =	vld [tilespmem:s20+$0x10]  }
0x6e: {  	v3 =	vld [tilespmem:s28+$0x690]  }
0x6f: {  	v22 =	vld [tilespmem:s20+$0x90]  }
0x70: {  	v23 =	vld [tilespmem:s20+$0x110]  }
0x71: {  	v24 =	vld [tilespmem:s28+$0x710]  }
0x72: {  	v25 =	vld [tilespmem:s20+$0x190];
	_ =	sdelay $0x1  }
0x73: {  	v26 =	vld [tilespmem:s28+$0x790]  }
0x74: {  	v2 =	vshll.u32 v2, $0x3;
	v4 =	vshll.u32 v22, $0x3  }
0x75: {  	v1 =	vshrl.u32 v1, v2;
	v2 =	vshrl.u32 v3, v4;
	v3 =	vshll.u32 v23, $0x3  }
0x76: {  	v27 =	vshll.u32 v25, $0x3;
	v2 =	vshll.u32 v2, $0x8;
	v3 =	vshrl.u32 v24, v3  }
0x77: {  	v1 =	vand.u32 $0xFF, v1;
	v2 =	vand.u32 $0xFF00, v2;
	v3 =	vshll.u32 v3, $0x10  }
0x78: {  	v1 =	vor.u32 v1, v2;
	v2 =	vand.u32 $0xFF0000, v3;
	v3 =	vshrl.u32 v26, v27  }
0x79: {  	v1 =	vor.u32 v2, v1;
	v2 =	vshll.u32 v3, $0x18  }
0x7a: {  	v1 =	vor.u32 v2, v1  }
0x7b: {  	[tilespmem:s21+$0xA10] =	vst v1  }
0x7c: {  	v1 =	vld [tilespmem:s28+$0x620]  }
0x7d: {  	v2 =	vld [tilespmem:s20+$0x20]  }
0x7e: {  	v3 =	vld [tilespmem:s28+$0x6A0]  }
0x7f: {  	v28 =	vld [tilespmem:s20+$0xA0]  }
0x80: {  	v29 =	vld [tilespmem:s20+$0x120]  }
0x81: {  	v30 =	vld [tilespmem:s28+$0x720]  }
0x82: {  	v31 =	vld [tilespmem:s20+$0x1A0];
	_ =	sdelay $0x1  }
0x83: {  	v32 =	vld [tilespmem:s28+$0x7A0]  }
0x84: {  	v2 =	vshll.u32 v2, $0x3;
	v4 =	vshll.u32 v28, $0x3  }
0x85: {  	v1 =	vshrl.u32 v1, v2;
	v2 =	vshrl.u32 v3, v4;
	v3 =	vshll.u32 v29, $0x3  }
0x86: {  	v33 =	vshll.u32 v31, $0x3;
	v2 =	vshll.u32 v2, $0x8;
	v3 =	vshrl.u32 v30, v3  }
0x87: {  	v1 =	vand.u32 $0xFF, v1;
	v2 =	vand.u32 $0xFF00, v2;
	v3 =	vshll.u32 v3, $0x10  }
0x88: {  	v1 =	vor.u32 v1, v2;
	v2 =	vand.u32 $0xFF0000, v3;
	v3 =	vshrl.u32 v32, v33  }
0x89: {  	v1 =	vor.u32 v2, v1;
	v2 =	vshll.u32 v3, $0x18  }
0x8a: {  	v1 =	vor.u32 v2, v1  }
0x8b: {  	[tilespmem:s21+$0xA20] =	vst v1  }
0x8c: {  	v1 =	vld [tilespmem:s28+$0x630]  }
0x8d: {  	v2 =	vld [tilespmem:s20+$0x30]  }
0x8e: {  	v3 =	vld [tilespmem:s28+$0x6B0]  }
0x8f: {  	v34 =	vld [tilespmem:s20+$0xB0]  }
0x90: {  	v35 =	vld [tilespmem:s20+$0x130]  }
0x91: {  	v36 =	vld [tilespmem:s28+$0x730]  }
0x92: {  	v37 =	vld [tilespmem:s20+$0x1B0];
	_ =	sdelay $0x1  }
0x93: {  	v38 =	vld [tilespmem:s28+$0x7B0]  }
0x94: {  	v2 =	vshll.u32 v2, $0x3;
	v4 =	vshll.u32 v34, $0x3  }
0x95: {  	v1 =	vshrl.u32 v1, v2;
	v2 =	vshrl.u32 v3, v4;
	v3 =	vshll.u32 v35, $0x3  }
0x96: {  	v39 =	vshll.u32 v37, $0x3;
	v2 =	vshll.u32 v2, $0x8;
	v3 =	vshrl.u32 v36, v3  }
0x97: {  	v1 =	vand.u32 $0xFF, v1;
	v2 =	vand.u32 $0xFF00, v2;
	v3 =	vshll.u32 v3, $0x10  }
0x98: {  	v1 =	vor.u32 v1, v2;
	v2 =	vand.u32 $0xFF0000, v3;
	v3 =	vshrl.u32 v38, v39  }
0x99: {  	v1 =	vor.u32 v2, v1;
	v2 =	vshll.u32 v3, $0x18  }
0x9a: {  	v1 =	vor.u32 v2, v1  }
0x9b: {  	[tilespmem:s21+$0xA30] =	vst v1  }
0x9c: {  	v1 =	vld [tilespmem:s28+$0x640]  }
0x9d: {  	v2 =	vld [tilespmem:s20+$0x40]  }
0x9e: {  	v3 =	vld [tilespmem:s28+$0x6C0]  }
0x9f: {  	v40 =	vld [tilespmem:s20+$0xC0]  }
0xa0: {  	v41 =	vld [tilespmem:s20+$0x140]  }
0xa1: {  	v42 =	vld [tilespmem:s28+$0x740]  }
0xa2: {  	v43 =	vld [tilespmem:s20+$0x1C0];
	_ =	sdelay $0x1  }
0xa3: {  	v44 =	vld [tilespmem:s28+$0x7C0]  }
0xa4: {  	v2 =	vshll.u32 v2, $0x3;
	v4 =	vshll.u32 v40, $0x3  }
0xa5: {  	v1 =	vshrl.u32 v1, v2;
	v2 =	vshrl.u32 v3, v4;
	v3 =	vshll.u32 v41, $0x3  }
0xa6: {  	v45 =	vshll.u32 v43, $0x3;
	v2 =	vshll.u32 v2, $0x8;
	v3 =	vshrl.u32 v42, v3  }
0xa7: {  	v1 =	vand.u32 $0xFF, v1;
	v2 =	vand.u32 $0xFF00, v2;
	v3 =	vshll.u32 v3, $0x10  }
0xa8: {  	v1 =	vor.u32 v1, v2;
	v2 =	vand.u32 $0xFF0000, v3;
	v3 =	vshrl.u32 v44, v45  }
0xa9: {  	v1 =	vor.u32 v2, v1;
	v2 =	vshll.u32 v3, $0x18  }
0xaa: {  	v1 =	vor.u32 v2, v1  }
0xab: {  	[tilespmem:s21+$0xA40] =	vst v1  }
0xac: {  	v1 =	vld [tilespmem:s28+$0x650]  }
0xad: {  	v2 =	vld [tilespmem:s20+$0x50]  }
0xae: {  	v3 =	vld [tilespmem:s28+$0x6D0]  }
0xaf: {  	v46 =	vld [tilespmem:s20+$0xD0]  }
0xb0: {  	v47 =	vld [tilespmem:s20+$0x150]  }
0xb1: {  	v48 =	vld [tilespmem:s28+$0x750]  }
0xb2: {  	v49 =	vld [tilespmem:s20+$0x1D0];
	_ =	sdelay $0x1  }
0xb3: {  	v50 =	vld [tilespmem:s28+$0x7D0]  }
0xb4: {  	v2 =	vshll.u32 v2, $0x3;
	v4 =	vshll.u32 v46, $0x3  }
0xb5: {  	v1 =	vshrl.u32 v1, v2;
	v2 =	vshrl.u32 v3, v4;
	v3 =	vshll.u32 v47, $0x3  }
0xb6: {  	v51 =	vshll.u32 v49, $0x3;
	v2 =	vshll.u32 v2, $0x8;
	v3 =	vshrl.u32 v48, v3  }
0xb7: {  	v1 =	vand.u32 $0xFF, v1;
	v2 =	vand.u32 $0xFF00, v2;
	v3 =	vshll.u32 v3, $0x10  }
0xb8: {  	v1 =	vor.u32 v1, v2;
	v2 =	vand.u32 $0xFF0000, v3;
	v3 =	vshrl.u32 v50, v51  }
0xb9: {  	v1 =	vor.u32 v2, v1;
	v2 =	vshll.u32 v3, $0x18  }
0xba: {  	v1 =	vor.u32 v2, v1  }
0xbb: {  	[tilespmem:s21+$0xA50] =	vst v1  }
0xbc: {  	v1 =	vld [tilespmem:s28+$0x660]  }
0xbd: {  	v2 =	vld [tilespmem:s20+$0x60]  }
0xbe: {  	v3 =	vld [tilespmem:s28+$0x6E0]  }
0xbf: {  	v52 =	vld [tilespmem:s20+$0xE0]  }
0xc0: {  	v53 =	vld [tilespmem:s20+$0x160]  }
0xc1: {  	v54 =	vld [tilespmem:s28+$0x760]  }
0xc2: {  	v55 =	vld [tilespmem:s20+$0x1E0];
	_ =	sdelay $0x1  }
0xc3: {  	v56 =	vld [tilespmem:s28+$0x7E0]  }
0xc4: {  	v2 =	vshll.u32 v2, $0x3;
	v4 =	vshll.u32 v52, $0x3  }
0xc5: {  	v1 =	vshrl.u32 v1, v2;
	v2 =	vshrl.u32 v3, v4;
	v3 =	vshll.u32 v53, $0x3  }
0xc6: {  	v57 =	vshll.u32 v55, $0x3;
	v2 =	vshll.u32 v2, $0x8;
	v3 =	vshrl.u32 v54, v3  }
0xc7: {  	v1 =	vand.u32 $0xFF, v1;
	v2 =	vand.u32 $0xFF00, v2;
	v3 =	vshll.u32 v3, $0x10  }
0xc8: {  	v1 =	vor.u32 v1, v2;
	v2 =	vand.u32 $0xFF0000, v3;
	v3 =	vshrl.u32 v56, v57  }
0xc9: {  	v1 =	vor.u32 v2, v1;
	v2 =	vshll.u32 v3, $0x18  }
0xca: {  	v1 =	vor.u32 v2, v1  }
0xcb: {  	[tilespmem:s21+$0xA60] =	vst v1  }
0xcc: {  	v1 =	vld [tilespmem:s28+$0x670]  }
0xcd: {  	v2 =	vld [tilespmem:s20+$0x70]  }
0xce: {  	v3 =	vld [tilespmem:s28+$0x6F0]  }
0xcf: {  	v58 =	vld [tilespmem:s20+$0xF0]  }
0xd0: {  	v59 =	vld [tilespmem:s20+$0x170]  }
0xd1: {  	v60 =	vld [tilespmem:s28+$0x770]  }
0xd2: {  	v61 =	vld [tilespmem:s20+$0x1F0];
	_ =	sdelay $0x1  }
0xd3: {  	v62 =	vld [tilespmem:s28+$0x7F0]  }
0xd4: {  	v2 =	vshll.u32 v2, $0x3;
	v4 =	vshll.u32 v58, $0x3  }
0xd5: {  	v1 =	vshrl.u32 v1, v2;
	v2 =	vshrl.u32 v3, v4;
	v3 =	vshll.u32 v59, $0x3  }
0xd6: {  	v63 =	vshll.u32 v61, $0x3;
	v3 =	vshrl.u32 v60, v3;
	v2 =	vshll.u32 v2, $0x8  }
0xd7: {  	v1 =	vand.u32 $0xFF, v1;
	v2 =	vand.u32 $0xFF00, v2;
	v3 =	vshll.u32 v3, $0x10  }
.Ltmp5:
0xd8: {  	v1 =	vor.u32 v1, v2;
	v2 =	vshrl.u32 v62, v63;
	v3 =	vand.u32 $0xFF0000, v3;
	(pc) =	sbr.rel .LBB2_7-.Ltmp5, $4  }
0xd9: {  	v1 =	vor.u32 v3, v1;
	v2 =	vshll.u32 v2, $0x18  }
0xda: {  	s29 =	sshrl.u32 s18, $0x2;
	s30 =	sshrl.u32 s18, $0x5;
	v1 =	vor.u32 v2, v1  }
0xdb: {  	s18 =	sadd.s32 s30, s6;
	s31 =	sor.u32 $0xA00, s21;
	s19 =	sand.u32 $0x7, s29;
	[tilespmem:s21+$0xA70] =	vst v1  }
0xdc: {  	[hbm4b:s18+s19] =	stream.linear.scatter [tilespmem:s31], [sflag:$0x4], $0x80, $0x38;
	[tilespmem:$0xB00] =	vst v63  }
.LBB2_8:
0xdd: {  	_ =	sfence.sel $0x180000  }
0xde: {  	s2 =	simm.s32 $0x2;
	[bflag:$0x0] =	sbarrier.arrive $0xFFFF  }
0xdf: {  	s29 =	simm.s32 $0x3;
	[sflag:s2] =	ssyncpa.u1 $0x1  }
0xe0: {  	s30 =	simm.s32 $0x4;
	[sflag:s29] =	ssyncpa.u1 $0x1  }
0xe1: {  	s31 =	simm.s32 $0x1;
	[sflag:s30] =	ssyncpa.u1 $0x1  }
0xe2: {  	[sflag:s31] =	ssyncpa.u1 $0x1  }
0xe3: {  	p0 =	sne.s32 s0, $0x0;
	_ =	strace $0x90000047  }
0xe4: {  	s0 =	sadd.s32 @!p0 $0x100000, s1;
	[bflag:$0x2] =	sbarrier.arrive $0xFFFF  }
0xe5: {  	[sflag:s0] =	ssyncadd.tile.s32 @!p0 $0x1;
	_ =	shalt  }
.Lfunc_end2:
_tile_overlayer_lowered:
.L_overlay_start_2:
0xe6: {  	(tag) =	ssettag $0x2  }
0xe7: {  	s0 =	rddreg [dreg:$0x0];
	s2 =	stileid.u32  }
0xe8: {  	s1 =	rddreg [dreg:$0x1];
	p0 =	sne.s32 s2, $0x0  }
0xe9: {  	s3 =	rddreg [dreg:$0x2];
	[bflag:$0x3] =	sbarrier.arrive $0xFFFF;
	s2 =	simm.s32 @!p0 $0x1C01  }
0xea: {  	[timem:s3], [sflag:s2] =	dma.local @!p0 [hbm:s0], s1  }
0xeb: {  	s0 =	simm.s32 @!p0 $0x1  }
0xec: {  	_ =	swait.ge @!p0 [sflag:s0], s1  }
0xed: {  	s1 =	ssub.s32 @!p0 $0x0, s1;
	[sflag:s0] =	ssyncset.done @!p0 $0x0  }
0xee: {  	[sflag:s0] =	ssyncadd.s32 @!p0 s1  }
0xef: {  	[bflag:$0x3] =	sbarrier.arrive $0xFFFF  }
0xf0: {  	_ =	shalt  }

// kernel: gather_offload_async_start
scs
__scs_entry_jumppad:
0x0: {  	(pc) =	sbr.rel $0x88, $3  }
0x1: {  	(tag) =	ssettag $0x0;
	lr =	simm.s32 $0x1  }
0x2: {  	[smem:$0x3F97] =	sst lr;
	_ =	strace $0xD0000000  }
0x3: {  	_ = 	snop  }
0x4: {  	_ = 	snop  }
0x5: {  	_ = 	snop  }
0x6: {  	_ = 	snop  }
0x7: {  	_ = 	snop  }
__scs_overlays_trampoline_lowered:
0x8: {  	[smem:$0x3FA6] =	sst s0  }
0x9: {  	[smem:$0x3FA7] =	sst s1  }
0xa: {  	[smem:$0x3FA8] =	sst s2  }
0xb: {  	[smem:$0x3FA9] =	sst s3  }
0xc: {  	[smem:$0x3FAA] =	sst s4  }
0xd: {  	[smem:$0x3FAB] =	sst s5  }
0xe: {  	[smem:$0x3FAC] =	sst s6  }
0xf: {  	[smem:$0x3FAD] =	sst s7  }
0x10: {  	[smem:$0x3FAE] =	sst s8  }
0x11: {  	[smem:$0x3FAF] =	sst s9;
	s0 =	simm.s32 @!p0 $0x0  }
0x12: {  	s1 =	sld [smem:$0x3F95];
	s0 =	simm.s32 @p0 $0x1  }
0x13: {  	[smem:$0x3FB0] =	sst s0;
	s0 =	simm.s32 @!p1 $0x0  }
0x14: {  	s2 =	sld [smem:$0x3F94];
	s0 =	simm.s32 @p1 $0x1  }
0x15: {  	[smem:$0x3FB1] =	sst s0;
	s0 =	simm.s32 @!p2 $0x0  }
0x16: {  	s3 =	sld [smem:$0x3FDB];
	s0 =	simm.s32 @p2 $0x1  }
0x17: {  	s4 =	simm.s32 $0x1BF5;
	[smem:$0x3FB3] =	sst s0  }
0x18: {  	s0 =	sld [smem:$0x3F96];
	_ =	swait.ge [sflag:s4], $0x0  }
0x19: {  	s7 =	sld [smem:$0x3F97]  }
0x1a: {  	s8 =	sadd.s32 $0xFFFFE003, lr  }
0x1b: {  	s9 =	sadd.s32 $0xFFFFFEF7, lr;
	s5 =	simm.s32 $0xFFFFFFFF;
	p2 =	slt.u32 s8, $0xFFFFF086  }
0x1c: {  	p1 =	slt.u32 s9, $0xF7A;
	s5 =	simm.s32 @!p2 $0x0  }
0x1d: {  	s5 =	simm.s32 @p1 $0x1;
	p0 =	seq.s32 s7, s2  }
0x1e: {  	s7 =	smul.u32 @!p0 $0xF7A, s2;
	p2 =	seq.s32 @!p0 s5, $0x0  }
0x1f: {  	s9 =	smul.u32 $0xF7A, s1;
	s8 =	simm.s32 @!p0 $0x1BF5;
	p2 =	por !p2, p0  }
0x20: {  	[sflag:s8] =	ssyncset.s32 @!p0 $0xFFFFF086;
	s6 =	sadd.s32 @!p0 s3, s7;
	s7 =	simm.s32 @!p0 $0x108  }
0x21: {  	s3 =	sadd.s32 s3, s9;
	s6 =	sadd.s32 @!p0 $0x88, s6;
	s7 =	simm.s32 @p2 $0x1082  }
0x22: {  	[simem:s7], [sflag:s8] =	dma.local @!p0 [hbm:s6], $0xF7A  }
0x23: {  	s9 =	sor.u32 $0xD0000000, s2;
	s6 =	simm.s32 $0x108;
	_ =	swait.ge @!p0 [sflag:s8], $0x0  }
0x24: {  	s3 =	sadd.s32 $0x88, s3;
	s6 =	simm.s32 @!p1 $0x1082;
	[sflag:s4] =	ssyncset.s32 $0xFFFFF086  }
0x25: {  	[simem:s6], [sflag:s4] =	dma.local [hbm:s3], $0xF7A  }
0x26: {  	[smem:$0x3F97] =	sst s1;
	(tag) =	ssettag s2;
	_ =	strace s9  }
0x27: {  	s1 =	sld [smem:$0x3FA7]  }
0x28: {  	s2 =	sld [smem:$0x3FA8]  }
0x29: {  	s4 =	sld [smem:$0x3FAA]  }
0x2a: {  	p0 =	seq.s32 s5, $0x0;
	s5 =	sld [smem:$0x3FAB]  }
0x2b: {  	s6 =	sld [smem:$0x3FAC]  }
0x2c: {  	s7 =	sld [smem:$0x3FAD]  }
0x2d: {  	s3 =	simm.s32 $0x108;
	s8 =	sld [smem:$0x3FAE]  }
0x2e: {  	s3 =	simm.s32 @!p0 $0x1082;
	s9 =	sld [smem:$0x3FAF]  }
0x2f: {  	lr =	sadd.s32 s0, s3;
	s0 =	sld [smem:$0x3FA6]  }
0x30: {  	s3 =	sld [smem:$0x3FA9]  }
0x31: {  	[smem:$0x3FB2] =	sst s10  }
0x32: {  	s10 =	sld [smem:$0x3FB0];
	_ =	sdelay $0x3  }
0x33: {  	p0 =	seq.s32 s10, $0x1;
	s10 =	sld [smem:$0x3FB2];
	_ =	sdelay $0x3  }
0x34: {  	[smem:$0x3FB2] =	sst s10  }
0x35: {  	s10 =	sld [smem:$0x3FB1];
	_ =	sdelay $0x3  }
0x36: {  	p1 =	seq.s32 s10, $0x1;
	s10 =	sld [smem:$0x3FB2];
	_ =	sdelay $0x3  }
0x37: {  	[smem:$0x3FB2] =	sst s10  }
0x38: {  	s10 =	sld [smem:$0x3FB3]  }
0x39: {  	_ = 	snop;
	(pc) =	sbr.ind lr, $3  }
0x3a: {  	_ = 	snop  }
0x3b: {  	_ = 	snop  }
0x3c: {  	p2 =	seq.s32 s10, $0x1;
	s10 =	sld [smem:$0x3FB2]  }
0x3d: {  	_ =	shalt  }
0x3e: {  	_ =	shalt  }
0x3f: {  	_ =	shalt  }
0x40: {  	_ =	shalt  }
0x41: {  	_ =	shalt  }
0x42: {  	_ =	shalt  }
0x43: {  	_ =	shalt  }
0x44: {  	_ =	shalt  }
0x45: {  	_ =	shalt  }
0x46: {  	_ =	shalt  }
0x47: {  	_ =	shalt  }
0x48: {  	_ =	shalt  }
0x49: {  	_ =	shalt  }
0x4a: {  	_ =	shalt  }
0x4b: {  	_ =	shalt  }
0x4c: {  	_ =	shalt  }
0x4d: {  	_ =	shalt  }
0x4e: {  	_ =	shalt  }
0x4f: {  	_ =	shalt  }
0x50: {  	_ =	shalt  }
0x51: {  	_ =	shalt  }
0x52: {  	_ =	shalt  }
0x53: {  	_ =	shalt  }
0x54: {  	_ =	shalt  }
0x55: {  	_ =	shalt  }
0x56: {  	_ =	shalt  }
0x57: {  	_ =	shalt  }
0x58: {  	_ =	shalt  }
0x59: {  	_ =	shalt  }
0x5a: {  	_ =	shalt  }
0x5b: {  	_ =	shalt  }
0x5c: {  	_ =	shalt  }
0x5d: {  	_ =	shalt  }
0x5e: {  	_ =	shalt  }
0x5f: {  	_ =	shalt  }
0x60: {  	_ =	shalt  }
0x61: {  	_ =	shalt  }
0x62: {  	_ =	shalt  }
0x63: {  	_ =	shalt  }
0x64: {  	_ =	shalt  }
0x65: {  	_ =	shalt  }
0x66: {  	_ =	shalt  }
0x67: {  	_ =	shalt  }
0x68: {  	_ =	shalt  }
0x69: {  	_ =	shalt  }
0x6a: {  	_ =	shalt  }
0x6b: {  	_ =	shalt  }
0x6c: {  	_ =	shalt  }
0x6d: {  	_ =	shalt  }
0x6e: {  	_ =	shalt  }
0x6f: {  	_ =	shalt  }
0x70: {  	_ =	shalt  }
0x71: {  	_ =	shalt  }
0x72: {  	_ =	shalt  }
0x73: {  	_ =	shalt  }
0x74: {  	_ =	shalt  }
0x75: {  	_ =	shalt  }
0x76: {  	_ =	shalt  }
0x77: {  	_ =	shalt  }
0x78: {  	_ =	shalt  }
0x79: {  	_ =	shalt  }
0x7a: {  	_ =	shalt  }
0x7b: {  	_ =	shalt  }
0x7c: {  	_ =	shalt  }
0x7d: {  	_ =	shalt  }
0x7e: {  	_ =	shalt  }
0x7f: {  	_ =	shalt  }
0x80: {  	_ =	shalt  }
0x81: {  	_ =	shalt  }
0x82: {  	_ =	shalt  }
0x83: {  	_ =	shalt  }
0x84: {  	_ =	shalt  }
0x85: {  	_ =	shalt  }
0x86: {  	_ =	shalt  }
0x87: {  	_ =	shalt  }
.Lfunc_end0:
.L_simem_size_0:
called_computation_lowered:
.L_overlay_start_0:
0x88: {  	s2 =	sld [smem:$0x3FD9]  }
0x89: {  	s3 =	sld [smem:$0x3FFE];
	_ =	sdelay $0x1  }
0x8a: {  	s1 =	srdreg.scid  }
0x8b: {  	s0 =	sand.u32 $0x1, s1  }
0x8c: {  	s17 =	sshll.u32 s0, $0xA;
	s2 =	sadd.s32 s3, s2  }
0x8d: {  	s2 =	sadd.s32 s2, s17  }
0x8e: {  	[smem:$0x3FBE] =	sst s2  }
0x8f: {  	_ = 	snop  }
0x90: {  	s2 =	sld [smem:$0x3FC8];
	(tm) =	ssettm $0x1  }
0x91: {  	s18 =	sld [smem:$0x3FFB];
	_ =	sdelay $0x3  }
0x92: {  	_ =	strace s18  }
0x93: {  	s3 =	sld [smem:$0x3FFC];
	_ =	sdelay $0x3  }
0x94: {  	_ =	strace s3  }
0x95: {  	s3 =	sld [smem:$0x3FFD];
	_ =	sdelay $0x3  }
0x96: {  	_ =	strace s3  }
0x97: {  	_ =	strace $0x8FFFFFFF  }
0x98: {  	s19 =	sld [smem:$0x3FDB];
	_ =	sdelay $0x1  }
0x99: {  	s4 =	simm.s32 $_scs_section_size  }
0x9a: {  	s5 =	simm.s32 $_size__tile_overlayer_lowered;
	s6 =	simm.s32 $_tile_overlayer_lowered  }
0x9b: {  	s22 =	simm.s32 $0x1BFF;
	s21 =	sshll.u32 s6, $0x1;
	s3 =	sadd.s32 s4, s19  }
0x9c: {  	s7 =	simm.s32 $0x0;
	s20 =	sshll.u32 s5, $0x1;
	s5 =	sadd.s32 s21, s3  }
0x9d: {  	[timem:s7], [sflag:s22] =	dma.local [hbm:s5], s20  }
0x9e: {  	_ =	swait.ge [sflag:s22], s20  }
0x9f: {  	s4 =	ssub.s32 $0x0, s20;
	[sflag:s22] =	ssyncset.done $0x0  }
0xa0: {  	[sflag:s22] =	ssyncadd.s32 s4;
	_ =	sdelay $0x1  }
0xa1: {  	s23 =	simm.s32 $0x1B8B  }
0xa2: {  	_ =	swait.ge [sflag:s23], $0x1  }
0xa3: {  	[sflag:s23] =	ssyncset.done $0x0  }
0xa4: {  	s25 =	simm.s32 $0x1B8E;
	s24 =	sld [smem:$0x3FFE];
	[sflag:s23] =	ssyncadd.s32 $0xFFFFFFFF  }
0xa5: {  	s26 =	simm.s32 $execute0_lowered;
	[smem:$0x3FD2] =	sst s25  }
0xa6: {  	s5 =	sshll.u32 s26, $0x1;
	_ =	strace $0x8000004C;
	[dreg:$0x1] =	wrdreg $0xFFFFFFFF  }
0xa7: {  	s28 =	simm.s32 $_size_execute0_lowered;
	s3 =	sadd.s32 s3, s5;
	[dreg:$0x0] =	wrdreg $0x0  }
0xa8: {  	s5 =	sshll.u32 s28, $0x1;
	[dreg:$0x2] =	wrdreg s3  }
0xa9: {  	[dreg:$0x3] =	wrdreg s5  }
0xaa: {  	[dreg:$0x4] =	wrdreg $0xC0  }
0xab: {  	_ =	task [dreg:s7], $0x5FFFF  }
0xac: {  	[dreg:$0x1] =	wrdreg $0xFFFFFFFF  }
0xad: {  	[dreg:$0x0] =	wrdreg $0x60  }
0xae: {  	[dreg:$0x2] =	wrdreg s2  }
0xaf: {  	[dreg:$0x3] =	wrdreg s24  }
0xb0: {  	[dreg:$0x4] =	wrdreg $0x9  }
0xb1: {  	_ =	task.clear_ibuf [dreg:s7], $0x5FFFF;
	_ =	strace $0x9000004C  }
0xb2: {  	s29 =	simm.s32 $0x9;
	_ =	strace $0x8000004E  }
0xb3: {  	_ =	swait.ge [sflag:s29], $0x1  }
0xb4: {  	[sflag:s29] =	ssyncadd.s32 $0xFFFFFFFF  }
0xb5: {  	_ =	strace $0x9000004E  }
0xb6: {  	_ =	sfence  }
0xb7: {  	s30 =	sld [smem:$0x0];
	_ =	sdelay $0x2  }
0xb8: {  	s31 =	sshll.u32 s1, $0xD;
	s1 =	sshrl.u32 s1, $0x2  }
0xb9: {  	s3 =	sand.u32 $0x4000, s31;
	s1 =	sadd.s32 s1, s30  }
0xba: {  	s0 =	sor.u32 s3, s0;
	s1 =	sshll.u32 s1, $0x11  }
0xbb: {  	s0 =	sor.u32 s1, s0  }
0xbc: {  	s0 =	sadd.s32 $0x8F2B, s0  }
0xbd: {  	[sflag:s0] =	ssyncadd.remote.s32 $0x1  }
0xbe: {  	_ =	sfence.sel $0xFFFF  }
0xbf: {  	[dreg:$0x0] =	wrdreg $0xFFFFFFFF;
	(pc) =	sbr.abs _section_cstart, $3  }
0xc0: {  	[dreg:$0x1] =	wrdreg $0xFFFFFFFF  }
0xc1: {  	_ =	task.clear_ibuf [dreg:s7], $0x2FFFF;
	_ =	strace $0x9FFFFFFF  }
0xc2: {  	(tm) =	ssettm $0x7FFFFFFF  }
0xc3: {  	_ =	shalt  }
tec
execute0_lowered:
.L_overlay_start_1:
0x0: {  	(tag) =	ssettag $0x1  }
0x1: {  	s2 =	rddreg [dreg:$0x0]  }
0x2: {  	s0 =	srdreg.scid;
	s7 =	rddreg [dreg:$0x1]  }
0x3: {  	s1 =	stileid.u32;
	s5 =	simm.s32 $0x2;
	s9 =	simm.s32 $0x3  }
0x4: {  	s3 =	sshll.u32 s0, $0x4;
	s0 =	rddreg [dreg:$0x2];
	_ =	strace $0x8000004D  }
.Ltmp0:
0x5: {  	s4 =	sand.u32 $0x10, s3;
	s3 =	simm.s32 $0x1;
	(pc) =	sbr.rel .LBB2_1-.Ltmp0, $4  }
0x6: {  	s12 =	simm.s32 $0x0;
	s4 =	sor.u32 s1, s4;
	[sflag:s3] =	ssyncpa.u1 $0x0  }
0x7: {  	s10 =	simm.s32 $0x0;
	s4 =	smul.u32 $0x60, s4;
	[sflag:s5] =	ssyncpa.u1 $0x0  }
0x8: {  	s6 =	sadd.s32 $0x3400, s7;
	s7 =	sadd.s32 $0x27A400, s7;
	[sflag:s9] =	ssyncpa.u1 $0x0  }
0x9: {  	vm0 =	vmmov $0xff;
	vm1 =	vcmask $0x3F20;
	s9 =	simm.s32 $0x60;
	s8 =	sadd.s32 $0x60, s4;
	s11 =	smov.u32 s4  }
.LBB2_10:
0xa: {  	s12 =	sshrl.u32 s11, $0x3  }
0xb: {  	s13 =	sand.u32 $0x7, s11;
	s12 =	sadd.s32 s6, s12  }
0xc: {  	[tilespmem:s9], [sflag:$0x2] =	stream.linear.gather [hbm4b:s12+s13], $0x60, $0x38;
	[tilespmem:$0x60C0] =	vst v63  }
.LBB2_8:
0xd: {  	s12 =	sadd.s32 $0x60, s11  }
0xe: {  	s13 =	smov.u32 s4;
	p0 =	slt.s32 s12, s8  }
0xf: {  	s13 =	smov.u32 @p0 s12  }
0x10: {  	s10 =	sadd.s32 $0x1, s10;
	s12 =	smov.u32 s11;
	s11 =	smov.u32 s13  }
.LBB2_1:
0x11: {  	p0 =	seq.s32 s10, $0x0  }
.Ltmp1:
0x12: {  	_ = 	snop;
	(pc) =	sbr.rel @p0 .LBB2_10-.Ltmp1, $1  }
0x13: {  	_ =	sdelay $0x3  }
0x14: {  	p0 =	seq.s32 s10, $0x1  }
.Ltmp2:
0x15: {  	_ = 	snop;
	(pc) =	sbr.rel @!p0 .LBB2_9-.Ltmp2, $1  }
0x16: {  	_ =	sdelay $0x3  }
0x17: {  	_ =	swait.ge [sflag:s5], $0x60  }
0x18: {  	[sflag:s5] =	ssyncset.done $0x0  }
0x19: {  	s13 =	simm.s32 $0x0;
	[sflag:s5] =	ssyncadd.s32 $0xFFFFFFA0  }
0x1a: {  	v0 =	vld.msk [tilespmem:s13+$0x60 ss:$0x1], $0xffff;
	_ =	sdelay $0x4  }
0x1b: {  	vm2 =	vgt.s32 v0, $0x0  }
0x1c: {  	v0 =	vnsel vm2, $0x0, v0  }
0x1d: {  	v0 =	vmin.u32 v0, $0x9C3  }
0x1e: {  	v0 =	vshll.u32 v0, $0x4;
	_ =	sdelay $0x3  }
0x1f: {  	s13 =	simm.s32 $0x30C0  }
0x20: {  	[tilespmem:s13], [sflag:$0x1] =	stream.indirect_vreg.gather [hbm:s2], $0x80, v0, vm0, $0x38;
	[tilespmem:$0x60C0] =	vst v63  }
0x21: {  	s14 =	simm.s32 $0x34C0;
	s31 =	simm.s32 $0x10  }
0x22: {  	[tilespmem:s14], [sflag:$0x1] =	stream.indirect_vreg.gather [hbm:s2], $0x80, v0, vm1, $0x38;
	[tilespmem:$0x60C0] =	vst v63  }
0x23: {  	s14 =	simm.s32 $0x80;
	v0 =	vld.msk [tilespmem:s31+$0x60 ss:$0x1], $0xffff  }
.LBB2_4:
0x24: {  	p0 =	sne.s32 s14, $0x140;
	_ =	sdelay $0x4  }
0x25: {  	vm2 =	vgt.s32 v0, $0x0  }
0x26: {  	v0 =	vnsel vm2, $0x0, v0  }
0x27: {  	v0 =	vmin.u32 v0, $0x9C3  }
0x28: {  	v0 =	vshll.u32 v0, $0x4;
	_ =	sdelay $0x3  }
.Ltmp3:
0x29: {  	s13 =	sadd.s32 $0x800, s13;
	(pc) =	sbr.rel @p0 .LBB2_4-.Ltmp3, $4  }
0x2a: {  	[tilespmem:s13], [sflag:$0x1] =	stream.indirect_vreg.gather [hbm:s2], $0x80, v0, vm0, $0x38;
	[tilespmem:$0x60C0] =	vst v63  }
0x2b: {  	s15 =	sshra.s32 s14, $0x2;
	s16 =	sadd.s32 $0x400, s13  }
0x2c: {  	[tilespmem:s16], [sflag:$0x1] =	stream.indirect_vreg.gather [hbm:s2], $0x80, v0, vm1, $0x38;
	[tilespmem:$0x60C0] =	vst v63  }
0x2d: {  	s14 =	sadd.s32 $0x40, s14;
	v0 =	vld.msk [tilespmem:s15+$0x60 ss:$0x1], $0xffff  }
0x2e: {  	_ =	sdelay $0x3  }
0x2f: {  	vm2 =	vgt.s32 v0, $0x0  }
0x30: {  	v0 =	vnsel vm2, $0x0, v0  }
0x31: {  	v0 =	vmin.u32 v0, $0x9C3  }
0x32: {  	v0 =	vshll.u32 v0, $0x4;
	_ =	sdelay $0x3  }
0x33: {  	s13 =	sadd.s32 $0x800, s13  }
0x34: {  	[tilespmem:s13], [sflag:$0x1] =	stream.indirect_vreg.gather [hbm:s2], $0x80, v0, vm0, $0x38;
	[tilespmem:$0x60C0] =	vst v63  }
0x35: {  	s13 =	sadd.s32 $0x400, s13  }
0x36: {  	[tilespmem:s13], [sflag:$0x1] =	stream.indirect_vreg.gather [hbm:s2], $0x80, v0, vm1, $0x38;
	[tilespmem:$0x60C0] =	vst v63  }
0x37: {  	s12 =	sshll.u32 s12, $0x4;
	s14 =	simm.s32 $0x80;
	_ =	swait.ge [sflag:s3], $0x3000  }
0x38: {  	s15 =	simm.s32 $0x34C0;
	s12 =	sadd.s32 s12, s7;
	[sflag:s3] =	ssyncset.done $0x0  }
0x39: {  	s16 =	sadd.s32 $0x0, s12;
	s13 =	simm.s32 $0x30C0;
	[sflag:s3] =	ssyncadd.s32 $0xFFFFD000  }
.LBB2_6:
0x3a: {  	[hbm:s16] =	stream.linear.scatter [tilespmem:s13], [sflag:$0x3], $0x400, $0x38;
	[tilespmem:$0x60C0] =	vst v63  }
0x3b: {  	s16 =	smov.u32 s14;
	s13 =	smov.u32 s15;
	p0 =	seq.s32 s14, $0x580  }
.Ltmp4:
0x3c: {  	s14 =	sadd.s32 $0x80, s14;
	(pc) =	sbr.rel @!p0 .LBB2_6-.Ltmp4, $2  }
0x3d: {  	_ =	sdelay $0x2  }
0x3e: {  	s15 =	sadd.s32 $0x400, s15;
	s16 =	sadd.s32 s16, s12  }
.Ltmp5:
0x3f: {  	(pc) =	sbr.rel .LBB2_8-.Ltmp5, $2  }
0x40: {  	_ =	sdelay $0x2  }
0x41: {  	[hbm:s16] =	stream.linear.scatter [tilespmem:s13], [sflag:$0x3], $0x400, $0x38;
	[tilespmem:$0x60C0] =	vst v63  }
.LBB2_9:
0x42: {  	s2 =	simm.s32 $0x3  }
0x43: {  	_ =	swait.ge [sflag:s2], $0x3000  }
0x44: {  	[sflag:s2] =	ssyncset.done $0x0  }
0x45: {  	[sflag:s2] =	ssyncadd.s32 $0xFFFFD000  }
0x46: {  	_ =	sfence.sel $0x180000  }
0x47: {  	s3 =	simm.s32 $0x2;
	[bflag:$0x0] =	sbarrier.arrive $0xFFFF  }
0x48: {  	[sflag:s3] =	ssyncpa.u1 $0x1  }
0x49: {  	s31 =	simm.s32 $0x1;
	[sflag:s2] =	ssyncpa.u1 $0x1  }
0x4a: {  	[sflag:s31] =	ssyncpa.u1 $0x1  }
0x4b: {  	p0 =	sne.s32 s1, $0x0;
	_ =	strace $0x9000004D  }
0x4c: {  	s0 =	sadd.s32 @!p0 $0x100000, s0;
	[bflag:$0x2] =	sbarrier.arrive $0xFFFF  }
0x4d: {  	[sflag:s0] =	ssyncadd.tile.s32 @!p0 $0x1;
	_ =	shalt  }
.Lfunc_end2:
_tile_overlayer_lowered:
.L_overlay_start_2:
0x4e: {  	(tag) =	ssettag $0x2  }
0x4f: {  	s0 =	rddreg [dreg:$0x0];
	s2 =	stileid.u32  }
0x50: {  	s1 =	rddreg [dreg:$0x1];
	p0 =	sne.s32 s2, $0x0  }
0x51: {  	s3 =	rddreg [dreg:$0x2];
	[bflag:$0x3] =	sbarrier.arrive $0xFFFF;
	s2 =	simm.s32 @!p0 $0x1C01  }
0x52: {  	[timem:s3], [sflag:s2] =	dma.local @!p0 [hbm:s0], s1  }
0x53: {  	s0 =	simm.s32 @!p0 $0x1  }
0x54: {  	_ =	swait.ge @!p0 [sflag:s0], s1  }
0x55: {  	s1 =	ssub.s32 @!p0 $0x0, s1;
	[sflag:s0] =	ssyncset.done @!p0 $0x0  }
0x56: {  	[sflag:s0] =	ssyncadd.s32 @!p0 s1  }
0x57: {  	[bflag:$0x3] =	sbarrier.arrive $0xFFFF  }
0x58: {  	_ =	shalt  }

// kernel: kernel.10.cloned.1.call-start
scs
__scs_entry_jumppad:
0x0: {  	(pc) =	sbr.rel $0x88, $3  }
0x1: {  	(tag) =	ssettag $0x0;
	lr =	simm.s32 $0x1  }
0x2: {  	[smem:$0x3F97] =	sst lr;
	_ =	strace $0xD0000000  }
0x3: {  	_ = 	snop  }
0x4: {  	_ = 	snop  }
0x5: {  	_ = 	snop  }
0x6: {  	_ = 	snop  }
0x7: {  	_ = 	snop  }
__scs_overlays_trampoline_lowered:
0x8: {  	[smem:$0x3FA6] =	sst s0  }
0x9: {  	[smem:$0x3FA7] =	sst s1  }
0xa: {  	[smem:$0x3FA8] =	sst s2  }
0xb: {  	[smem:$0x3FA9] =	sst s3  }
0xc: {  	[smem:$0x3FAA] =	sst s4  }
0xd: {  	[smem:$0x3FAB] =	sst s5  }
0xe: {  	[smem:$0x3FAC] =	sst s6  }
0xf: {  	[smem:$0x3FAD] =	sst s7  }
0x10: {  	[smem:$0x3FAE] =	sst s8  }
0x11: {  	[smem:$0x3FAF] =	sst s9;
	s0 =	simm.s32 @!p0 $0x0  }
0x12: {  	s1 =	sld [smem:$0x3F95];
	s0 =	simm.s32 @p0 $0x1  }
0x13: {  	[smem:$0x3FB0] =	sst s0;
	s0 =	simm.s32 @!p1 $0x0  }
0x14: {  	s2 =	sld [smem:$0x3F94];
	s0 =	simm.s32 @p1 $0x1  }
0x15: {  	[smem:$0x3FB1] =	sst s0;
	s0 =	simm.s32 @!p2 $0x0  }
0x16: {  	s3 =	sld [smem:$0x3FDB];
	s0 =	simm.s32 @p2 $0x1  }
0x17: {  	s4 =	simm.s32 $0x1BF5;
	[smem:$0x3FB3] =	sst s0  }
0x18: {  	s0 =	sld [smem:$0x3F96];
	_ =	swait.ge [sflag:s4], $0x0  }
0x19: {  	s7 =	sld [smem:$0x3F97]  }
0x1a: {  	s8 =	sadd.s32 $0xFFFFE003, lr  }
0x1b: {  	s9 =	sadd.s32 $0xFFFFFEF7, lr;
	s5 =	simm.s32 $0xFFFFFFFF;
	p2 =	slt.u32 s8, $0xFFFFF086  }
0x1c: {  	p1 =	slt.u32 s9, $0xF7A;
	s5 =	simm.s32 @!p2 $0x0  }
0x1d: {  	s5 =	simm.s32 @p1 $0x1;
	p0 =	seq.s32 s7, s2  }
0x1e: {  	s7 =	smul.u32 @!p0 $0xF7A, s2;
	p2 =	seq.s32 @!p0 s5, $0x0  }
0x1f: {  	s9 =	smul.u32 $0xF7A, s1;
	s8 =	simm.s32 @!p0 $0x1BF5;
	p2 =	por !p2, p0  }
0x20: {  	[sflag:s8] =	ssyncset.s32 @!p0 $0xFFFFF086;
	s6 =	sadd.s32 @!p0 s3, s7;
	s7 =	simm.s32 @!p0 $0x108  }
0x21: {  	s3 =	sadd.s32 s3, s9;
	s6 =	sadd.s32 @!p0 $0x88, s6;
	s7 =	simm.s32 @p2 $0x1082  }
0x22: {  	[simem:s7], [sflag:s8] =	dma.local @!p0 [hbm:s6], $0xF7A  }
0x23: {  	s9 =	sor.u32 $0xD0000000, s2;
	s6 =	simm.s32 $0x108;
	_ =	swait.ge @!p0 [sflag:s8], $0x0  }
0x24: {  	s3 =	sadd.s32 $0x88, s3;
	s6 =	simm.s32 @!p1 $0x1082;
	[sflag:s4] =	ssyncset.s32 $0xFFFFF086  }
0x25: {  	[simem:s6], [sflag:s4] =	dma.local [hbm:s3], $0xF7A  }
0x26: {  	[smem:$0x3F97] =	sst s1;
	(tag) =	ssettag s2;
	_ =	strace s9  }
0x27: {  	s1 =	sld [smem:$0x3FA7]  }
0x28: {  	s2 =	sld [smem:$0x3FA8]  }
0x29: {  	s4 =	sld [smem:$0x3FAA]  }
0x2a: {  	p0 =	seq.s32 s5, $0x0;
	s5 =	sld [smem:$0x3FAB]  }
0x2b: {  	s6 =	sld [smem:$0x3FAC]  }
0x2c: {  	s7 =	sld [smem:$0x3FAD]  }
0x2d: {  	s3 =	simm.s32 $0x108;
	s8 =	sld [smem:$0x3FAE]  }
0x2e: {  	s3 =	simm.s32 @!p0 $0x1082;
	s9 =	sld [smem:$0x3FAF]  }
0x2f: {  	lr =	sadd.s32 s0, s3;
	s0 =	sld [smem:$0x3FA6]  }
0x30: {  	s3 =	sld [smem:$0x3FA9]  }
0x31: {  	[smem:$0x3FB2] =	sst s10  }
0x32: {  	s10 =	sld [smem:$0x3FB0];
	_ =	sdelay $0x3  }
0x33: {  	p0 =	seq.s32 s10, $0x1;
	s10 =	sld [smem:$0x3FB2];
	_ =	sdelay $0x3  }
0x34: {  	[smem:$0x3FB2] =	sst s10  }
0x35: {  	s10 =	sld [smem:$0x3FB1];
	_ =	sdelay $0x3  }
0x36: {  	p1 =	seq.s32 s10, $0x1;
	s10 =	sld [smem:$0x3FB2];
	_ =	sdelay $0x3  }
0x37: {  	[smem:$0x3FB2] =	sst s10  }
0x38: {  	s10 =	sld [smem:$0x3FB3]  }
0x39: {  	_ = 	snop;
	(pc) =	sbr.ind lr, $3  }
0x3a: {  	_ = 	snop  }
0x3b: {  	_ = 	snop  }
0x3c: {  	p2 =	seq.s32 s10, $0x1;
	s10 =	sld [smem:$0x3FB2]  }
0x3d: {  	_ =	shalt  }
0x3e: {  	_ =	shalt  }
0x3f: {  	_ =	shalt  }
0x40: {  	_ =	shalt  }
0x41: {  	_ =	shalt  }
0x42: {  	_ =	shalt  }
0x43: {  	_ =	shalt  }
0x44: {  	_ =	shalt  }
0x45: {  	_ =	shalt  }
0x46: {  	_ =	shalt  }
0x47: {  	_ =	shalt  }
0x48: {  	_ =	shalt  }
0x49: {  	_ =	shalt  }
0x4a: {  	_ =	shalt  }
0x4b: {  	_ =	shalt  }
0x4c: {  	_ =	shalt  }
0x4d: {  	_ =	shalt  }
0x4e: {  	_ =	shalt  }
0x4f: {  	_ =	shalt  }
0x50: {  	_ =	shalt  }
0x51: {  	_ =	shalt  }
0x52: {  	_ =	shalt  }
0x53: {  	_ =	shalt  }
0x54: {  	_ =	shalt  }
0x55: {  	_ =	shalt  }
0x56: {  	_ =	shalt  }
0x57: {  	_ =	shalt  }
0x58: {  	_ =	shalt  }
0x59: {  	_ =	shalt  }
0x5a: {  	_ =	shalt  }
0x5b: {  	_ =	shalt  }
0x5c: {  	_ =	shalt  }
0x5d: {  	_ =	shalt  }
0x5e: {  	_ =	shalt  }
0x5f: {  	_ =	shalt  }
0x60: {  	_ =	shalt  }
0x61: {  	_ =	shalt  }
0x62: {  	_ =	shalt  }
0x63: {  	_ =	shalt  }
0x64: {  	_ =	shalt  }
0x65: {  	_ =	shalt  }
0x66: {  	_ =	shalt  }
0x67: {  	_ =	shalt  }
0x68: {  	_ =	shalt  }
0x69: {  	_ =	shalt  }
0x6a: {  	_ =	shalt  }
0x6b: {  	_ =	shalt  }
0x6c: {  	_ =	shalt  }
0x6d: {  	_ =	shalt  }
0x6e: {  	_ =	shalt  }
0x6f: {  	_ =	shalt  }
0x70: {  	_ =	shalt  }
0x71: {  	_ =	shalt  }
0x72: {  	_ =	shalt  }
0x73: {  	_ =	shalt  }
0x74: {  	_ =	shalt  }
0x75: {  	_ =	shalt  }
0x76: {  	_ =	shalt  }
0x77: {  	_ =	shalt  }
0x78: {  	_ =	shalt  }
0x79: {  	_ =	shalt  }
0x7a: {  	_ =	shalt  }
0x7b: {  	_ =	shalt  }
0x7c: {  	_ =	shalt  }
0x7d: {  	_ =	shalt  }
0x7e: {  	_ =	shalt  }
0x7f: {  	_ =	shalt  }
0x80: {  	_ =	shalt  }
0x81: {  	_ =	shalt  }
0x82: {  	_ =	shalt  }
0x83: {  	_ =	shalt  }
0x84: {  	_ =	shalt  }
0x85: {  	_ =	shalt  }
0x86: {  	_ =	shalt  }
0x87: {  	_ =	shalt  }
.Lfunc_end0:
.L_simem_size_0:
called_computation.4_lowered:
.L_overlay_start_0:
0x88: {  	s2 =	sld [smem:$0x3FD9]  }
0x89: {  	s3 =	sld [smem:$0x3FFE];
	_ =	sdelay $0x1  }
0x8a: {  	s1 =	srdreg.scid  }
0x8b: {  	s0 =	sand.u32 $0x1, s1  }
0x8c: {  	s16 =	sshll.u32 s0, $0xA;
	s2 =	sadd.s32 s3, s2  }
0x8d: {  	s2 =	sadd.s32 s2, s16  }
0x8e: {  	[smem:$0x3FBE] =	sst s2  }
0x8f: {  	_ = 	snop  }
0x90: {  	(tm) =	ssettm $0x1  }
0x91: {  	s17 =	sld [smem:$0x3FFB];
	_ =	sdelay $0x3  }
0x92: {  	_ =	strace s17  }
0x93: {  	s2 =	sld [smem:$0x3FFC];
	_ =	sdelay $0x3  }
0x94: {  	_ =	strace s2  }
0x95: {  	s2 =	sld [smem:$0x3FFD];
	_ =	sdelay $0x3  }
0x96: {  	_ =	strace s2  }
0x97: {  	_ =	strace $0x8FFFFFFF  }
0x98: {  	s18 =	sld [smem:$0x3FDB];
	_ =	sdelay $0x1  }
0x99: {  	s19 =	simm.s32 $_scs_section_size  }
0x9a: {  	s4 =	simm.s32 $_size__tile_overlayer_lowered;
	s5 =	simm.s32 $_tile_overlayer_lowered  }
0x9b: {  	s22 =	simm.s32 $0x1BFF;
	s21 =	sshll.u32 s5, $0x1;
	s2 =	sadd.s32 s19, s18  }
0x9c: {  	s6 =	simm.s32 $0x0;
	s20 =	sshll.u32 s4, $0x1;
	s4 =	sadd.s32 s21, s2  }
0x9d: {  	[timem:s6], [sflag:s22] =	dma.local [hbm:s4], s20  }
0x9e: {  	_ =	swait.ge [sflag:s22], s20  }
0x9f: {  	s3 =	ssub.s32 $0x0, s20;
	[sflag:s22] =	ssyncset.done $0x0  }
0xa0: {  	[sflag:s22] =	ssyncadd.s32 s3;
	_ =	sdelay $0x1  }
0xa1: {  	s23 =	simm.s32 $0x1B8B  }
0xa2: {  	_ =	swait.ge [sflag:s23], $0x1  }
0xa3: {  	[sflag:s23] =	ssyncset.done $0x0  }
0xa4: {  	s25 =	simm.s32 $0x1B8E;
	s24 =	sld [smem:$0x3FFE];
	[sflag:s23] =	ssyncadd.s32 $0xFFFFFFFF  }
0xa5: {  	s26 =	simm.s32 $execute0_lowered;
	[smem:$0x3FD2] =	sst s25  }
0xa6: {  	s4 =	sshll.u32 s26, $0x1;
	_ =	strace $0x8000004F;
	[dreg:$0x1] =	wrdreg $0xFFFFFFFF  }
0xa7: {  	s28 =	simm.s32 $_size_execute0_lowered;
	s2 =	sadd.s32 s2, s4;
	[dreg:$0x0] =	wrdreg $0x0  }
0xa8: {  	s4 =	sshll.u32 s28, $0x1;
	[dreg:$0x2] =	wrdreg s2  }
0xa9: {  	[dreg:$0x3] =	wrdreg s4  }
0xaa: {  	[dreg:$0x4] =	wrdreg $0xC0  }
0xab: {  	_ =	task [dreg:s6], $0x5FFFF  }
0xac: {  	[dreg:$0x1] =	wrdreg $0xFFFFFFFF  }
0xad: {  	[dreg:$0x0] =	wrdreg $0x60  }
0xae: {  	[dreg:$0x2] =	wrdreg s24  }
0xaf: {  	[dreg:$0x3] =	wrdreg $0x79000  }
0xb0: {  	[dreg:$0x4] =	wrdreg $0xA  }
0xb1: {  	_ =	task.clear_ibuf [dreg:s6], $0x5FFFF;
	_ =	strace $0x9000004F  }
0xb2: {  	s29 =	simm.s32 $0xA;
	_ =	strace $0x80000051  }
0xb3: {  	_ =	swait.ge [sflag:s29], $0x1  }
0xb4: {  	[sflag:s29] =	ssyncadd.s32 $0xFFFFFFFF  }
0xb5: {  	_ =	strace $0x90000051  }
0xb6: {  	_ =	sfence  }
0xb7: {  	s30 =	sld [smem:$0x0];
	_ =	sdelay $0x2  }
0xb8: {  	s31 =	sshll.u32 s1, $0xD;
	s1 =	sshrl.u32 s1, $0x2  }
0xb9: {  	s3 =	sand.u32 $0x4000, s31;
	s1 =	sadd.s32 s1, s30  }
0xba: {  	s0 =	sor.u32 s3, s0;
	s1 =	sshll.u32 s1, $0x11  }
0xbb: {  	s0 =	sor.u32 s1, s0  }
0xbc: {  	s0 =	sadd.s32 $0x8F2B, s0  }
0xbd: {  	[sflag:s0] =	ssyncadd.remote.s32 $0x1  }
0xbe: {  	_ =	sfence.sel $0xFFFF  }
0xbf: {  	[dreg:$0x0] =	wrdreg $0xFFFFFFFF;
	(pc) =	sbr.abs _section_cstart, $3  }
0xc0: {  	[dreg:$0x1] =	wrdreg $0xFFFFFFFF  }
0xc1: {  	_ =	task.clear_ibuf [dreg:s6], $0x2FFFF;
	_ =	strace $0x9FFFFFFF  }
0xc2: {  	(tm) =	ssettm $0x7FFFFFFF  }
0xc3: {  	_ =	shalt  }
tec
execute0_lowered:
.L_overlay_start_1:
0x0: {  	(tag) =	ssettag $0x1  }
0x1: {  	s0 =	srdreg.scid;
	s4 =	rddreg [dreg:$0x0]  }
0x2: {  	s21 =	stileid.u32;
	s1 =	rddreg [dreg:$0x1];
	s2 =	simm.s32 $0x0  }
0x3: {  	s14 =	simm.s32 $0x3000;
	s15 =	simm.s32 $0x3080;
	s16 =	simm.s32 $0x7100  }
0x4: {  	s17 =	simm.s32 $0x4;
	s18 =	simm.s32 $0x1;
	s20 =	simm.s32 $0x2  }
0x5: {  	s23 =	simm.s32 $0x0;
	s11 =	sand.u32 $0x1, s0;
	[smem:$0x7FF] =	sst s2  }
0x6: {  	s7 =	smul.u32 $0x4E2, s21;
	s8 =	sshll.u32 s21, $0x4;
	s31 =	sshll.u32 s21, $0xB  }
0x7: {  	p0 =	seq.s32 s21, $0x0;
	s10 =	sadd.s32 $0x8000, s1;
	s0 =	sshll.u32 s11, $0x4  }
0x8: {  	s6 =	smul.u32 $0x4E20, s11;
	s8 =	sand.u32 $0x70, s8;
	s30 =	ssub.s32 $0x2, s11  }
0x9: {  	p1 =	seq.s32 s11, $0x1;
	s19 =	sor.u32 s11, s21;
	s3 =	sor.u32 s21, s0  }
0xa: {  	s0 =	rddreg [dreg:$0x2];
	_ =	strace $0x80000050;
	s9 =	sshrl.u32 s30, $0x1  }
0xb: {  	p0 =	por !p0, !p1;
	p2 =	sne.s32 s19, $0x0;
	s5 =	smul.u32 $0x300, s3  }
0xc: {  	s19 =	simm.s32 $0x3;
	s6 =	sadd.s32 s7, s6;
	s28 =	smul.u32 $0x4E2, s3  }
0xd: {  	s3 =	sshll.u32 s3, $0x4;
	s13 =	ssub.s32 s30, s9;
	s9 =	sadd.s32 s31, s1  }
0xe: {  	p1 =	por !p0, !p0;
	p0 =	sne.s32 s21, $0x0;
	s22 =	sshll.u32 @!p2 s21, $0x6  }
0xf: {  	s6 =	sshll.u32 s6, $0x6;
	s3 =	sand.u32 $0x180, s3;
	s11 =	smax.u32 s13, $0x1  }
0x10: {  	s13 =	simm.s32 $0x1800;
	s5 =	sadd.s32 s5, s4;
	s7 =	sshrl.u32 s28, $0x1  }
0x11: {  	s6 =	sand.u32 $0x3FC000, s6;
	s3 =	sor.u32 s8, s3;
	s7 =	sand.u32 $0x7F80, s7  }
0x12: {  	s12 =	sadd.s32 s6, s4;
	s8 =	sadd.s32 s3, s4;
	s3 =	sadd.s32 $0x28CA00, s4  }
0x13: {  	s5 =	sadd.s32 $0x286A00, s5;
	s29 =	sadd.s32 s7, s4;
	s4 =	sadd.s32 $0x28DA00, s4  }
0x14: {  	s21 =	simm.s32 $0x30;
	s7 =	sadd.s32 $0x286800, s8;
	s8 =	sadd.s32 $0x286400, s8  }
0x15: {  	v0 =	vimm.f32 $0.0e+00;
	s22 =	sor.u32 @!p2 $0x1C04, s22;
	s12 =	sadd.s32 $0x3600, s12;
	s6 =	sadd.s32 $0x274600, s29  }
.LBB2_1:
0x16: {  	[tilespmem:s2], [sflag:$0x1] =	stream.linear.gather [hbm4b:s5+s2], $0x1800, $0x38;
	[tilespmem:$0x8108] =	vst v63  }
0x17: {  	_ = 	snop  }
0x18: {  	[tilespmem:s13], [sflag:$0x2] =	stream.linear.gather [hbm4b:s6+s2], $0x1800, $0x38;
	[tilespmem:$0x8108] =	vst v63  }
0x19: {  	_ = 	snop  }
0x1a: {  	[tilespmem:s14], [sflag:$0x3] =	stream.linear.gather [hbm4b:s7+s2], $0x80, $0x38;
	[tilespmem:$0x8108] =	vst v63  }
0x1b: {  	_ = 	snop  }
0x1c: {  	[tilespmem:s15], [sflag:$0x3] =	stream.linear.gather [hbm4b:s8+s2], $0x80, $0x38;
	[tilespmem:$0x8108] =	vst v63  }
0x1d: {  	[tilespmem:$0x7100] =	vst v0  }
0x1e: {  	[tilespmem:$0x7110] =	vst v0  }
0x1f: {  	[tilespmem:$0x7120] =	vst v0  }
0x20: {  	[tilespmem:$0x7130] =	vst v0  }
0x21: {  	[tilespmem:$0x7140] =	vst v0  }
0x22: {  	[tilespmem:$0x7150] =	vst v0  }
0x23: {  	[tilespmem:$0x7160] =	vst v0  }
0x24: {  	[tilespmem:$0x7170] =	vst v0  }
0x25: {  	[tilespmem:$0x7180] =	vst v0  }
0x26: {  	[tilespmem:$0x7190] =	vst v0  }
0x27: {  	[tilespmem:$0x71A0] =	vst v0  }
0x28: {  	[tilespmem:$0x71B0] =	vst v0  }
0x29: {  	[tilespmem:$0x71C0] =	vst v0  }
0x2a: {  	[tilespmem:$0x71D0] =	vst v0  }
0x2b: {  	[tilespmem:$0x71E0] =	vst v0  }
0x2c: {  	[tilespmem:$0x71F0] =	vst v0  }
0x2d: {  	[tilespmem:$0x7200] =	vst v0  }
0x2e: {  	[tilespmem:$0x7210] =	vst v0  }
0x2f: {  	[tilespmem:$0x7220] =	vst v0  }
0x30: {  	[tilespmem:$0x7230] =	vst v0  }
0x31: {  	[tilespmem:$0x7240] =	vst v0  }
0x32: {  	[tilespmem:$0x7250] =	vst v0  }
0x33: {  	[tilespmem:$0x7260] =	vst v0  }
0x34: {  	[tilespmem:$0x7270] =	vst v0  }
0x35: {  	[tilespmem:$0x7280] =	vst v0  }
0x36: {  	[tilespmem:$0x7290] =	vst v0  }
0x37: {  	[tilespmem:$0x72A0] =	vst v0  }
0x38: {  	[tilespmem:$0x72B0] =	vst v0  }
0x39: {  	[tilespmem:$0x72C0] =	vst v0  }
0x3a: {  	[tilespmem:$0x72D0] =	vst v0  }
0x3b: {  	[tilespmem:$0x72E0] =	vst v0  }
0x3c: {  	[tilespmem:$0x72F0] =	vst v0  }
0x3d: {  	[tilespmem:$0x7300] =	vst v0  }
0x3e: {  	[tilespmem:$0x7310] =	vst v0  }
0x3f: {  	[tilespmem:$0x7320] =	vst v0  }
0x40: {  	[tilespmem:$0x7330] =	vst v0  }
0x41: {  	[tilespmem:$0x7340] =	vst v0  }
0x42: {  	[tilespmem:$0x7350] =	vst v0  }
0x43: {  	[tilespmem:$0x7360] =	vst v0  }
0x44: {  	[tilespmem:$0x7370] =	vst v0  }
0x45: {  	[tilespmem:$0x7380] =	vst v0  }
0x46: {  	[tilespmem:$0x7390] =	vst v0  }
0x47: {  	[tilespmem:$0x73A0] =	vst v0  }
0x48: {  	[tilespmem:$0x73B0] =	vst v0  }
0x49: {  	[tilespmem:$0x73C0] =	vst v0  }
0x4a: {  	[tilespmem:$0x73D0] =	vst v0  }
0x4b: {  	[tilespmem:$0x73E0] =	vst v0  }
0x4c: {  	[tilespmem:$0x73F0] =	vst v0  }
0x4d: {  	[tilespmem:$0x7400] =	vst v0  }
0x4e: {  	[tilespmem:$0x7410] =	vst v0  }
0x4f: {  	[tilespmem:$0x7420] =	vst v0  }
0x50: {  	[tilespmem:$0x7430] =	vst v0  }
0x51: {  	[tilespmem:$0x7440] =	vst v0  }
0x52: {  	[tilespmem:$0x7450] =	vst v0  }
0x53: {  	[tilespmem:$0x7460] =	vst v0  }
0x54: {  	[tilespmem:$0x7470] =	vst v0  }
0x55: {  	[tilespmem:$0x7480] =	vst v0  }
0x56: {  	[tilespmem:$0x7490] =	vst v0  }
0x57: {  	[tilespmem:$0x74A0] =	vst v0  }
0x58: {  	[tilespmem:$0x74B0] =	vst v0  }
0x59: {  	[tilespmem:$0x74C0] =	vst v0  }
0x5a: {  	[tilespmem:$0x74D0] =	vst v0  }
0x5b: {  	[tilespmem:$0x74E0] =	vst v0  }
0x5c: {  	[tilespmem:$0x74F0] =	vst v0  }
0x5d: {  	[tilespmem:$0x7500] =	vst v0  }
0x5e: {  	[tilespmem:$0x7510] =	vst v0  }
0x5f: {  	[tilespmem:$0x7520] =	vst v0  }
0x60: {  	[tilespmem:$0x7530] =	vst v0  }
0x61: {  	[tilespmem:$0x7540] =	vst v0  }
0x62: {  	[tilespmem:$0x7550] =	vst v0  }
0x63: {  	[tilespmem:$0x7560] =	vst v0  }
0x64: {  	[tilespmem:$0x7570] =	vst v0  }
0x65: {  	[tilespmem:$0x7580] =	vst v0  }
0x66: {  	[tilespmem:$0x7590] =	vst v0  }
0x67: {  	[tilespmem:$0x75A0] =	vst v0  }
0x68: {  	[tilespmem:$0x75B0] =	vst v0  }
0x69: {  	[tilespmem:$0x75C0] =	vst v0  }
0x6a: {  	[tilespmem:$0x75D0] =	vst v0  }
0x6b: {  	[tilespmem:$0x75E0] =	vst v0  }
0x6c: {  	[tilespmem:$0x75F0] =	vst v0  }
0x6d: {  	[tilespmem:$0x7600] =	vst v0  }
0x6e: {  	[tilespmem:$0x7610] =	vst v0  }
0x6f: {  	[tilespmem:$0x7620] =	vst v0  }
0x70: {  	[tilespmem:$0x7630] =	vst v0  }
0x71: {  	[tilespmem:$0x7640] =	vst v0  }
0x72: {  	[tilespmem:$0x7650] =	vst v0  }
0x73: {  	[tilespmem:$0x7660] =	vst v0  }
0x74: {  	[tilespmem:$0x7670] =	vst v0  }
0x75: {  	[tilespmem:$0x7680] =	vst v0  }
0x76: {  	[tilespmem:$0x7690] =	vst v0  }
0x77: {  	[tilespmem:$0x76A0] =	vst v0  }
0x78: {  	[tilespmem:$0x76B0] =	vst v0  }
0x79: {  	[tilespmem:$0x76C0] =	vst v0  }
0x7a: {  	[tilespmem:$0x76D0] =	vst v0  }
0x7b: {  	[tilespmem:$0x76E0] =	vst v0  }
0x7c: {  	[tilespmem:$0x76F0] =	vst v0  }
0x7d: {  	[tilespmem:$0x7700] =	vst v0  }
0x7e: {  	[tilespmem:$0x7710] =	vst v0  }
0x7f: {  	[tilespmem:$0x7720] =	vst v0  }
0x80: {  	[tilespmem:$0x7730] =	vst v0  }
0x81: {  	[tilespmem:$0x7740] =	vst v0  }
0x82: {  	[tilespmem:$0x7750] =	vst v0  }
0x83: {  	[tilespmem:$0x7760] =	vst v0  }
0x84: {  	[tilespmem:$0x7770] =	vst v0  }
0x85: {  	[tilespmem:$0x7780] =	vst v0  }
0x86: {  	[tilespmem:$0x7790] =	vst v0  }
0x87: {  	[tilespmem:$0x77A0] =	vst v0  }
0x88: {  	[tilespmem:$0x77B0] =	vst v0  }
0x89: {  	[tilespmem:$0x77C0] =	vst v0  }
0x8a: {  	[tilespmem:$0x77D0] =	vst v0  }
0x8b: {  	[tilespmem:$0x77E0] =	vst v0  }
0x8c: {  	[tilespmem:$0x77F0] =	vst v0  }
0x8d: {  	[tilespmem:$0x7800] =	vst v0  }
0x8e: {  	[tilespmem:$0x7810] =	vst v0  }
0x8f: {  	[tilespmem:$0x7820] =	vst v0  }
0x90: {  	[tilespmem:$0x7830] =	vst v0  }
0x91: {  	[tilespmem:$0x7840] =	vst v0  }
0x92: {  	[tilespmem:$0x7850] =	vst v0  }
0x93: {  	[tilespmem:$0x7860] =	vst v0  }
0x94: {  	[tilespmem:$0x7870] =	vst v0  }
0x95: {  	[tilespmem:$0x7880] =	vst v0  }
0x96: {  	[tilespmem:$0x7890] =	vst v0  }
0x97: {  	[tilespmem:$0x78A0] =	vst v0  }
0x98: {  	[tilespmem:$0x78B0] =	vst v0  }
0x99: {  	[tilespmem:$0x78C0] =	vst v0  }
0x9a: {  	[tilespmem:$0x78D0] =	vst v0  }
0x9b: {  	[tilespmem:$0x78E0] =	vst v0  }
0x9c: {  	[tilespmem:$0x78F0] =	vst v0  }
0x9d: {  	[spmem:s9] =	stream.linear.scatter [tilespmem:s16], [sflag:$0x4], $0x800, $0x38;
	[tilespmem:$0x8108] =	vst v63  }
0x9e: {  	_ =	swait.ge [sflag:s17], $0x800  }
0x9f: {  	[sflag:s17] =	ssyncset.done $0x0  }
0xa0: {  	s24 =	simm.s32 @!p0 $0x7100;
	[sflag:s17] =	ssyncadd.s32 $0xFFFFF800  }
0xa1: {  	[spmem:s10] =	stream.linear.scatter @!p0 [tilespmem:s24], [sflag:$0x4], $0x80, $0x38;
	[tilespmem:$0x8108] =	vst v63  }
0xa2: {  	s24 =	simm.s32 @!p0 $0x4  }
0xa3: {  	_ =	swait.ge @!p0 [sflag:s24], $0x80  }
0xa4: {  	[sflag:s24] =	ssyncset.done @!p0 $0x0  }
0xa5: {  	[sflag:s24] =	ssyncadd.s32 @!p0 $0xFFFFFF80  }
0xa6: {  	_ =	swait.ge [sflag:s18], $0x1800  }
0xa7: {  	[sflag:s18] =	ssyncset.done $0x0  }
0xa8: {  	[sflag:s18] =	ssyncadd.s32 $0xFFFFE800  }
0xa9: {  	_ =	swait.ge [sflag:s19], $0x80  }
0xaa: {  	[sflag:s19] =	ssyncset.done $0x0  }
0xab: {  	[sflag:s19] =	ssyncadd.s32 $0xFFFFFF80  }
0xac: {  	_ =	swait.ge [sflag:s19], $0x80  }
0xad: {  	[sflag:s19] =	ssyncset.done $0x0  }
0xae: {  	[sflag:s19] =	ssyncadd.s32 $0xFFFFFF80  }
0xaf: {  	_ =	swait.ge [sflag:s20], $0x1800  }
0xb0: {  	[sflag:s20] =	ssyncset.done $0x0  }
0xb1: {  	[sflag:s20] =	ssyncadd.s32 $0xFFFFE800  }
0xb2: {  	[bflag:$0x0] =	sbarrier.arrive $0xFFFF  }
0xb3: {  	[spmem:s1] =	stream.indirect.scatter.add.f32 [tilespmem:s13], [sflag:$0x4], $0x80, s14, s21, $0xb8;
	[tilespmem:$0x8108] =	vst v63  }
0xb4: {  	_ =	swait.ge [sflag:s17], $0x1800  }
0xb5: {  	[sflag:s17] =	ssyncset.done $0x0  }
0xb6: {  	s30 =	simm.s32 $0x0;
	[sflag:s17] =	ssyncadd.s32 $0xFFFFE800  }
0xb7: {  	v1 =	vld [tilespmem:s30+$0x3080];
	_ =	sdelay $0x4  }
0xb8: {  	(v2sf) =	vpush v1, $0x0;
	_ =	sdelay $0xe  }
0xb9: {  	s31 =	spop (v2sf)  }
0xba: {  	p4 =	slt.s32 s31, $0x1  }
0xbb: {  	s24 =	simm.s32 @!p4 $0x0;
	s25 =	simm.s32 @!p4 $0x3100;
	s26 =	simm.s32 @!p4 $0x5  }
0xbc: {  	[tilespmem:s25], [sflag:$0x5] =	stream.linear.gather @!p4 [hbm4b:s12+s24], $0x4000, $0x38;
	[tilespmem:$0x8108] =	vst v63  }
0xbd: {  	_ =	swait.ge @!p4 [sflag:s26], $0x4000  }
0xbe: {  	[sflag:s26] =	ssyncset.done @!p4 $0x0  }
0xbf: {  	s29 =	simm.s32 @!p4 $0x4;
	s24 =	simm.s32 @!p4 $0x80;
	[sflag:s26] =	ssyncadd.s32 @!p4 $0xFFFFC000  }
0xc0: {  	[spmem:s1] =	stream.indirect.scatter.add.f32 @!p4 [tilespmem:s25], [sflag:$0x4], $0x80, s2, s24, $0xb8;
	[tilespmem:$0x8108] =	vst v63  }
0xc1: {  	s28 =	simm.s32 $0x8;
	s26 =	simm.s32 $0x4;
	_ =	swait.ge @!p4 [sflag:s29], $0x4000  }
0xc2: {  	s25 =	sadd.s32 $0x800, s12;
	s24 =	simm.s32 $0x80;
	[sflag:s29] =	ssyncset.done @!p4 $0x0  }
.LBB2_2:
0xc3: {  	s30 =	sshra.s32 s26, $0x2  }
0xc4: {  	[sflag:s29] =	ssyncadd.s32 @!p4 $0xFFFFC000;
	s26 =	smov.u32 s28;
	s28 =	sadd.s32 $0x4, s28  }
0xc5: {  	p3 =	sne.s32 s28, $0xC0;
	v1 =	vld [tilespmem:s30+$0x3080];
	_ =	sdelay $0x4  }
0xc6: {  	(v2sf) =	vpush v1, $0x0;
	_ =	sdelay $0xe  }
0xc7: {  	s29 =	spop (v2sf)  }
0xc8: {  	p4 =	slt.s32 s29, $0x1  }
0xc9: {  	s29 =	simm.s32 @!p4 $0x0;
	s30 =	simm.s32 @!p4 $0x3100;
	s31 =	simm.s32 @!p4 $0x5  }
0xca: {  	[tilespmem:s30], [sflag:$0x5] =	stream.linear.gather @!p4 [hbm4b:s25+s29], $0x4000, $0x38;
	[tilespmem:$0x8108] =	vst v63  }
0xcb: {  	_ =	swait.ge @!p4 [sflag:s31], $0x4000  }
.Ltmp0:
0xcc: {  	[sflag:s31] =	ssyncset.done @!p4 $0x0;
	(pc) =	sbr.rel @p3 .LBB2_2-.Ltmp0, $4  }
0xcd: {  	s29 =	simm.s32 @!p4 $0x4;
	[sflag:s31] =	ssyncadd.s32 @!p4 $0xFFFFC000;
	s31 =	simm.s32 @!p4 $0x80  }
0xce: {  	[spmem:s1] =	stream.indirect.scatter.add.f32 @!p4 [tilespmem:s30], [sflag:$0x4], $0x80, s24, s31, $0xb8;
	[tilespmem:$0x8108] =	vst v63  }
0xcf: {  	_ =	swait.ge @!p4 [sflag:s29], $0x4000  }
0xd0: {  	s25 =	sadd.s32 $0x800, s25;
	s24 =	sadd.s32 $0x80, s24;
	[sflag:s29] =	ssyncset.done @!p4 $0x0  }
0xd1: {  	s26 =	sshra.s32 s26, $0x2;
	[sflag:s29] =	ssyncadd.s32 @!p4 $0xFFFFC000  }
0xd2: {  	v1 =	vld [tilespmem:s26+$0x3080];
	_ =	sdelay $0x4  }
0xd3: {  	(v2sf) =	vpush v1, $0x0;
	_ =	sdelay $0xe  }
0xd4: {  	s31 =	spop (v2sf)  }
0xd5: {  	p3 =	slt.s32 s31, $0x1  }
0xd6: {  	s26 =	simm.s32 @!p3 $0x0;
	s28 =	simm.s32 @!p3 $0x3100;
	s29 =	simm.s32 @!p3 $0x5  }
0xd7: {  	[tilespmem:s28], [sflag:$0x5] =	stream.linear.gather @!p3 [hbm4b:s25+s26], $0x4000, $0x38;
	[tilespmem:$0x8108] =	vst v63  }
0xd8: {  	_ =	swait.ge @!p3 [sflag:s29], $0x4000  }
0xd9: {  	[sflag:s29] =	ssyncset.done @!p3 $0x0  }
0xda: {  	s25 =	simm.s32 @!p3 $0x80;
	s26 =	simm.s32 @!p3 $0x4;
	[sflag:s29] =	ssyncadd.s32 @!p3 $0xFFFFC000  }
0xdb: {  	[spmem:s1] =	stream.indirect.scatter.add.f32 @!p3 [tilespmem:s28], [sflag:$0x4], $0x80, s24, s25, $0xb8;
	[tilespmem:$0x8108] =	vst v63  }
0xdc: {  	_ =	swait.ge @!p3 [sflag:s26], $0x4000  }
0xdd: {  	[sflag:s26] =	ssyncset.done @!p3 $0x0  }
0xde: {  	[sflag:s26] =	ssyncadd.s32 @!p3 $0xFFFFC000  }
0xdf: {  	s24 =	sshrl.u32 @!p2 s1, $0x3;
	[bflag:$0x0] =	sbarrier.arrive $0xFFFF  }
0xe0: {  	[hbm:s3], [sflag:s22] =	dma.local @!p2 [spmem:s24], $0x1000  }
0xe1: {  	s24 =	simm.s32 @!p2 $0x4  }
0xe2: {  	_ =	swait.ge @!p2 [sflag:s24], $0x1000  }
0xe3: {  	s23 =	sadd.s32 $0x1, s23;
	s25 =	simm.s32 @p1 $0x1C04;
	[sflag:s24] =	ssyncset.done @!p2 $0x0  }
0xe4: {  	p3 =	sne.s32 s23, s11;
	[sflag:s24] =	ssyncadd.s32 @!p2 $0xFFFFF000;
	s24 =	sshrl.u32 @p1 s1, $0x3  }
0xe5: {  	[hbm:s4], [sflag:s25] =	dma.local @p1 [spmem:s24], $0x1000  }
.Ltmp1:
0xe6: {  	_ = 	snop;
	(pc) =	sbr.rel @p3 .LBB2_1-.Ltmp1, $4  }
0xe7: {  	s24 =	simm.s32 @p1 $0x4  }
0xe8: {  	_ =	swait.ge @p1 [sflag:s24], $0x1000  }
0xe9: {  	[sflag:s24] =	ssyncset.done @p1 $0x0  }
0xea: {  	[sflag:s24] =	ssyncadd.s32 @p1 $0xFFFFF000  }
0xeb: {  	_ =	sfence.sel $0x180000  }
0xec: {  	[bflag:$0x0] =	sbarrier.arrive $0xFFFF  }
0xed: {  	_ =	strace $0x90000050  }
0xee: {  	s0 =	sadd.s32 @!p0 $0x100000, s0;
	[bflag:$0x2] =	sbarrier.arrive $0xFFFF  }
0xef: {  	[sflag:s0] =	ssyncadd.tile.s32 @!p0 $0x1;
	_ =	shalt  }
.Lfunc_end2:
_tile_overlayer_lowered:
.L_overlay_start_2:
0xf0: {  	(tag) =	ssettag $0x2  }
0xf1: {  	s0 =	rddreg [dreg:$0x0];
	s2 =	stileid.u32  }
0xf2: {  	s1 =	rddreg [dreg:$0x1];
	p0 =	sne.s32 s2, $0x0  }
0xf3: {  	s3 =	rddreg [dreg:$0x2];
	[bflag:$0x3] =	sbarrier.arrive $0xFFFF;
	s2 =	simm.s32 @!p0 $0x1C04  }
0xf4: {  	[timem:s3], [sflag:s2] =	dma.local @!p0 [hbm:s0], s1  }
0xf5: {  	s0 =	simm.s32 @!p0 $0x4  }
0xf6: {  	_ =	swait.ge @!p0 [sflag:s0], s1  }
0xf7: {  	s1 =	ssub.s32 @!p0 $0x0, s1;
	[sflag:s0] =	ssyncset.done @!p0 $0x0  }
0xf8: {  	[sflag:s0] =	ssyncadd.s32 @!p0 s1  }
0xf9: {  	[bflag:$0x3] =	sbarrier.arrive $0xFFFF  }
0xfa: {  	_ =	shalt  }

// kernel: kernel.7.cloned.1.call-start
scs
__scs_entry_jumppad:
0x0: {  	(pc) =	sbr.rel $0x88, $3  }
0x1: {  	(tag) =	ssettag $0x0;
	lr =	simm.s32 $0x1  }
0x2: {  	[smem:$0x3F97] =	sst lr;
	_ =	strace $0xD0000000  }
0x3: {  	_ = 	snop  }
0x4: {  	_ = 	snop  }
0x5: {  	_ = 	snop  }
0x6: {  	_ = 	snop  }
0x7: {  	_ = 	snop  }
__scs_overlays_trampoline_lowered:
0x8: {  	[smem:$0x3FA6] =	sst s0  }
0x9: {  	[smem:$0x3FA7] =	sst s1  }
0xa: {  	[smem:$0x3FA8] =	sst s2  }
0xb: {  	[smem:$0x3FA9] =	sst s3  }
0xc: {  	[smem:$0x3FAA] =	sst s4  }
0xd: {  	[smem:$0x3FAB] =	sst s5  }
0xe: {  	[smem:$0x3FAC] =	sst s6  }
0xf: {  	[smem:$0x3FAD] =	sst s7  }
0x10: {  	[smem:$0x3FAE] =	sst s8  }
0x11: {  	[smem:$0x3FAF] =	sst s9;
	s0 =	simm.s32 @!p0 $0x0  }
0x12: {  	s1 =	sld [smem:$0x3F95];
	s0 =	simm.s32 @p0 $0x1  }
0x13: {  	[smem:$0x3FB0] =	sst s0;
	s0 =	simm.s32 @!p1 $0x0  }
0x14: {  	s2 =	sld [smem:$0x3F94];
	s0 =	simm.s32 @p1 $0x1  }
0x15: {  	[smem:$0x3FB1] =	sst s0;
	s0 =	simm.s32 @!p2 $0x0  }
0x16: {  	s3 =	sld [smem:$0x3FDB];
	s0 =	simm.s32 @p2 $0x1  }
0x17: {  	s4 =	simm.s32 $0x1BF5;
	[smem:$0x3FB3] =	sst s0  }
0x18: {  	s0 =	sld [smem:$0x3F96];
	_ =	swait.ge [sflag:s4], $0x0  }
0x19: {  	s7 =	sld [smem:$0x3F97]  }
0x1a: {  	s8 =	sadd.s32 $0xFFFFE003, lr  }
0x1b: {  	s9 =	sadd.s32 $0xFFFFFEF7, lr;
	s5 =	simm.s32 $0xFFFFFFFF;
	p2 =	slt.u32 s8, $0xFFFFF086  }
0x1c: {  	p1 =	slt.u32 s9, $0xF7A;
	s5 =	simm.s32 @!p2 $0x0  }
0x1d: {  	s5 =	simm.s32 @p1 $0x1;
	p0 =	seq.s32 s7, s2  }
0x1e: {  	s7 =	smul.u32 @!p0 $0xF7A, s2;
	p2 =	seq.s32 @!p0 s5, $0x0  }
0x1f: {  	s9 =	smul.u32 $0xF7A, s1;
	s8 =	simm.s32 @!p0 $0x1BF5;
	p2 =	por !p2, p0  }
0x20: {  	[sflag:s8] =	ssyncset.s32 @!p0 $0xFFFFF086;
	s6 =	sadd.s32 @!p0 s3, s7;
	s7 =	simm.s32 @!p0 $0x108  }
0x21: {  	s3 =	sadd.s32 s3, s9;
	s6 =	sadd.s32 @!p0 $0x88, s6;
	s7 =	simm.s32 @p2 $0x1082  }
0x22: {  	[simem:s7], [sflag:s8] =	dma.local @!p0 [hbm:s6], $0xF7A  }
0x23: {  	s9 =	sor.u32 $0xD0000000, s2;
	s6 =	simm.s32 $0x108;
	_ =	swait.ge @!p0 [sflag:s8], $0x0  }
0x24: {  	s3 =	sadd.s32 $0x88, s3;
	s6 =	simm.s32 @!p1 $0x1082;
	[sflag:s4] =	ssyncset.s32 $0xFFFFF086  }
0x25: {  	[simem:s6], [sflag:s4] =	dma.local [hbm:s3], $0xF7A  }
0x26: {  	[smem:$0x3F97] =	sst s1;
	(tag) =	ssettag s2;
	_ =	strace s9  }
0x27: {  	s1 =	sld [smem:$0x3FA7]  }
0x28: {  	s2 =	sld [smem:$0x3FA8]  }
0x29: {  	s4 =	sld [smem:$0x3FAA]  }
0x2a: {  	p0 =	seq.s32 s5, $0x0;
	s5 =	sld [smem:$0x3FAB]  }
0x2b: {  	s6 =	sld [smem:$0x3FAC]  }
0x2c: {  	s7 =	sld [smem:$0x3FAD]  }
0x2d: {  	s3 =	simm.s32 $0x108;
	s8 =	sld [smem:$0x3FAE]  }
0x2e: {  	s3 =	simm.s32 @!p0 $0x1082;
	s9 =	sld [smem:$0x3FAF]  }
0x2f: {  	lr =	sadd.s32 s0, s3;
	s0 =	sld [smem:$0x3FA6]  }
0x30: {  	s3 =	sld [smem:$0x3FA9]  }
0x31: {  	[smem:$0x3FB2] =	sst s10  }
0x32: {  	s10 =	sld [smem:$0x3FB0];
	_ =	sdelay $0x3  }
0x33: {  	p0 =	seq.s32 s10, $0x1;
	s10 =	sld [smem:$0x3FB2];
	_ =	sdelay $0x3  }
0x34: {  	[smem:$0x3FB2] =	sst s10  }
0x35: {  	s10 =	sld [smem:$0x3FB1];
	_ =	sdelay $0x3  }
0x36: {  	p1 =	seq.s32 s10, $0x1;
	s10 =	sld [smem:$0x3FB2];
	_ =	sdelay $0x3  }
0x37: {  	[smem:$0x3FB2] =	sst s10  }
0x38: {  	s10 =	sld [smem:$0x3FB3]  }
0x39: {  	_ = 	snop;
	(pc) =	sbr.ind lr, $3  }
0x3a: {  	_ = 	snop  }
0x3b: {  	_ = 	snop  }
0x3c: {  	p2 =	seq.s32 s10, $0x1;
	s10 =	sld [smem:$0x3FB2]  }
0x3d: {  	_ =	shalt  }
0x3e: {  	_ =	shalt  }
0x3f: {  	_ =	shalt  }
0x40: {  	_ =	shalt  }
0x41: {  	_ =	shalt  }
0x42: {  	_ =	shalt  }
0x43: {  	_ =	shalt  }
0x44: {  	_ =	shalt  }
0x45: {  	_ =	shalt  }
0x46: {  	_ =	shalt  }
0x47: {  	_ =	shalt  }
0x48: {  	_ =	shalt  }
0x49: {  	_ =	shalt  }
0x4a: {  	_ =	shalt  }
0x4b: {  	_ =	shalt  }
0x4c: {  	_ =	shalt  }
0x4d: {  	_ =	shalt  }
0x4e: {  	_ =	shalt  }
0x4f: {  	_ =	shalt  }
0x50: {  	_ =	shalt  }
0x51: {  	_ =	shalt  }
0x52: {  	_ =	shalt  }
0x53: {  	_ =	shalt  }
0x54: {  	_ =	shalt  }
0x55: {  	_ =	shalt  }
0x56: {  	_ =	shalt  }
0x57: {  	_ =	shalt  }
0x58: {  	_ =	shalt  }
0x59: {  	_ =	shalt  }
0x5a: {  	_ =	shalt  }
0x5b: {  	_ =	shalt  }
0x5c: {  	_ =	shalt  }
0x5d: {  	_ =	shalt  }
0x5e: {  	_ =	shalt  }
0x5f: {  	_ =	shalt  }
0x60: {  	_ =	shalt  }
0x61: {  	_ =	shalt  }
0x62: {  	_ =	shalt  }
0x63: {  	_ =	shalt  }
0x64: {  	_ =	shalt  }
0x65: {  	_ =	shalt  }
0x66: {  	_ =	shalt  }
0x67: {  	_ =	shalt  }
0x68: {  	_ =	shalt  }
0x69: {  	_ =	shalt  }
0x6a: {  	_ =	shalt  }
0x6b: {  	_ =	shalt  }
0x6c: {  	_ =	shalt  }
0x6d: {  	_ =	shalt  }
0x6e: {  	_ =	shalt  }
0x6f: {  	_ =	shalt  }
0x70: {  	_ =	shalt  }
0x71: {  	_ =	shalt  }
0x72: {  	_ =	shalt  }
0x73: {  	_ =	shalt  }
0x74: {  	_ =	shalt  }
0x75: {  	_ =	shalt  }
0x76: {  	_ =	shalt  }
0x77: {  	_ =	shalt  }
0x78: {  	_ =	shalt  }
0x79: {  	_ =	shalt  }
0x7a: {  	_ =	shalt  }
0x7b: {  	_ =	shalt  }
0x7c: {  	_ =	shalt  }
0x7d: {  	_ =	shalt  }
0x7e: {  	_ =	shalt  }
0x7f: {  	_ =	shalt  }
0x80: {  	_ =	shalt  }
0x81: {  	_ =	shalt  }
0x82: {  	_ =	shalt  }
0x83: {  	_ =	shalt  }
0x84: {  	_ =	shalt  }
0x85: {  	_ =	shalt  }
0x86: {  	_ =	shalt  }
0x87: {  	_ =	shalt  }
.Lfunc_end0:
.L_simem_size_0:
called_computation.3_lowered:
.L_overlay_start_0:
0x88: {  	s2 =	sld [smem:$0x3FD9]  }
0x89: {  	s3 =	sld [smem:$0x3FFE];
	_ =	sdelay $0x1  }
0x8a: {  	s1 =	srdreg.scid  }
0x8b: {  	s0 =	sand.u32 $0x1, s1  }
0x8c: {  	s17 =	sshll.u32 s0, $0xA;
	s2 =	sadd.s32 s3, s2  }
0x8d: {  	s2 =	sadd.s32 s2, s17  }
0x8e: {  	[smem:$0x3FBE] =	sst s2  }
0x8f: {  	_ = 	snop  }
0x90: {  	s18 =	sld [smem:$0x3FD0];
	(tm) =	ssettm $0x1  }
0x91: {  	s19 =	sld [smem:$0x3FFB];
	_ =	sdelay $0x3  }
0x92: {  	_ =	strace s19  }
0x93: {  	s2 =	sld [smem:$0x3FFC];
	_ =	sdelay $0x3  }
0x94: {  	_ =	strace s2  }
0x95: {  	s2 =	sld [smem:$0x3FFD];
	_ =	sdelay $0x3  }
0x96: {  	_ =	strace s2  }
0x97: {  	_ =	strace $0x8FFFFFFF  }
0x98: {  	s20 =	sld [smem:$0x3FDB];
	_ =	sdelay $0x1  }
0x99: {  	s4 =	simm.s32 $_scs_section_size  }
0x9a: {  	s5 =	simm.s32 $_size__tile_overlayer_lowered;
	s6 =	simm.s32 $_tile_overlayer_lowered  }
0x9b: {  	s7 =	simm.s32 $0x1BFF;
	s21 =	sshll.u32 s6, $0x1;
	s4 =	sadd.s32 s4, s20  }
0x9c: {  	s22 =	simm.s32 $0x0;
	s5 =	sshll.u32 s5, $0x1;
	s6 =	sadd.s32 s21, s4  }
0x9d: {  	[timem:s22], [sflag:s7] =	dma.local [hbm:s6], s5  }
0x9e: {  	_ =	swait.ge [sflag:s7], s5  }
0x9f: {  	s5 =	ssub.s32 $0x0, s5;
	[sflag:s7] =	ssyncset.done $0x0  }
0xa0: {  	[sflag:s7] =	ssyncadd.s32 s5;
	_ =	sdelay $0x1  }
0xa1: {  	s23 =	simm.s32 $0x1B8B  }
0xa2: {  	_ =	swait.ge [sflag:s23], $0x1  }
0xa3: {  	[sflag:s23] =	ssyncset.done $0x0  }
0xa4: {  	[sflag:s23] =	ssyncadd.s32 $0xFFFFFFFF  }
0xa5: {  	s5 =	sld [smem:$0x0]  }
0xa6: {  	s6 =	sand.u32 $0xFFFFFFFE, s1  }
0xa7: {  	p0 =	sne.s32 s1, s6  }
0xa8: {  	s6 =	sshll.u32 @p0 s6, $0xE  }
0xa9: {  	s6 =	sadd.s32 @p0 $0x11B8D, s6;
	s7 =	sshll.u32 @p0 s5, $0x11  }
0xaa: {  	s6 =	sor.u32 @p0 s7, s6  }
0xab: {  	[sflag:s6] =	ssyncadd.remote.s32 @p0 $0x1;
	_ =	sdelay $0x1  }
0xac: {  	s6 =	simm.s32 @p0 $0x1B8D  }
0xad: {  	_ =	swait.eq @p0 [sflag:s6], $0x1  }
0xae: {  	[sflag:s6] =	ssyncadd.s32 @p0 $0xFFFFFFFF  }
0xaf: {  	s7 =	sshll.u32 @!p0 s1, $0xE  }
0xb0: {  	s7 =	sor.u32 @!p0 $0x4000, s7;
	s6 =	simm.s32 @!p0 $0x1B8D  }
0xb1: {  	s5 =	sshll.u32 @!p0 s5, $0x11;
	s7 =	sadd.s32 @!p0 $0x11B8D, s7;
	_ =	swait.eq @!p0 [sflag:s6], $0x1  }
0xb2: {  	s5 =	sor.u32 @!p0 s5, s7;
	[sflag:s6] =	ssyncadd.s32 @!p0 $0xFFFFFFFF  }
0xb3: {  	s25 =	simm.s32 $0x1B8E;
	s24 =	sld [smem:$0x3FFE];
	[sflag:s5] =	ssyncadd.remote.s32 @!p0 $0x1  }
0xb4: {  	s26 =	simm.s32 $execute0_lowered;
	[smem:$0x3FD2] =	sst s25  }
0xb5: {  	s6 =	sshll.u32 s26, $0x1;
	_ =	strace $0x80000052;
	[dreg:$0x1] =	wrdreg $0xFFFFFFFF  }
0xb6: {  	s28 =	simm.s32 $_size_execute0_lowered;
	s4 =	sadd.s32 s4, s6;
	[dreg:$0x0] =	wrdreg $0x0  }
0xb7: {  	s6 =	sshll.u32 s28, $0x1;
	[dreg:$0x2] =	wrdreg s4  }
0xb8: {  	[dreg:$0x3] =	wrdreg s6  }
0xb9: {  	[dreg:$0x4] =	wrdreg $0xC0  }
0xba: {  	_ =	task [dreg:s22], $0x5FFFF  }
0xbb: {  	[dreg:$0x1] =	wrdreg $0xFFFFFFFF  }
0xbc: {  	[dreg:$0x0] =	wrdreg $0x60  }
0xbd: {  	[dreg:$0x2] =	wrdreg s24  }
0xbe: {  	[dreg:$0x3] =	wrdreg s18  }
0xbf: {  	[dreg:$0x4] =	wrdreg $0x79000  }
0xc0: {  	[dreg:$0x5] =	wrdreg $0x9  }
0xc1: {  	_ =	task.clear_ibuf [dreg:s22], $0x6FFFF;
	_ =	strace $0x90000052  }
0xc2: {  	s29 =	simm.s32 $0x9;
	_ =	strace $0x80000054  }
0xc3: {  	_ =	swait.ge [sflag:s29], $0x1  }
0xc4: {  	[sflag:s29] =	ssyncadd.s32 $0xFFFFFFFF  }
0xc5: {  	_ =	strace $0x90000054  }
0xc6: {  	_ =	sfence  }
0xc7: {  	s30 =	sld [smem:$0x0];
	_ =	sdelay $0x2  }
0xc8: {  	s31 =	sshll.u32 s1, $0xD;
	s1 =	sshrl.u32 s1, $0x2  }
0xc9: {  	s4 =	sand.u32 $0x4000, s31;
	s1 =	sadd.s32 s1, s30  }
0xca: {  	s0 =	sor.u32 s4, s0;
	s1 =	sshll.u32 s1, $0x11  }
0xcb: {  	s0 =	sor.u32 s1, s0  }
0xcc: {  	s0 =	sadd.s32 $0x8F2B, s0  }
0xcd: {  	[sflag:s0] =	ssyncadd.remote.s32 $0x1  }
0xce: {  	_ =	sfence.sel $0xFFFF  }
0xcf: {  	[dreg:$0x0] =	wrdreg $0xFFFFFFFF;
	(pc) =	sbr.abs _section_cstart, $3  }
0xd0: {  	[dreg:$0x1] =	wrdreg $0xFFFFFFFF  }
0xd1: {  	_ =	task.clear_ibuf [dreg:s22], $0x2FFFF;
	_ =	strace $0x9FFFFFFF  }
0xd2: {  	(tm) =	ssettm $0x7FFFFFFF  }
0xd3: {  	_ =	shalt  }
tec
execute0_lowered:
.L_overlay_start_1:
0x0: {  	(tag) =	ssettag $0x1  }
0x1: {  	s4 =	rddreg [dreg:$0x0]  }
0x2: {  	s0 =	srdreg.scid;
	s7 =	rddreg [dreg:$0x1]  }
0x3: {  	s21 =	stileid.u32;
	s1 =	rddreg [dreg:$0x2];
	s14 =	simm.s32 $0x3000  }
0x4: {  	s15 =	simm.s32 $0x3080;
	s16 =	simm.s32 $0x7100;
	s17 =	simm.s32 $0x4  }
0x5: {  	s18 =	simm.s32 $0x1;
	s20 =	simm.s32 $0x2;
	s23 =	simm.s32 $0x0  }
0x6: {  	s11 =	sand.u32 $0x1, s0;
	s3 =	smul.u32 $0x4E2, s21;
	s0 =	rddreg [dreg:$0x3]  }
0x7: {  	s29 =	sshll.u32 s21, $0x4;
	s31 =	sshll.u32 s21, $0xB;
	p0 =	seq.s32 s21, $0x0  }
0x8: {  	s2 =	smul.u32 $0x4E20, s11;
	s5 =	sshll.u32 s11, $0x4;
	s30 =	ssub.s32 $0x2, s11  }
0x9: {  	p1 =	seq.s32 s11, $0x1;
	s19 =	sor.u32 s11, s21;
	s5 =	sor.u32 s21, s5  }
0xa: {  	s13 =	sshrl.u32 s30, $0x1;
	p0 =	por !p0, !p1;
	p2 =	sne.s32 s19, $0x0  }
0xb: {  	s19 =	simm.s32 $0x3;
	s3 =	sadd.s32 s3, s2;
	s6 =	smul.u32 $0x300, s5  }
0xc: {  	s2 =	simm.s32 $0x0;
	s8 =	smul.u32 $0x4E2, s5;
	s5 =	sshll.u32 s5, $0x4  }
0xd: {  	s13 =	ssub.s32 s30, s13;
	p1 =	por !p0, !p0;
	p0 =	sne.s32 s21, $0x0  }
0xe: {  	s22 =	sshll.u32 @!p2 s21, $0x6;
	s21 =	simm.s32 $0x30;
	s3 =	sshll.u32 s3, $0x6  }
0xf: {  	[smem:$0x7FF] =	sst s2;
	s5 =	sand.u32 $0x180, s5;
	s11 =	smax.u32 s13, $0x1  }
0x10: {  	s13 =	simm.s32 $0x1800;
	s22 =	sor.u32 @!p2 $0x1C04, s22;
	s3 =	sand.u32 $0x3FC000, s3  }
0x11: {  	_ =	strace $0x80000053;
	s6 =	sadd.s32 s6, s4;
	s28 =	sshrl.u32 s8, $0x1  }
0x12: {  	s8 =	sand.u32 $0x70, s29;
	s12 =	sadd.s32 s3, s4;
	s3 =	sand.u32 $0x7F80, s28  }
0x13: {  	s8 =	sor.u32 s8, s5;
	s5 =	sadd.s32 $0x27A400, s6;
	s9 =	sadd.s32 s3, s4  }
0x14: {  	s10 =	sadd.s32 s8, s4;
	s3 =	sadd.s32 $0x280400, s4;
	s4 =	sadd.s32 $0x281400, s4  }
0x15: {  	s7 =	sadd.s32 s7, s8;
	s12 =	sadd.s32 $0x28EA00, s12;
	s6 =	sadd.s32 $0x4FFA00, s9  }
0x16: {  	v0 =	vimm.f32 $0.0e+00;
	s8 =	sadd.s32 $0x286600, s10;
	s9 =	sadd.s32 s31, s1;
	s10 =	sadd.s32 $0x8000, s1  }
.LBB2_1:
0x17: {  	[tilespmem:s2], [sflag:$0x1] =	stream.linear.gather [hbm4b:s5+s2], $0x1800, $0x38;
	[tilespmem:$0x8108] =	vst v63  }
0x18: {  	_ = 	snop  }
0x19: {  	[tilespmem:s13], [sflag:$0x2] =	stream.linear.gather [hbm4b:s6+s2], $0x1800, $0x38;
	[tilespmem:$0x8108] =	vst v63  }
0x1a: {  	_ = 	snop  }
0x1b: {  	[tilespmem:s14], [sflag:$0x3] =	stream.linear.gather [hbm4b:s7+s2], $0x80, $0x38;
	[tilespmem:$0x8108] =	vst v63  }
0x1c: {  	_ = 	snop  }
0x1d: {  	[tilespmem:s15], [sflag:$0x3] =	stream.linear.gather [hbm4b:s8+s2], $0x80, $0x38;
	[tilespmem:$0x8108] =	vst v63  }
0x1e: {  	[tilespmem:$0x7100] =	vst v0  }
0x1f: {  	[tilespmem:$0x7110] =	vst v0  }
0x20: {  	[tilespmem:$0x7120] =	vst v0  }
0x21: {  	[tilespmem:$0x7130] =	vst v0  }
0x22: {  	[tilespmem:$0x7140] =	vst v0  }
0x23: {  	[tilespmem:$0x7150] =	vst v0  }
0x24: {  	[tilespmem:$0x7160] =	vst v0  }
0x25: {  	[tilespmem:$0x7170] =	vst v0  }
0x26: {  	[tilespmem:$0x7180] =	vst v0  }
0x27: {  	[tilespmem:$0x7190] =	vst v0  }
0x28: {  	[tilespmem:$0x71A0] =	vst v0  }
0x29: {  	[tilespmem:$0x71B0] =	vst v0  }
0x2a: {  	[tilespmem:$0x71C0] =	vst v0  }
0x2b: {  	[tilespmem:$0x71D0] =	vst v0  }
0x2c: {  	[tilespmem:$0x71E0] =	vst v0  }
0x2d: {  	[tilespmem:$0x71F0] =	vst v0  }
0x2e: {  	[tilespmem:$0x7200] =	vst v0  }
0x2f: {  	[tilespmem:$0x7210] =	vst v0  }
0x30: {  	[tilespmem:$0x7220] =	vst v0  }
0x31: {  	[tilespmem:$0x7230] =	vst v0  }
0x32: {  	[tilespmem:$0x7240] =	vst v0  }
0x33: {  	[tilespmem:$0x7250] =	vst v0  }
0x34: {  	[tilespmem:$0x7260] =	vst v0  }
0x35: {  	[tilespmem:$0x7270] =	vst v0  }
0x36: {  	[tilespmem:$0x7280] =	vst v0  }
0x37: {  	[tilespmem:$0x7290] =	vst v0  }
0x38: {  	[tilespmem:$0x72A0] =	vst v0  }
0x39: {  	[tilespmem:$0x72B0] =	vst v0  }
0x3a: {  	[tilespmem:$0x72C0] =	vst v0  }
0x3b: {  	[tilespmem:$0x72D0] =	vst v0  }
0x3c: {  	[tilespmem:$0x72E0] =	vst v0  }
0x3d: {  	[tilespmem:$0x72F0] =	vst v0  }
0x3e: {  	[tilespmem:$0x7300] =	vst v0  }
0x3f: {  	[tilespmem:$0x7310] =	vst v0  }
0x40: {  	[tilespmem:$0x7320] =	vst v0  }
0x41: {  	[tilespmem:$0x7330] =	vst v0  }
0x42: {  	[tilespmem:$0x7340] =	vst v0  }
0x43: {  	[tilespmem:$0x7350] =	vst v0  }
0x44: {  	[tilespmem:$0x7360] =	vst v0  }
0x45: {  	[tilespmem:$0x7370] =	vst v0  }
0x46: {  	[tilespmem:$0x7380] =	vst v0  }
0x47: {  	[tilespmem:$0x7390] =	vst v0  }
0x48: {  	[tilespmem:$0x73A0] =	vst v0  }
0x49: {  	[tilespmem:$0x73B0] =	vst v0  }
0x4a: {  	[tilespmem:$0x73C0] =	vst v0  }
0x4b: {  	[tilespmem:$0x73D0] =	vst v0  }
0x4c: {  	[tilespmem:$0x73E0] =	vst v0  }
0x4d: {  	[tilespmem:$0x73F0] =	vst v0  }
0x4e: {  	[tilespmem:$0x7400] =	vst v0  }
0x4f: {  	[tilespmem:$0x7410] =	vst v0  }
0x50: {  	[tilespmem:$0x7420] =	vst v0  }
0x51: {  	[tilespmem:$0x7430] =	vst v0  }
0x52: {  	[tilespmem:$0x7440] =	vst v0  }
0x53: {  	[tilespmem:$0x7450] =	vst v0  }
0x54: {  	[tilespmem:$0x7460] =	vst v0  }
0x55: {  	[tilespmem:$0x7470] =	vst v0  }
0x56: {  	[tilespmem:$0x7480] =	vst v0  }
0x57: {  	[tilespmem:$0x7490] =	vst v0  }
0x58: {  	[tilespmem:$0x74A0] =	vst v0  }
0x59: {  	[tilespmem:$0x74B0] =	vst v0  }
0x5a: {  	[tilespmem:$0x74C0] =	vst v0  }
0x5b: {  	[tilespmem:$0x74D0] =	vst v0  }
0x5c: {  	[tilespmem:$0x74E0] =	vst v0  }
0x5d: {  	[tilespmem:$0x74F0] =	vst v0  }
0x5e: {  	[tilespmem:$0x7500] =	vst v0  }
0x5f: {  	[tilespmem:$0x7510] =	vst v0  }
0x60: {  	[tilespmem:$0x7520] =	vst v0  }
0x61: {  	[tilespmem:$0x7530] =	vst v0  }
0x62: {  	[tilespmem:$0x7540] =	vst v0  }
0x63: {  	[tilespmem:$0x7550] =	vst v0  }
0x64: {  	[tilespmem:$0x7560] =	vst v0  }
0x65: {  	[tilespmem:$0x7570] =	vst v0  }
0x66: {  	[tilespmem:$0x7580] =	vst v0  }
0x67: {  	[tilespmem:$0x7590] =	vst v0  }
0x68: {  	[tilespmem:$0x75A0] =	vst v0  }
0x69: {  	[tilespmem:$0x75B0] =	vst v0  }
0x6a: {  	[tilespmem:$0x75C0] =	vst v0  }
0x6b: {  	[tilespmem:$0x75D0] =	vst v0  }
0x6c: {  	[tilespmem:$0x75E0] =	vst v0  }
0x6d: {  	[tilespmem:$0x75F0] =	vst v0  }
0x6e: {  	[tilespmem:$0x7600] =	vst v0  }
0x6f: {  	[tilespmem:$0x7610] =	vst v0  }
0x70: {  	[tilespmem:$0x7620] =	vst v0  }
0x71: {  	[tilespmem:$0x7630] =	vst v0  }
0x72: {  	[tilespmem:$0x7640] =	vst v0  }
0x73: {  	[tilespmem:$0x7650] =	vst v0  }
0x74: {  	[tilespmem:$0x7660] =	vst v0  }
0x75: {  	[tilespmem:$0x7670] =	vst v0  }
0x76: {  	[tilespmem:$0x7680] =	vst v0  }
0x77: {  	[tilespmem:$0x7690] =	vst v0  }
0x78: {  	[tilespmem:$0x76A0] =	vst v0  }
0x79: {  	[tilespmem:$0x76B0] =	vst v0  }
0x7a: {  	[tilespmem:$0x76C0] =	vst v0  }
0x7b: {  	[tilespmem:$0x76D0] =	vst v0  }
0x7c: {  	[tilespmem:$0x76E0] =	vst v0  }
0x7d: {  	[tilespmem:$0x76F0] =	vst v0  }
0x7e: {  	[tilespmem:$0x7700] =	vst v0  }
0x7f: {  	[tilespmem:$0x7710] =	vst v0  }
0x80: {  	[tilespmem:$0x7720] =	vst v0  }
0x81: {  	[tilespmem:$0x7730] =	vst v0  }
0x82: {  	[tilespmem:$0x7740] =	vst v0  }
0x83: {  	[tilespmem:$0x7750] =	vst v0  }
0x84: {  	[tilespmem:$0x7760] =	vst v0  }
0x85: {  	[tilespmem:$0x7770] =	vst v0  }
0x86: {  	[tilespmem:$0x7780] =	vst v0  }
0x87: {  	[tilespmem:$0x7790] =	vst v0  }
0x88: {  	[tilespmem:$0x77A0] =	vst v0  }
0x89: {  	[tilespmem:$0x77B0] =	vst v0  }
0x8a: {  	[tilespmem:$0x77C0] =	vst v0  }
0x8b: {  	[tilespmem:$0x77D0] =	vst v0  }
0x8c: {  	[tilespmem:$0x77E0] =	vst v0  }
0x8d: {  	[tilespmem:$0x77F0] =	vst v0  }
0x8e: {  	[tilespmem:$0x7800] =	vst v0  }
0x8f: {  	[tilespmem:$0x7810] =	vst v0  }
0x90: {  	[tilespmem:$0x7820] =	vst v0  }
0x91: {  	[tilespmem:$0x7830] =	vst v0  }
0x92: {  	[tilespmem:$0x7840] =	vst v0  }
0x93: {  	[tilespmem:$0x7850] =	vst v0  }
0x94: {  	[tilespmem:$0x7860] =	vst v0  }
0x95: {  	[tilespmem:$0x7870] =	vst v0  }
0x96: {  	[tilespmem:$0x7880] =	vst v0  }
0x97: {  	[tilespmem:$0x7890] =	vst v0  }
0x98: {  	[tilespmem:$0x78A0] =	vst v0  }
0x99: {  	[tilespmem:$0x78B0] =	vst v0  }
0x9a: {  	[tilespmem:$0x78C0] =	vst v0  }
0x9b: {  	[tilespmem:$0x78D0] =	vst v0  }
0x9c: {  	[tilespmem:$0x78E0] =	vst v0  }
0x9d: {  	[tilespmem:$0x78F0] =	vst v0  }
0x9e: {  	[spmem:s9] =	stream.linear.scatter [tilespmem:s16], [sflag:$0x4], $0x800, $0x38;
	[tilespmem:$0x8108] =	vst v63  }
0x9f: {  	_ =	swait.ge [sflag:s17], $0x800  }
0xa0: {  	[sflag:s17] =	ssyncset.done $0x0  }
0xa1: {  	s24 =	simm.s32 @!p0 $0x7100;
	[sflag:s17] =	ssyncadd.s32 $0xFFFFF800  }
0xa2: {  	[spmem:s10] =	stream.linear.scatter @!p0 [tilespmem:s24], [sflag:$0x4], $0x80, $0x38;
	[tilespmem:$0x8108] =	vst v63  }
0xa3: {  	s24 =	simm.s32 @!p0 $0x4  }
0xa4: {  	_ =	swait.ge @!p0 [sflag:s24], $0x80  }
0xa5: {  	[sflag:s24] =	ssyncset.done @!p0 $0x0  }
0xa6: {  	[sflag:s24] =	ssyncadd.s32 @!p0 $0xFFFFFF80  }
0xa7: {  	_ =	swait.ge [sflag:s18], $0x1800  }
0xa8: {  	[sflag:s18] =	ssyncset.done $0x0  }
0xa9: {  	[sflag:s18] =	ssyncadd.s32 $0xFFFFE800  }
0xaa: {  	_ =	swait.ge [sflag:s19], $0x80  }
0xab: {  	[sflag:s19] =	ssyncset.done $0x0  }
0xac: {  	[sflag:s19] =	ssyncadd.s32 $0xFFFFFF80  }
0xad: {  	_ =	swait.ge [sflag:s19], $0x80  }
0xae: {  	[sflag:s19] =	ssyncset.done $0x0  }
0xaf: {  	[sflag:s19] =	ssyncadd.s32 $0xFFFFFF80  }
0xb0: {  	_ =	swait.ge [sflag:s20], $0x1800  }
0xb1: {  	[sflag:s20] =	ssyncset.done $0x0  }
0xb2: {  	[sflag:s20] =	ssyncadd.s32 $0xFFFFE800  }
0xb3: {  	[bflag:$0x0] =	sbarrier.arrive $0xFFFF  }
0xb4: {  	[spmem:s1] =	stream.indirect.scatter.add.f32 [tilespmem:s13], [sflag:$0x4], $0x80, s14, s21, $0xb8;
	[tilespmem:$0x8108] =	vst v63  }
0xb5: {  	_ =	swait.ge [sflag:s17], $0x1800  }
0xb6: {  	[sflag:s17] =	ssyncset.done $0x0  }
0xb7: {  	s30 =	simm.s32 $0x0;
	[sflag:s17] =	ssyncadd.s32 $0xFFFFE800  }
0xb8: {  	v1 =	vld [tilespmem:s30+$0x3080];
	_ =	sdelay $0x4  }
0xb9: {  	(v2sf) =	vpush v1, $0x0;
	_ =	sdelay $0xe  }
0xba: {  	s31 =	spop (v2sf)  }
0xbb: {  	p4 =	slt.s32 s31, $0x1  }
0xbc: {  	s24 =	simm.s32 @!p4 $0x0;
	s25 =	simm.s32 @!p4 $0x3100;
	s26 =	simm.s32 @!p4 $0x5  }
0xbd: {  	[tilespmem:s25], [sflag:$0x5] =	stream.linear.gather @!p4 [hbm4b:s12+s24], $0x4000, $0x38;
	[tilespmem:$0x8108] =	vst v63  }
0xbe: {  	_ =	swait.ge @!p4 [sflag:s26], $0x4000  }
0xbf: {  	[sflag:s26] =	ssyncset.done @!p4 $0x0  }
0xc0: {  	s29 =	simm.s32 @!p4 $0x4;
	s24 =	simm.s32 @!p4 $0x80;
	[sflag:s26] =	ssyncadd.s32 @!p4 $0xFFFFC000  }
0xc1: {  	[spmem:s1] =	stream.indirect.scatter.add.f32 @!p4 [tilespmem:s25], [sflag:$0x4], $0x80, s2, s24, $0xb8;
	[tilespmem:$0x8108] =	vst v63  }
0xc2: {  	s28 =	simm.s32 $0x8;
	s26 =	simm.s32 $0x4;
	_ =	swait.ge @!p4 [sflag:s29], $0x4000  }
0xc3: {  	s25 =	sadd.s32 $0x800, s12;
	s24 =	simm.s32 $0x80;
	[sflag:s29] =	ssyncset.done @!p4 $0x0  }
.LBB2_2:
0xc4: {  	s30 =	sshra.s32 s26, $0x2  }
0xc5: {  	[sflag:s29] =	ssyncadd.s32 @!p4 $0xFFFFC000;
	s26 =	smov.u32 s28;
	s28 =	sadd.s32 $0x4, s28  }
0xc6: {  	p3 =	sne.s32 s28, $0xC0;
	v1 =	vld [tilespmem:s30+$0x3080];
	_ =	sdelay $0x4  }
0xc7: {  	(v2sf) =	vpush v1, $0x0;
	_ =	sdelay $0xe  }
0xc8: {  	s29 =	spop (v2sf)  }
0xc9: {  	p4 =	slt.s32 s29, $0x1  }
0xca: {  	s29 =	simm.s32 @!p4 $0x0;
	s30 =	simm.s32 @!p4 $0x3100;
	s31 =	simm.s32 @!p4 $0x5  }
0xcb: {  	[tilespmem:s30], [sflag:$0x5] =	stream.linear.gather @!p4 [hbm4b:s25+s29], $0x4000, $0x38;
	[tilespmem:$0x8108] =	vst v63  }
0xcc: {  	_ =	swait.ge @!p4 [sflag:s31], $0x4000  }
.Ltmp0:
0xcd: {  	[sflag:s31] =	ssyncset.done @!p4 $0x0;
	(pc) =	sbr.rel @p3 .LBB2_2-.Ltmp0, $4  }
0xce: {  	s29 =	simm.s32 @!p4 $0x4;
	[sflag:s31] =	ssyncadd.s32 @!p4 $0xFFFFC000;
	s31 =	simm.s32 @!p4 $0x80  }
0xcf: {  	[spmem:s1] =	stream.indirect.scatter.add.f32 @!p4 [tilespmem:s30], [sflag:$0x4], $0x80, s24, s31, $0xb8;
	[tilespmem:$0x8108] =	vst v63  }
0xd0: {  	_ =	swait.ge @!p4 [sflag:s29], $0x4000  }
0xd1: {  	s25 =	sadd.s32 $0x800, s25;
	s24 =	sadd.s32 $0x80, s24;
	[sflag:s29] =	ssyncset.done @!p4 $0x0  }
0xd2: {  	s26 =	sshra.s32 s26, $0x2;
	[sflag:s29] =	ssyncadd.s32 @!p4 $0xFFFFC000  }
0xd3: {  	v1 =	vld [tilespmem:s26+$0x3080];
	_ =	sdelay $0x4  }
0xd4: {  	(v2sf) =	vpush v1, $0x0;
	_ =	sdelay $0xe  }
0xd5: {  	s31 =	spop (v2sf)  }
0xd6: {  	p3 =	slt.s32 s31, $0x1  }
0xd7: {  	s26 =	simm.s32 @!p3 $0x0;
	s28 =	simm.s32 @!p3 $0x3100;
	s29 =	simm.s32 @!p3 $0x5  }
0xd8: {  	[tilespmem:s28], [sflag:$0x5] =	stream.linear.gather @!p3 [hbm4b:s25+s26], $0x4000, $0x38;
	[tilespmem:$0x8108] =	vst v63  }
0xd9: {  	_ =	swait.ge @!p3 [sflag:s29], $0x4000  }
0xda: {  	[sflag:s29] =	ssyncset.done @!p3 $0x0  }
0xdb: {  	s25 =	simm.s32 @!p3 $0x80;
	s26 =	simm.s32 @!p3 $0x4;
	[sflag:s29] =	ssyncadd.s32 @!p3 $0xFFFFC000  }
0xdc: {  	[spmem:s1] =	stream.indirect.scatter.add.f32 @!p3 [tilespmem:s28], [sflag:$0x4], $0x80, s24, s25, $0xb8;
	[tilespmem:$0x8108] =	vst v63  }
0xdd: {  	_ =	swait.ge @!p3 [sflag:s26], $0x4000  }
0xde: {  	[sflag:s26] =	ssyncset.done @!p3 $0x0  }
0xdf: {  	[sflag:s26] =	ssyncadd.s32 @!p3 $0xFFFFC000  }
0xe0: {  	s24 =	sshrl.u32 @!p2 s1, $0x3;
	[bflag:$0x0] =	sbarrier.arrive $0xFFFF  }
0xe1: {  	[hbm:s3], [sflag:s22] =	dma.local @!p2 [spmem:s24], $0x1000  }
0xe2: {  	s24 =	simm.s32 @!p2 $0x4  }
0xe3: {  	_ =	swait.ge @!p2 [sflag:s24], $0x1000  }
0xe4: {  	s23 =	sadd.s32 $0x1, s23;
	s25 =	simm.s32 @p1 $0x1C04;
	[sflag:s24] =	ssyncset.done @!p2 $0x0  }
0xe5: {  	p3 =	sne.s32 s23, s11;
	[sflag:s24] =	ssyncadd.s32 @!p2 $0xFFFFF000;
	s24 =	sshrl.u32 @p1 s1, $0x3  }
0xe6: {  	[hbm:s4], [sflag:s25] =	dma.local @p1 [spmem:s24], $0x1000  }
.Ltmp1:
0xe7: {  	_ = 	snop;
	(pc) =	sbr.rel @p3 .LBB2_1-.Ltmp1, $4  }
0xe8: {  	s24 =	simm.s32 @p1 $0x4  }
0xe9: {  	_ =	swait.ge @p1 [sflag:s24], $0x1000  }
0xea: {  	[sflag:s24] =	ssyncset.done @p1 $0x0  }
0xeb: {  	[sflag:s24] =	ssyncadd.s32 @p1 $0xFFFFF000  }
0xec: {  	_ =	sfence.sel $0x180000  }
0xed: {  	[bflag:$0x0] =	sbarrier.arrive $0xFFFF  }
0xee: {  	_ =	strace $0x90000053  }
0xef: {  	s0 =	sadd.s32 @!p0 $0x100000, s0;
	[bflag:$0x2] =	sbarrier.arrive $0xFFFF  }
0xf0: {  	[sflag:s0] =	ssyncadd.tile.s32 @!p0 $0x1;
	_ =	shalt  }
.Lfunc_end2:
_tile_overlayer_lowered:
.L_overlay_start_2:
0xf1: {  	(tag) =	ssettag $0x2  }
0xf2: {  	s0 =	rddreg [dreg:$0x0];
	s2 =	stileid.u32  }
0xf3: {  	s1 =	rddreg [dreg:$0x1];
	p0 =	sne.s32 s2, $0x0  }
0xf4: {  	s3 =	rddreg [dreg:$0x2];
	[bflag:$0x3] =	sbarrier.arrive $0xFFFF;
	s2 =	simm.s32 @!p0 $0x1C04  }
0xf5: {  	[timem:s3], [sflag:s2] =	dma.local @!p0 [hbm:s0], s1  }
0xf6: {  	s0 =	simm.s32 @!p0 $0x4  }
0xf7: {  	_ =	swait.ge @!p0 [sflag:s0], s1  }
0xf8: {  	s1 =	ssub.s32 @!p0 $0x0, s1;
	[sflag:s0] =	ssyncset.done @!p0 $0x0  }
0xf9: {  	[sflag:s0] =	ssyncadd.s32 @!p0 s1  }
0xfa: {  	[bflag:$0x3] =	sbarrier.arrive $0xFFFF  }
0xfb: {  	_ =	shalt  }

</sc_bundles>
